<compile_context>
chip_gen: v7x
topology: tpu7x:2x2x1
jax: 0.10.2.dev20260603
libtpu: 0.0.44.dev20260713+nightly
codegen_flags: <defaults>
</compile_context>

<pallas_src>
import functools

import jax
import jax.numpy as jnp
from jax import lax
from jax.experimental import pallas as pl
from jax.experimental.pallas import tpu as pltpu
from jax.experimental.pallas import tpu_sc as plsc

_VOCAB = 68
_D = 512
_S = 2048
_B = 64
_NW = 32
_S_PER_W = _S // _NW
_CHUNK = 16
_VPT = _D // 16
_CPB = _S_PER_W // _CHUNK


def _positional_encoding():
    pos = jnp.arange(0, _S, 1, dtype=jnp.float32).reshape(_S, 1)
    d = jnp.arange(0, _D, dtype=jnp.int32)
    two_i = ((d // 2) * 2).astype(jnp.float32)
    phase = pos / jnp.power(10000.0, two_i / _D)
    return jnp.where((d % 2) == 0, jnp.sin(phase), jnp.cos(phase))


@functools.partial(
    pl.kernel,
    out_type=jax.ShapeDtypeStruct((_B, _S, _D), jnp.float32),
    mesh=plsc.VectorSubcoreMesh(core_axis_name="c", subcore_axis_name="s"),
    compiler_params=pltpu.CompilerParams(use_tc_tiling_on_sc=True),
    scratch_types=[
        pltpu.VMEM((_VOCAB * _D,), jnp.float32),
        pltpu.VMEM_SHARED((_S // 2, _D), jnp.float32),
        pltpu.VMEM((_CHUNK, _D), jnp.float32),
        pltpu.VMEM((_CHUNK, _D), jnp.float32),
        pltpu.VMEM((_CHUNK, _D), jnp.float32),
        pltpu.VMEM((_CHUNK, _D), jnp.float32),
        pltpu.VMEM((_S_PER_W,), jnp.int32),
        pltpu.VMEM((_S_PER_W,), jnp.int32),
        pltpu.SemaphoreType.DMA,
        pltpu.SemaphoreType.DMA,
        pltpu.SemaphoreType.DMA,
        pltpu.SemaphoreType.DMA,
        pltpu.SemaphoreType.DMA,
        pltpu.SemaphoreType.DMA,
        pltpu.SemaphoreType.DMA,
        pltpu.SemaphoreType.DMA,
        pltpu.SemaphoreType.DMA,
        pltpu.SemaphoreType.DMA,
    ],
)
def _emb_kernel(
    x_hbm, table_hbm, pe_hbm, out_hbm,
    table_v, pe_sh, buf0, buf1, buf2, buf3, ids0, ids1,
    so0, so1, so2, so3, sp0, sp1, sp2, sp3, si0, si1,
):
    cid = lax.axis_index("c")
    sid = lax.axis_index("s")
    wid = sid * 2 + cid
    s0 = wid * _S_PER_W

    @pl.when(sid == 0)
    def _():
        for i in range(16):
            pltpu.sync_copy(
                pe_hbm.at[pl.ds((i * 2) * _S_PER_W + cid * _S_PER_W, _S_PER_W), :],
                pe_sh.at[pl.ds(i * _S_PER_W, _S_PER_W), :],
            )

    pltpu.sync_copy(table_hbm, table_v)
    plsc.subcore_barrier()

    bufs = (buf0, buf1, buf2, buf3)
    out_sems = (so0, so1, so2, so3)
    pre_sems = (sp0, sp1, sp2, sp3)

    def ids_start(b, ids_ref, sem):
        pltpu.make_async_copy(
            x_hbm.at[b, pl.ds(s0, _S_PER_W)], ids_ref, sem
        ).start()

    def ids_wait(ids_ref, sem):
        pltpu.make_async_copy(
            x_hbm.at[0, pl.ds(0, _S_PER_W)], ids_ref, sem
        ).wait()

    def pre_start(c, n):
        pltpu.make_async_copy(
            pe_sh.at[pl.ds(sid * _S_PER_W + c * _CHUNK, _CHUNK), :],
            bufs[n], pre_sems[n],
        ).start()

    def pre_wait(n):
        pltpu.make_async_copy(
            pe_sh.at[pl.ds(0, _CHUNK), :], bufs[n], pre_sems[n]
        ).wait()

    def out_start(b, c, n):
        pltpu.make_async_copy(
            bufs[n], out_hbm.at[b, pl.ds(s0 + c * _CHUNK, _CHUNK), :],
            out_sems[n],
        ).start()

    def out_wait(n):
        pltpu.make_async_copy(
            bufs[n], out_hbm.at[0, pl.ds(0, _CHUNK), :], out_sems[n]
        ).wait()

    def do_row(b, ids_ref):
        for c in range(_CPB):
            buf = bufs[c]
            pre_wait(c)

            tb16 = ids_ref[pl.ds(c * 16, 16)] * _D
            tbs = [tb16[k] for k in range(16)]
            @plsc.parallel_loop(0, _VPT, unroll=1)
            def _slice_body(j, buf=buf):
                o = j * 16
                for k in range(_CHUNK):
                    plsc.addupdate(
                        buf.at[k, pl.ds(o, 16)],
                        table_v[pl.ds(tbs[k] + o, 16)],
                    )

            out_start(b, c, c)

            n2 = (c + 2) % 4
            c2 = (c + 2) % _CPB
            if c < 2:
                @pl.when(b > 0)
                def _():
                    out_wait(n2)

                pre_start(c2, n2)
            else:
                @pl.when(b < _B - 1)
                def _():
                    out_wait(n2)
                    pre_start(c2, n2)

    ids_start(0, ids0, si0)
    pre_start(0, 0)
    pre_start(1, 1)

    def pair_body(g, carry):
        b0 = 2 * g
        b1 = b0 + 1
        ids_start(b1, ids1, si1)
        ids_wait(ids0, si0)
        do_row(b0, ids0)

        @pl.when(g < _B // 2 - 1)
        def _():
            ids_start(b0 + 2, ids0, si0)

        ids_wait(ids1, si1)
        do_row(b1, ids1)
        return carry

    lax.fori_loop(0, _B // 2, pair_body, 0)
    out_wait(0)
    out_wait(1)
    out_wait(2)
    out_wait(3)


def kernel(x, embedding_table):
    pe = _positional_encoding()
    return _emb_kernel(x, embedding_table.reshape(-1), pe)

# --- scband reference (transcript-rebuilt; emitter-appended) ---
"""Pipeline reference for scband-sentence-embedding-28140625724247 (READ-ONLY COPY).

The authoritative reference and input builder live on the scoring server;
editing this copy changes nothing except your own understanding.
"""

import jax, jax.numpy as jnp
import numpy as np

VOCAB = 68
D_MODEL = 512
MAX_SEQ = 2048
BATCH = 64


def positional_encoding(max_seq, d_model):
    # Faithful to PostionalEncoding.forward (with the evident intent of the buggy
    # torch.flatten call: interleave sin/cos across the feature dim).
    pos = jnp.arange(0, max_seq, 1, dtype=jnp.float32).reshape(max_seq, 1)
    two_i = jnp.arange(0, d_model, 2, dtype=jnp.float32)
    denominator = jnp.power(10000.0, two_i / d_model)
    even_pos = jnp.sin(pos / denominator)
    odd_pos = jnp.cos(pos / denominator)
    stacked = jnp.stack((even_pos, odd_pos), axis=2)  # [S, d_model//2, 2]
    pe = stacked.reshape(max_seq, d_model)            # flatten from dim 1
    return pe


def setup_inputs(seed: int = 0) -> dict:
    key = jax.random.key(seed)
    k1, k2 = jax.random.split(key)
    # Pre-tokenized batch (batch_tokenizer output): indices into the char vocab.
    x = jax.random.randint(k1, (BATCH, MAX_SEQ), 0, VOCAB, dtype=jnp.int32)
    # Learned parameter: nn.Embedding(vocab_size, d_model) weight.
    embedding_table = jax.random.normal(k2, (VOCAB, D_MODEL), dtype=jnp.float32)
    return {"x": x, "embedding_table": embedding_table}


def reference(x, embedding_table):
    # x = self.embedding(x)
    emb = jnp.take(embedding_table, x, axis=0)          # [B, S, d_model]
    # pos = self.positional_encoding()
    pe = positional_encoding(MAX_SEQ, D_MODEL)          # [S, d_model]
    # x = self.dropOut(x + pos) -- dropout p=0.1 is identity in eval mode
    out = emb + pe[None, :, :]
    return out

if __name__ == "__main__":
    import jax
    _d = setup_inputs()
    print(jax.jit(kernel)(*tuple(_d.values())))

</pallas_src>

<mosaic_0001>
#map = affine_map<(d0, d1) -> (0, 0)>
#map1 = affine_map<(d0, d1) -> (0)>
#map2 = affine_map<(d0, d1) -> (0, 0, 0)>
module attributes {stable_mosaic.version = 14 : i64} {
  func.func @_emb_kernel(%arg0: i32, %arg1: i32, %arg2: memref<64x2048xi32, #tpu.memory_space<hbm>>, %arg3: memref<34816xf32, #tpu.memory_space<hbm>>, %arg4: memref<2048x512xf32, #tpu.memory_space<hbm>>, %arg5: memref<64x2048x512xf32, #tpu.memory_space<hbm>>, %arg6: memref<34816xf32, #tpu.memory_space<vmem>>, %arg7: memref<1024x512xf32, #tpu.memory_space<vmem_shared>>, %arg8: memref<16x512xf32, #tpu.memory_space<vmem>>, %arg9: memref<16x512xf32, #tpu.memory_space<vmem>>, %arg10: memref<16x512xf32, #tpu.memory_space<vmem>>, %arg11: memref<16x512xf32, #tpu.memory_space<vmem>>, %arg12: memref<64xi32, #tpu.memory_space<vmem>>, %arg13: memref<64xi32, #tpu.memory_space<vmem>>, %arg14: memref<!tpu.dma_semaphore, #tpu.memory_space<semaphore_mem>>, %arg15: memref<!tpu.dma_semaphore, #tpu.memory_space<semaphore_mem>>, %arg16: memref<!tpu.dma_semaphore, #tpu.memory_space<semaphore_mem>>, %arg17: memref<!tpu.dma_semaphore, #tpu.memory_space<semaphore_mem>>, %arg18: memref<!tpu.dma_semaphore, #tpu.memory_space<semaphore_mem>>, %arg19: memref<!tpu.dma_semaphore, #tpu.memory_space<semaphore_mem>>, %arg20: memref<!tpu.dma_semaphore, #tpu.memory_space<semaphore_mem>>, %arg21: memref<!tpu.dma_semaphore, #tpu.memory_space<semaphore_mem>>, %arg22: memref<!tpu.dma_semaphore, #tpu.memory_space<semaphore_mem>>, %arg23: memref<!tpu.dma_semaphore, #tpu.memory_space<semaphore_mem>>) attributes {dimension_semantics = [#tpu.dimension_semantics<core_parallel>, #tpu.dimension_semantics<subcore_parallel>], iteration_bounds = array<i64: 2, 16>, scalar_prefetch = 0 : i64, scratch_operands = 18 : i64, tpu.core_type = #tpu.core_type<sc_vector_subcore>, window_params = [{transform_indices = #map}, {transform_indices = #map1}, {transform_indices = #map}, {transform_indices = #map2}]} {
    %mul3A = arith.constant 2 : i32
    %mul3A_0 = arith.muli %arg1, %mul3A : i32
    %add3A = arith.addi %mul3A_0, %arg0 : i32
    %mul3A_1 = arith.constant 64 : i32
    %mul3A_2 = arith.muli %add3A, %mul3A_1 : i32
    %eq3A = arith.constant 0 : i32
    %eq3A_3 = arith.cmpi eq, %arg1, %eq3A : i32
    %convert_element_type3A = arith.extui %eq3A_3 : i1 to i32
    %cond3A = arith.constant 0 : i32
    %cond3A_4 = arith.cmpi ne, %convert_element_type3A, %cond3A : i32
    scf.if %cond3A_4 {
      %mul3A_65 = arith.constant 64 : i32
      %mul3A_66 = arith.muli %arg0, %mul3A_65 : i32
      %add3A_67 = arith.constant 0 : i32
      %add3A_68 = arith.addi %add3A_67, %mul3A_66 : i32
      "tpu.region"() ({
        %run_scoped3A = tpu.sem_alloc : memref<!tpu.dma_semaphore, #tpu.memory_space<semaphore_mem>>
        %dma_start3A_129 = arith.constant 0 : i32
        %dma_start3A_130 = arith.constant 0 : i32
        %dma_start3A_131 = tpu.memref_slice %arg7[%dma_start3A_129, %dma_start3A_130] : memref<1024x512xf32, #tpu.memory_space<vmem_shared>> -> memref<64x512xf32, #tpu.memory_space<vmem_shared>>
        %dma_start3A_132 = arith.constant 0 : i32
        %dma_start3A_133 = tpu.memref_slice %arg4[%add3A_68, %dma_start3A_132] : memref<2048x512xf32, #tpu.memory_space<hbm>> -> memref<64x512xf32, #tpu.memory_space<hbm>>
        tpu.enqueue_dma source(%dma_start3A_133 : memref<64x512xf32, #tpu.memory_space<hbm>>) target(%dma_start3A_131 : memref<64x512xf32, #tpu.memory_space<vmem_shared>>) target_semaphore(%run_scoped3A : memref<!tpu.dma_semaphore, #tpu.memory_space<semaphore_mem>>)
        %dma_wait3A_134 = arith.constant 0 : i32
        %dma_wait3A_135 = arith.constant 0 : i32
        %dma_wait3A_136 = tpu.memref_slice %arg7[%dma_wait3A_134, %dma_wait3A_135] : memref<1024x512xf32, #tpu.memory_space<vmem_shared>> -> memref<64x512xf32, #tpu.memory_space<vmem_shared>>
        %dma_wait3A_137 = arith.constant 0 : i32
        %dma_wait3A_138 = tpu.memref_slice %arg4[%add3A_68, %dma_wait3A_137] : memref<2048x512xf32, #tpu.memory_space<hbm>> -> memref<64x512xf32, #tpu.memory_space<hbm>>
        tpu.wait_dma2 semaphore(%run_scoped3A : memref<!tpu.dma_semaphore, #tpu.memory_space<semaphore_mem>>) src(%dma_wait3A_138 : memref<64x512xf32, #tpu.memory_space<hbm>>) dst(%dma_wait3A_136 : memref<64x512xf32, #tpu.memory_space<vmem_shared>>)
        tpu.yield
      }) : () -> ()
      %mul3A_69 = arith.constant 64 : i32
      %mul3A_70 = arith.muli %arg0, %mul3A_69 : i32
      %add3A_71 = arith.constant 128 : i32
      %add3A_72 = arith.addi %add3A_71, %mul3A_70 : i32
      "tpu.region"() ({
        %run_scoped3A = tpu.sem_alloc : memref<!tpu.dma_semaphore, #tpu.memory_space<semaphore_mem>>
        %dma_start3A_129 = arith.constant 64 : i32
        %dma_start3A_130 = arith.constant 0 : i32
        %dma_start3A_131 = tpu.memref_slice %arg7[%dma_start3A_129, %dma_start3A_130] : memref<1024x512xf32, #tpu.memory_space<vmem_shared>> -> memref<64x512xf32, #tpu.memory_space<vmem_shared>>
        %dma_start3A_132 = arith.constant 0 : i32
        %dma_start3A_133 = tpu.memref_slice %arg4[%add3A_72, %dma_start3A_132] : memref<2048x512xf32, #tpu.memory_space<hbm>> -> memref<64x512xf32, #tpu.memory_space<hbm>>
        tpu.enqueue_dma source(%dma_start3A_133 : memref<64x512xf32, #tpu.memory_space<hbm>>) target(%dma_start3A_131 : memref<64x512xf32, #tpu.memory_space<vmem_shared>>) target_semaphore(%run_scoped3A : memref<!tpu.dma_semaphore, #tpu.memory_space<semaphore_mem>>)
        %dma_wait3A_134 = arith.constant 64 : i32
        %dma_wait3A_135 = arith.constant 0 : i32
        %dma_wait3A_136 = tpu.memref_slice %arg7[%dma_wait3A_134, %dma_wait3A_135] : memref<1024x512xf32, #tpu.memory_space<vmem_shared>> -> memref<64x512xf32, #tpu.memory_space<vmem_shared>>
        %dma_wait3A_137 = arith.constant 0 : i32
        %dma_wait3A_138 = tpu.memref_slice %arg4[%add3A_72, %dma_wait3A_137] : memref<2048x512xf32, #tpu.memory_space<hbm>> -> memref<64x512xf32, #tpu.memory_space<hbm>>
        tpu.wait_dma2 semaphore(%run_scoped3A : memref<!tpu.dma_semaphore, #tpu.memory_space<semaphore_mem>>) src(%dma_wait3A_138 : memref<64x512xf32, #tpu.memory_space<hbm>>) dst(%dma_wait3A_136 : memref<64x512xf32, #tpu.memory_space<vmem_shared>>)
        tpu.yield
      }) : () -> ()
      %mul3A_73 = arith.constant 64 : i32
      %mul3A_74 = arith.muli %arg0, %mul3A_73 : i32
      %add3A_75 = arith.constant 256 : i32
      %add3A_76 = arith.addi %add3A_75, %mul3A_74 : i32
      "tpu.region"() ({
        %run_scoped3A = tpu.sem_alloc : memref<!tpu.dma_semaphore, #tpu.memory_space<semaphore_mem>>
        %dma_start3A_129 = arith.constant 128 : i32
        %dma_start3A_130 = arith.constant 0 : i32
        %dma_start3A_131 = tpu.memref_slice %arg7[%dma_start3A_129, %dma_start3A_130] : memref<1024x512xf32, #tpu.memory_space<vmem_shared>> -> memref<64x512xf32, #tpu.memory_space<vmem_shared>>
        %dma_start3A_132 = arith.constant 0 : i32
        %dma_start3A_133 = tpu.memref_slice %arg4[%add3A_76, %dma_start3A_132] : memref<2048x512xf32, #tpu.memory_space<hbm>> -> memref<64x512xf32, #tpu.memory_space<hbm>>
        tpu.enqueue_dma source(%dma_start3A_133 : memref<64x512xf32, #tpu.memory_space<hbm>>) target(%dma_start3A_131 : memref<64x512xf32, #tpu.memory_space<vmem_shared>>) target_semaphore(%run_scoped3A : memref<!tpu.dma_semaphore, #tpu.memory_space<semaphore_mem>>)
        %dma_wait3A_134 = arith.constant 128 : i32
        %dma_wait3A_135 = arith.constant 0 : i32
        %dma_wait3A_136 = tpu.memref_slice %arg7[%dma_wait3A_134, %dma_wait3A_135] : memref<1024x512xf32, #tpu.memory_space<vmem_shared>> -> memref<64x512xf32, #tpu.memory_space<vmem_shared>>
        %dma_wait3A_137 = arith.constant 0 : i32
        %dma_wait3A_138 = tpu.memref_slice %arg4[%add3A_76, %dma_wait3A_137] : memref<2048x512xf32, #tpu.memory_space<hbm>> -> memref<64x512xf32, #tpu.memory_space<hbm>>
        tpu.wait_dma2 semaphore(%run_scoped3A : memref<!tpu.dma_semaphore, #tpu.memory_space<semaphore_mem>>) src(%dma_wait3A_138 : memref<64x512xf32, #tpu.memory_space<hbm>>) dst(%dma_wait3A_136 : memref<64x512xf32, #tpu.memory_space<vmem_shared>>)
        tpu.yield
      }) : () -> ()
      %mul3A_77 = arith.constant 64 : i32
      %mul3A_78 = arith.muli %arg0, %mul3A_77 : i32
      %add3A_79 = arith.constant 384 : i32
      %add3A_80 = arith.addi %add3A_79, %mul3A_78 : i32
      "tpu.region"() ({
        %run_scoped3A = tpu.sem_alloc : memref<!tpu.dma_semaphore, #tpu.memory_space<semaphore_mem>>
        %dma_start3A_129 = arith.constant 192 : i32
        %dma_start3A_130 = arith.constant 0 : i32
        %dma_start3A_131 = tpu.memref_slice %arg7[%dma_start3A_129, %dma_start3A_130] : memref<1024x512xf32, #tpu.memory_space<vmem_shared>> -> memref<64x512xf32, #tpu.memory_space<vmem_shared>>
        %dma_start3A_132 = arith.constant 0 : i32
        %dma_start3A_133 = tpu.memref_slice %arg4[%add3A_80, %dma_start3A_132] : memref<2048x512xf32, #tpu.memory_space<hbm>> -> memref<64x512xf32, #tpu.memory_space<hbm>>
        tpu.enqueue_dma source(%dma_start3A_133 : memref<64x512xf32, #tpu.memory_space<hbm>>) target(%dma_start3A_131 : memref<64x512xf32, #tpu.memory_space<vmem_shared>>) target_semaphore(%run_scoped3A : memref<!tpu.dma_semaphore, #tpu.memory_space<semaphore_mem>>)
        %dma_wait3A_134 = arith.constant 192 : i32
        %dma_wait3A_135 = arith.constant 0 : i32
        %dma_wait3A_136 = tpu.memref_slice %arg7[%dma_wait3A_134, %dma_wait3A_135] : memref<1024x512xf32, #tpu.memory_space<vmem_shared>> -> memref<64x512xf32, #tpu.memory_space<vmem_shared>>
        %dma_wait3A_137 = arith.constant 0 : i32
        %dma_wait3A_138 = tpu.memref_slice %arg4[%add3A_80, %dma_wait3A_137] : memref<2048x512xf32, #tpu.memory_space<hbm>> -> memref<64x512xf32, #tpu.memory_space<hbm>>
        tpu.wait_dma2 semaphore(%run_scoped3A : memref<!tpu.dma_semaphore, #tpu.memory_space<semaphore_mem>>) src(%dma_wait3A_138 : memref<64x512xf32, #tpu.memory_space<hbm>>) dst(%dma_wait3A_136 : memref<64x512xf32, #tpu.memory_space<vmem_shared>>)
        tpu.yield
      }) : () -> ()
      %mul3A_81 = arith.constant 64 : i32
      %mul3A_82 = arith.muli %arg0, %mul3A_81 : i32
      %add3A_83 = arith.constant 512 : i32
      %add3A_84 = arith.addi %add3A_83, %mul3A_82 : i32
      "tpu.region"() ({
        %run_scoped3A = tpu.sem_alloc : memref<!tpu.dma_semaphore, #tpu.memory_space<semaphore_mem>>
        %dma_start3A_129 = arith.constant 256 : i32
        %dma_start3A_130 = arith.constant 0 : i32
        %dma_start3A_131 = tpu.memref_slice %arg7[%dma_start3A_129, %dma_start3A_130] : memref<1024x512xf32, #tpu.memory_space<vmem_shared>> -> memref<64x512xf32, #tpu.memory_space<vmem_shared>>
        %dma_start3A_132 = arith.constant 0 : i32
        %dma_start3A_133 = tpu.memref_slice %arg4[%add3A_84, %dma_start3A_132] : memref<2048x512xf32, #tpu.memory_space<hbm>> -> memref<64x512xf32, #tpu.memory_space<hbm>>
        tpu.enqueue_dma source(%dma_start3A_133 : memref<64x512xf32, #tpu.memory_space<hbm>>) target(%dma_start3A_131 : memref<64x512xf32, #tpu.memory_space<vmem_shared>>) target_semaphore(%run_scoped3A : memref<!tpu.dma_semaphore, #tpu.memory_space<semaphore_mem>>)
        %dma_wait3A_134 = arith.constant 256 : i32
        %dma_wait3A_135 = arith.constant 0 : i32
        %dma_wait3A_136 = tpu.memref_slice %arg7[%dma_wait3A_134, %dma_wait3A_135] : memref<1024x512xf32, #tpu.memory_space<vmem_shared>> -> memref<64x512xf32, #tpu.memory_space<vmem_shared>>
        %dma_wait3A_137 = arith.constant 0 : i32
        %dma_wait3A_138 = tpu.memref_slice %arg4[%add3A_84, %dma_wait3A_137] : memref<2048x512xf32, #tpu.memory_space<hbm>> -> memref<64x512xf32, #tpu.memory_space<hbm>>
        tpu.wait_dma2 semaphore(%run_scoped3A : memref<!tpu.dma_semaphore, #tpu.memory_space<semaphore_mem>>) src(%dma_wait3A_138 : memref<64x512xf32, #tpu.memory_space<hbm>>) dst(%dma_wait3A_136 : memref<64x512xf32, #tpu.memory_space<vmem_shared>>)
        tpu.yield
      }) : () -> ()
      %mul3A_85 = arith.constant 64 : i32
      %mul3A_86 = arith.muli %arg0, %mul3A_85 : i32
      %add3A_87 = arith.constant 640 : i32
      %add3A_88 = arith.addi %add3A_87, %mul3A_86 : i32
      "tpu.region"() ({
        %run_scoped3A = tpu.sem_alloc : memref<!tpu.dma_semaphore, #tpu.memory_space<semaphore_mem>>
        %dma_start3A_129 = arith.constant 320 : i32
        %dma_start3A_130 = arith.constant 0 : i32
        %dma_start3A_131 = tpu.memref_slice %arg7[%dma_start3A_129, %dma_start3A_130] : memref<1024x512xf32, #tpu.memory_space<vmem_shared>> -> memref<64x512xf32, #tpu.memory_space<vmem_shared>>
        %dma_start3A_132 = arith.constant 0 : i32
        %dma_start3A_133 = tpu.memref_slice %arg4[%add3A_88, %dma_start3A_132] : memref<2048x512xf32, #tpu.memory_space<hbm>> -> memref<64x512xf32, #tpu.memory_space<hbm>>
        tpu.enqueue_dma source(%dma_start3A_133 : memref<64x512xf32, #tpu.memory_space<hbm>>) target(%dma_start3A_131 : memref<64x512xf32, #tpu.memory_space<vmem_shared>>) target_semaphore(%run_scoped3A : memref<!tpu.dma_semaphore, #tpu.memory_space<semaphore_mem>>)
        %dma_wait3A_134 = arith.constant 320 : i32
        %dma_wait3A_135 = arith.constant 0 : i32
        %dma_wait3A_136 = tpu.memref_slice %arg7[%dma_wait3A_134, %dma_wait3A_135] : memref<1024x512xf32, #tpu.memory_space<vmem_shared>> -> memref<64x512xf32, #tpu.memory_space<vmem_shared>>
        %dma_wait3A_137 = arith.constant 0 : i32
        %dma_wait3A_138 = tpu.memref_slice %arg4[%add3A_88, %dma_wait3A_137] : memref<2048x512xf32, #tpu.memory_space<hbm>> -> memref<64x512xf32, #tpu.memory_space<hbm>>
        tpu.wait_dma2 semaphore(%run_scoped3A : memref<!tpu.dma_semaphore, #tpu.memory_space<semaphore_mem>>) src(%dma_wait3A_138 : memref<64x512xf32, #tpu.memory_space<hbm>>) dst(%dma_wait3A_136 : memref<64x512xf32, #tpu.memory_space<vmem_shared>>)
        tpu.yield
      }) : () -> ()
      %mul3A_89 = arith.constant 64 : i32
      %mul3A_90 = arith.muli %arg0, %mul3A_89 : i32
      %add3A_91 = arith.constant 768 : i32
      %add3A_92 = arith.addi %add3A_91, %mul3A_90 : i32
      "tpu.region"() ({
        %run_scoped3A = tpu.sem_alloc : memref<!tpu.dma_semaphore, #tpu.memory_space<semaphore_mem>>
        %dma_start3A_129 = arith.constant 384 : i32
        %dma_start3A_130 = arith.constant 0 : i32
        %dma_start3A_131 = tpu.memref_slice %arg7[%dma_start3A_129, %dma_start3A_130] : memref<1024x512xf32, #tpu.memory_space<vmem_shared>> -> memref<64x512xf32, #tpu.memory_space<vmem_shared>>
        %dma_start3A_132 = arith.constant 0 : i32
        %dma_start3A_133 = tpu.memref_slice %arg4[%add3A_92, %dma_start3A_132] : memref<2048x512xf32, #tpu.memory_space<hbm>> -> memref<64x512xf32, #tpu.memory_space<hbm>>
        tpu.enqueue_dma source(%dma_start3A_133 : memref<64x512xf32, #tpu.memory_space<hbm>>) target(%dma_start3A_131 : memref<64x512xf32, #tpu.memory_space<vmem_shared>>) target_semaphore(%run_scoped3A : memref<!tpu.dma_semaphore, #tpu.memory_space<semaphore_mem>>)
        %dma_wait3A_134 = arith.constant 384 : i32
        %dma_wait3A_135 = arith.constant 0 : i32
        %dma_wait3A_136 = tpu.memref_slice %arg7[%dma_wait3A_134, %dma_wait3A_135] : memref<1024x512xf32, #tpu.memory_space<vmem_shared>> -> memref<64x512xf32, #tpu.memory_space<vmem_shared>>
        %dma_wait3A_137 = arith.constant 0 : i32
        %dma_wait3A_138 = tpu.memref_slice %arg4[%add3A_92, %dma_wait3A_137] : memref<2048x512xf32, #tpu.memory_space<hbm>> -> memref<64x512xf32, #tpu.memory_space<hbm>>
        tpu.wait_dma2 semaphore(%run_scoped3A : memref<!tpu.dma_semaphore, #tpu.memory_space<semaphore_mem>>) src(%dma_wait3A_138 : memref<64x512xf32, #tpu.memory_space<hbm>>) dst(%dma_wait3A_136 : memref<64x512xf32, #tpu.memory_space<vmem_shared>>)
        tpu.yield
      }) : () -> ()
      %mul3A_93 = arith.constant 64 : i32
      %mul3A_94 = arith.muli %arg0, %mul3A_93 : i32
      %add3A_95 = arith.constant 896 : i32
      %add3A_96 = arith.addi %add3A_95, %mul3A_94 : i32
      "tpu.region"() ({
        %run_scoped3A = tpu.sem_alloc : memref<!tpu.dma_semaphore, #tpu.memory_space<semaphore_mem>>
        %dma_start3A_129 = arith.constant 448 : i32
        %dma_start3A_130 = arith.constant 0 : i32
        %dma_start3A_131 = tpu.memref_slice %arg7[%dma_start3A_129, %dma_start3A_130] : memref<1024x512xf32, #tpu.memory_space<vmem_shared>> -> memref<64x512xf32, #tpu.memory_space<vmem_shared>>
        %dma_start3A_132 = arith.constant 0 : i32
        %dma_start3A_133 = tpu.memref_slice %arg4[%add3A_96, %dma_start3A_132] : memref<2048x512xf32, #tpu.memory_space<hbm>> -> memref<64x512xf32, #tpu.memory_space<hbm>>
        tpu.enqueue_dma source(%dma_start3A_133 : memref<64x512xf32, #tpu.memory_space<hbm>>) target(%dma_start3A_131 : memref<64x512xf32, #tpu.memory_space<vmem_shared>>) target_semaphore(%run_scoped3A : memref<!tpu.dma_semaphore, #tpu.memory_space<semaphore_mem>>)
        %dma_wait3A_134 = arith.constant 448 : i32
        %dma_wait3A_135 = arith.constant 0 : i32
        %dma_wait3A_136 = tpu.memref_slice %arg7[%dma_wait3A_134, %dma_wait3A_135] : memref<1024x512xf32, #tpu.memory_space<vmem_shared>> -> memref<64x512xf32, #tpu.memory_space<vmem_shared>>
        %dma_wait3A_137 = arith.constant 0 : i32
        %dma_wait3A_138 = tpu.memref_slice %arg4[%add3A_96, %dma_wait3A_137] : memref<2048x512xf32, #tpu.memory_space<hbm>> -> memref<64x512xf32, #tpu.memory_space<hbm>>
        tpu.wait_dma2 semaphore(%run_scoped3A : memref<!tpu.dma_semaphore, #tpu.memory_space<semaphore_mem>>) src(%dma_wait3A_138 : memref<64x512xf32, #tpu.memory_space<hbm>>) dst(%dma_wait3A_136 : memref<64x512xf32, #tpu.memory_space<vmem_shared>>)
        tpu.yield
      }) : () -> ()
      %mul3A_97 = arith.constant 64 : i32
      %mul3A_98 = arith.muli %arg0, %mul3A_97 : i32
      %add3A_99 = arith.constant 1024 : i32
      %add3A_100 = arith.addi %add3A_99, %mul3A_98 : i32
      "tpu.region"() ({
        %run_scoped3A = tpu.sem_alloc : memref<!tpu.dma_semaphore, #tpu.memory_space<semaphore_mem>>
        %dma_start3A_129 = arith.constant 512 : i32
        %dma_start3A_130 = arith.constant 0 : i32
        %dma_start3A_131 = tpu.memref_slice %arg7[%dma_start3A_129, %dma_start3A_130] : memref<1024x512xf32, #tpu.memory_space<vmem_shared>> -> memref<64x512xf32, #tpu.memory_space<vmem_shared>>
        %dma_start3A_132 = arith.constant 0 : i32
        %dma_start3A_133 = tpu.memref_slice %arg4[%add3A_100, %dma_start3A_132] : memref<2048x512xf32, #tpu.memory_space<hbm>> -> memref<64x512xf32, #tpu.memory_space<hbm>>
        tpu.enqueue_dma source(%dma_start3A_133 : memref<64x512xf32, #tpu.memory_space<hbm>>) target(%dma_start3A_131 : memref<64x512xf32, #tpu.memory_space<vmem_shared>>) target_semaphore(%run_scoped3A : memref<!tpu.dma_semaphore, #tpu.memory_space<semaphore_mem>>)
        %dma_wait3A_134 = arith.constant 512 : i32
        %dma_wait3A_135 = arith.constant 0 : i32
        %dma_wait3A_136 = tpu.memref_slice %arg7[%dma_wait3A_134, %dma_wait3A_135] : memref<1024x512xf32, #tpu.memory_space<vmem_shared>> -> memref<64x512xf32, #tpu.memory_space<vmem_shared>>
        %dma_wait3A_137 = arith.constant 0 : i32
        %dma_wait3A_138 = tpu.memref_slice %arg4[%add3A_100, %dma_wait3A_137] : memref<2048x512xf32, #tpu.memory_space<hbm>> -> memref<64x512xf32, #tpu.memory_space<hbm>>
        tpu.wait_dma2 semaphore(%run_scoped3A : memref<!tpu.dma_semaphore, #tpu.memory_space<semaphore_mem>>) src(%dma_wait3A_138 : memref<64x512xf32, #tpu.memory_space<hbm>>) dst(%dma_wait3A_136 : memref<64x512xf32, #tpu.memory_space<vmem_shared>>)
        tpu.yield
      }) : () -> ()
      %mul3A_101 = arith.constant 64 : i32
      %mul3A_102 = arith.muli %arg0, %mul3A_101 : i32
      %add3A_103 = arith.constant 1152 : i32
      %add3A_104 = arith.addi %add3A_103, %mul3A_102 : i32
      "tpu.region"() ({
        %run_scoped3A = tpu.sem_alloc : memref<!tpu.dma_semaphore, #tpu.memory_space<semaphore_mem>>
        %dma_start3A_129 = arith.constant 576 : i32
        %dma_start3A_130 = arith.constant 0 : i32
        %dma_start3A_131 = tpu.memref_slice %arg7[%dma_start3A_129, %dma_start3A_130] : memref<1024x512xf32, #tpu.memory_space<vmem_shared>> -> memref<64x512xf32, #tpu.memory_space<vmem_shared>>
        %dma_start3A_132 = arith.constant 0 : i32
        %dma_start3A_133 = tpu.memref_slice %arg4[%add3A_104, %dma_start3A_132] : memref<2048x512xf32, #tpu.memory_space<hbm>> -> memref<64x512xf32, #tpu.memory_space<hbm>>
        tpu.enqueue_dma source(%dma_start3A_133 : memref<64x512xf32, #tpu.memory_space<hbm>>) target(%dma_start3A_131 : memref<64x512xf32, #tpu.memory_space<vmem_shared>>) target_semaphore(%run_scoped3A : memref<!tpu.dma_semaphore, #tpu.memory_space<semaphore_mem>>)
        %dma_wait3A_134 = arith.constant 576 : i32
        %dma_wait3A_135 = arith.constant 0 : i32
        %dma_wait3A_136 = tpu.memref_slice %arg7[%dma_wait3A_134, %dma_wait3A_135] : memref<1024x512xf32, #tpu.memory_space<vmem_shared>> -> memref<64x512xf32, #tpu.memory_space<vmem_shared>>
        %dma_wait3A_137 = arith.constant 0 : i32
        %dma_wait3A_138 = tpu.memref_slice %arg4[%add3A_104, %dma_wait3A_137] : memref<2048x512xf32, #tpu.memory_space<hbm>> -> memref<64x512xf32, #tpu.memory_space<hbm>>
        tpu.wait_dma2 semaphore(%run_scoped3A : memref<!tpu.dma_semaphore, #tpu.memory_space<semaphore_mem>>) src(%dma_wait3A_138 : memref<64x512xf32, #tpu.memory_space<hbm>>) dst(%dma_wait3A_136 : memref<64x512xf32, #tpu.memory_space<vmem_shared>>)
        tpu.yield
      }) : () -> ()
      %mul3A_105 = arith.constant 64 : i32
      %mul3A_106 = arith.muli %arg0, %mul3A_105 : i32
      %add3A_107 = arith.constant 1280 : i32
      %add3A_108 = arith.addi %add3A_107, %mul3A_106 : i32
      "tpu.region"() ({
        %run_scoped3A = tpu.sem_alloc : memref<!tpu.dma_semaphore, #tpu.memory_space<semaphore_mem>>
        %dma_start3A_129 = arith.constant 640 : i32
        %dma_start3A_130 = arith.constant 0 : i32
        %dma_start3A_131 = tpu.memref_slice %arg7[%dma_start3A_129, %dma_start3A_130] : memref<1024x512xf32, #tpu.memory_space<vmem_shared>> -> memref<64x512xf32, #tpu.memory_space<vmem_shared>>
        %dma_start3A_132 = arith.constant 0 : i32
        %dma_start3A_133 = tpu.memref_slice %arg4[%add3A_108, %dma_start3A_132] : memref<2048x512xf32, #tpu.memory_space<hbm>> -> memref<64x512xf32, #tpu.memory_space<hbm>>
        tpu.enqueue_dma source(%dma_start3A_133 : memref<64x512xf32, #tpu.memory_space<hbm>>) target(%dma_start3A_131 : memref<64x512xf32, #tpu.memory_space<vmem_shared>>) target_semaphore(%run_scoped3A : memref<!tpu.dma_semaphore, #tpu.memory_space<semaphore_mem>>)
        %dma_wait3A_134 = arith.constant 640 : i32
        %dma_wait3A_135 = arith.constant 0 : i32
        %dma_wait3A_136 = tpu.memref_slice %arg7[%dma_wait3A_134, %dma_wait3A_135] : memref<1024x512xf32, #tpu.memory_space<vmem_shared>> -> memref<64x512xf32, #tpu.memory_space<vmem_shared>>
        %dma_wait3A_137 = arith.constant 0 : i32
        %dma_wait3A_138 = tpu.memref_slice %arg4[%add3A_108, %dma_wait3A_137] : memref<2048x512xf32, #tpu.memory_space<hbm>> -> memref<64x512xf32, #tpu.memory_space<hbm>>
        tpu.wait_dma2 semaphore(%run_scoped3A : memref<!tpu.dma_semaphore, #tpu.memory_space<semaphore_mem>>) src(%dma_wait3A_138 : memref<64x512xf32, #tpu.memory_space<hbm>>) dst(%dma_wait3A_136 : memref<64x512xf32, #tpu.memory_space<vmem_shared>>)
        tpu.yield
      }) : () -> ()
      %mul3A_109 = arith.constant 64 : i32
      %mul3A_110 = arith.muli %arg0, %mul3A_109 : i32
      %add3A_111 = arith.constant 1408 : i32
      %add3A_112 = arith.addi %add3A_111, %mul3A_110 : i32
      "tpu.region"() ({
        %run_scoped3A = tpu.sem_alloc : memref<!tpu.dma_semaphore, #tpu.memory_space<semaphore_mem>>
        %dma_start3A_129 = arith.constant 704 : i32
        %dma_start3A_130 = arith.constant 0 : i32
        %dma_start3A_131 = tpu.memref_slice %arg7[%dma_start3A_129, %dma_start3A_130] : memref<1024x512xf32, #tpu.memory_space<vmem_shared>> -> memref<64x512xf32, #tpu.memory_space<vmem_shared>>
        %dma_start3A_132 = arith.constant 0 : i32
        %dma_start3A_133 = tpu.memref_slice %arg4[%add3A_112, %dma_start3A_132] : memref<2048x512xf32, #tpu.memory_space<hbm>> -> memref<64x512xf32, #tpu.memory_space<hbm>>
        tpu.enqueue_dma source(%dma_start3A_133 : memref<64x512xf32, #tpu.memory_space<hbm>>) target(%dma_start3A_131 : memref<64x512xf32, #tpu.memory_space<vmem_shared>>) target_semaphore(%run_scoped3A : memref<!tpu.dma_semaphore, #tpu.memory_space<semaphore_mem>>)
        %dma_wait3A_134 = arith.constant 704 : i32
        %dma_wait3A_135 = arith.constant 0 : i32
        %dma_wait3A_136 = tpu.memref_slice %arg7[%dma_wait3A_134, %dma_wait3A_135] : memref<1024x512xf32, #tpu.memory_space<vmem_shared>> -> memref<64x512xf32, #tpu.memory_space<vmem_shared>>
        %dma_wait3A_137 = arith.constant 0 : i32
        %dma_wait3A_138 = tpu.memref_slice %arg4[%add3A_112, %dma_wait3A_137] : memref<2048x512xf32, #tpu.memory_space<hbm>> -> memref<64x512xf32, #tpu.memory_space<hbm>>
        tpu.wait_dma2 semaphore(%run_scoped3A : memref<!tpu.dma_semaphore, #tpu.memory_space<semaphore_mem>>) src(%dma_wait3A_138 : memref<64x512xf32, #tpu.memory_space<hbm>>) dst(%dma_wait3A_136 : memref<64x512xf32, #tpu.memory_space<vmem_shared>>)
        tpu.yield
      }) : () -> ()
      %mul3A_113 = arith.constant 64 : i32
      %mul3A_114 = arith.muli %arg0, %mul3A_113 : i32
      %add3A_115 = arith.constant 1536 : i32
      %add3A_116 = arith.addi %add3A_115, %mul3A_114 : i32
      "tpu.region"() ({
        %run_scoped3A = tpu.sem_alloc : memref<!tpu.dma_semaphore, #tpu.memory_space<semaphore_mem>>
        %dma_start3A_129 = arith.constant 768 : i32
        %dma_start3A_130 = arith.constant 0 : i32
        %dma_start3A_131 = tpu.memref_slice %arg7[%dma_start3A_129, %dma_start3A_130] : memref<1024x512xf32, #tpu.memory_space<vmem_shared>> -> memref<64x512xf32, #tpu.memory_space<vmem_shared>>
        %dma_start3A_132 = arith.constant 0 : i32
        %dma_start3A_133 = tpu.memref_slice %arg4[%add3A_116, %dma_start3A_132] : memref<2048x512xf32, #tpu.memory_space<hbm>> -> memref<64x512xf32, #tpu.memory_space<hbm>>
        tpu.enqueue_dma source(%dma_start3A_133 : memref<64x512xf32, #tpu.memory_space<hbm>>) target(%dma_start3A_131 : memref<64x512xf32, #tpu.memory_space<vmem_shared>>) target_semaphore(%run_scoped3A : memref<!tpu.dma_semaphore, #tpu.memory_space<semaphore_mem>>)
        %dma_wait3A_134 = arith.constant 768 : i32
        %dma_wait3A_135 = arith.constant 0 : i32
        %dma_wait3A_136 = tpu.memref_slice %arg7[%dma_wait3A_134, %dma_wait3A_135] : memref<1024x512xf32, #tpu.memory_space<vmem_shared>> -> memref<64x512xf32, #tpu.memory_space<vmem_shared>>
        %dma_wait3A_137 = arith.constant 0 : i32
        %dma_wait3A_138 = tpu.memref_slice %arg4[%add3A_116, %dma_wait3A_137] : memref<2048x512xf32, #tpu.memory_space<hbm>> -> memref<64x512xf32, #tpu.memory_space<hbm>>
        tpu.wait_dma2 semaphore(%run_scoped3A : memref<!tpu.dma_semaphore, #tpu.memory_space<semaphore_mem>>) src(%dma_wait3A_138 : memref<64x512xf32, #tpu.memory_space<hbm>>) dst(%dma_wait3A_136 : memref<64x512xf32, #tpu.memory_space<vmem_shared>>)
        tpu.yield
      }) : () -> ()
      %mul3A_117 = arith.constant 64 : i32
      %mul3A_118 = arith.muli %arg0, %mul3A_117 : i32
      %add3A_119 = arith.constant 1664 : i32
      %add3A_120 = arith.addi %add3A_119, %mul3A_118 : i32
      "tpu.region"() ({
        %run_scoped3A = tpu.sem_alloc : memref<!tpu.dma_semaphore, #tpu.memory_space<semaphore_mem>>
        %dma_start3A_129 = arith.constant 832 : i32
        %dma_start3A_130 = arith.constant 0 : i32
        %dma_start3A_131 = tpu.memref_slice %arg7[%dma_start3A_129, %dma_start3A_130] : memref<1024x512xf32, #tpu.memory_space<vmem_shared>> -> memref<64x512xf32, #tpu.memory_space<vmem_shared>>
        %dma_start3A_132 = arith.constant 0 : i32
        %dma_start3A_133 = tpu.memref_slice %arg4[%add3A_120, %dma_start3A_132] : memref<2048x512xf32, #tpu.memory_space<hbm>> -> memref<64x512xf32, #tpu.memory_space<hbm>>
        tpu.enqueue_dma source(%dma_start3A_133 : memref<64x512xf32, #tpu.memory_space<hbm>>) target(%dma_start3A_131 : memref<64x512xf32, #tpu.memory_space<vmem_shared>>) target_semaphore(%run_scoped3A : memref<!tpu.dma_semaphore, #tpu.memory_space<semaphore_mem>>)
        %dma_wait3A_134 = arith.constant 832 : i32
        %dma_wait3A_135 = arith.constant 0 : i32
        %dma_wait3A_136 = tpu.memref_slice %arg7[%dma_wait3A_134, %dma_wait3A_135] : memref<1024x512xf32, #tpu.memory_space<vmem_shared>> -> memref<64x512xf32, #tpu.memory_space<vmem_shared>>
        %dma_wait3A_137 = arith.constant 0 : i32
        %dma_wait3A_138 = tpu.memref_slice %arg4[%add3A_120, %dma_wait3A_137] : memref<2048x512xf32, #tpu.memory_space<hbm>> -> memref<64x512xf32, #tpu.memory_space<hbm>>
        tpu.wait_dma2 semaphore(%run_scoped3A : memref<!tpu.dma_semaphore, #tpu.memory_space<semaphore_mem>>) src(%dma_wait3A_138 : memref<64x512xf32, #tpu.memory_space<hbm>>) dst(%dma_wait3A_136 : memref<64x512xf32, #tpu.memory_space<vmem_shared>>)
        tpu.yield
      }) : () -> ()
      %mul3A_121 = arith.constant 64 : i32
      %mul3A_122 = arith.muli %arg0, %mul3A_121 : i32
      %add3A_123 = arith.constant 1792 : i32
      %add3A_124 = arith.addi %add3A_123, %mul3A_122 : i32
      "tpu.region"() ({
        %run_scoped3A = tpu.sem_alloc : memref<!tpu.dma_semaphore, #tpu.memory_space<semaphore_mem>>
        %dma_start3A_129 = arith.constant 896 : i32
        %dma_start3A_130 = arith.constant 0 : i32
        %dma_start3A_131 = tpu.memref_slice %arg7[%dma_start3A_129, %dma_start3A_130] : memref<1024x512xf32, #tpu.memory_space<vmem_shared>> -> memref<64x512xf32, #tpu.memory_space<vmem_shared>>
        %dma_start3A_132 = arith.constant 0 : i32
        %dma_start3A_133 = tpu.memref_slice %arg4[%add3A_124, %dma_start3A_132] : memref<2048x512xf32, #tpu.memory_space<hbm>> -> memref<64x512xf32, #tpu.memory_space<hbm>>
        tpu.enqueue_dma source(%dma_start3A_133 : memref<64x512xf32, #tpu.memory_space<hbm>>) target(%dma_start3A_131 : memref<64x512xf32, #tpu.memory_space<vmem_shared>>) target_semaphore(%run_scoped3A : memref<!tpu.dma_semaphore, #tpu.memory_space<semaphore_mem>>)
        %dma_wait3A_134 = arith.constant 896 : i32
        %dma_wait3A_135 = arith.constant 0 : i32
        %dma_wait3A_136 = tpu.memref_slice %arg7[%dma_wait3A_134, %dma_wait3A_135] : memref<1024x512xf32, #tpu.memory_space<vmem_shared>> -> memref<64x512xf32, #tpu.memory_space<vmem_shared>>
        %dma_wait3A_137 = arith.constant 0 : i32
        %dma_wait3A_138 = tpu.memref_slice %arg4[%add3A_124, %dma_wait3A_137] : memref<2048x512xf32, #tpu.memory_space<hbm>> -> memref<64x512xf32, #tpu.memory_space<hbm>>
        tpu.wait_dma2 semaphore(%run_scoped3A : memref<!tpu.dma_semaphore, #tpu.memory_space<semaphore_mem>>) src(%dma_wait3A_138 : memref<64x512xf32, #tpu.memory_space<hbm>>) dst(%dma_wait3A_136 : memref<64x512xf32, #tpu.memory_space<vmem_shared>>)
        tpu.yield
      }) : () -> ()
      %mul3A_125 = arith.constant 64 : i32
      %mul3A_126 = arith.muli %arg0, %mul3A_125 : i32
      %add3A_127 = arith.constant 1920 : i32
      %add3A_128 = arith.addi %add3A_127, %mul3A_126 : i32
      "tpu.region"() ({
        %run_scoped3A = tpu.sem_alloc : memref<!tpu.dma_semaphore, #tpu.memory_space<semaphore_mem>>
        %dma_start3A_129 = arith.constant 960 : i32
        %dma_start3A_130 = arith.constant 0 : i32
        %dma_start3A_131 = tpu.memref_slice %arg7[%dma_start3A_129, %dma_start3A_130] : memref<1024x512xf32, #tpu.memory_space<vmem_shared>> -> memref<64x512xf32, #tpu.memory_space<vmem_shared>>
        %dma_start3A_132 = arith.constant 0 : i32
        %dma_start3A_133 = tpu.memref_slice %arg4[%add3A_128, %dma_start3A_132] : memref<2048x512xf32, #tpu.memory_space<hbm>> -> memref<64x512xf32, #tpu.memory_space<hbm>>
        tpu.enqueue_dma source(%dma_start3A_133 : memref<64x512xf32, #tpu.memory_space<hbm>>) target(%dma_start3A_131 : memref<64x512xf32, #tpu.memory_space<vmem_shared>>) target_semaphore(%run_scoped3A : memref<!tpu.dma_semaphore, #tpu.memory_space<semaphore_mem>>)
        %dma_wait3A_134 = arith.constant 960 : i32
        %dma_wait3A_135 = arith.constant 0 : i32
        %dma_wait3A_136 = tpu.memref_slice %arg7[%dma_wait3A_134, %dma_wait3A_135] : memref<1024x512xf32, #tpu.memory_space<vmem_shared>> -> memref<64x512xf32, #tpu.memory_space<vmem_shared>>
        %dma_wait3A_137 = arith.constant 0 : i32
        %dma_wait3A_138 = tpu.memref_slice %arg4[%add3A_128, %dma_wait3A_137] : memref<2048x512xf32, #tpu.memory_space<hbm>> -> memref<64x512xf32, #tpu.memory_space<hbm>>
        tpu.wait_dma2 semaphore(%run_scoped3A : memref<!tpu.dma_semaphore, #tpu.memory_space<semaphore_mem>>) src(%dma_wait3A_138 : memref<64x512xf32, #tpu.memory_space<hbm>>) dst(%dma_wait3A_136 : memref<64x512xf32, #tpu.memory_space<vmem_shared>>)
        tpu.yield
      }) : () -> ()
    } else {
    }
    "tpu.region"() ({
      %run_scoped3A = tpu.sem_alloc : memref<!tpu.dma_semaphore, #tpu.memory_space<semaphore_mem>>
      tpu.enqueue_dma source(%arg3 : memref<34816xf32, #tpu.memory_space<hbm>>) target(%arg6 : memref<34816xf32, #tpu.memory_space<vmem>>) target_semaphore(%run_scoped3A : memref<!tpu.dma_semaphore, #tpu.memory_space<semaphore_mem>>)
      tpu.wait_dma2 semaphore(%run_scoped3A : memref<!tpu.dma_semaphore, #tpu.memory_space<semaphore_mem>>) src(%arg3 : memref<34816xf32, #tpu.memory_space<hbm>>) dst(%arg6 : memref<34816xf32, #tpu.memory_space<vmem>>)
      tpu.yield
    }) : () -> ()
    %barrier3A = arith.constant 0 : index
    tpu.barrier barrier_id(%barrier3A)
    %dma_start3A = arith.constant 0 : i32
    %dma_start3A_5 = tpu.memref_slice %arg2[%dma_start3A, %mul3A_2] : memref<64x2048xi32, #tpu.memory_space<hbm>> -> memref<1x64xi32, #tpu.memory_space<hbm>>
    %dma_start3A_6 = tpu.memref_squeeze %dma_start3A_5 : memref<1x64xi32, #tpu.memory_space<hbm>> -> memref<64xi32, #tpu.memory_space<hbm>>
    %dma_start3A_7 = tpu.memref_slice %arg2[%dma_start3A, %mul3A_2] : memref<64x2048xi32, #tpu.memory_space<hbm>> -> memref<1x64xi32, #tpu.memory_space<hbm>>
    %dma_start3A_8 = tpu.memref_squeeze %dma_start3A_7 : memref<1x64xi32, #tpu.memory_space<hbm>> -> memref<64xi32, #tpu.memory_space<hbm>>
    tpu.enqueue_dma source(%dma_start3A_8 : memref<64xi32, #tpu.memory_space<hbm>>) target(%arg12 : memref<64xi32, #tpu.memory_space<vmem>>) target_semaphore(%arg22 : memref<!tpu.dma_semaphore, #tpu.memory_space<semaphore_mem>>)
    %mul3A_9 = arith.constant 64 : i32
    %mul3A_10 = arith.muli %arg1, %mul3A_9 : i32
    %add3A_11 = arith.constant 0 : i32
    %add3A_12 = arith.addi %mul3A_10, %add3A_11 : i32
    %dma_start3A_13 = arith.constant 0 : i32
    %dma_start3A_14 = tpu.memref_slice %arg7[%add3A_12, %dma_start3A_13] : memref<1024x512xf32, #tpu.memory_space<vmem_shared>> -> memref<16x512xf32, #tpu.memory_space<vmem_shared>>
    %dma_start3A_15 = arith.constant 0 : i32
    %dma_start3A_16 = tpu.memref_slice %arg7[%add3A_12, %dma_start3A_15] : memref<1024x512xf32, #tpu.memory_space<vmem_shared>> -> memref<16x512xf32, #tpu.memory_space<vmem_shared>>
    tpu.enqueue_dma source(%dma_start3A_16 : memref<16x512xf32, #tpu.memory_space<vmem_shared>>) target(%arg8 : memref<16x512xf32, #tpu.memory_space<vmem>>) target_semaphore(%arg18 : memref<!tpu.dma_semaphore, #tpu.memory_space<semaphore_mem>>)
    %mul3A_17 = arith.constant 64 : i32
    %mul3A_18 = arith.muli %arg1, %mul3A_17 : i32
    %add3A_19 = arith.constant 16 : i32
    %add3A_20 = arith.addi %mul3A_18, %add3A_19 : i32
    %dma_start3A_21 = arith.constant 0 : i32
    %dma_start3A_22 = tpu.memref_slice %arg7[%add3A_20, %dma_start3A_21] : memref<1024x512xf32, #tpu.memory_space<vmem_shared>> -> memref<16x512xf32, #tpu.memory_space<vmem_shared>>
    %dma_start3A_23 = arith.constant 0 : i32
    %dma_start3A_24 = tpu.memref_slice %arg7[%add3A_20, %dma_start3A_23] : memref<1024x512xf32, #tpu.memory_space<vmem_shared>> -> memref<16x512xf32, #tpu.memory_space<vmem_shared>>
    tpu.enqueue_dma source(%dma_start3A_24 : memref<16x512xf32, #tpu.memory_space<vmem_shared>>) target(%arg9 : memref<16x512xf32, #tpu.memory_space<vmem>>) target_semaphore(%arg19 : memref<!tpu.dma_semaphore, #tpu.memory_space<semaphore_mem>>)
    %scan3A = arith.constant 0 : i32
    %scan3A_25 = arith.constant 0 : i32
    %scan3A_26 = arith.constant 32 : i32
    %scan3A_27 = arith.addi %scan3A_25, %scan3A_26 : i32
    %scan3A_28 = arith.constant 1 : i32
    scf.for %scan3A_65 = %scan3A_25 to %scan3A_27 step %scan3A_28  : i32 {
      %mul3A_66 = arith.constant 2 : i32
      %mul3A_67 = arith.muli %mul3A_66, %scan3A_65 : i32
      %add3A_68 = arith.constant 1 : i32
      %add3A_69 = arith.addi %mul3A_67, %add3A_68 : i32
      %dma_start3A_70 = tpu.memref_slice %arg2[%add3A_69, %mul3A_2] : memref<64x2048xi32, #tpu.memory_space<hbm>> -> memref<1x64xi32, #tpu.memory_space<hbm>>
      %dma_start3A_71 = tpu.memref_squeeze %dma_start3A_70 : memref<1x64xi32, #tpu.memory_space<hbm>> -> memref<64xi32, #tpu.memory_space<hbm>>
      %dma_start3A_72 = tpu.memref_slice %arg2[%add3A_69, %mul3A_2] : memref<64x2048xi32, #tpu.memory_space<hbm>> -> memref<1x64xi32, #tpu.memory_space<hbm>>
      %dma_start3A_73 = tpu.memref_squeeze %dma_start3A_72 : memref<1x64xi32, #tpu.memory_space<hbm>> -> memref<64xi32, #tpu.memory_space<hbm>>
      tpu.enqueue_dma source(%dma_start3A_73 : memref<64xi32, #tpu.memory_space<hbm>>) target(%arg13 : memref<64xi32, #tpu.memory_space<vmem>>) target_semaphore(%arg23 : memref<!tpu.dma_semaphore, #tpu.memory_space<semaphore_mem>>)
      %dma_wait3A_74 = arith.constant 0 : i32
      %dma_wait3A_75 = arith.constant 0 : i32
      %dma_wait3A_76 = tpu.memref_slice %arg2[%dma_wait3A_74, %dma_wait3A_75] : memref<64x2048xi32, #tpu.memory_space<hbm>> -> memref<1x64xi32, #tpu.memory_space<hbm>>
      %dma_wait3A_77 = tpu.memref_squeeze %dma_wait3A_76 : memref<1x64xi32, #tpu.memory_space<hbm>> -> memref<64xi32, #tpu.memory_space<hbm>>
      %dma_wait3A_78 = arith.constant 0 : i32
      %dma_wait3A_79 = tpu.memref_slice %arg2[%dma_wait3A_74, %dma_wait3A_78] : memref<64x2048xi32, #tpu.memory_space<hbm>> -> memref<1x64xi32, #tpu.memory_space<hbm>>
      %dma_wait3A_80 = tpu.memref_squeeze %dma_wait3A_79 : memref<1x64xi32, #tpu.memory_space<hbm>> -> memref<64xi32, #tpu.memory_space<hbm>>
      tpu.wait_dma2 semaphore(%arg22 : memref<!tpu.dma_semaphore, #tpu.memory_space<semaphore_mem>>) src(%dma_wait3A_80 : memref<64xi32, #tpu.memory_space<hbm>>) dst(%arg12 : memref<64xi32, #tpu.memory_space<vmem>>)
      %dma_wait3A_81 = arith.constant 0 : i32
      %dma_wait3A_82 = arith.constant 0 : i32
      %dma_wait3A_83 = tpu.memref_slice %arg7[%dma_wait3A_81, %dma_wait3A_82] : memref<1024x512xf32, #tpu.memory_space<vmem_shared>> -> memref<16x512xf32, #tpu.memory_space<vmem_shared>>
      %dma_wait3A_84 = arith.constant 0 : i32
      %dma_wait3A_85 = arith.constant 0 : i32
      %dma_wait3A_86 = tpu.memref_slice %arg7[%dma_wait3A_84, %dma_wait3A_85] : memref<1024x512xf32, #tpu.memory_space<vmem_shared>> -> memref<16x512xf32, #tpu.memory_space<vmem_shared>>
      tpu.wait_dma2 semaphore(%arg18 : memref<!tpu.dma_semaphore, #tpu.memory_space<semaphore_mem>>) src(%dma_wait3A_86 : memref<16x512xf32, #tpu.memory_space<vmem_shared>>) dst(%arg8 : memref<16x512xf32, #tpu.memory_space<vmem>>)
      %get3A = arith.constant 0 : index
      %get3A_87 = tpu.vector_load %arg12[%get3A] {strides = array<i32>} : memref<64xi32, #tpu.memory_space<vmem>>, vector<16xi32>,
      %get3A_88 = vector.shape_cast %get3A_87 : vector<16xi32> to vector<16xi32>
      %mul3A_89 = arith.constant 512 : i32
      %mul3A_90 = vector.broadcast %mul3A_89 : i32 to vector<16xi32>
      %mul3A_91 = arith.muli %get3A_88, %mul3A_90 : vector<16xi32>
      %slice3A = vector.extract_strided_slice %mul3A_91 {offsets = [0], sizes = [1], strides = [1]} : vector<16xi32> to vector<1xi32>
      %squeeze3A = vector.extract %slice3A[0] : i32 from vector<1xi32>
      %slice3A_92 = vector.extract_strided_slice %mul3A_91 {offsets = [1], sizes = [1], strides = [1]} : vector<16xi32> to vector<1xi32>
      %squeeze3A_93 = vector.extract %slice3A_92[0] : i32 from vector<1xi32>
      %slice3A_94 = vector.extract_strided_slice %mul3A_91 {offsets = [2], sizes = [1], strides = [1]} : vector<16xi32> to vector<1xi32>
      %squeeze3A_95 = vector.extract %slice3A_94[0] : i32 from vector<1xi32>
      %slice3A_96 = vector.extract_strided_slice %mul3A_91 {offsets = [3], sizes = [1], strides = [1]} : vector<16xi32> to vector<1xi32>
      %squeeze3A_97 = vector.extract %slice3A_96[0] : i32 from vector<1xi32>
      %slice3A_98 = vector.extract_strided_slice %mul3A_91 {offsets = [4], sizes = [1], strides = [1]} : vector<16xi32> to vector<1xi32>
      %squeeze3A_99 = vector.extract %slice3A_98[0] : i32 from vector<1xi32>
      %slice3A_100 = vector.extract_strided_slice %mul3A_91 {offsets = [5], sizes = [1], strides = [1]} : vector<16xi32> to vector<1xi32>
      %squeeze3A_101 = vector.extract %slice3A_100[0] : i32 from vector<1xi32>
      %slice3A_102 = vector.extract_strided_slice %mul3A_91 {offsets = [6], sizes = [1], strides = [1]} : vector<16xi32> to vector<1xi32>
      %squeeze3A_103 = vector.extract %slice3A_102[0] : i32 from vector<1xi32>
      %slice3A_104 = vector.extract_strided_slice %mul3A_91 {offsets = [7], sizes = [1], strides = [1]} : vector<16xi32> to vector<1xi32>
      %squeeze3A_105 = vector.extract %slice3A_104[0] : i32 from vector<1xi32>
      %slice3A_106 = vector.extract_strided_slice %mul3A_91 {offsets = [8], sizes = [1], strides = [1]} : vector<16xi32> to vector<1xi32>
      %squeeze3A_107 = vector.extract %slice3A_106[0] : i32 from vector<1xi32>
      %slice3A_108 = vector.extract_strided_slice %mul3A_91 {offsets = [9], sizes = [1], strides = [1]} : vector<16xi32> to vector<1xi32>
      %squeeze3A_109 = vector.extract %slice3A_108[0] : i32 from vector<1xi32>
      %slice3A_110 = vector.extract_strided_slice %mul3A_91 {offsets = [10], sizes = [1], strides = [1]} : vector<16xi32> to vector<1xi32>
      %squeeze3A_111 = vector.extract %slice3A_110[0] : i32 from vector<1xi32>
      %slice3A_112 = vector.extract_strided_slice %mul3A_91 {offsets = [11], sizes = [1], strides = [1]} : vector<16xi32> to vector<1xi32>
      %squeeze3A_113 = vector.extract %slice3A_112[0] : i32 from vector<1xi32>
      %slice3A_114 = vector.extract_strided_slice %mul3A_91 {offsets = [12], sizes = [1], strides = [1]} : vector<16xi32> to vector<1xi32>
      %squeeze3A_115 = vector.extract %slice3A_114[0] : i32 from vector<1xi32>
      %slice3A_116 = vector.extract_strided_slice %mul3A_91 {offsets = [13], sizes = [1], strides = [1]} : vector<16xi32> to vector<1xi32>
      %squeeze3A_117 = vector.extract %slice3A_116[0] : i32 from vector<1xi32>
      %slice3A_118 = vector.extract_strided_slice %mul3A_91 {offsets = [14], sizes = [1], strides = [1]} : vector<16xi32> to vector<1xi32>
      %squeeze3A_119 = vector.extract %slice3A_118[0] : i32 from vector<1xi32>
      %slice3A_120 = vector.extract_strided_slice %mul3A_91 {offsets = [15], sizes = [1], strides = [1]} : vector<16xi32> to vector<1xi32>
      %squeeze3A_121 = vector.extract %slice3A_120[0] : i32 from vector<1xi32>
      %parallel_loop3A = arith.constant 0 : i32
      %parallel_loop3A_122 = arith.constant 32 : i32
      %parallel_loop3A_123 = arith.constant 1 : i32
      scf.for %parallel_loop3A_599 = %parallel_loop3A to %parallel_loop3A_122 step %parallel_loop3A_123  : i32 {
        %parallel_loop3A_600 = arith.constant 16 : i32
        %parallel_loop3A_601 = arith.muli %parallel_loop3A_599, %parallel_loop3A_600 : i32
        %parallel_loop3A_602 = arith.addi %squeeze3A, %parallel_loop3A_601 : i32
        %parallel_loop3A_603 = arith.index_cast %parallel_loop3A_602 : i32 to index
        %parallel_loop3A_604 = tpu.vector_load %arg6[%parallel_loop3A_603] {strides = array<i32>} : memref<34816xf32, #tpu.memory_space<vmem>>, vector<16xf32>,
        %parallel_loop3A_605 = vector.shape_cast %parallel_loop3A_604 : vector<16xf32> to vector<16xf32>
        %parallel_loop3A_606 = arith.constant 0 : i32
        %parallel_loop3A_607 = arith.index_cast %parallel_loop3A_606 : i32 to index
        %parallel_loop3A_608 = arith.index_cast %parallel_loop3A_601 : i32 to index
        %parallel_loop3A_609 = tpu.vector_load %arg8[%parallel_loop3A_607, %parallel_loop3A_608] {strides = array<i32>} : memref<16x512xf32, #tpu.memory_space<vmem>>, vector<1x16xf32>,
        %parallel_loop3A_610 = vector.shape_cast %parallel_loop3A_609 : vector<1x16xf32> to vector<16xf32>
        %parallel_loop3A_611 = vector.shape_cast %parallel_loop3A_605 : vector<16xf32> to vector<1x16xf32>
        tpu.vector_store %arg8[%parallel_loop3A_607, %parallel_loop3A_608], %parallel_loop3A_611 {add = true, strides = array<i32>} : memref<16x512xf32, #tpu.memory_space<vmem>>, vector<1x16xf32>,
        %parallel_loop3A_612 = arith.addi %squeeze3A_93, %parallel_loop3A_601 : i32
        %parallel_loop3A_613 = arith.index_cast %parallel_loop3A_612 : i32 to index
        %parallel_loop3A_614 = tpu.vector_load %arg6[%parallel_loop3A_613] {strides = array<i32>} : memref<34816xf32, #tpu.memory_space<vmem>>, vector<16xf32>,
        %parallel_loop3A_615 = vector.shape_cast %parallel_loop3A_614 : vector<16xf32> to vector<16xf32>
        %parallel_loop3A_616 = arith.constant 1 : i32
        %parallel_loop3A_617 = arith.index_cast %parallel_loop3A_616 : i32 to index
        %parallel_loop3A_618 = arith.index_cast %parallel_loop3A_601 : i32 to index
        %parallel_loop3A_619 = tpu.vector_load %arg8[%parallel_loop3A_617, %parallel_loop3A_618] {strides = array<i32>} : memref<16x512xf32, #tpu.memory_space<vmem>>, vector<1x16xf32>,
        %parallel_loop3A_620 = vector.shape_cast %parallel_loop3A_619 : vector<1x16xf32> to vector<16xf32>
        %parallel_loop3A_621 = vector.shape_cast %parallel_loop3A_615 : vector<16xf32> to vector<1x16xf32>
        tpu.vector_store %arg8[%parallel_loop3A_617, %parallel_loop3A_618], %parallel_loop3A_621 {add = true, strides = array<i32>} : memref<16x512xf32, #tpu.memory_space<vmem>>, vector<1x16xf32>,
        %parallel_loop3A_622 = arith.addi %squeeze3A_95, %parallel_loop3A_601 : i32
        %parallel_loop3A_623 = arith.index_cast %parallel_loop3A_622 : i32 to index
        %parallel_loop3A_624 = tpu.vector_load %arg6[%parallel_loop3A_623] {strides = array<i32>} : memref<34816xf32, #tpu.memory_space<vmem>>, vector<16xf32>,
        %parallel_loop3A_625 = vector.shape_cast %parallel_loop3A_624 : vector<16xf32> to vector<16xf32>
        %parallel_loop3A_626 = arith.constant 2 : i32
        %parallel_loop3A_627 = arith.index_cast %parallel_loop3A_626 : i32 to index
        %parallel_loop3A_628 = arith.index_cast %parallel_loop3A_601 : i32 to index
        %parallel_loop3A_629 = tpu.vector_load %arg8[%parallel_loop3A_627, %parallel_loop3A_628] {strides = array<i32>} : memref<16x512xf32, #tpu.memory_space<vmem>>, vector<1x16xf32>,
        %parallel_loop3A_630 = vector.shape_cast %parallel_loop3A_629 : vector<1x16xf32> to vector<16xf32>
        %parallel_loop3A_631 = vector.shape_cast %parallel_loop3A_625 : vector<16xf32> to vector<1x16xf32>
        tpu.vector_store %arg8[%parallel_loop3A_627, %parallel_loop3A_628], %parallel_loop3A_631 {add = true, strides = array<i32>} : memref<16x512xf32, #tpu.memory_space<vmem>>, vector<1x16xf32>,
        %parallel_loop3A_632 = arith.addi %squeeze3A_97, %parallel_loop3A_601 : i32
        %parallel_loop3A_633 = arith.index_cast %parallel_loop3A_632 : i32 to index
        %parallel_loop3A_634 = tpu.vector_load %arg6[%parallel_loop3A_633] {strides = array<i32>} : memref<34816xf32, #tpu.memory_space<vmem>>, vector<16xf32>,
        %parallel_loop3A_635 = vector.shape_cast %parallel_loop3A_634 : vector<16xf32> to vector<16xf32>
        %parallel_loop3A_636 = arith.constant 3 : i32
        %parallel_loop3A_637 = arith.index_cast %parallel_loop3A_636 : i32 to index
        %parallel_loop3A_638 = arith.index_cast %parallel_loop3A_601 : i32 to index
        %parallel_loop3A_639 = tpu.vector_load %arg8[%parallel_loop3A_637, %parallel_loop3A_638] {strides = array<i32>} : memref<16x512xf32, #tpu.memory_space<vmem>>, vector<1x16xf32>,
        %parallel_loop3A_640 = vector.shape_cast %parallel_loop3A_639 : vector<1x16xf32> to vector<16xf32>
        %parallel_loop3A_641 = vector.shape_cast %parallel_loop3A_635 : vector<16xf32> to vector<1x16xf32>
        tpu.vector_store %arg8[%parallel_loop3A_637, %parallel_loop3A_638], %parallel_loop3A_641 {add = true, strides = array<i32>} : memref<16x512xf32, #tpu.memory_space<vmem>>, vector<1x16xf32>,
        %parallel_loop3A_642 = arith.addi %squeeze3A_99, %parallel_loop3A_601 : i32
        %parallel_loop3A_643 = arith.index_cast %parallel_loop3A_642 : i32 to index
        %parallel_loop3A_644 = tpu.vector_load %arg6[%parallel_loop3A_643] {strides = array<i32>} : memref<34816xf32, #tpu.memory_space<vmem>>, vector<16xf32>,
        %parallel_loop3A_645 = vector.shape_cast %parallel_loop3A_644 : vector<16xf32> to vector<16xf32>
        %parallel_loop3A_646 = arith.constant 4 : i32
        %parallel_loop3A_647 = arith.index_cast %parallel_loop3A_646 : i32 to index
        %parallel_loop3A_648 = arith.index_cast %parallel_loop3A_601 : i32 to index
        %parallel_loop3A_649 = tpu.vector_load %arg8[%parallel_loop3A_647, %parallel_loop3A_648] {strides = array<i32>} : memref<16x512xf32, #tpu.memory_space<vmem>>, vector<1x16xf32>,
        %parallel_loop3A_650 = vector.shape_cast %parallel_loop3A_649 : vector<1x16xf32> to vector<16xf32>
        %parallel_loop3A_651 = vector.shape_cast %parallel_loop3A_645 : vector<16xf32> to vector<1x16xf32>
        tpu.vector_store %arg8[%parallel_loop3A_647, %parallel_loop3A_648], %parallel_loop3A_651 {add = true, strides = array<i32>} : memref<16x512xf32, #tpu.memory_space<vmem>>, vector<1x16xf32>,
        %parallel_loop3A_652 = arith.addi %squeeze3A_101, %parallel_loop3A_601 : i32
        %parallel_loop3A_653 = arith.index_cast %parallel_loop3A_652 : i32 to index
        %parallel_loop3A_654 = tpu.vector_load %arg6[%parallel_loop3A_653] {strides = array<i32>} : memref<34816xf32, #tpu.memory_space<vmem>>, vector<16xf32>,
        %parallel_loop3A_655 = vector.shape_cast %parallel_loop3A_654 : vector<16xf32> to vector<16xf32>
        %parallel_loop3A_656 = arith.constant 5 : i32
        %parallel_loop3A_657 = arith.index_cast %parallel_loop3A_656 : i32 to index
        %parallel_loop3A_658 = arith.index_cast %parallel_loop3A_601 : i32 to index
        %parallel_loop3A_659 = tpu.vector_load %arg8[%parallel_loop3A_657, %parallel_loop3A_658] {strides = array<i32>} : memref<16x512xf32, #tpu.memory_space<vmem>>, vector<1x16xf32>,
        %parallel_loop3A_660 = vector.shape_cast %parallel_loop3A_659 : vector<1x16xf32> to vector<16xf32>
        %parallel_loop3A_661 = vector.shape_cast %parallel_loop3A_655 : vector<16xf32> to vector<1x16xf32>
        tpu.vector_store %arg8[%parallel_loop3A_657, %parallel_loop3A_658], %parallel_loop3A_661 {add = true, strides = array<i32>} : memref<16x512xf32, #tpu.memory_space<vmem>>, vector<1x16xf32>,
        %parallel_loop3A_662 = arith.addi %squeeze3A_103, %parallel_loop3A_601 : i32
        %parallel_loop3A_663 = arith.index_cast %parallel_loop3A_662 : i32 to index
        %parallel_loop3A_664 = tpu.vector_load %arg6[%parallel_loop3A_663] {strides = array<i32>} : memref<34816xf32, #tpu.memory_space<vmem>>, vector<16xf32>,
        %parallel_loop3A_665 = vector.shape_cast %parallel_loop3A_664 : vector<16xf32> to vector<16xf32>
        %parallel_loop3A_666 = arith.constant 6 : i32
        %parallel_loop3A_667 = arith.index_cast %parallel_loop3A_666 : i32 to index
        %parallel_loop3A_668 = arith.index_cast %parallel_loop3A_601 : i32 to index
        %parallel_loop3A_669 = tpu.vector_load %arg8[%parallel_loop3A_667, %parallel_loop3A_668] {strides = array<i32>} : memref<16x512xf32, #tpu.memory_space<vmem>>, vector<1x16xf32>,
        %parallel_loop3A_670 = vector.shape_cast %parallel_loop3A_669 : vector<1x16xf32> to vector<16xf32>
        %parallel_loop3A_671 = vector.shape_cast %parallel_loop3A_665 : vector<16xf32> to vector<1x16xf32>
        tpu.vector_store %arg8[%parallel_loop3A_667, %parallel_loop3A_668], %parallel_loop3A_671 {add = true, strides = array<i32>} : memref<16x512xf32, #tpu.memory_space<vmem>>, vector<1x16xf32>,
        %parallel_loop3A_672 = arith.addi %squeeze3A_105, %parallel_loop3A_601 : i32
        %parallel_loop3A_673 = arith.index_cast %parallel_loop3A_672 : i32 to index
        %parallel_loop3A_674 = tpu.vector_load %arg6[%parallel_loop3A_673] {strides = array<i32>} : memref<34816xf32, #tpu.memory_space<vmem>>, vector<16xf32>,
        %parallel_loop3A_675 = vector.shape_cast %parallel_loop3A_674 : vector<16xf32> to vector<16xf32>
        %parallel_loop3A_676 = arith.constant 7 : i32
        %parallel_loop3A_677 = arith.index_cast %parallel_loop3A_676 : i32 to index
        %parallel_loop3A_678 = arith.index_cast %parallel_loop3A_601 : i32 to index
        %parallel_loop3A_679 = tpu.vector_load %arg8[%parallel_loop3A_677, %parallel_loop3A_678] {strides = array<i32>} : memref<16x512xf32, #tpu.memory_space<vmem>>, vector<1x16xf32>,
        %parallel_loop3A_680 = vector.shape_cast %parallel_loop3A_679 : vector<1x16xf32> to vector<16xf32>
        %parallel_loop3A_681 = vector.shape_cast %parallel_loop3A_675 : vector<16xf32> to vector<1x16xf32>
        tpu.vector_store %arg8[%parallel_loop3A_677, %parallel_loop3A_678], %parallel_loop3A_681 {add = true, strides = array<i32>} : memref<16x512xf32, #tpu.memory_space<vmem>>, vector<1x16xf32>,
        %parallel_loop3A_682 = arith.addi %squeeze3A_107, %parallel_loop3A_601 : i32
        %parallel_loop3A_683 = arith.index_cast %parallel_loop3A_682 : i32 to index
        %parallel_loop3A_684 = tpu.vector_load %arg6[%parallel_loop3A_683] {strides = array<i32>} : memref<34816xf32, #tpu.memory_space<vmem>>, vector<16xf32>,
        %parallel_loop3A_685 = vector.shape_cast %parallel_loop3A_684 : vector<16xf32> to vector<16xf32>
        %parallel_loop3A_686 = arith.constant 8 : i32
        %parallel_loop3A_687 = arith.index_cast %parallel_loop3A_686 : i32 to index
        %parallel_loop3A_688 = arith.index_cast %parallel_loop3A_601 : i32 to index
        %parallel_loop3A_689 = tpu.vector_load %arg8[%parallel_loop3A_687, %parallel_loop3A_688] {strides = array<i32>} : memref<16x512xf32, #tpu.memory_space<vmem>>, vector<1x16xf32>,
        %parallel_loop3A_690 = vector.shape_cast %parallel_loop3A_689 : vector<1x16xf32> to vector<16xf32>
        %parallel_loop3A_691 = vector.shape_cast %parallel_loop3A_685 : vector<16xf32> to vector<1x16xf32>
        tpu.vector_store %arg8[%parallel_loop3A_687, %parallel_loop3A_688], %parallel_loop3A_691 {add = true, strides = array<i32>} : memref<16x512xf32, #tpu.memory_space<vmem>>, vector<1x16xf32>,
        %parallel_loop3A_692 = arith.addi %squeeze3A_109, %parallel_loop3A_601 : i32
        %parallel_loop3A_693 = arith.index_cast %parallel_loop3A_692 : i32 to index
        %parallel_loop3A_694 = tpu.vector_load %arg6[%parallel_loop3A_693] {strides = array<i32>} : memref<34816xf32, #tpu.memory_space<vmem>>, vector<16xf32>,
        %parallel_loop3A_695 = vector.shape_cast %parallel_loop3A_694 : vector<16xf32> to vector<16xf32>
        %parallel_loop3A_696 = arith.constant 9 : i32
        %parallel_loop3A_697 = arith.index_cast %parallel_loop3A_696 : i32 to index
        %parallel_loop3A_698 = arith.index_cast %parallel_loop3A_601 : i32 to index
        %parallel_loop3A_699 = tpu.vector_load %arg8[%parallel_loop3A_697, %parallel_loop3A_698] {strides = array<i32>} : memref<16x512xf32, #tpu.memory_space<vmem>>, vector<1x16xf32>,
        %parallel_loop3A_700 = vector.shape_cast %parallel_loop3A_699 : vector<1x16xf32> to vector<16xf32>
        %parallel_loop3A_701 = vector.shape_cast %parallel_loop3A_695 : vector<16xf32> to vector<1x16xf32>
        tpu.vector_store %arg8[%parallel_loop3A_697, %parallel_loop3A_698], %parallel_loop3A_701 {add = true, strides = array<i32>} : memref<16x512xf32, #tpu.memory_space<vmem>>, vector<1x16xf32>,
        %parallel_loop3A_702 = arith.addi %squeeze3A_111, %parallel_loop3A_601 : i32
        %parallel_loop3A_703 = arith.index_cast %parallel_loop3A_702 : i32 to index
        %parallel_loop3A_704 = tpu.vector_load %arg6[%parallel_loop3A_703] {strides = array<i32>} : memref<34816xf32, #tpu.memory_space<vmem>>, vector<16xf32>,
        %parallel_loop3A_705 = vector.shape_cast %parallel_loop3A_704 : vector<16xf32> to vector<16xf32>
        %parallel_loop3A_706 = arith.constant 10 : i32
        %parallel_loop3A_707 = arith.index_cast %parallel_loop3A_706 : i32 to index
        %parallel_loop3A_708 = arith.index_cast %parallel_loop3A_601 : i32 to index
        %parallel_loop3A_709 = tpu.vector_load %arg8[%parallel_loop3A_707, %parallel_loop3A_708] {strides = array<i32>} : memref<16x512xf32, #tpu.memory_space<vmem>>, vector<1x16xf32>,
        %parallel_loop3A_710 = vector.shape_cast %parallel_loop3A_709 : vector<1x16xf32> to vector<16xf32>
        %parallel_loop3A_711 = vector.shape_cast %parallel_loop3A_705 : vector<16xf32> to vector<1x16xf32>
        tpu.vector_store %arg8[%parallel_loop3A_707, %parallel_loop3A_708], %parallel_loop3A_711 {add = true, strides = array<i32>} : memref<16x512xf32, #tpu.memory_space<vmem>>, vector<1x16xf32>,
        %parallel_loop3A_712 = arith.addi %squeeze3A_113, %parallel_loop3A_601 : i32
        %parallel_loop3A_713 = arith.index_cast %parallel_loop3A_712 : i32 to index
        %parallel_loop3A_714 = tpu.vector_load %arg6[%parallel_loop3A_713] {strides = array<i32>} : memref<34816xf32, #tpu.memory_space<vmem>>, vector<16xf32>,
        %parallel_loop3A_715 = vector.shape_cast %parallel_loop3A_714 : vector<16xf32> to vector<16xf32>
        %parallel_loop3A_716 = arith.constant 11 : i32
        %parallel_loop3A_717 = arith.index_cast %parallel_loop3A_716 : i32 to index
        %parallel_loop3A_718 = arith.index_cast %parallel_loop3A_601 : i32 to index
        %parallel_loop3A_719 = tpu.vector_load %arg8[%parallel_loop3A_717, %parallel_loop3A_718] {strides = array<i32>} : memref<16x512xf32, #tpu.memory_space<vmem>>, vector<1x16xf32>,
        %parallel_loop3A_720 = vector.shape_cast %parallel_loop3A_719 : vector<1x16xf32> to vector<16xf32>
        %parallel_loop3A_721 = vector.shape_cast %parallel_loop3A_715 : vector<16xf32> to vector<1x16xf32>
        tpu.vector_store %arg8[%parallel_loop3A_717, %parallel_loop3A_718], %parallel_loop3A_721 {add = true, strides = array<i32>} : memref<16x512xf32, #tpu.memory_space<vmem>>, vector<1x16xf32>,
        %parallel_loop3A_722 = arith.addi %squeeze3A_115, %parallel_loop3A_601 : i32
        %parallel_loop3A_723 = arith.index_cast %parallel_loop3A_722 : i32 to index
        %parallel_loop3A_724 = tpu.vector_load %arg6[%parallel_loop3A_723] {strides = array<i32>} : memref<34816xf32, #tpu.memory_space<vmem>>, vector<16xf32>,
        %parallel_loop3A_725 = vector.shape_cast %parallel_loop3A_724 : vector<16xf32> to vector<16xf32>
        %parallel_loop3A_726 = arith.constant 12 : i32
        %parallel_loop3A_727 = arith.index_cast %parallel_loop3A_726 : i32 to index
        %parallel_loop3A_728 = arith.index_cast %parallel_loop3A_601 : i32 to index
        %parallel_loop3A_729 = tpu.vector_load %arg8[%parallel_loop3A_727, %parallel_loop3A_728] {strides = array<i32>} : memref<16x512xf32, #tpu.memory_space<vmem>>, vector<1x16xf32>,
        %parallel_loop3A_730 = vector.shape_cast %parallel_loop3A_729 : vector<1x16xf32> to vector<16xf32>
        %parallel_loop3A_731 = vector.shape_cast %parallel_loop3A_725 : vector<16xf32> to vector<1x16xf32>
        tpu.vector_store %arg8[%parallel_loop3A_727, %parallel_loop3A_728], %parallel_loop3A_731 {add = true, strides = array<i32>} : memref<16x512xf32, #tpu.memory_space<vmem>>, vector<1x16xf32>,
        %parallel_loop3A_732 = arith.addi %squeeze3A_117, %parallel_loop3A_601 : i32
        %parallel_loop3A_733 = arith.index_cast %parallel_loop3A_732 : i32 to index
        %parallel_loop3A_734 = tpu.vector_load %arg6[%parallel_loop3A_733] {strides = array<i32>} : memref<34816xf32, #tpu.memory_space<vmem>>, vector<16xf32>,
        %parallel_loop3A_735 = vector.shape_cast %parallel_loop3A_734 : vector<16xf32> to vector<16xf32>
        %parallel_loop3A_736 = arith.constant 13 : i32
        %parallel_loop3A_737 = arith.index_cast %parallel_loop3A_736 : i32 to index
        %parallel_loop3A_738 = arith.index_cast %parallel_loop3A_601 : i32 to index
        %parallel_loop3A_739 = tpu.vector_load %arg8[%parallel_loop3A_737, %parallel_loop3A_738] {strides = array<i32>} : memref<16x512xf32, #tpu.memory_space<vmem>>, vector<1x16xf32>,
        %parallel_loop3A_740 = vector.shape_cast %parallel_loop3A_739 : vector<1x16xf32> to vector<16xf32>
        %parallel_loop3A_741 = vector.shape_cast %parallel_loop3A_735 : vector<16xf32> to vector<1x16xf32>
        tpu.vector_store %arg8[%parallel_loop3A_737, %parallel_loop3A_738], %parallel_loop3A_741 {add = true, strides = array<i32>} : memref<16x512xf32, #tpu.memory_space<vmem>>, vector<1x16xf32>,
        %parallel_loop3A_742 = arith.addi %squeeze3A_119, %parallel_loop3A_601 : i32
        %parallel_loop3A_743 = arith.index_cast %parallel_loop3A_742 : i32 to index
        %parallel_loop3A_744 = tpu.vector_load %arg6[%parallel_loop3A_743] {strides = array<i32>} : memref<34816xf32, #tpu.memory_space<vmem>>, vector<16xf32>,
        %parallel_loop3A_745 = vector.shape_cast %parallel_loop3A_744 : vector<16xf32> to vector<16xf32>
        %parallel_loop3A_746 = arith.constant 14 : i32
        %parallel_loop3A_747 = arith.index_cast %parallel_loop3A_746 : i32 to index
        %parallel_loop3A_748 = arith.index_cast %parallel_loop3A_601 : i32 to index
        %parallel_loop3A_749 = tpu.vector_load %arg8[%parallel_loop3A_747, %parallel_loop3A_748] {strides = array<i32>} : memref<16x512xf32, #tpu.memory_space<vmem>>, vector<1x16xf32>,
        %parallel_loop3A_750 = vector.shape_cast %parallel_loop3A_749 : vector<1x16xf32> to vector<16xf32>
        %parallel_loop3A_751 = vector.shape_cast %parallel_loop3A_745 : vector<16xf32> to vector<1x16xf32>
        tpu.vector_store %arg8[%parallel_loop3A_747, %parallel_loop3A_748], %parallel_loop3A_751 {add = true, strides = array<i32>} : memref<16x512xf32, #tpu.memory_space<vmem>>, vector<1x16xf32>,
        %parallel_loop3A_752 = arith.addi %squeeze3A_121, %parallel_loop3A_601 : i32
        %parallel_loop3A_753 = arith.index_cast %parallel_loop3A_752 : i32 to index
        %parallel_loop3A_754 = tpu.vector_load %arg6[%parallel_loop3A_753] {strides = array<i32>} : memref<34816xf32, #tpu.memory_space<vmem>>, vector<16xf32>,
        %parallel_loop3A_755 = vector.shape_cast %parallel_loop3A_754 : vector<16xf32> to vector<16xf32>
        %parallel_loop3A_756 = arith.constant 15 : i32
        %parallel_loop3A_757 = arith.index_cast %parallel_loop3A_756 : i32 to index
        %parallel_loop3A_758 = arith.index_cast %parallel_loop3A_601 : i32 to index
        %parallel_loop3A_759 = tpu.vector_load %arg8[%parallel_loop3A_757, %parallel_loop3A_758] {strides = array<i32>} : memref<16x512xf32, #tpu.memory_space<vmem>>, vector<1x16xf32>,
        %parallel_loop3A_760 = vector.shape_cast %parallel_loop3A_759 : vector<1x16xf32> to vector<16xf32>
        %parallel_loop3A_761 = vector.shape_cast %parallel_loop3A_755 : vector<16xf32> to vector<1x16xf32>
        tpu.vector_store %arg8[%parallel_loop3A_757, %parallel_loop3A_758], %parallel_loop3A_761 {add = true, strides = array<i32>} : memref<16x512xf32, #tpu.memory_space<vmem>>, vector<1x16xf32>,
      } {sc.loop_unroll_factor = 1 : i64, sc.parallel_access}
      %add3A_124 = arith.constant 0 : i32
      %add3A_125 = arith.addi %mul3A_2, %add3A_124 : i32
      %dma_start3A_126 = arith.constant 0 : i32
      %dma_start3A_127 = tpu.memref_slice %arg5[%mul3A_67, %add3A_125, %dma_start3A_126] : memref<64x2048x512xf32, #tpu.memory_space<hbm>> -> memref<1x16x512xf32, #tpu.memory_space<hbm>>
      %dma_start3A_128 = tpu.memref_squeeze %dma_start3A_127 : memref<1x16x512xf32, #tpu.memory_space<hbm>> -> memref<16x512xf32, #tpu.memory_space<hbm>>
      %dma_start3A_129 = arith.constant 0 : i32
      %dma_start3A_130 = tpu.memref_slice %arg5[%mul3A_67, %add3A_125, %dma_start3A_129] : memref<64x2048x512xf32, #tpu.memory_space<hbm>> -> memref<1x16x512xf32, #tpu.memory_space<hbm>>
      %dma_start3A_131 = tpu.memref_squeeze %dma_start3A_130 : memref<1x16x512xf32, #tpu.memory_space<hbm>> -> memref<16x512xf32, #tpu.memory_space<hbm>>
      tpu.enqueue_dma source(%arg8 : memref<16x512xf32, #tpu.memory_space<vmem>>) target(%dma_start3A_131 : memref<16x512xf32, #tpu.memory_space<hbm>>) target_semaphore(%arg14 : memref<!tpu.dma_semaphore, #tpu.memory_space<semaphore_mem>>)
      %gt3A = arith.constant 0 : i32
      %gt3A_132 = arith.cmpi sgt, %mul3A_67, %gt3A : i32
      %convert_element_type3A_133 = arith.extui %gt3A_132 : i1 to i32
      %cond3A_134 = arith.constant 0 : i32
      %cond3A_135 = arith.cmpi ne, %convert_element_type3A_133, %cond3A_134 : i32
      scf.if %cond3A_135 {
        %dma_wait3A_599 = arith.constant 0 : i32
        %dma_wait3A_600 = arith.constant 0 : i32
        %dma_wait3A_601 = arith.constant 0 : i32
        %dma_wait3A_602 = tpu.memref_slice %arg5[%dma_wait3A_599, %dma_wait3A_600, %dma_wait3A_601] : memref<64x2048x512xf32, #tpu.memory_space<hbm>> -> memref<1x16x512xf32, #tpu.memory_space<hbm>>
        %dma_wait3A_603 = tpu.memref_squeeze %dma_wait3A_602 : memref<1x16x512xf32, #tpu.memory_space<hbm>> -> memref<16x512xf32, #tpu.memory_space<hbm>>
        %dma_wait3A_604 = arith.constant 0 : i32
        %dma_wait3A_605 = arith.constant 0 : i32
        %dma_wait3A_606 = tpu.memref_slice %arg5[%dma_wait3A_599, %dma_wait3A_604, %dma_wait3A_605] : memref<64x2048x512xf32, #tpu.memory_space<hbm>> -> memref<1x16x512xf32, #tpu.memory_space<hbm>>
        %dma_wait3A_607 = tpu.memref_squeeze %dma_wait3A_606 : memref<1x16x512xf32, #tpu.memory_space<hbm>> -> memref<16x512xf32, #tpu.memory_space<hbm>>
        tpu.wait_dma2 semaphore(%arg16 : memref<!tpu.dma_semaphore, #tpu.memory_space<semaphore_mem>>) src(%arg10 : memref<16x512xf32, #tpu.memory_space<vmem>>) dst(%dma_wait3A_607 : memref<16x512xf32, #tpu.memory_space<hbm>>)
      } else {
      }
      %mul3A_136 = arith.constant 64 : i32
      %mul3A_137 = arith.muli %arg1, %mul3A_136 : i32
      %add3A_138 = arith.constant 32 : i32
      %add3A_139 = arith.addi %mul3A_137, %add3A_138 : i32
      %dma_start3A_140 = arith.constant 0 : i32
      %dma_start3A_141 = tpu.memref_slice %arg7[%add3A_139, %dma_start3A_140] : memref<1024x512xf32, #tpu.memory_space<vmem_shared>> -> memref<16x512xf32, #tpu.memory_space<vmem_shared>>
      %dma_start3A_142 = arith.constant 0 : i32
      %dma_start3A_143 = tpu.memref_slice %arg7[%add3A_139, %dma_start3A_142] : memref<1024x512xf32, #tpu.memory_space<vmem_shared>> -> memref<16x512xf32, #tpu.memory_space<vmem_shared>>
      tpu.enqueue_dma source(%dma_start3A_143 : memref<16x512xf32, #tpu.memory_space<vmem_shared>>) target(%arg10 : memref<16x512xf32, #tpu.memory_space<vmem>>) target_semaphore(%arg20 : memref<!tpu.dma_semaphore, #tpu.memory_space<semaphore_mem>>)
      %dma_wait3A_144 = arith.constant 0 : i32
      %dma_wait3A_145 = arith.constant 0 : i32
      %dma_wait3A_146 = tpu.memref_slice %arg7[%dma_wait3A_144, %dma_wait3A_145] : memref<1024x512xf32, #tpu.memory_space<vmem_shared>> -> memref<16x512xf32, #tpu.memory_space<vmem_shared>>
      %dma_wait3A_147 = arith.constant 0 : i32
      %dma_wait3A_148 = arith.constant 0 : i32
      %dma_wait3A_149 = tpu.memref_slice %arg7[%dma_wait3A_147, %dma_wait3A_148] : memref<1024x512xf32, #tpu.memory_space<vmem_shared>> -> memref<16x512xf32, #tpu.memory_space<vmem_shared>>
      tpu.wait_dma2 semaphore(%arg19 : memref<!tpu.dma_semaphore, #tpu.memory_space<semaphore_mem>>) src(%dma_wait3A_149 : memref<16x512xf32, #tpu.memory_space<vmem_shared>>) dst(%arg9 : memref<16x512xf32, #tpu.memory_space<vmem>>)
      %get3A_150 = arith.constant 16 : index
      %get3A_151 = tpu.vector_load %arg12[%get3A_150] {strides = array<i32>} : memref<64xi32, #tpu.memory_space<vmem>>, vector<16xi32>,
      %get3A_152 = vector.shape_cast %get3A_151 : vector<16xi32> to vector<16xi32>
      %mul3A_153 = arith.constant 512 : i32
      %mul3A_154 = vector.broadcast %mul3A_153 : i32 to vector<16xi32>
      %mul3A_155 = arith.muli %get3A_152, %mul3A_154 : vector<16xi32>
      %slice3A_156 = vector.extract_strided_slice %mul3A_155 {offsets = [0], sizes = [1], strides = [1]} : vector<16xi32> to vector<1xi32>
      %squeeze3A_157 = vector.extract %slice3A_156[0] : i32 from vector<1xi32>
      %slice3A_158 = vector.extract_strided_slice %mul3A_155 {offsets = [1], sizes = [1], strides = [1]} : vector<16xi32> to vector<1xi32>
      %squeeze3A_159 = vector.extract %slice3A_158[0] : i32 from vector<1xi32>
      %slice3A_160 = vector.extract_strided_slice %mul3A_155 {offsets = [2], sizes = [1], strides = [1]} : vector<16xi32> to vector<1xi32>
      %squeeze3A_161 = vector.extract %slice3A_160[0] : i32 from vector<1xi32>
      %slice3A_162 = vector.extract_strided_slice %mul3A_155 {offsets = [3], sizes = [1], strides = [1]} : vector<16xi32> to vector<1xi32>
      %squeeze3A_163 = vector.extract %slice3A_162[0] : i32 from vector<1xi32>
      %slice3A_164 = vector.extract_strided_slice %mul3A_155 {offsets = [4], sizes = [1], strides = [1]} : vector<16xi32> to vector<1xi32>
      %squeeze3A_165 = vector.extract %slice3A_164[0] : i32 from vector<1xi32>
      %slice3A_166 = vector.extract_strided_slice %mul3A_155 {offsets = [5], sizes = [1], strides = [1]} : vector<16xi32> to vector<1xi32>
      %squeeze3A_167 = vector.extract %slice3A_166[0] : i32 from vector<1xi32>
      %slice3A_168 = vector.extract_strided_slice %mul3A_155 {offsets = [6], sizes = [1], strides = [1]} : vector<16xi32> to vector<1xi32>
      %squeeze3A_169 = vector.extract %slice3A_168[0] : i32 from vector<1xi32>
      %slice3A_170 = vector.extract_strided_slice %mul3A_155 {offsets = [7], sizes = [1], strides = [1]} : vector<16xi32> to vector<1xi32>
      %squeeze3A_171 = vector.extract %slice3A_170[0] : i32 from vector<1xi32>
      %slice3A_172 = vector.extract_strided_slice %mul3A_155 {offsets = [8], sizes = [1], strides = [1]} : vector<16xi32> to vector<1xi32>
      %squeeze3A_173 = vector.extract %slice3A_172[0] : i32 from vector<1xi32>
      %slice3A_174 = vector.extract_strided_slice %mul3A_155 {offsets = [9], sizes = [1], strides = [1]} : vector<16xi32> to vector<1xi32>
      %squeeze3A_175 = vector.extract %slice3A_174[0] : i32 from vector<1xi32>
      %slice3A_176 = vector.extract_strided_slice %mul3A_155 {offsets = [10], sizes = [1], strides = [1]} : vector<16xi32> to vector<1xi32>
      %squeeze3A_177 = vector.extract %slice3A_176[0] : i32 from vector<1xi32>
      %slice3A_178 = vector.extract_strided_slice %mul3A_155 {offsets = [11], sizes = [1], strides = [1]} : vector<16xi32> to vector<1xi32>
      %squeeze3A_179 = vector.extract %slice3A_178[0] : i32 from vector<1xi32>
      %slice3A_180 = vector.extract_strided_slice %mul3A_155 {offsets = [12], sizes = [1], strides = [1]} : vector<16xi32> to vector<1xi32>
      %squeeze3A_181 = vector.extract %slice3A_180[0] : i32 from vector<1xi32>
      %slice3A_182 = vector.extract_strided_slice %mul3A_155 {offsets = [13], sizes = [1], strides = [1]} : vector<16xi32> to vector<1xi32>
      %squeeze3A_183 = vector.extract %slice3A_182[0] : i32 from vector<1xi32>
      %slice3A_184 = vector.extract_strided_slice %mul3A_155 {offsets = [14], sizes = [1], strides = [1]} : vector<16xi32> to vector<1xi32>
      %squeeze3A_185 = vector.extract %slice3A_184[0] : i32 from vector<1xi32>
      %slice3A_186 = vector.extract_strided_slice %mul3A_155 {offsets = [15], sizes = [1], strides = [1]} : vector<16xi32> to vector<1xi32>
      %squeeze3A_187 = vector.extract %slice3A_186[0] : i32 from vector<1xi32>
      %parallel_loop3A_188 = arith.constant 0 : i32
      %parallel_loop3A_189 = arith.constant 32 : i32
      %parallel_loop3A_190 = arith.constant 1 : i32
      scf.for %parallel_loop3A_599 = %parallel_loop3A_188 to %parallel_loop3A_189 step %parallel_loop3A_190  : i32 {
        %parallel_loop3A_600 = arith.constant 16 : i32
        %parallel_loop3A_601 = arith.muli %parallel_loop3A_599, %parallel_loop3A_600 : i32
        %parallel_loop3A_602 = arith.addi %squeeze3A_157, %parallel_loop3A_601 : i32
        %parallel_loop3A_603 = arith.index_cast %parallel_loop3A_602 : i32 to index
        %parallel_loop3A_604 = tpu.vector_load %arg6[%parallel_loop3A_603] {strides = array<i32>} : memref<34816xf32, #tpu.memory_space<vmem>>, vector<16xf32>,
        %parallel_loop3A_605 = vector.shape_cast %parallel_loop3A_604 : vector<16xf32> to vector<16xf32>
        %parallel_loop3A_606 = arith.constant 0 : i32
        %parallel_loop3A_607 = arith.index_cast %parallel_loop3A_606 : i32 to index
        %parallel_loop3A_608 = arith.index_cast %parallel_loop3A_601 : i32 to index
        %parallel_loop3A_609 = tpu.vector_load %arg9[%parallel_loop3A_607, %parallel_loop3A_608] {strides = array<i32>} : memref<16x512xf32, #tpu.memory_space<vmem>>, vector<1x16xf32>,
        %parallel_loop3A_610 = vector.shape_cast %parallel_loop3A_609 : vector<1x16xf32> to vector<16xf32>
        %parallel_loop3A_611 = vector.shape_cast %parallel_loop3A_605 : vector<16xf32> to vector<1x16xf32>
        tpu.vector_store %arg9[%parallel_loop3A_607, %parallel_loop3A_608], %parallel_loop3A_611 {add = true, strides = array<i32>} : memref<16x512xf32, #tpu.memory_space<vmem>>, vector<1x16xf32>,
        %parallel_loop3A_612 = arith.addi %squeeze3A_159, %parallel_loop3A_601 : i32
        %parallel_loop3A_613 = arith.index_cast %parallel_loop3A_612 : i32 to index
        %parallel_loop3A_614 = tpu.vector_load %arg6[%parallel_loop3A_613] {strides = array<i32>} : memref<34816xf32, #tpu.memory_space<vmem>>, vector<16xf32>,
        %parallel_loop3A_615 = vector.shape_cast %parallel_loop3A_614 : vector<16xf32> to vector<16xf32>
        %parallel_loop3A_616 = arith.constant 1 : i32
        %parallel_loop3A_617 = arith.index_cast %parallel_loop3A_616 : i32 to index
        %parallel_loop3A_618 = arith.index_cast %parallel_loop3A_601 : i32 to index
        %parallel_loop3A_619 = tpu.vector_load %arg9[%parallel_loop3A_617, %parallel_loop3A_618] {strides = array<i32>} : memref<16x512xf32, #tpu.memory_space<vmem>>, vector<1x16xf32>,
        %parallel_loop3A_620 = vector.shape_cast %parallel_loop3A_619 : vector<1x16xf32> to vector<16xf32>
        %parallel_loop3A_621 = vector.shape_cast %parallel_loop3A_615 : vector<16xf32> to vector<1x16xf32>
        tpu.vector_store %arg9[%parallel_loop3A_617, %parallel_loop3A_618], %parallel_loop3A_621 {add = true, strides = array<i32>} : memref<16x512xf32, #tpu.memory_space<vmem>>, vector<1x16xf32>,
        %parallel_loop3A_622 = arith.addi %squeeze3A_161, %parallel_loop3A_601 : i32
        %parallel_loop3A_623 = arith.index_cast %parallel_loop3A_622 : i32 to index
        %parallel_loop3A_624 = tpu.vector_load %arg6[%parallel_loop3A_623] {strides = array<i32>} : memref<34816xf32, #tpu.memory_space<vmem>>, vector<16xf32>,
        %parallel_loop3A_625 = vector.shape_cast %parallel_loop3A_624 : vector<16xf32> to vector<16xf32>
        %parallel_loop3A_626 = arith.constant 2 : i32
        %parallel_loop3A_627 = arith.index_cast %parallel_loop3A_626 : i32 to index
        %parallel_loop3A_628 = arith.index_cast %parallel_loop3A_601 : i32 to index
        %parallel_loop3A_629 = tpu.vector_load %arg9[%parallel_loop3A_627, %parallel_loop3A_628] {strides = array<i32>} : memref<16x512xf32, #tpu.memory_space<vmem>>, vector<1x16xf32>,
        %parallel_loop3A_630 = vector.shape_cast %parallel_loop3A_629 : vector<1x16xf32> to vector<16xf32>
        %parallel_loop3A_631 = vector.shape_cast %parallel_loop3A_625 : vector<16xf32> to vector<1x16xf32>
        tpu.vector_store %arg9[%parallel_loop3A_627, %parallel_loop3A_628], %parallel_loop3A_631 {add = true, strides = array<i32>} : memref<16x512xf32, #tpu.memory_space<vmem>>, vector<1x16xf32>,
        %parallel_loop3A_632 = arith.addi %squeeze3A_163, %parallel_loop3A_601 : i32
        %parallel_loop3A_633 = arith.index_cast %parallel_loop3A_632 : i32 to index
        %parallel_loop3A_634 = tpu.vector_load %arg6[%parallel_loop3A_633] {strides = array<i32>} : memref<34816xf32, #tpu.memory_space<vmem>>, vector<16xf32>,
        %parallel_loop3A_635 = vector.shape_cast %parallel_loop3A_634 : vector<16xf32> to vector<16xf32>
        %parallel_loop3A_636 = arith.constant 3 : i32
        %parallel_loop3A_637 = arith.index_cast %parallel_loop3A_636 : i32 to index
        %parallel_loop3A_638 = arith.index_cast %parallel_loop3A_601 : i32 to index
        %parallel_loop3A_639 = tpu.vector_load %arg9[%parallel_loop3A_637, %parallel_loop3A_638] {strides = array<i32>} : memref<16x512xf32, #tpu.memory_space<vmem>>, vector<1x16xf32>,
        %parallel_loop3A_640 = vector.shape_cast %parallel_loop3A_639 : vector<1x16xf32> to vector<16xf32>
        %parallel_loop3A_641 = vector.shape_cast %parallel_loop3A_635 : vector<16xf32> to vector<1x16xf32>
        tpu.vector_store %arg9[%parallel_loop3A_637, %parallel_loop3A_638], %parallel_loop3A_641 {add = true, strides = array<i32>} : memref<16x512xf32, #tpu.memory_space<vmem>>, vector<1x16xf32>,
        %parallel_loop3A_642 = arith.addi %squeeze3A_165, %parallel_loop3A_601 : i32
        %parallel_loop3A_643 = arith.index_cast %parallel_loop3A_642 : i32 to index
        %parallel_loop3A_644 = tpu.vector_load %arg6[%parallel_loop3A_643] {strides = array<i32>} : memref<34816xf32, #tpu.memory_space<vmem>>, vector<16xf32>,
        %parallel_loop3A_645 = vector.shape_cast %parallel_loop3A_644 : vector<16xf32> to vector<16xf32>
        %parallel_loop3A_646 = arith.constant 4 : i32
        %parallel_loop3A_647 = arith.index_cast %parallel_loop3A_646 : i32 to index
        %parallel_loop3A_648 = arith.index_cast %parallel_loop3A_601 : i32 to index
        %parallel_loop3A_649 = tpu.vector_load %arg9[%parallel_loop3A_647, %parallel_loop3A_648] {strides = array<i32>} : memref<16x512xf32, #tpu.memory_space<vmem>>, vector<1x16xf32>,
        %parallel_loop3A_650 = vector.shape_cast %parallel_loop3A_649 : vector<1x16xf32> to vector<16xf32>
        %parallel_loop3A_651 = vector.shape_cast %parallel_loop3A_645 : vector<16xf32> to vector<1x16xf32>
        tpu.vector_store %arg9[%parallel_loop3A_647, %parallel_loop3A_648], %parallel_loop3A_651 {add = true, strides = array<i32>} : memref<16x512xf32, #tpu.memory_space<vmem>>, vector<1x16xf32>,
        %parallel_loop3A_652 = arith.addi %squeeze3A_167, %parallel_loop3A_601 : i32
        %parallel_loop3A_653 = arith.index_cast %parallel_loop3A_652 : i32 to index
        %parallel_loop3A_654 = tpu.vector_load %arg6[%parallel_loop3A_653] {strides = array<i32>} : memref<34816xf32, #tpu.memory_space<vmem>>, vector<16xf32>,
        %parallel_loop3A_655 = vector.shape_cast %parallel_loop3A_654 : vector<16xf32> to vector<16xf32>
        %parallel_loop3A_656 = arith.constant 5 : i32
        %parallel_loop3A_657 = arith.index_cast %parallel_loop3A_656 : i32 to index
        %parallel_loop3A_658 = arith.index_cast %parallel_loop3A_601 : i32 to index
        %parallel_loop3A_659 = tpu.vector_load %arg9[%parallel_loop3A_657, %parallel_loop3A_658] {strides = array<i32>} : memref<16x512xf32, #tpu.memory_space<vmem>>, vector<1x16xf32>,
        %parallel_loop3A_660 = vector.shape_cast %parallel_loop3A_659 : vector<1x16xf32> to vector<16xf32>
        %parallel_loop3A_661 = vector.shape_cast %parallel_loop3A_655 : vector<16xf32> to vector<1x16xf32>
        tpu.vector_store %arg9[%parallel_loop3A_657, %parallel_loop3A_658], %parallel_loop3A_661 {add = true, strides = array<i32>} : memref<16x512xf32, #tpu.memory_space<vmem>>, vector<1x16xf32>,
        %parallel_loop3A_662 = arith.addi %squeeze3A_169, %parallel_loop3A_601 : i32
        %parallel_loop3A_663 = arith.index_cast %parallel_loop3A_662 : i32 to index
        %parallel_loop3A_664 = tpu.vector_load %arg6[%parallel_loop3A_663] {strides = array<i32>} : memref<34816xf32, #tpu.memory_space<vmem>>, vector<16xf32>,
        %parallel_loop3A_665 = vector.shape_cast %parallel_loop3A_664 : vector<16xf32> to vector<16xf32>
        %parallel_loop3A_666 = arith.constant 6 : i32
        %parallel_loop3A_667 = arith.index_cast %parallel_loop3A_666 : i32 to index
        %parallel_loop3A_668 = arith.index_cast %parallel_loop3A_601 : i32 to index
        %parallel_loop3A_669 = tpu.vector_load %arg9[%parallel_loop3A_667, %parallel_loop3A_668] {strides = array<i32>} : memref<16x512xf32, #tpu.memory_space<vmem>>, vector<1x16xf32>,
        %parallel_loop3A_670 = vector.shape_cast %parallel_loop3A_669 : vector<1x16xf32> to vector<16xf32>
        %parallel_loop3A_671 = vector.shape_cast %parallel_loop3A_665 : vector<16xf32> to vector<1x16xf32>
        tpu.vector_store %arg9[%parallel_loop3A_667, %parallel_loop3A_668], %parallel_loop3A_671 {add = true, strides = array<i32>} : memref<16x512xf32, #tpu.memory_space<vmem>>, vector<1x16xf32>,
        %parallel_loop3A_672 = arith.addi %squeeze3A_171, %parallel_loop3A_601 : i32
        %parallel_loop3A_673 = arith.index_cast %parallel_loop3A_672 : i32 to index
        %parallel_loop3A_674 = tpu.vector_load %arg6[%parallel_loop3A_673] {strides = array<i32>} : memref<34816xf32, #tpu.memory_space<vmem>>, vector<16xf32>,
        %parallel_loop3A_675 = vector.shape_cast %parallel_loop3A_674 : vector<16xf32> to vector<16xf32>
        %parallel_loop3A_676 = arith.constant 7 : i32
        %parallel_loop3A_677 = arith.index_cast %parallel_loop3A_676 : i32 to index
        %parallel_loop3A_678 = arith.index_cast %parallel_loop3A_601 : i32 to index
        %parallel_loop3A_679 = tpu.vector_load %arg9[%parallel_loop3A_677, %parallel_loop3A_678] {strides = array<i32>} : memref<16x512xf32, #tpu.memory_space<vmem>>, vector<1x16xf32>,
        %parallel_loop3A_680 = vector.shape_cast %parallel_loop3A_679 : vector<1x16xf32> to vector<16xf32>
        %parallel_loop3A_681 = vector.shape_cast %parallel_loop3A_675 : vector<16xf32> to vector<1x16xf32>
        tpu.vector_store %arg9[%parallel_loop3A_677, %parallel_loop3A_678], %parallel_loop3A_681 {add = true, strides = array<i32>} : memref<16x512xf32, #tpu.memory_space<vmem>>, vector<1x16xf32>,
        %parallel_loop3A_682 = arith.addi %squeeze3A_173, %parallel_loop3A_601 : i32
        %parallel_loop3A_683 = arith.index_cast %parallel_loop3A_682 : i32 to index
        %parallel_loop3A_684 = tpu.vector_load %arg6[%parallel_loop3A_683] {strides = array<i32>} : memref<34816xf32, #tpu.memory_space<vmem>>, vector<16xf32>,
        %parallel_loop3A_685 = vector.shape_cast %parallel_loop3A_684 : vector<16xf32> to vector<16xf32>
        %parallel_loop3A_686 = arith.constant 8 : i32
        %parallel_loop3A_687 = arith.index_cast %parallel_loop3A_686 : i32 to index
        %parallel_loop3A_688 = arith.index_cast %parallel_loop3A_601 : i32 to index
        %parallel_loop3A_689 = tpu.vector_load %arg9[%parallel_loop3A_687, %parallel_loop3A_688] {strides = array<i32>} : memref<16x512xf32, #tpu.memory_space<vmem>>, vector<1x16xf32>,
        %parallel_loop3A_690 = vector.shape_cast %parallel_loop3A_689 : vector<1x16xf32> to vector<16xf32>
        %parallel_loop3A_691 = vector.shape_cast %parallel_loop3A_685 : vector<16xf32> to vector<1x16xf32>
        tpu.vector_store %arg9[%parallel_loop3A_687, %parallel_loop3A_688], %parallel_loop3A_691 {add = true, strides = array<i32>} : memref<16x512xf32, #tpu.memory_space<vmem>>, vector<1x16xf32>,
        %parallel_loop3A_692 = arith.addi %squeeze3A_175, %parallel_loop3A_601 : i32
        %parallel_loop3A_693 = arith.index_cast %parallel_loop3A_692 : i32 to index
        %parallel_loop3A_694 = tpu.vector_load %arg6[%parallel_loop3A_693] {strides = array<i32>} : memref<34816xf32, #tpu.memory_space<vmem>>, vector<16xf32>,
        %parallel_loop3A_695 = vector.shape_cast %parallel_loop3A_694 : vector<16xf32> to vector<16xf32>
        %parallel_loop3A_696 = arith.constant 9 : i32
        %parallel_loop3A_697 = arith.index_cast %parallel_loop3A_696 : i32 to index
        %parallel_loop3A_698 = arith.index_cast %parallel_loop3A_601 : i32 to index
        %parallel_loop3A_699 = tpu.vector_load %arg9[%parallel_loop3A_697, %parallel_loop3A_698] {strides = array<i32>} : memref<16x512xf32, #tpu.memory_space<vmem>>, vector<1x16xf32>,
        %parallel_loop3A_700 = vector.shape_cast %parallel_loop3A_699 : vector<1x16xf32> to vector<16xf32>
        %parallel_loop3A_701 = vector.shape_cast %parallel_loop3A_695 : vector<16xf32> to vector<1x16xf32>
        tpu.vector_store %arg9[%parallel_loop3A_697, %parallel_loop3A_698], %parallel_loop3A_701 {add = true, strides = array<i32>} : memref<16x512xf32, #tpu.memory_space<vmem>>, vector<1x16xf32>,
        %parallel_loop3A_702 = arith.addi %squeeze3A_177, %parallel_loop3A_601 : i32
        %parallel_loop3A_703 = arith.index_cast %parallel_loop3A_702 : i32 to index
        %parallel_loop3A_704 = tpu.vector_load %arg6[%parallel_loop3A_703] {strides = array<i32>} : memref<34816xf32, #tpu.memory_space<vmem>>, vector<16xf32>,
        %parallel_loop3A_705 = vector.shape_cast %parallel_loop3A_704 : vector<16xf32> to vector<16xf32>
        %parallel_loop3A_706 = arith.constant 10 : i32
        %parallel_loop3A_707 = arith.index_cast %parallel_loop3A_706 : i32 to index
        %parallel_loop3A_708 = arith.index_cast %parallel_loop3A_601 : i32 to index
        %parallel_loop3A_709 = tpu.vector_load %arg9[%parallel_loop3A_707, %parallel_loop3A_708] {strides = array<i32>} : memref<16x512xf32, #tpu.memory_space<vmem>>, vector<1x16xf32>,
        %parallel_loop3A_710 = vector.shape_cast %parallel_loop3A_709 : vector<1x16xf32> to vector<16xf32>
        %parallel_loop3A_711 = vector.shape_cast %parallel_loop3A_705 : vector<16xf32> to vector<1x16xf32>
        tpu.vector_store %arg9[%parallel_loop3A_707, %parallel_loop3A_708], %parallel_loop3A_711 {add = true, strides = array<i32>} : memref<16x512xf32, #tpu.memory_space<vmem>>, vector<1x16xf32>,
        %parallel_loop3A_712 = arith.addi %squeeze3A_179, %parallel_loop3A_601 : i32
        %parallel_loop3A_713 = arith.index_cast %parallel_loop3A_712 : i32 to index
        %parallel_loop3A_714 = tpu.vector_load %arg6[%parallel_loop3A_713] {strides = array<i32>} : memref<34816xf32, #tpu.memory_space<vmem>>, vector<16xf32>,
        %parallel_loop3A_715 = vector.shape_cast %parallel_loop3A_714 : vector<16xf32> to vector<16xf32>
        %parallel_loop3A_716 = arith.constant 11 : i32
        %parallel_loop3A_717 = arith.index_cast %parallel_loop3A_716 : i32 to index
        %parallel_loop3A_718 = arith.index_cast %parallel_loop3A_601 : i32 to index
        %parallel_loop3A_719 = tpu.vector_load %arg9[%parallel_loop3A_717, %parallel_loop3A_718] {strides = array<i32>} : memref<16x512xf32, #tpu.memory_space<vmem>>, vector<1x16xf32>,
        %parallel_loop3A_720 = vector.shape_cast %parallel_loop3A_719 : vector<1x16xf32> to vector<16xf32>
        %parallel_loop3A_721 = vector.shape_cast %parallel_loop3A_715 : vector<16xf32> to vector<1x16xf32>
        tpu.vector_store %arg9[%parallel_loop3A_717, %parallel_loop3A_718], %parallel_loop3A_721 {add = true, strides = array<i32>} : memref<16x512xf32, #tpu.memory_space<vmem>>, vector<1x16xf32>,
        %parallel_loop3A_722 = arith.addi %squeeze3A_181, %parallel_loop3A_601 : i32
        %parallel_loop3A_723 = arith.index_cast %parallel_loop3A_722 : i32 to index
        %parallel_loop3A_724 = tpu.vector_load %arg6[%parallel_loop3A_723] {strides = array<i32>} : memref<34816xf32, #tpu.memory_space<vmem>>, vector<16xf32>,
        %parallel_loop3A_725 = vector.shape_cast %parallel_loop3A_724 : vector<16xf32> to vector<16xf32>
        %parallel_loop3A_726 = arith.constant 12 : i32
        %parallel_loop3A_727 = arith.index_cast %parallel_loop3A_726 : i32 to index
        %parallel_loop3A_728 = arith.index_cast %parallel_loop3A_601 : i32 to index
        %parallel_loop3A_729 = tpu.vector_load %arg9[%parallel_loop3A_727, %parallel_loop3A_728] {strides = array<i32>} : memref<16x512xf32, #tpu.memory_space<vmem>>, vector<1x16xf32>,
        %parallel_loop3A_730 = vector.shape_cast %parallel_loop3A_729 : vector<1x16xf32> to vector<16xf32>
        %parallel_loop3A_731 = vector.shape_cast %parallel_loop3A_725 : vector<16xf32> to vector<1x16xf32>
        tpu.vector_store %arg9[%parallel_loop3A_727, %parallel_loop3A_728], %parallel_loop3A_731 {add = true, strides = array<i32>} : memref<16x512xf32, #tpu.memory_space<vmem>>, vector<1x16xf32>,
        %parallel_loop3A_732 = arith.addi %squeeze3A_183, %parallel_loop3A_601 : i32
        %parallel_loop3A_733 = arith.index_cast %parallel_loop3A_732 : i32 to index
        %parallel_loop3A_734 = tpu.vector_load %arg6[%parallel_loop3A_733] {strides = array<i32>} : memref<34816xf32, #tpu.memory_space<vmem>>, vector<16xf32>,
        %parallel_loop3A_735 = vector.shape_cast %parallel_loop3A_734 : vector<16xf32> to vector<16xf32>
        %parallel_loop3A_736 = arith.constant 13 : i32
        %parallel_loop3A_737 = arith.index_cast %parallel_loop3A_736 : i32 to index
        %parallel_loop3A_738 = arith.index_cast %parallel_loop3A_601 : i32 to index
        %parallel_loop3A_739 = tpu.vector_load %arg9[%parallel_loop3A_737, %parallel_loop3A_738] {strides = array<i32>} : memref<16x512xf32, #tpu.memory_space<vmem>>, vector<1x16xf32>,
        %parallel_loop3A_740 = vector.shape_cast %parallel_loop3A_739 : vector<1x16xf32> to vector<16xf32>
        %parallel_loop3A_741 = vector.shape_cast %parallel_loop3A_735 : vector<16xf32> to vector<1x16xf32>
        tpu.vector_store %arg9[%parallel_loop3A_737, %parallel_loop3A_738], %parallel_loop3A_741 {add = true, strides = array<i32>} : memref<16x512xf32, #tpu.memory_space<vmem>>, vector<1x16xf32>,
        %parallel_loop3A_742 = arith.addi %squeeze3A_185, %parallel_loop3A_601 : i32
        %parallel_loop3A_743 = arith.index_cast %parallel_loop3A_742 : i32 to index
        %parallel_loop3A_744 = tpu.vector_load %arg6[%parallel_loop3A_743] {strides = array<i32>} : memref<34816xf32, #tpu.memory_space<vmem>>, vector<16xf32>,
        %parallel_loop3A_745 = vector.shape_cast %parallel_loop3A_744 : vector<16xf32> to vector<16xf32>
        %parallel_loop3A_746 = arith.constant 14 : i32
        %parallel_loop3A_747 = arith.index_cast %parallel_loop3A_746 : i32 to index
        %parallel_loop3A_748 = arith.index_cast %parallel_loop3A_601 : i32 to index
        %parallel_loop3A_749 = tpu.vector_load %arg9[%parallel_loop3A_747, %parallel_loop3A_748] {strides = array<i32>} : memref<16x512xf32, #tpu.memory_space<vmem>>, vector<1x16xf32>,
        %parallel_loop3A_750 = vector.shape_cast %parallel_loop3A_749 : vector<1x16xf32> to vector<16xf32>
        %parallel_loop3A_751 = vector.shape_cast %parallel_loop3A_745 : vector<16xf32> to vector<1x16xf32>
        tpu.vector_store %arg9[%parallel_loop3A_747, %parallel_loop3A_748], %parallel_loop3A_751 {add = true, strides = array<i32>} : memref<16x512xf32, #tpu.memory_space<vmem>>, vector<1x16xf32>,
        %parallel_loop3A_752 = arith.addi %squeeze3A_187, %parallel_loop3A_601 : i32
        %parallel_loop3A_753 = arith.index_cast %parallel_loop3A_752 : i32 to index
        %parallel_loop3A_754 = tpu.vector_load %arg6[%parallel_loop3A_753] {strides = array<i32>} : memref<34816xf32, #tpu.memory_space<vmem>>, vector<16xf32>,
        %parallel_loop3A_755 = vector.shape_cast %parallel_loop3A_754 : vector<16xf32> to vector<16xf32>
        %parallel_loop3A_756 = arith.constant 15 : i32
        %parallel_loop3A_757 = arith.index_cast %parallel_loop3A_756 : i32 to index
        %parallel_loop3A_758 = arith.index_cast %parallel_loop3A_601 : i32 to index
        %parallel_loop3A_759 = tpu.vector_load %arg9[%parallel_loop3A_757, %parallel_loop3A_758] {strides = array<i32>} : memref<16x512xf32, #tpu.memory_space<vmem>>, vector<1x16xf32>,
        %parallel_loop3A_760 = vector.shape_cast %parallel_loop3A_759 : vector<1x16xf32> to vector<16xf32>
        %parallel_loop3A_761 = vector.shape_cast %parallel_loop3A_755 : vector<16xf32> to vector<1x16xf32>
        tpu.vector_store %arg9[%parallel_loop3A_757, %parallel_loop3A_758], %parallel_loop3A_761 {add = true, strides = array<i32>} : memref<16x512xf32, #tpu.memory_space<vmem>>, vector<1x16xf32>,
      } {sc.loop_unroll_factor = 1 : i64, sc.parallel_access}
      %add3A_191 = arith.constant 16 : i32
      %add3A_192 = arith.addi %mul3A_2, %add3A_191 : i32
      %dma_start3A_193 = arith.constant 0 : i32
      %dma_start3A_194 = tpu.memref_slice %arg5[%mul3A_67, %add3A_192, %dma_start3A_193] : memref<64x2048x512xf32, #tpu.memory_space<hbm>> -> memref<1x16x512xf32, #tpu.memory_space<hbm>>
      %dma_start3A_195 = tpu.memref_squeeze %dma_start3A_194 : memref<1x16x512xf32, #tpu.memory_space<hbm>> -> memref<16x512xf32, #tpu.memory_space<hbm>>
      %dma_start3A_196 = arith.constant 0 : i32
      %dma_start3A_197 = tpu.memref_slice %arg5[%mul3A_67, %add3A_192, %dma_start3A_196] : memref<64x2048x512xf32, #tpu.memory_space<hbm>> -> memref<1x16x512xf32, #tpu.memory_space<hbm>>
      %dma_start3A_198 = tpu.memref_squeeze %dma_start3A_197 : memref<1x16x512xf32, #tpu.memory_space<hbm>> -> memref<16x512xf32, #tpu.memory_space<hbm>>
      tpu.enqueue_dma source(%arg9 : memref<16x512xf32, #tpu.memory_space<vmem>>) target(%dma_start3A_198 : memref<16x512xf32, #tpu.memory_space<hbm>>) target_semaphore(%arg15 : memref<!tpu.dma_semaphore, #tpu.memory_space<semaphore_mem>>)
      %gt3A_199 = arith.constant 0 : i32
      %gt3A_200 = arith.cmpi sgt, %mul3A_67, %gt3A_199 : i32
      %convert_element_type3A_201 = arith.extui %gt3A_200 : i1 to i32
      %cond3A_202 = arith.constant 0 : i32
      %cond3A_203 = arith.cmpi ne, %convert_element_type3A_201, %cond3A_202 : i32
      scf.if %cond3A_203 {
        %dma_wait3A_599 = arith.constant 0 : i32
        %dma_wait3A_600 = arith.constant 0 : i32
        %dma_wait3A_601 = arith.constant 0 : i32
        %dma_wait3A_602 = tpu.memref_slice %arg5[%dma_wait3A_599, %dma_wait3A_600, %dma_wait3A_601] : memref<64x2048x512xf32, #tpu.memory_space<hbm>> -> memref<1x16x512xf32, #tpu.memory_space<hbm>>
        %dma_wait3A_603 = tpu.memref_squeeze %dma_wait3A_602 : memref<1x16x512xf32, #tpu.memory_space<hbm>> -> memref<16x512xf32, #tpu.memory_space<hbm>>
        %dma_wait3A_604 = arith.constant 0 : i32
        %dma_wait3A_605 = arith.constant 0 : i32
        %dma_wait3A_606 = tpu.memref_slice %arg5[%dma_wait3A_599, %dma_wait3A_604, %dma_wait3A_605] : memref<64x2048x512xf32, #tpu.memory_space<hbm>> -> memref<1x16x512xf32, #tpu.memory_space<hbm>>
        %dma_wait3A_607 = tpu.memref_squeeze %dma_wait3A_606 : memref<1x16x512xf32, #tpu.memory_space<hbm>> -> memref<16x512xf32, #tpu.memory_space<hbm>>
        tpu.wait_dma2 semaphore(%arg17 : memref<!tpu.dma_semaphore, #tpu.memory_space<semaphore_mem>>) src(%arg11 : memref<16x512xf32, #tpu.memory_space<vmem>>) dst(%dma_wait3A_607 : memref<16x512xf32, #tpu.memory_space<hbm>>)
      } else {
      }
      %mul3A_204 = arith.constant 64 : i32
      %mul3A_205 = arith.muli %arg1, %mul3A_204 : i32
      %add3A_206 = arith.constant 48 : i32
      %add3A_207 = arith.addi %mul3A_205, %add3A_206 : i32
      %dma_start3A_208 = arith.constant 0 : i32
      %dma_start3A_209 = tpu.memref_slice %arg7[%add3A_207, %dma_start3A_208] : memref<1024x512xf32, #tpu.memory_space<vmem_shared>> -> memref<16x512xf32, #tpu.memory_space<vmem_shared>>
      %dma_start3A_210 = arith.constant 0 : i32
      %dma_start3A_211 = tpu.memref_slice %arg7[%add3A_207, %dma_start3A_210] : memref<1024x512xf32, #tpu.memory_space<vmem_shared>> -> memref<16x512xf32, #tpu.memory_space<vmem_shared>>
      tpu.enqueue_dma source(%dma_start3A_211 : memref<16x512xf32, #tpu.memory_space<vmem_shared>>) target(%arg11 : memref<16x512xf32, #tpu.memory_space<vmem>>) target_semaphore(%arg21 : memref<!tpu.dma_semaphore, #tpu.memory_space<semaphore_mem>>)
      %dma_wait3A_212 = arith.constant 0 : i32
      %dma_wait3A_213 = arith.constant 0 : i32
      %dma_wait3A_214 = tpu.memref_slice %arg7[%dma_wait3A_212, %dma_wait3A_213] : memref<1024x512xf32, #tpu.memory_space<vmem_shared>> -> memref<16x512xf32, #tpu.memory_space<vmem_shared>>
      %dma_wait3A_215 = arith.constant 0 : i32
      %dma_wait3A_216 = arith.constant 0 : i32
      %dma_wait3A_217 = tpu.memref_slice %arg7[%dma_wait3A_215, %dma_wait3A_216] : memref<1024x512xf32, #tpu.memory_space<vmem_shared>> -> memref<16x512xf32, #tpu.memory_space<vmem_shared>>
      tpu.wait_dma2 semaphore(%arg20 : memref<!tpu.dma_semaphore, #tpu.memory_space<semaphore_mem>>) src(%dma_wait3A_217 : memref<16x512xf32, #tpu.memory_space<vmem_shared>>) dst(%arg10 : memref<16x512xf32, #tpu.memory_space<vmem>>)
      %get3A_218 = arith.constant 32 : index
      %get3A_219 = tpu.vector_load %arg12[%get3A_218] {strides = array<i32>} : memref<64xi32, #tpu.memory_space<vmem>>, vector<16xi32>,
      %get3A_220 = vector.shape_cast %get3A_219 : vector<16xi32> to vector<16xi32>
      %mul3A_221 = arith.constant 512 : i32
      %mul3A_222 = vector.broadcast %mul3A_221 : i32 to vector<16xi32>
      %mul3A_223 = arith.muli %get3A_220, %mul3A_222 : vector<16xi32>
      %slice3A_224 = vector.extract_strided_slice %mul3A_223 {offsets = [0], sizes = [1], strides = [1]} : vector<16xi32> to vector<1xi32>
      %squeeze3A_225 = vector.extract %slice3A_224[0] : i32 from vector<1xi32>
      %slice3A_226 = vector.extract_strided_slice %mul3A_223 {offsets = [1], sizes = [1], strides = [1]} : vector<16xi32> to vector<1xi32>
      %squeeze3A_227 = vector.extract %slice3A_226[0] : i32 from vector<1xi32>
      %slice3A_228 = vector.extract_strided_slice %mul3A_223 {offsets = [2], sizes = [1], strides = [1]} : vector<16xi32> to vector<1xi32>
      %squeeze3A_229 = vector.extract %slice3A_228[0] : i32 from vector<1xi32>
      %slice3A_230 = vector.extract_strided_slice %mul3A_223 {offsets = [3], sizes = [1], strides = [1]} : vector<16xi32> to vector<1xi32>
      %squeeze3A_231 = vector.extract %slice3A_230[0] : i32 from vector<1xi32>
      %slice3A_232 = vector.extract_strided_slice %mul3A_223 {offsets = [4], sizes = [1], strides = [1]} : vector<16xi32> to vector<1xi32>
      %squeeze3A_233 = vector.extract %slice3A_232[0] : i32 from vector<1xi32>
      %slice3A_234 = vector.extract_strided_slice %mul3A_223 {offsets = [5], sizes = [1], strides = [1]} : vector<16xi32> to vector<1xi32>
      %squeeze3A_235 = vector.extract %slice3A_234[0] : i32 from vector<1xi32>
      %slice3A_236 = vector.extract_strided_slice %mul3A_223 {offsets = [6], sizes = [1], strides = [1]} : vector<16xi32> to vector<1xi32>
      %squeeze3A_237 = vector.extract %slice3A_236[0] : i32 from vector<1xi32>
      %slice3A_238 = vector.extract_strided_slice %mul3A_223 {offsets = [7], sizes = [1], strides = [1]} : vector<16xi32> to vector<1xi32>
      %squeeze3A_239 = vector.extract %slice3A_238[0] : i32 from vector<1xi32>
      %slice3A_240 = vector.extract_strided_slice %mul3A_223 {offsets = [8], sizes = [1], strides = [1]} : vector<16xi32> to vector<1xi32>
      %squeeze3A_241 = vector.extract %slice3A_240[0] : i32 from vector<1xi32>
      %slice3A_242 = vector.extract_strided_slice %mul3A_223 {offsets = [9], sizes = [1], strides = [1]} : vector<16xi32> to vector<1xi32>
      %squeeze3A_243 = vector.extract %slice3A_242[0] : i32 from vector<1xi32>
      %slice3A_244 = vector.extract_strided_slice %mul3A_223 {offsets = [10], sizes = [1], strides = [1]} : vector<16xi32> to vector<1xi32>
      %squeeze3A_245 = vector.extract %slice3A_244[0] : i32 from vector<1xi32>
      %slice3A_246 = vector.extract_strided_slice %mul3A_223 {offsets = [11], sizes = [1], strides = [1]} : vector<16xi32> to vector<1xi32>
      %squeeze3A_247 = vector.extract %slice3A_246[0] : i32 from vector<1xi32>
      %slice3A_248 = vector.extract_strided_slice %mul3A_223 {offsets = [12], sizes = [1], strides = [1]} : vector<16xi32> to vector<1xi32>
      %squeeze3A_249 = vector.extract %slice3A_248[0] : i32 from vector<1xi32>
      %slice3A_250 = vector.extract_strided_slice %mul3A_223 {offsets = [13], sizes = [1], strides = [1]} : vector<16xi32> to vector<1xi32>
      %squeeze3A_251 = vector.extract %slice3A_250[0] : i32 from vector<1xi32>
      %slice3A_252 = vector.extract_strided_slice %mul3A_223 {offsets = [14], sizes = [1], strides = [1]} : vector<16xi32> to vector<1xi32>
      %squeeze3A_253 = vector.extract %slice3A_252[0] : i32 from vector<1xi32>
      %slice3A_254 = vector.extract_strided_slice %mul3A_223 {offsets = [15], sizes = [1], strides = [1]} : vector<16xi32> to vector<1xi32>
      %squeeze3A_255 = vector.extract %slice3A_254[0] : i32 from vector<1xi32>
      %parallel_loop3A_256 = arith.constant 0 : i32
      %parallel_loop3A_257 = arith.constant 32 : i32
      %parallel_loop3A_258 = arith.constant 1 : i32
      scf.for %parallel_loop3A_599 = %parallel_loop3A_256 to %parallel_loop3A_257 step %parallel_loop3A_258  : i32 {
        %parallel_loop3A_600 = arith.constant 16 : i32
        %parallel_loop3A_601 = arith.muli %parallel_loop3A_599, %parallel_loop3A_600 : i32
        %parallel_loop3A_602 = arith.addi %squeeze3A_225, %parallel_loop3A_601 : i32
        %parallel_loop3A_603 = arith.index_cast %parallel_loop3A_602 : i32 to index
        %parallel_loop3A_604 = tpu.vector_load %arg6[%parallel_loop3A_603] {strides = array<i32>} : memref<34816xf32, #tpu.memory_space<vmem>>, vector<16xf32>,
        %parallel_loop3A_605 = vector.shape_cast %parallel_loop3A_604 : vector<16xf32> to vector<16xf32>
        %parallel_loop3A_606 = arith.constant 0 : i32
        %parallel_loop3A_607 = arith.index_cast %parallel_loop3A_606 : i32 to index
        %parallel_loop3A_608 = arith.index_cast %parallel_loop3A_601 : i32 to index
        %parallel_loop3A_609 = tpu.vector_load %arg10[%parallel_loop3A_607, %parallel_loop3A_608] {strides = array<i32>} : memref<16x512xf32, #tpu.memory_space<vmem>>, vector<1x16xf32>,
        %parallel_loop3A_610 = vector.shape_cast %parallel_loop3A_609 : vector<1x16xf32> to vector<16xf32>
        %parallel_loop3A_611 = vector.shape_cast %parallel_loop3A_605 : vector<16xf32> to vector<1x16xf32>
        tpu.vector_store %arg10[%parallel_loop3A_607, %parallel_loop3A_608], %parallel_loop3A_611 {add = true, strides = array<i32>} : memref<16x512xf32, #tpu.memory_space<vmem>>, vector<1x16xf32>,
        %parallel_loop3A_612 = arith.addi %squeeze3A_227, %parallel_loop3A_601 : i32
        %parallel_loop3A_613 = arith.index_cast %parallel_loop3A_612 : i32 to index
        %parallel_loop3A_614 = tpu.vector_load %arg6[%parallel_loop3A_613] {strides = array<i32>} : memref<34816xf32, #tpu.memory_space<vmem>>, vector<16xf32>,
        %parallel_loop3A_615 = vector.shape_cast %parallel_loop3A_614 : vector<16xf32> to vector<16xf32>
        %parallel_loop3A_616 = arith.constant 1 : i32
        %parallel_loop3A_617 = arith.index_cast %parallel_loop3A_616 : i32 to index
        %parallel_loop3A_618 = arith.index_cast %parallel_loop3A_601 : i32 to index
        %parallel_loop3A_619 = tpu.vector_load %arg10[%parallel_loop3A_617, %parallel_loop3A_618] {strides = array<i32>} : memref<16x512xf32, #tpu.memory_space<vmem>>, vector<1x16xf32>,
        %parallel_loop3A_620 = vector.shape_cast %parallel_loop3A_619 : vector<1x16xf32> to vector<16xf32>
        %parallel_loop3A_621 = vector.shape_cast %parallel_loop3A_615 : vector<16xf32> to vector<1x16xf32>
        tpu.vector_store %arg10[%parallel_loop3A_617, %parallel_loop3A_618], %parallel_loop3A_621 {add = true, strides = array<i32>} : memref<16x512xf32, #tpu.memory_space<vmem>>, vector<1x16xf32>,
        %parallel_loop3A_622 = arith.addi %squeeze3A_229, %parallel_loop3A_601 : i32
        %parallel_loop3A_623 = arith.index_cast %parallel_loop3A_622 : i32 to index
        %parallel_loop3A_624 = tpu.vector_load %arg6[%parallel_loop3A_623] {strides = array<i32>} : memref<34816xf32, #tpu.memory_space<vmem>>, vector<16xf32>,
        %parallel_loop3A_625 = vector.shape_cast %parallel_loop3A_624 : vector<16xf32> to vector<16xf32>
        %parallel_loop3A_626 = arith.constant 2 : i32
        %parallel_loop3A_627 = arith.index_cast %parallel_loop3A_626 : i32 to index
        %parallel_loop3A_628 = arith.index_cast %parallel_loop3A_601 : i32 to index
        %parallel_loop3A_629 = tpu.vector_load %arg10[%parallel_loop3A_627, %parallel_loop3A_628] {strides = array<i32>} : memref<16x512xf32, #tpu.memory_space<vmem>>, vector<1x16xf32>,
        %parallel_loop3A_630 = vector.shape_cast %parallel_loop3A_629 : vector<1x16xf32> to vector<16xf32>
        %parallel_loop3A_631 = vector.shape_cast %parallel_loop3A_625 : vector<16xf32> to vector<1x16xf32>
        tpu.vector_store %arg10[%parallel_loop3A_627, %parallel_loop3A_628], %parallel_loop3A_631 {add = true, strides = array<i32>} : memref<16x512xf32, #tpu.memory_space<vmem>>, vector<1x16xf32>,
        %parallel_loop3A_632 = arith.addi %squeeze3A_231, %parallel_loop3A_601 : i32
        %parallel_loop3A_633 = arith.index_cast %parallel_loop3A_632 : i32 to index
        %parallel_loop3A_634 = tpu.vector_load %arg6[%parallel_loop3A_633] {strides = array<i32>} : memref<34816xf32, #tpu.memory_space<vmem>>, vector<16xf32>,
        %parallel_loop3A_635 = vector.shape_cast %parallel_loop3A_634 : vector<16xf32> to vector<16xf32>
        %parallel_loop3A_636 = arith.constant 3 : i32
        %parallel_loop3A_637 = arith.index_cast %parallel_loop3A_636 : i32 to index
        %parallel_loop3A_638 = arith.index_cast %parallel_loop3A_601 : i32 to index
        %parallel_loop3A_639 = tpu.vector_load %arg10[%parallel_loop3A_637, %parallel_loop3A_638] {strides = array<i32>} : memref<16x512xf32, #tpu.memory_space<vmem>>, vector<1x16xf32>,
        %parallel_loop3A_640 = vector.shape_cast %parallel_loop3A_639 : vector<1x16xf32> to vector<16xf32>
        %parallel_loop3A_641 = vector.shape_cast %parallel_loop3A_635 : vector<16xf32> to vector<1x16xf32>
        tpu.vector_store %arg10[%parallel_loop3A_637, %parallel_loop3A_638], %parallel_loop3A_641 {add = true, strides = array<i32>} : memref<16x512xf32, #tpu.memory_space<vmem>>, vector<1x16xf32>,
        %parallel_loop3A_642 = arith.addi %squeeze3A_233, %parallel_loop3A_601 : i32
        %parallel_loop3A_643 = arith.index_cast %parallel_loop3A_642 : i32 to index
        %parallel_loop3A_644 = tpu.vector_load %arg6[%parallel_loop3A_643] {strides = array<i32>} : memref<34816xf32, #tpu.memory_space<vmem>>, vector<16xf32>,
        %parallel_loop3A_645 = vector.shape_cast %parallel_loop3A_644 : vector<16xf32> to vector<16xf32>
        %parallel_loop3A_646 = arith.constant 4 : i32
        %parallel_loop3A_647 = arith.index_cast %parallel_loop3A_646 : i32 to index
        %parallel_loop3A_648 = arith.index_cast %parallel_loop3A_601 : i32 to index
        %parallel_loop3A_649 = tpu.vector_load %arg10[%parallel_loop3A_647, %parallel_loop3A_648] {strides = array<i32>} : memref<16x512xf32, #tpu.memory_space<vmem>>, vector<1x16xf32>,
        %parallel_loop3A_650 = vector.shape_cast %parallel_loop3A_649 : vector<1x16xf32> to vector<16xf32>
        %parallel_loop3A_651 = vector.shape_cast %parallel_loop3A_645 : vector<16xf32> to vector<1x16xf32>
        tpu.vector_store %arg10[%parallel_loop3A_647, %parallel_loop3A_648], %parallel_loop3A_651 {add = true, strides = array<i32>} : memref<16x512xf32, #tpu.memory_space<vmem>>, vector<1x16xf32>,
        %parallel_loop3A_652 = arith.addi %squeeze3A_235, %parallel_loop3A_601 : i32
        %parallel_loop3A_653 = arith.index_cast %parallel_loop3A_652 : i32 to index
        %parallel_loop3A_654 = tpu.vector_load %arg6[%parallel_loop3A_653] {strides = array<i32>} : memref<34816xf32, #tpu.memory_space<vmem>>, vector<16xf32>,
        %parallel_loop3A_655 = vector.shape_cast %parallel_loop3A_654 : vector<16xf32> to vector<16xf32>
        %parallel_loop3A_656 = arith.constant 5 : i32
        %parallel_loop3A_657 = arith.index_cast %parallel_loop3A_656 : i32 to index
        %parallel_loop3A_658 = arith.index_cast %parallel_loop3A_601 : i32 to index
        %parallel_loop3A_659 = tpu.vector_load %arg10[%parallel_loop3A_657, %parallel_loop3A_658] {strides = array<i32>} : memref<16x512xf32, #tpu.memory_space<vmem>>, vector<1x16xf32>,
        %parallel_loop3A_660 = vector.shape_cast %parallel_loop3A_659 : vector<1x16xf32> to vector<16xf32>
        %parallel_loop3A_661 = vector.shape_cast %parallel_loop3A_655 : vector<16xf32> to vector<1x16xf32>
        tpu.vector_store %arg10[%parallel_loop3A_657, %parallel_loop3A_658], %parallel_loop3A_661 {add = true, strides = array<i32>} : memref<16x512xf32, #tpu.memory_space<vmem>>, vector<1x16xf32>,
        %parallel_loop3A_662 = arith.addi %squeeze3A_237, %parallel_loop3A_601 : i32
        %parallel_loop3A_663 = arith.index_cast %parallel_loop3A_662 : i32 to index
        %parallel_loop3A_664 = tpu.vector_load %arg6[%parallel_loop3A_663] {strides = array<i32>} : memref<34816xf32, #tpu.memory_space<vmem>>, vector<16xf32>,
        %parallel_loop3A_665 = vector.shape_cast %parallel_loop3A_664 : vector<16xf32> to vector<16xf32>
        %parallel_loop3A_666 = arith.constant 6 : i32
        %parallel_loop3A_667 = arith.index_cast %parallel_loop3A_666 : i32 to index
        %parallel_loop3A_668 = arith.index_cast %parallel_loop3A_601 : i32 to index
        %parallel_loop3A_669 = tpu.vector_load %arg10[%parallel_loop3A_667, %parallel_loop3A_668] {strides = array<i32>} : memref<16x512xf32, #tpu.memory_space<vmem>>, vector<1x16xf32>,
        %parallel_loop3A_670 = vector.shape_cast %parallel_loop3A_669 : vector<1x16xf32> to vector<16xf32>
        %parallel_loop3A_671 = vector.shape_cast %parallel_loop3A_665 : vector<16xf32> to vector<1x16xf32>
        tpu.vector_store %arg10[%parallel_loop3A_667, %parallel_loop3A_668], %parallel_loop3A_671 {add = true, strides = array<i32>} : memref<16x512xf32, #tpu.memory_space<vmem>>, vector<1x16xf32>,
        %parallel_loop3A_672 = arith.addi %squeeze3A_239, %parallel_loop3A_601 : i32
        %parallel_loop3A_673 = arith.index_cast %parallel_loop3A_672 : i32 to index
        %parallel_loop3A_674 = tpu.vector_load %arg6[%parallel_loop3A_673] {strides = array<i32>} : memref<34816xf32, #tpu.memory_space<vmem>>, vector<16xf32>,
        %parallel_loop3A_675 = vector.shape_cast %parallel_loop3A_674 : vector<16xf32> to vector<16xf32>
        %parallel_loop3A_676 = arith.constant 7 : i32
        %parallel_loop3A_677 = arith.index_cast %parallel_loop3A_676 : i32 to index
        %parallel_loop3A_678 = arith.index_cast %parallel_loop3A_601 : i32 to index
        %parallel_loop3A_679 = tpu.vector_load %arg10[%parallel_loop3A_677, %parallel_loop3A_678] {strides = array<i32>} : memref<16x512xf32, #tpu.memory_space<vmem>>, vector<1x16xf32>,
        %parallel_loop3A_680 = vector.shape_cast %parallel_loop3A_679 : vector<1x16xf32> to vector<16xf32>
        %parallel_loop3A_681 = vector.shape_cast %parallel_loop3A_675 : vector<16xf32> to vector<1x16xf32>
        tpu.vector_store %arg10[%parallel_loop3A_677, %parallel_loop3A_678], %parallel_loop3A_681 {add = true, strides = array<i32>} : memref<16x512xf32, #tpu.memory_space<vmem>>, vector<1x16xf32>,
        %parallel_loop3A_682 = arith.addi %squeeze3A_241, %parallel_loop3A_601 : i32
        %parallel_loop3A_683 = arith.index_cast %parallel_loop3A_682 : i32 to index
        %parallel_loop3A_684 = tpu.vector_load %arg6[%parallel_loop3A_683] {strides = array<i32>} : memref<34816xf32, #tpu.memory_space<vmem>>, vector<16xf32>,
        %parallel_loop3A_685 = vector.shape_cast %parallel_loop3A_684 : vector<16xf32> to vector<16xf32>
        %parallel_loop3A_686 = arith.constant 8 : i32
        %parallel_loop3A_687 = arith.index_cast %parallel_loop3A_686 : i32 to index
        %parallel_loop3A_688 = arith.index_cast %parallel_loop3A_601 : i32 to index
        %parallel_loop3A_689 = tpu.vector_load %arg10[%parallel_loop3A_687, %parallel_loop3A_688] {strides = array<i32>} : memref<16x512xf32, #tpu.memory_space<vmem>>, vector<1x16xf32>,
        %parallel_loop3A_690 = vector.shape_cast %parallel_loop3A_689 : vector<1x16xf32> to vector<16xf32>
        %parallel_loop3A_691 = vector.shape_cast %parallel_loop3A_685 : vector<16xf32> to vector<1x16xf32>
        tpu.vector_store %arg10[%parallel_loop3A_687, %parallel_loop3A_688], %parallel_loop3A_691 {add = true, strides = array<i32>} : memref<16x512xf32, #tpu.memory_space<vmem>>, vector<1x16xf32>,
        %parallel_loop3A_692 = arith.addi %squeeze3A_243, %parallel_loop3A_601 : i32
        %parallel_loop3A_693 = arith.index_cast %parallel_loop3A_692 : i32 to index
        %parallel_loop3A_694 = tpu.vector_load %arg6[%parallel_loop3A_693] {strides = array<i32>} : memref<34816xf32, #tpu.memory_space<vmem>>, vector<16xf32>,
        %parallel_loop3A_695 = vector.shape_cast %parallel_loop3A_694 : vector<16xf32> to vector<16xf32>
        %parallel_loop3A_696 = arith.constant 9 : i32
        %parallel_loop3A_697 = arith.index_cast %parallel_loop3A_696 : i32 to index
        %parallel_loop3A_698 = arith.index_cast %parallel_loop3A_601 : i32 to index
        %parallel_loop3A_699 = tpu.vector_load %arg10[%parallel_loop3A_697, %parallel_loop3A_698] {strides = array<i32>} : memref<16x512xf32, #tpu.memory_space<vmem>>, vector<1x16xf32>,
        %parallel_loop3A_700 = vector.shape_cast %parallel_loop3A_699 : vector<1x16xf32> to vector<16xf32>
        %parallel_loop3A_701 = vector.shape_cast %parallel_loop3A_695 : vector<16xf32> to vector<1x16xf32>
        tpu.vector_store %arg10[%parallel_loop3A_697, %parallel_loop3A_698], %parallel_loop3A_701 {add = true, strides = array<i32>} : memref<16x512xf32, #tpu.memory_space<vmem>>, vector<1x16xf32>,
        %parallel_loop3A_702 = arith.addi %squeeze3A_245, %parallel_loop3A_601 : i32
        %parallel_loop3A_703 = arith.index_cast %parallel_loop3A_702 : i32 to index
        %parallel_loop3A_704 = tpu.vector_load %arg6[%parallel_loop3A_703] {strides = array<i32>} : memref<34816xf32, #tpu.memory_space<vmem>>, vector<16xf32>,
        %parallel_loop3A_705 = vector.shape_cast %parallel_loop3A_704 : vector<16xf32> to vector<16xf32>
        %parallel_loop3A_706 = arith.constant 10 : i32
        %parallel_loop3A_707 = arith.index_cast %parallel_loop3A_706 : i32 to index
        %parallel_loop3A_708 = arith.index_cast %parallel_loop3A_601 : i32 to index
        %parallel_loop3A_709 = tpu.vector_load %arg10[%parallel_loop3A_707, %parallel_loop3A_708] {strides = array<i32>} : memref<16x512xf32, #tpu.memory_space<vmem>>, vector<1x16xf32>,
        %parallel_loop3A_710 = vector.shape_cast %parallel_loop3A_709 : vector<1x16xf32> to vector<16xf32>
        %parallel_loop3A_711 = vector.shape_cast %parallel_loop3A_705 : vector<16xf32> to vector<1x16xf32>
        tpu.vector_store %arg10[%parallel_loop3A_707, %parallel_loop3A_708], %parallel_loop3A_711 {add = true, strides = array<i32>} : memref<16x512xf32, #tpu.memory_space<vmem>>, vector<1x16xf32>,
        %parallel_loop3A_712 = arith.addi %squeeze3A_247, %parallel_loop3A_601 : i32
        %parallel_loop3A_713 = arith.index_cast %parallel_loop3A_712 : i32 to index
        %parallel_loop3A_714 = tpu.vector_load %arg6[%parallel_loop3A_713] {strides = array<i32>} : memref<34816xf32, #tpu.memory_space<vmem>>, vector<16xf32>,
        %parallel_loop3A_715 = vector.shape_cast %parallel_loop3A_714 : vector<16xf32> to vector<16xf32>
        %parallel_loop3A_716 = arith.constant 11 : i32
        %parallel_loop3A_717 = arith.index_cast %parallel_loop3A_716 : i32 to index
        %parallel_loop3A_718 = arith.index_cast %parallel_loop3A_601 : i32 to index
        %parallel_loop3A_719 = tpu.vector_load %arg10[%parallel_loop3A_717, %parallel_loop3A_718] {strides = array<i32>} : memref<16x512xf32, #tpu.memory_space<vmem>>, vector<1x16xf32>,
        %parallel_loop3A_720 = vector.shape_cast %parallel_loop3A_719 : vector<1x16xf32> to vector<16xf32>
        %parallel_loop3A_721 = vector.shape_cast %parallel_loop3A_715 : vector<16xf32> to vector<1x16xf32>
        tpu.vector_store %arg10[%parallel_loop3A_717, %parallel_loop3A_718], %parallel_loop3A_721 {add = true, strides = array<i32>} : memref<16x512xf32, #tpu.memory_space<vmem>>, vector<1x16xf32>,
        %parallel_loop3A_722 = arith.addi %squeeze3A_249, %parallel_loop3A_601 : i32
        %parallel_loop3A_723 = arith.index_cast %parallel_loop3A_722 : i32 to index
        %parallel_loop3A_724 = tpu.vector_load %arg6[%parallel_loop3A_723] {strides = array<i32>} : memref<34816xf32, #tpu.memory_space<vmem>>, vector<16xf32>,
        %parallel_loop3A_725 = vector.shape_cast %parallel_loop3A_724 : vector<16xf32> to vector<16xf32>
        %parallel_loop3A_726 = arith.constant 12 : i32
        %parallel_loop3A_727 = arith.index_cast %parallel_loop3A_726 : i32 to index
        %parallel_loop3A_728 = arith.index_cast %parallel_loop3A_601 : i32 to index
        %parallel_loop3A_729 = tpu.vector_load %arg10[%parallel_loop3A_727, %parallel_loop3A_728] {strides = array<i32>} : memref<16x512xf32, #tpu.memory_space<vmem>>, vector<1x16xf32>,
        %parallel_loop3A_730 = vector.shape_cast %parallel_loop3A_729 : vector<1x16xf32> to vector<16xf32>
        %parallel_loop3A_731 = vector.shape_cast %parallel_loop3A_725 : vector<16xf32> to vector<1x16xf32>
        tpu.vector_store %arg10[%parallel_loop3A_727, %parallel_loop3A_728], %parallel_loop3A_731 {add = true, strides = array<i32>} : memref<16x512xf32, #tpu.memory_space<vmem>>, vector<1x16xf32>,
        %parallel_loop3A_732 = arith.addi %squeeze3A_251, %parallel_loop3A_601 : i32
        %parallel_loop3A_733 = arith.index_cast %parallel_loop3A_732 : i32 to index
        %parallel_loop3A_734 = tpu.vector_load %arg6[%parallel_loop3A_733] {strides = array<i32>} : memref<34816xf32, #tpu.memory_space<vmem>>, vector<16xf32>,
        %parallel_loop3A_735 = vector.shape_cast %parallel_loop3A_734 : vector<16xf32> to vector<16xf32>
        %parallel_loop3A_736 = arith.constant 13 : i32
        %parallel_loop3A_737 = arith.index_cast %parallel_loop3A_736 : i32 to index
        %parallel_loop3A_738 = arith.index_cast %parallel_loop3A_601 : i32 to index
        %parallel_loop3A_739 = tpu.vector_load %arg10[%parallel_loop3A_737, %parallel_loop3A_738] {strides = array<i32>} : memref<16x512xf32, #tpu.memory_space<vmem>>, vector<1x16xf32>,
        %parallel_loop3A_740 = vector.shape_cast %parallel_loop3A_739 : vector<1x16xf32> to vector<16xf32>
        %parallel_loop3A_741 = vector.shape_cast %parallel_loop3A_735 : vector<16xf32> to vector<1x16xf32>
        tpu.vector_store %arg10[%parallel_loop3A_737, %parallel_loop3A_738], %parallel_loop3A_741 {add = true, strides = array<i32>} : memref<16x512xf32, #tpu.memory_space<vmem>>, vector<1x16xf32>,
        %parallel_loop3A_742 = arith.addi %squeeze3A_253, %parallel_loop3A_601 : i32
        %parallel_loop3A_743 = arith.index_cast %parallel_loop3A_742 : i32 to index
        %parallel_loop3A_744 = tpu.vector_load %arg6[%parallel_loop3A_743] {strides = array<i32>} : memref<34816xf32, #tpu.memory_space<vmem>>, vector<16xf32>,
        %parallel_loop3A_745 = vector.shape_cast %parallel_loop3A_744 : vector<16xf32> to vector<16xf32>
        %parallel_loop3A_746 = arith.constant 14 : i32
        %parallel_loop3A_747 = arith.index_cast %parallel_loop3A_746 : i32 to index
        %parallel_loop3A_748 = arith.index_cast %parallel_loop3A_601 : i32 to index
        %parallel_loop3A_749 = tpu.vector_load %arg10[%parallel_loop3A_747, %parallel_loop3A_748] {strides = array<i32>} : memref<16x512xf32, #tpu.memory_space<vmem>>, vector<1x16xf32>,
        %parallel_loop3A_750 = vector.shape_cast %parallel_loop3A_749 : vector<1x16xf32> to vector<16xf32>
        %parallel_loop3A_751 = vector.shape_cast %parallel_loop3A_745 : vector<16xf32> to vector<1x16xf32>
        tpu.vector_store %arg10[%parallel_loop3A_747, %parallel_loop3A_748], %parallel_loop3A_751 {add = true, strides = array<i32>} : memref<16x512xf32, #tpu.memory_space<vmem>>, vector<1x16xf32>,
        %parallel_loop3A_752 = arith.addi %squeeze3A_255, %parallel_loop3A_601 : i32
        %parallel_loop3A_753 = arith.index_cast %parallel_loop3A_752 : i32 to index
        %parallel_loop3A_754 = tpu.vector_load %arg6[%parallel_loop3A_753] {strides = array<i32>} : memref<34816xf32, #tpu.memory_space<vmem>>, vector<16xf32>,
        %parallel_loop3A_755 = vector.shape_cast %parallel_loop3A_754 : vector<16xf32> to vector<16xf32>
        %parallel_loop3A_756 = arith.constant 15 : i32
        %parallel_loop3A_757 = arith.index_cast %parallel_loop3A_756 : i32 to index
        %parallel_loop3A_758 = arith.index_cast %parallel_loop3A_601 : i32 to index
        %parallel_loop3A_759 = tpu.vector_load %arg10[%parallel_loop3A_757, %parallel_loop3A_758] {strides = array<i32>} : memref<16x512xf32, #tpu.memory_space<vmem>>, vector<1x16xf32>,
        %parallel_loop3A_760 = vector.shape_cast %parallel_loop3A_759 : vector<1x16xf32> to vector<16xf32>
        %parallel_loop3A_761 = vector.shape_cast %parallel_loop3A_755 : vector<16xf32> to vector<1x16xf32>
        tpu.vector_store %arg10[%parallel_loop3A_757, %parallel_loop3A_758], %parallel_loop3A_761 {add = true, strides = array<i32>} : memref<16x512xf32, #tpu.memory_space<vmem>>, vector<1x16xf32>,
      } {sc.loop_unroll_factor = 1 : i64, sc.parallel_access}
      %add3A_259 = arith.constant 32 : i32
      %add3A_260 = arith.addi %mul3A_2, %add3A_259 : i32
      %dma_start3A_261 = arith.constant 0 : i32
      %dma_start3A_262 = tpu.memref_slice %arg5[%mul3A_67, %add3A_260, %dma_start3A_261] : memref<64x2048x512xf32, #tpu.memory_space<hbm>> -> memref<1x16x512xf32, #tpu.memory_space<hbm>>
      %dma_start3A_263 = tpu.memref_squeeze %dma_start3A_262 : memref<1x16x512xf32, #tpu.memory_space<hbm>> -> memref<16x512xf32, #tpu.memory_space<hbm>>
      %dma_start3A_264 = arith.constant 0 : i32
      %dma_start3A_265 = tpu.memref_slice %arg5[%mul3A_67, %add3A_260, %dma_start3A_264] : memref<64x2048x512xf32, #tpu.memory_space<hbm>> -> memref<1x16x512xf32, #tpu.memory_space<hbm>>
      %dma_start3A_266 = tpu.memref_squeeze %dma_start3A_265 : memref<1x16x512xf32, #tpu.memory_space<hbm>> -> memref<16x512xf32, #tpu.memory_space<hbm>>
      tpu.enqueue_dma source(%arg10 : memref<16x512xf32, #tpu.memory_space<vmem>>) target(%dma_start3A_266 : memref<16x512xf32, #tpu.memory_space<hbm>>) target_semaphore(%arg16 : memref<!tpu.dma_semaphore, #tpu.memory_space<semaphore_mem>>)
      %lt3A = arith.constant 63 : i32
      %lt3A_267 = arith.cmpi slt, %mul3A_67, %lt3A : i32
      %convert_element_type3A_268 = arith.extui %lt3A_267 : i1 to i32
      %cond3A_269 = arith.constant 0 : i32
      %cond3A_270 = arith.cmpi ne, %convert_element_type3A_268, %cond3A_269 : i32
      scf.if %cond3A_270 {
        %dma_wait3A_599 = arith.constant 0 : i32
        %dma_wait3A_600 = arith.constant 0 : i32
        %dma_wait3A_601 = arith.constant 0 : i32
        %dma_wait3A_602 = tpu.memref_slice %arg5[%dma_wait3A_599, %dma_wait3A_600, %dma_wait3A_601] : memref<64x2048x512xf32, #tpu.memory_space<hbm>> -> memref<1x16x512xf32, #tpu.memory_space<hbm>>
        %dma_wait3A_603 = tpu.memref_squeeze %dma_wait3A_602 : memref<1x16x512xf32, #tpu.memory_space<hbm>> -> memref<16x512xf32, #tpu.memory_space<hbm>>
        %dma_wait3A_604 = arith.constant 0 : i32
        %dma_wait3A_605 = arith.constant 0 : i32
        %dma_wait3A_606 = tpu.memref_slice %arg5[%dma_wait3A_599, %dma_wait3A_604, %dma_wait3A_605] : memref<64x2048x512xf32, #tpu.memory_space<hbm>> -> memref<1x16x512xf32, #tpu.memory_space<hbm>>
        %dma_wait3A_607 = tpu.memref_squeeze %dma_wait3A_606 : memref<1x16x512xf32, #tpu.memory_space<hbm>> -> memref<16x512xf32, #tpu.memory_space<hbm>>
        tpu.wait_dma2 semaphore(%arg14 : memref<!tpu.dma_semaphore, #tpu.memory_space<semaphore_mem>>) src(%arg8 : memref<16x512xf32, #tpu.memory_space<vmem>>) dst(%dma_wait3A_607 : memref<16x512xf32, #tpu.memory_space<hbm>>)
        %mul3A_608 = arith.constant 64 : i32
        %mul3A_609 = arith.muli %arg1, %mul3A_608 : i32
        %add3A_610 = arith.constant 0 : i32
        %add3A_611 = arith.addi %mul3A_609, %add3A_610 : i32
        %dma_start3A_612 = arith.constant 0 : i32
        %dma_start3A_613 = tpu.memref_slice %arg7[%add3A_611, %dma_start3A_612] : memref<1024x512xf32, #tpu.memory_space<vmem_shared>> -> memref<16x512xf32, #tpu.memory_space<vmem_shared>>
        %dma_start3A_614 = arith.constant 0 : i32
        %dma_start3A_615 = tpu.memref_slice %arg7[%add3A_611, %dma_start3A_614] : memref<1024x512xf32, #tpu.memory_space<vmem_shared>> -> memref<16x512xf32, #tpu.memory_space<vmem_shared>>
        tpu.enqueue_dma source(%dma_start3A_615 : memref<16x512xf32, #tpu.memory_space<vmem_shared>>) target(%arg8 : memref<16x512xf32, #tpu.memory_space<vmem>>) target_semaphore(%arg18 : memref<!tpu.dma_semaphore, #tpu.memory_space<semaphore_mem>>)
      } else {
      }
      %dma_wait3A_271 = arith.constant 0 : i32
      %dma_wait3A_272 = arith.constant 0 : i32
      %dma_wait3A_273 = tpu.memref_slice %arg7[%dma_wait3A_271, %dma_wait3A_272] : memref<1024x512xf32, #tpu.memory_space<vmem_shared>> -> memref<16x512xf32, #tpu.memory_space<vmem_shared>>
      %dma_wait3A_274 = arith.constant 0 : i32
      %dma_wait3A_275 = arith.constant 0 : i32
      %dma_wait3A_276 = tpu.memref_slice %arg7[%dma_wait3A_274, %dma_wait3A_275] : memref<1024x512xf32, #tpu.memory_space<vmem_shared>> -> memref<16x512xf32, #tpu.memory_space<vmem_shared>>
      tpu.wait_dma2 semaphore(%arg21 : memref<!tpu.dma_semaphore, #tpu.memory_space<semaphore_mem>>) src(%dma_wait3A_276 : memref<16x512xf32, #tpu.memory_space<vmem_shared>>) dst(%arg11 : memref<16x512xf32, #tpu.memory_space<vmem>>)
      %get3A_277 = arith.constant 48 : index
      %get3A_278 = tpu.vector_load %arg12[%get3A_277] {strides = array<i32>} : memref<64xi32, #tpu.memory_space<vmem>>, vector<16xi32>,
      %get3A_279 = vector.shape_cast %get3A_278 : vector<16xi32> to vector<16xi32>
      %mul3A_280 = arith.constant 512 : i32
      %mul3A_281 = vector.broadcast %mul3A_280 : i32 to vector<16xi32>
      %mul3A_282 = arith.muli %get3A_279, %mul3A_281 : vector<16xi32>
      %slice3A_283 = vector.extract_strided_slice %mul3A_282 {offsets = [0], sizes = [1], strides = [1]} : vector<16xi32> to vector<1xi32>
      %squeeze3A_284 = vector.extract %slice3A_283[0] : i32 from vector<1xi32>
      %slice3A_285 = vector.extract_strided_slice %mul3A_282 {offsets = [1], sizes = [1], strides = [1]} : vector<16xi32> to vector<1xi32>
      %squeeze3A_286 = vector.extract %slice3A_285[0] : i32 from vector<1xi32>
      %slice3A_287 = vector.extract_strided_slice %mul3A_282 {offsets = [2], sizes = [1], strides = [1]} : vector<16xi32> to vector<1xi32>
      %squeeze3A_288 = vector.extract %slice3A_287[0] : i32 from vector<1xi32>
      %slice3A_289 = vector.extract_strided_slice %mul3A_282 {offsets = [3], sizes = [1], strides = [1]} : vector<16xi32> to vector<1xi32>
      %squeeze3A_290 = vector.extract %slice3A_289[0] : i32 from vector<1xi32>
      %slice3A_291 = vector.extract_strided_slice %mul3A_282 {offsets = [4], sizes = [1], strides = [1]} : vector<16xi32> to vector<1xi32>
      %squeeze3A_292 = vector.extract %slice3A_291[0] : i32 from vector<1xi32>
      %slice3A_293 = vector.extract_strided_slice %mul3A_282 {offsets = [5], sizes = [1], strides = [1]} : vector<16xi32> to vector<1xi32>
      %squeeze3A_294 = vector.extract %slice3A_293[0] : i32 from vector<1xi32>
      %slice3A_295 = vector.extract_strided_slice %mul3A_282 {offsets = [6], sizes = [1], strides = [1]} : vector<16xi32> to vector<1xi32>
      %squeeze3A_296 = vector.extract %slice3A_295[0] : i32 from vector<1xi32>
      %slice3A_297 = vector.extract_strided_slice %mul3A_282 {offsets = [7], sizes = [1], strides = [1]} : vector<16xi32> to vector<1xi32>
      %squeeze3A_298 = vector.extract %slice3A_297[0] : i32 from vector<1xi32>
      %slice3A_299 = vector.extract_strided_slice %mul3A_282 {offsets = [8], sizes = [1], strides = [1]} : vector<16xi32> to vector<1xi32>
      %squeeze3A_300 = vector.extract %slice3A_299[0] : i32 from vector<1xi32>
      %slice3A_301 = vector.extract_strided_slice %mul3A_282 {offsets = [9], sizes = [1], strides = [1]} : vector<16xi32> to vector<1xi32>
      %squeeze3A_302 = vector.extract %slice3A_301[0] : i32 from vector<1xi32>
      %slice3A_303 = vector.extract_strided_slice %mul3A_282 {offsets = [10], sizes = [1], strides = [1]} : vector<16xi32> to vector<1xi32>
      %squeeze3A_304 = vector.extract %slice3A_303[0] : i32 from vector<1xi32>
      %slice3A_305 = vector.extract_strided_slice %mul3A_282 {offsets = [11], sizes = [1], strides = [1]} : vector<16xi32> to vector<1xi32>
      %squeeze3A_306 = vector.extract %slice3A_305[0] : i32 from vector<1xi32>
      %slice3A_307 = vector.extract_strided_slice %mul3A_282 {offsets = [12], sizes = [1], strides = [1]} : vector<16xi32> to vector<1xi32>
      %squeeze3A_308 = vector.extract %slice3A_307[0] : i32 from vector<1xi32>
      %slice3A_309 = vector.extract_strided_slice %mul3A_282 {offsets = [13], sizes = [1], strides = [1]} : vector<16xi32> to vector<1xi32>
      %squeeze3A_310 = vector.extract %slice3A_309[0] : i32 from vector<1xi32>
      %slice3A_311 = vector.extract_strided_slice %mul3A_282 {offsets = [14], sizes = [1], strides = [1]} : vector<16xi32> to vector<1xi32>
      %squeeze3A_312 = vector.extract %slice3A_311[0] : i32 from vector<1xi32>
      %slice3A_313 = vector.extract_strided_slice %mul3A_282 {offsets = [15], sizes = [1], strides = [1]} : vector<16xi32> to vector<1xi32>
      %squeeze3A_314 = vector.extract %slice3A_313[0] : i32 from vector<1xi32>
      %parallel_loop3A_315 = arith.constant 0 : i32
      %parallel_loop3A_316 = arith.constant 32 : i32
      %parallel_loop3A_317 = arith.constant 1 : i32
      scf.for %parallel_loop3A_599 = %parallel_loop3A_315 to %parallel_loop3A_316 step %parallel_loop3A_317  : i32 {
        %parallel_loop3A_600 = arith.constant 16 : i32
        %parallel_loop3A_601 = arith.muli %parallel_loop3A_599, %parallel_loop3A_600 : i32
        %parallel_loop3A_602 = arith.addi %squeeze3A_284, %parallel_loop3A_601 : i32
        %parallel_loop3A_603 = arith.index_cast %parallel_loop3A_602 : i32 to index
        %parallel_loop3A_604 = tpu.vector_load %arg6[%parallel_loop3A_603] {strides = array<i32>} : memref<34816xf32, #tpu.memory_space<vmem>>, vector<16xf32>,
        %parallel_loop3A_605 = vector.shape_cast %parallel_loop3A_604 : vector<16xf32> to vector<16xf32>
        %parallel_loop3A_606 = arith.constant 0 : i32
        %parallel_loop3A_607 = arith.index_cast %parallel_loop3A_606 : i32 to index
        %parallel_loop3A_608 = arith.index_cast %parallel_loop3A_601 : i32 to index
        %parallel_loop3A_609 = tpu.vector_load %arg11[%parallel_loop3A_607, %parallel_loop3A_608] {strides = array<i32>} : memref<16x512xf32, #tpu.memory_space<vmem>>, vector<1x16xf32>,
        %parallel_loop3A_610 = vector.shape_cast %parallel_loop3A_609 : vector<1x16xf32> to vector<16xf32>
        %parallel_loop3A_611 = vector.shape_cast %parallel_loop3A_605 : vector<16xf32> to vector<1x16xf32>
        tpu.vector_store %arg11[%parallel_loop3A_607, %parallel_loop3A_608], %parallel_loop3A_611 {add = true, strides = array<i32>} : memref<16x512xf32, #tpu.memory_space<vmem>>, vector<1x16xf32>,
        %parallel_loop3A_612 = arith.addi %squeeze3A_286, %parallel_loop3A_601 : i32
        %parallel_loop3A_613 = arith.index_cast %parallel_loop3A_612 : i32 to index
        %parallel_loop3A_614 = tpu.vector_load %arg6[%parallel_loop3A_613] {strides = array<i32>} : memref<34816xf32, #tpu.memory_space<vmem>>, vector<16xf32>,
        %parallel_loop3A_615 = vector.shape_cast %parallel_loop3A_614 : vector<16xf32> to vector<16xf32>
        %parallel_loop3A_616 = arith.constant 1 : i32
        %parallel_loop3A_617 = arith.index_cast %parallel_loop3A_616 : i32 to index
        %parallel_loop3A_618 = arith.index_cast %parallel_loop3A_601 : i32 to index
        %parallel_loop3A_619 = tpu.vector_load %arg11[%parallel_loop3A_617, %parallel_loop3A_618] {strides = array<i32>} : memref<16x512xf32, #tpu.memory_space<vmem>>, vector<1x16xf32>,
        %parallel_loop3A_620 = vector.shape_cast %parallel_loop3A_619 : vector<1x16xf32> to vector<16xf32>
        %parallel_loop3A_621 = vector.shape_cast %parallel_loop3A_615 : vector<16xf32> to vector<1x16xf32>
        tpu.vector_store %arg11[%parallel_loop3A_617, %parallel_loop3A_618], %parallel_loop3A_621 {add = true, strides = array<i32>} : memref<16x512xf32, #tpu.memory_space<vmem>>, vector<1x16xf32>,
        %parallel_loop3A_622 = arith.addi %squeeze3A_288, %parallel_loop3A_601 : i32
        %parallel_loop3A_623 = arith.index_cast %parallel_loop3A_622 : i32 to index
        %parallel_loop3A_624 = tpu.vector_load %arg6[%parallel_loop3A_623] {strides = array<i32>} : memref<34816xf32, #tpu.memory_space<vmem>>, vector<16xf32>,
        %parallel_loop3A_625 = vector.shape_cast %parallel_loop3A_624 : vector<16xf32> to vector<16xf32>
        %parallel_loop3A_626 = arith.constant 2 : i32
        %parallel_loop3A_627 = arith.index_cast %parallel_loop3A_626 : i32 to index
        %parallel_loop3A_628 = arith.index_cast %parallel_loop3A_601 : i32 to index
        %parallel_loop3A_629 = tpu.vector_load %arg11[%parallel_loop3A_627, %parallel_loop3A_628] {strides = array<i32>} : memref<16x512xf32, #tpu.memory_space<vmem>>, vector<1x16xf32>,
        %parallel_loop3A_630 = vector.shape_cast %parallel_loop3A_629 : vector<1x16xf32> to vector<16xf32>
        %parallel_loop3A_631 = vector.shape_cast %parallel_loop3A_625 : vector<16xf32> to vector<1x16xf32>
        tpu.vector_store %arg11[%parallel_loop3A_627, %parallel_loop3A_628], %parallel_loop3A_631 {add = true, strides = array<i32>} : memref<16x512xf32, #tpu.memory_space<vmem>>, vector<1x16xf32>,
        %parallel_loop3A_632 = arith.addi %squeeze3A_290, %parallel_loop3A_601 : i32
        %parallel_loop3A_633 = arith.index_cast %parallel_loop3A_632 : i32 to index
        %parallel_loop3A_634 = tpu.vector_load %arg6[%parallel_loop3A_633] {strides = array<i32>} : memref<34816xf32, #tpu.memory_space<vmem>>, vector<16xf32>,
        %parallel_loop3A_635 = vector.shape_cast %parallel_loop3A_634 : vector<16xf32> to vector<16xf32>
        %parallel_loop3A_636 = arith.constant 3 : i32
        %parallel_loop3A_637 = arith.index_cast %parallel_loop3A_636 : i32 to index
        %parallel_loop3A_638 = arith.index_cast %parallel_loop3A_601 : i32 to index
        %parallel_loop3A_639 = tpu.vector_load %arg11[%parallel_loop3A_637, %parallel_loop3A_638] {strides = array<i32>} : memref<16x512xf32, #tpu.memory_space<vmem>>, vector<1x16xf32>,
        %parallel_loop3A_640 = vector.shape_cast %parallel_loop3A_639 : vector<1x16xf32> to vector<16xf32>
        %parallel_loop3A_641 = vector.shape_cast %parallel_loop3A_635 : vector<16xf32> to vector<1x16xf32>
        tpu.vector_store %arg11[%parallel_loop3A_637, %parallel_loop3A_638], %parallel_loop3A_641 {add = true, strides = array<i32>} : memref<16x512xf32, #tpu.memory_space<vmem>>, vector<1x16xf32>,
        %parallel_loop3A_642 = arith.addi %squeeze3A_292, %parallel_loop3A_601 : i32
        %parallel_loop3A_643 = arith.index_cast %parallel_loop3A_642 : i32 to index
        %parallel_loop3A_644 = tpu.vector_load %arg6[%parallel_loop3A_643] {strides = array<i32>} : memref<34816xf32, #tpu.memory_space<vmem>>, vector<16xf32>,
        %parallel_loop3A_645 = vector.shape_cast %parallel_loop3A_644 : vector<16xf32> to vector<16xf32>
        %parallel_loop3A_646 = arith.constant 4 : i32
        %parallel_loop3A_647 = arith.index_cast %parallel_loop3A_646 : i32 to index
        %parallel_loop3A_648 = arith.index_cast %parallel_loop3A_601 : i32 to index
        %parallel_loop3A_649 = tpu.vector_load %arg11[%parallel_loop3A_647, %parallel_loop3A_648] {strides = array<i32>} : memref<16x512xf32, #tpu.memory_space<vmem>>, vector<1x16xf32>,
        %parallel_loop3A_650 = vector.shape_cast %parallel_loop3A_649 : vector<1x16xf32> to vector<16xf32>
        %parallel_loop3A_651 = vector.shape_cast %parallel_loop3A_645 : vector<16xf32> to vector<1x16xf32>
        tpu.vector_store %arg11[%parallel_loop3A_647, %parallel_loop3A_648], %parallel_loop3A_651 {add = true, strides = array<i32>} : memref<16x512xf32, #tpu.memory_space<vmem>>, vector<1x16xf32>,
        %parallel_loop3A_652 = arith.addi %squeeze3A_294, %parallel_loop3A_601 : i32
        %parallel_loop3A_653 = arith.index_cast %parallel_loop3A_652 : i32 to index
        %parallel_loop3A_654 = tpu.vector_load %arg6[%parallel_loop3A_653] {strides = array<i32>} : memref<34816xf32, #tpu.memory_space<vmem>>, vector<16xf32>,
        %parallel_loop3A_655 = vector.shape_cast %parallel_loop3A_654 : vector<16xf32> to vector<16xf32>
        %parallel_loop3A_656 = arith.constant 5 : i32
        %parallel_loop3A_657 = arith.index_cast %parallel_loop3A_656 : i32 to index
        %parallel_loop3A_658 = arith.index_cast %parallel_loop3A_601 : i32 to index
        %parallel_loop3A_659 = tpu.vector_load %arg11[%parallel_loop3A_657, %parallel_loop3A_658] {strides = array<i32>} : memref<16x512xf32, #tpu.memory_space<vmem>>, vector<1x16xf32>,
        %parallel_loop3A_660 = vector.shape_cast %parallel_loop3A_659 : vector<1x16xf32> to vector<16xf32>
        %parallel_loop3A_661 = vector.shape_cast %parallel_loop3A_655 : vector<16xf32> to vector<1x16xf32>
        tpu.vector_store %arg11[%parallel_loop3A_657, %parallel_loop3A_658], %parallel_loop3A_661 {add = true, strides = array<i32>} : memref<16x512xf32, #tpu.memory_space<vmem>>, vector<1x16xf32>,
        %parallel_loop3A_662 = arith.addi %squeeze3A_296, %parallel_loop3A_601 : i32
        %parallel_loop3A_663 = arith.index_cast %parallel_loop3A_662 : i32 to index
        %parallel_loop3A_664 = tpu.vector_load %arg6[%parallel_loop3A_663] {strides = array<i32>} : memref<34816xf32, #tpu.memory_space<vmem>>, vector<16xf32>,
        %parallel_loop3A_665 = vector.shape_cast %parallel_loop3A_664 : vector<16xf32> to vector<16xf32>
        %parallel_loop3A_666 = arith.constant 6 : i32
        %parallel_loop3A_667 = arith.index_cast %parallel_loop3A_666 : i32 to index
        %parallel_loop3A_668 = arith.index_cast %parallel_loop3A_601 : i32 to index
        %parallel_loop3A_669 = tpu.vector_load %arg11[%parallel_loop3A_667, %parallel_loop3A_668] {strides = array<i32>} : memref<16x512xf32, #tpu.memory_space<vmem>>, vector<1x16xf32>,
        %parallel_loop3A_670 = vector.shape_cast %parallel_loop3A_669 : vector<1x16xf32> to vector<16xf32>
        %parallel_loop3A_671 = vector.shape_cast %parallel_loop3A_665 : vector<16xf32> to vector<1x16xf32>
        tpu.vector_store %arg11[%parallel_loop3A_667, %parallel_loop3A_668], %parallel_loop3A_671 {add = true, strides = array<i32>} : memref<16x512xf32, #tpu.memory_space<vmem>>, vector<1x16xf32>,
        %parallel_loop3A_672 = arith.addi %squeeze3A_298, %parallel_loop3A_601 : i32
        %parallel_loop3A_673 = arith.index_cast %parallel_loop3A_672 : i32 to index
        %parallel_loop3A_674 = tpu.vector_load %arg6[%parallel_loop3A_673] {strides = array<i32>} : memref<34816xf32, #tpu.memory_space<vmem>>, vector<16xf32>,
        %parallel_loop3A_675 = vector.shape_cast %parallel_loop3A_674 : vector<16xf32> to vector<16xf32>
        %parallel_loop3A_676 = arith.constant 7 : i32
        %parallel_loop3A_677 = arith.index_cast %parallel_loop3A_676 : i32 to index
        %parallel_loop3A_678 = arith.index_cast %parallel_loop3A_601 : i32 to index
        %parallel_loop3A_679 = tpu.vector_load %arg11[%parallel_loop3A_677, %parallel_loop3A_678] {strides = array<i32>} : memref<16x512xf32, #tpu.memory_space<vmem>>, vector<1x16xf32>,
        %parallel_loop3A_680 = vector.shape_cast %parallel_loop3A_679 : vector<1x16xf32> to vector<16xf32>
        %parallel_loop3A_681 = vector.shape_cast %parallel_loop3A_675 : vector<16xf32> to vector<1x16xf32>
        tpu.vector_store %arg11[%parallel_loop3A_677, %parallel_loop3A_678], %parallel_loop3A_681 {add = true, strides = array<i32>} : memref<16x512xf32, #tpu.memory_space<vmem>>, vector<1x16xf32>,
        %parallel_loop3A_682 = arith.addi %squeeze3A_300, %parallel_loop3A_601 : i32
        %parallel_loop3A_683 = arith.index_cast %parallel_loop3A_682 : i32 to index
        %parallel_loop3A_684 = tpu.vector_load %arg6[%parallel_loop3A_683] {strides = array<i32>} : memref<34816xf32, #tpu.memory_space<vmem>>, vector<16xf32>,
        %parallel_loop3A_685 = vector.shape_cast %parallel_loop3A_684 : vector<16xf32> to vector<16xf32>
        %parallel_loop3A_686 = arith.constant 8 : i32
        %parallel_loop3A_687 = arith.index_cast %parallel_loop3A_686 : i32 to index
        %parallel_loop3A_688 = arith.index_cast %parallel_loop3A_601 : i32 to index
        %parallel_loop3A_689 = tpu.vector_load %arg11[%parallel_loop3A_687, %parallel_loop3A_688] {strides = array<i32>} : memref<16x512xf32, #tpu.memory_space<vmem>>, vector<1x16xf32>,
        %parallel_loop3A_690 = vector.shape_cast %parallel_loop3A_689 : vector<1x16xf32> to vector<16xf32>
        %parallel_loop3A_691 = vector.shape_cast %parallel_loop3A_685 : vector<16xf32> to vector<1x16xf32>
        tpu.vector_store %arg11[%parallel_loop3A_687, %parallel_loop3A_688], %parallel_loop3A_691 {add = true, strides = array<i32>} : memref<16x512xf32, #tpu.memory_space<vmem>>, vector<1x16xf32>,
        %parallel_loop3A_692 = arith.addi %squeeze3A_302, %parallel_loop3A_601 : i32
        %parallel_loop3A_693 = arith.index_cast %parallel_loop3A_692 : i32 to index
        %parallel_loop3A_694 = tpu.vector_load %arg6[%parallel_loop3A_693] {strides = array<i32>} : memref<34816xf32, #tpu.memory_space<vmem>>, vector<16xf32>,
        %parallel_loop3A_695 = vector.shape_cast %parallel_loop3A_694 : vector<16xf32> to vector<16xf32>
        %parallel_loop3A_696 = arith.constant 9 : i32
        %parallel_loop3A_697 = arith.index_cast %parallel_loop3A_696 : i32 to index
        %parallel_loop3A_698 = arith.index_cast %parallel_loop3A_601 : i32 to index
        %parallel_loop3A_699 = tpu.vector_load %arg11[%parallel_loop3A_697, %parallel_loop3A_698] {strides = array<i32>} : memref<16x512xf32, #tpu.memory_space<vmem>>, vector<1x16xf32>,
        %parallel_loop3A_700 = vector.shape_cast %parallel_loop3A_699 : vector<1x16xf32> to vector<16xf32>
        %parallel_loop3A_701 = vector.shape_cast %parallel_loop3A_695 : vector<16xf32> to vector<1x16xf32>
        tpu.vector_store %arg11[%parallel_loop3A_697, %parallel_loop3A_698], %parallel_loop3A_701 {add = true, strides = array<i32>} : memref<16x512xf32, #tpu.memory_space<vmem>>, vector<1x16xf32>,
        %parallel_loop3A_702 = arith.addi %squeeze3A_304, %parallel_loop3A_601 : i32
        %parallel_loop3A_703 = arith.index_cast %parallel_loop3A_702 : i32 to index
        %parallel_loop3A_704 = tpu.vector_load %arg6[%parallel_loop3A_703] {strides = array<i32>} : memref<34816xf32, #tpu.memory_space<vmem>>, vector<16xf32>,
        %parallel_loop3A_705 = vector.shape_cast %parallel_loop3A_704 : vector<16xf32> to vector<16xf32>
        %parallel_loop3A_706 = arith.constant 10 : i32
        %parallel_loop3A_707 = arith.index_cast %parallel_loop3A_706 : i32 to index
        %parallel_loop3A_708 = arith.index_cast %parallel_loop3A_601 : i32 to index
        %parallel_loop3A_709 = tpu.vector_load %arg11[%parallel_loop3A_707, %parallel_loop3A_708] {strides = array<i32>} : memref<16x512xf32, #tpu.memory_space<vmem>>, vector<1x16xf32>,
        %parallel_loop3A_710 = vector.shape_cast %parallel_loop3A_709 : vector<1x16xf32> to vector<16xf32>
        %parallel_loop3A_711 = vector.shape_cast %parallel_loop3A_705 : vector<16xf32> to vector<1x16xf32>
        tpu.vector_store %arg11[%parallel_loop3A_707, %parallel_loop3A_708], %parallel_loop3A_711 {add = true, strides = array<i32>} : memref<16x512xf32, #tpu.memory_space<vmem>>, vector<1x16xf32>,
        %parallel_loop3A_712 = arith.addi %squeeze3A_306, %parallel_loop3A_601 : i32
        %parallel_loop3A_713 = arith.index_cast %parallel_loop3A_712 : i32 to index
        %parallel_loop3A_714 = tpu.vector_load %arg6[%parallel_loop3A_713] {strides = array<i32>} : memref<34816xf32, #tpu.memory_space<vmem>>, vector<16xf32>,
        %parallel_loop3A_715 = vector.shape_cast %parallel_loop3A_714 : vector<16xf32> to vector<16xf32>
        %parallel_loop3A_716 = arith.constant 11 : i32
        %parallel_loop3A_717 = arith.index_cast %parallel_loop3A_716 : i32 to index
        %parallel_loop3A_718 = arith.index_cast %parallel_loop3A_601 : i32 to index
        %parallel_loop3A_719 = tpu.vector_load %arg11[%parallel_loop3A_717, %parallel_loop3A_718] {strides = array<i32>} : memref<16x512xf32, #tpu.memory_space<vmem>>, vector<1x16xf32>,
        %parallel_loop3A_720 = vector.shape_cast %parallel_loop3A_719 : vector<1x16xf32> to vector<16xf32>
        %parallel_loop3A_721 = vector.shape_cast %parallel_loop3A_715 : vector<16xf32> to vector<1x16xf32>
        tpu.vector_store %arg11[%parallel_loop3A_717, %parallel_loop3A_718], %parallel_loop3A_721 {add = true, strides = array<i32>} : memref<16x512xf32, #tpu.memory_space<vmem>>, vector<1x16xf32>,
        %parallel_loop3A_722 = arith.addi %squeeze3A_308, %parallel_loop3A_601 : i32
        %parallel_loop3A_723 = arith.index_cast %parallel_loop3A_722 : i32 to index
        %parallel_loop3A_724 = tpu.vector_load %arg6[%parallel_loop3A_723] {strides = array<i32>} : memref<34816xf32, #tpu.memory_space<vmem>>, vector<16xf32>,
        %parallel_loop3A_725 = vector.shape_cast %parallel_loop3A_724 : vector<16xf32> to vector<16xf32>
        %parallel_loop3A_726 = arith.constant 12 : i32
        %parallel_loop3A_727 = arith.index_cast %parallel_loop3A_726 : i32 to index
        %parallel_loop3A_728 = arith.index_cast %parallel_loop3A_601 : i32 to index
        %parallel_loop3A_729 = tpu.vector_load %arg11[%parallel_loop3A_727, %parallel_loop3A_728] {strides = array<i32>} : memref<16x512xf32, #tpu.memory_space<vmem>>, vector<1x16xf32>,
        %parallel_loop3A_730 = vector.shape_cast %parallel_loop3A_729 : vector<1x16xf32> to vector<16xf32>
        %parallel_loop3A_731 = vector.shape_cast %parallel_loop3A_725 : vector<16xf32> to vector<1x16xf32>
        tpu.vector_store %arg11[%parallel_loop3A_727, %parallel_loop3A_728], %parallel_loop3A_731 {add = true, strides = array<i32>} : memref<16x512xf32, #tpu.memory_space<vmem>>, vector<1x16xf32>,
        %parallel_loop3A_732 = arith.addi %squeeze3A_310, %parallel_loop3A_601 : i32
        %parallel_loop3A_733 = arith.index_cast %parallel_loop3A_732 : i32 to index
        %parallel_loop3A_734 = tpu.vector_load %arg6[%parallel_loop3A_733] {strides = array<i32>} : memref<34816xf32, #tpu.memory_space<vmem>>, vector<16xf32>,
        %parallel_loop3A_735 = vector.shape_cast %parallel_loop3A_734 : vector<16xf32> to vector<16xf32>
        %parallel_loop3A_736 = arith.constant 13 : i32
        %parallel_loop3A_737 = arith.index_cast %parallel_loop3A_736 : i32 to index
        %parallel_loop3A_738 = arith.index_cast %parallel_loop3A_601 : i32 to index
        %parallel_loop3A_739 = tpu.vector_load %arg11[%parallel_loop3A_737, %parallel_loop3A_738] {strides = array<i32>} : memref<16x512xf32, #tpu.memory_space<vmem>>, vector<1x16xf32>,
        %parallel_loop3A_740 = vector.shape_cast %parallel_loop3A_739 : vector<1x16xf32> to vector<16xf32>
        %parallel_loop3A_741 = vector.shape_cast %parallel_loop3A_735 : vector<16xf32> to vector<1x16xf32>
        tpu.vector_store %arg11[%parallel_loop3A_737, %parallel_loop3A_738], %parallel_loop3A_741 {add = true, strides = array<i32>} : memref<16x512xf32, #tpu.memory_space<vmem>>, vector<1x16xf32>,
        %parallel_loop3A_742 = arith.addi %squeeze3A_312, %parallel_loop3A_601 : i32
        %parallel_loop3A_743 = arith.index_cast %parallel_loop3A_742 : i32 to index
        %parallel_loop3A_744 = tpu.vector_load %arg6[%parallel_loop3A_743] {strides = array<i32>} : memref<34816xf32, #tpu.memory_space<vmem>>, vector<16xf32>,
        %parallel_loop3A_745 = vector.shape_cast %parallel_loop3A_744 : vector<16xf32> to vector<16xf32>
        %parallel_loop3A_746 = arith.constant 14 : i32
        %parallel_loop3A_747 = arith.index_cast %parallel_loop3A_746 : i32 to index
        %parallel_loop3A_748 = arith.index_cast %parallel_loop3A_601 : i32 to index
        %parallel_loop3A_749 = tpu.vector_load %arg11[%parallel_loop3A_747, %parallel_loop3A_748] {strides = array<i32>} : memref<16x512xf32, #tpu.memory_space<vmem>>, vector<1x16xf32>,
        %parallel_loop3A_750 = vector.shape_cast %parallel_loop3A_749 : vector<1x16xf32> to vector<16xf32>
        %parallel_loop3A_751 = vector.shape_cast %parallel_loop3A_745 : vector<16xf32> to vector<1x16xf32>
        tpu.vector_store %arg11[%parallel_loop3A_747, %parallel_loop3A_748], %parallel_loop3A_751 {add = true, strides = array<i32>} : memref<16x512xf32, #tpu.memory_space<vmem>>, vector<1x16xf32>,
        %parallel_loop3A_752 = arith.addi %squeeze3A_314, %parallel_loop3A_601 : i32
        %parallel_loop3A_753 = arith.index_cast %parallel_loop3A_752 : i32 to index
        %parallel_loop3A_754 = tpu.vector_load %arg6[%parallel_loop3A_753] {strides = array<i32>} : memref<34816xf32, #tpu.memory_space<vmem>>, vector<16xf32>,
        %parallel_loop3A_755 = vector.shape_cast %parallel_loop3A_754 : vector<16xf32> to vector<16xf32>
        %parallel_loop3A_756 = arith.constant 15 : i32
        %parallel_loop3A_757 = arith.index_cast %parallel_loop3A_756 : i32 to index
        %parallel_loop3A_758 = arith.index_cast %parallel_loop3A_601 : i32 to index
        %parallel_loop3A_759 = tpu.vector_load %arg11[%parallel_loop3A_757, %parallel_loop3A_758] {strides = array<i32>} : memref<16x512xf32, #tpu.memory_space<vmem>>, vector<1x16xf32>,
        %parallel_loop3A_760 = vector.shape_cast %parallel_loop3A_759 : vector<1x16xf32> to vector<16xf32>
        %parallel_loop3A_761 = vector.shape_cast %parallel_loop3A_755 : vector<16xf32> to vector<1x16xf32>
        tpu.vector_store %arg11[%parallel_loop3A_757, %parallel_loop3A_758], %parallel_loop3A_761 {add = true, strides = array<i32>} : memref<16x512xf32, #tpu.memory_space<vmem>>, vector<1x16xf32>,
      } {sc.loop_unroll_factor = 1 : i64, sc.parallel_access}
      %add3A_318 = arith.constant 48 : i32
      %add3A_319 = arith.addi %mul3A_2, %add3A_318 : i32
      %dma_start3A_320 = arith.constant 0 : i32
      %dma_start3A_321 = tpu.memref_slice %arg5[%mul3A_67, %add3A_319, %dma_start3A_320] : memref<64x2048x512xf32, #tpu.memory_space<hbm>> -> memref<1x16x512xf32, #tpu.memory_space<hbm>>
      %dma_start3A_322 = tpu.memref_squeeze %dma_start3A_321 : memref<1x16x512xf32, #tpu.memory_space<hbm>> -> memref<16x512xf32, #tpu.memory_space<hbm>>
      %dma_start3A_323 = arith.constant 0 : i32
      %dma_start3A_324 = tpu.memref_slice %arg5[%mul3A_67, %add3A_319, %dma_start3A_323] : memref<64x2048x512xf32, #tpu.memory_space<hbm>> -> memref<1x16x512xf32, #tpu.memory_space<hbm>>
      %dma_start3A_325 = tpu.memref_squeeze %dma_start3A_324 : memref<1x16x512xf32, #tpu.memory_space<hbm>> -> memref<16x512xf32, #tpu.memory_space<hbm>>
      tpu.enqueue_dma source(%arg11 : memref<16x512xf32, #tpu.memory_space<vmem>>) target(%dma_start3A_325 : memref<16x512xf32, #tpu.memory_space<hbm>>) target_semaphore(%arg17 : memref<!tpu.dma_semaphore, #tpu.memory_space<semaphore_mem>>)
      %lt3A_326 = arith.constant 63 : i32
      %lt3A_327 = arith.cmpi slt, %mul3A_67, %lt3A_326 : i32
      %convert_element_type3A_328 = arith.extui %lt3A_327 : i1 to i32
      %cond3A_329 = arith.constant 0 : i32
      %cond3A_330 = arith.cmpi ne, %convert_element_type3A_328, %cond3A_329 : i32
      scf.if %cond3A_330 {
        %dma_wait3A_599 = arith.constant 0 : i32
        %dma_wait3A_600 = arith.constant 0 : i32
        %dma_wait3A_601 = arith.constant 0 : i32
        %dma_wait3A_602 = tpu.memref_slice %arg5[%dma_wait3A_599, %dma_wait3A_600, %dma_wait3A_601] : memref<64x2048x512xf32, #tpu.memory_space<hbm>> -> memref<1x16x512xf32, #tpu.memory_space<hbm>>
        %dma_wait3A_603 = tpu.memref_squeeze %dma_wait3A_602 : memref<1x16x512xf32, #tpu.memory_space<hbm>> -> memref<16x512xf32, #tpu.memory_space<hbm>>
        %dma_wait3A_604 = arith.constant 0 : i32
        %dma_wait3A_605 = arith.constant 0 : i32
        %dma_wait3A_606 = tpu.memref_slice %arg5[%dma_wait3A_599, %dma_wait3A_604, %dma_wait3A_605] : memref<64x2048x512xf32, #tpu.memory_space<hbm>> -> memref<1x16x512xf32, #tpu.memory_space<hbm>>
        %dma_wait3A_607 = tpu.memref_squeeze %dma_wait3A_606 : memref<1x16x512xf32, #tpu.memory_space<hbm>> -> memref<16x512xf32, #tpu.memory_space<hbm>>
        tpu.wait_dma2 semaphore(%arg15 : memref<!tpu.dma_semaphore, #tpu.memory_space<semaphore_mem>>) src(%arg9 : memref<16x512xf32, #tpu.memory_space<vmem>>) dst(%dma_wait3A_607 : memref<16x512xf32, #tpu.memory_space<hbm>>)
        %mul3A_608 = arith.constant 64 : i32
        %mul3A_609 = arith.muli %arg1, %mul3A_608 : i32
        %add3A_610 = arith.constant 16 : i32
        %add3A_611 = arith.addi %mul3A_609, %add3A_610 : i32
        %dma_start3A_612 = arith.constant 0 : i32
        %dma_start3A_613 = tpu.memref_slice %arg7[%add3A_611, %dma_start3A_612] : memref<1024x512xf32, #tpu.memory_space<vmem_shared>> -> memref<16x512xf32, #tpu.memory_space<vmem_shared>>
        %dma_start3A_614 = arith.constant 0 : i32
        %dma_start3A_615 = tpu.memref_slice %arg7[%add3A_611, %dma_start3A_614] : memref<1024x512xf32, #tpu.memory_space<vmem_shared>> -> memref<16x512xf32, #tpu.memory_space<vmem_shared>>
        tpu.enqueue_dma source(%dma_start3A_615 : memref<16x512xf32, #tpu.memory_space<vmem_shared>>) target(%arg9 : memref<16x512xf32, #tpu.memory_space<vmem>>) target_semaphore(%arg19 : memref<!tpu.dma_semaphore, #tpu.memory_space<semaphore_mem>>)
      } else {
      }
      %lt3A_331 = arith.constant 31 : i32
      %lt3A_332 = arith.cmpi slt, %scan3A_65, %lt3A_331 : i32
      %convert_element_type3A_333 = arith.extui %lt3A_332 : i1 to i32
      %cond3A_334 = arith.constant 0 : i32
      %cond3A_335 = arith.cmpi ne, %convert_element_type3A_333, %cond3A_334 : i32
      scf.if %cond3A_335 {
        %add3A_599 = arith.constant 2 : i32
        %add3A_600 = arith.addi %mul3A_67, %add3A_599 : i32
        %dma_start3A_601 = tpu.memref_slice %arg2[%add3A_600, %mul3A_2] : memref<64x2048xi32, #tpu.memory_space<hbm>> -> memref<1x64xi32, #tpu.memory_space<hbm>>
        %dma_start3A_602 = tpu.memref_squeeze %dma_start3A_601 : memref<1x64xi32, #tpu.memory_space<hbm>> -> memref<64xi32, #tpu.memory_space<hbm>>
        %dma_start3A_603 = tpu.memref_slice %arg2[%add3A_600, %mul3A_2] : memref<64x2048xi32, #tpu.memory_space<hbm>> -> memref<1x64xi32, #tpu.memory_space<hbm>>
        %dma_start3A_604 = tpu.memref_squeeze %dma_start3A_603 : memref<1x64xi32, #tpu.memory_space<hbm>> -> memref<64xi32, #tpu.memory_space<hbm>>
        tpu.enqueue_dma source(%dma_start3A_604 : memref<64xi32, #tpu.memory_space<hbm>>) target(%arg12 : memref<64xi32, #tpu.memory_space<vmem>>) target_semaphore(%arg22 : memref<!tpu.dma_semaphore, #tpu.memory_space<semaphore_mem>>)
      } else {
      }
      %dma_wait3A_336 = arith.constant 0 : i32
      %dma_wait3A_337 = arith.constant 0 : i32
      %dma_wait3A_338 = tpu.memref_slice %arg2[%dma_wait3A_336, %dma_wait3A_337] : memref<64x2048xi32, #tpu.memory_space<hbm>> -> memref<1x64xi32, #tpu.memory_space<hbm>>
      %dma_wait3A_339 = tpu.memref_squeeze %dma_wait3A_338 : memref<1x64xi32, #tpu.memory_space<hbm>> -> memref<64xi32, #tpu.memory_space<hbm>>
      %dma_wait3A_340 = arith.constant 0 : i32
      %dma_wait3A_341 = tpu.memref_slice %arg2[%dma_wait3A_336, %dma_wait3A_340] : memref<64x2048xi32, #tpu.memory_space<hbm>> -> memref<1x64xi32, #tpu.memory_space<hbm>>
      %dma_wait3A_342 = tpu.memref_squeeze %dma_wait3A_341 : memref<1x64xi32, #tpu.memory_space<hbm>> -> memref<64xi32, #tpu.memory_space<hbm>>
      tpu.wait_dma2 semaphore(%arg23 : memref<!tpu.dma_semaphore, #tpu.memory_space<semaphore_mem>>) src(%dma_wait3A_342 : memref<64xi32, #tpu.memory_space<hbm>>) dst(%arg13 : memref<64xi32, #tpu.memory_space<vmem>>)
      %dma_wait3A_343 = arith.constant 0 : i32
      %dma_wait3A_344 = arith.constant 0 : i32
      %dma_wait3A_345 = tpu.memref_slice %arg7[%dma_wait3A_343, %dma_wait3A_344] : memref<1024x512xf32, #tpu.memory_space<vmem_shared>> -> memref<16x512xf32, #tpu.memory_space<vmem_shared>>
      %dma_wait3A_346 = arith.constant 0 : i32
      %dma_wait3A_347 = arith.constant 0 : i32
      %dma_wait3A_348 = tpu.memref_slice %arg7[%dma_wait3A_346, %dma_wait3A_347] : memref<1024x512xf32, #tpu.memory_space<vmem_shared>> -> memref<16x512xf32, #tpu.memory_space<vmem_shared>>
      tpu.wait_dma2 semaphore(%arg18 : memref<!tpu.dma_semaphore, #tpu.memory_space<semaphore_mem>>) src(%dma_wait3A_348 : memref<16x512xf32, #tpu.memory_space<vmem_shared>>) dst(%arg8 : memref<16x512xf32, #tpu.memory_space<vmem>>)
      %get3A_349 = arith.constant 0 : index
      %get3A_350 = tpu.vector_load %arg13[%get3A_349] {strides = array<i32>} : memref<64xi32, #tpu.memory_space<vmem>>, vector<16xi32>,
      %get3A_351 = vector.shape_cast %get3A_350 : vector<16xi32> to vector<16xi32>
      %mul3A_352 = arith.constant 512 : i32
      %mul3A_353 = vector.broadcast %mul3A_352 : i32 to vector<16xi32>
      %mul3A_354 = arith.muli %get3A_351, %mul3A_353 : vector<16xi32>
      %slice3A_355 = vector.extract_strided_slice %mul3A_354 {offsets = [0], sizes = [1], strides = [1]} : vector<16xi32> to vector<1xi32>
      %squeeze3A_356 = vector.extract %slice3A_355[0] : i32 from vector<1xi32>
      %slice3A_357 = vector.extract_strided_slice %mul3A_354 {offsets = [1], sizes = [1], strides = [1]} : vector<16xi32> to vector<1xi32>
      %squeeze3A_358 = vector.extract %slice3A_357[0] : i32 from vector<1xi32>
      %slice3A_359 = vector.extract_strided_slice %mul3A_354 {offsets = [2], sizes = [1], strides = [1]} : vector<16xi32> to vector<1xi32>
      %squeeze3A_360 = vector.extract %slice3A_359[0] : i32 from vector<1xi32>
      %slice3A_361 = vector.extract_strided_slice %mul3A_354 {offsets = [3], sizes = [1], strides = [1]} : vector<16xi32> to vector<1xi32>
      %squeeze3A_362 = vector.extract %slice3A_361[0] : i32 from vector<1xi32>
      %slice3A_363 = vector.extract_strided_slice %mul3A_354 {offsets = [4], sizes = [1], strides = [1]} : vector<16xi32> to vector<1xi32>
      %squeeze3A_364 = vector.extract %slice3A_363[0] : i32 from vector<1xi32>
      %slice3A_365 = vector.extract_strided_slice %mul3A_354 {offsets = [5], sizes = [1], strides = [1]} : vector<16xi32> to vector<1xi32>
      %squeeze3A_366 = vector.extract %slice3A_365[0] : i32 from vector<1xi32>
      %slice3A_367 = vector.extract_strided_slice %mul3A_354 {offsets = [6], sizes = [1], strides = [1]} : vector<16xi32> to vector<1xi32>
      %squeeze3A_368 = vector.extract %slice3A_367[0] : i32 from vector<1xi32>
      %slice3A_369 = vector.extract_strided_slice %mul3A_354 {offsets = [7], sizes = [1], strides = [1]} : vector<16xi32> to vector<1xi32>
      %squeeze3A_370 = vector.extract %slice3A_369[0] : i32 from vector<1xi32>
      %slice3A_371 = vector.extract_strided_slice %mul3A_354 {offsets = [8], sizes = [1], strides = [1]} : vector<16xi32> to vector<1xi32>
      %squeeze3A_372 = vector.extract %slice3A_371[0] : i32 from vector<1xi32>
      %slice3A_373 = vector.extract_strided_slice %mul3A_354 {offsets = [9], sizes = [1], strides = [1]} : vector<16xi32> to vector<1xi32>
      %squeeze3A_374 = vector.extract %slice3A_373[0] : i32 from vector<1xi32>
      %slice3A_375 = vector.extract_strided_slice %mul3A_354 {offsets = [10], sizes = [1], strides = [1]} : vector<16xi32> to vector<1xi32>
      %squeeze3A_376 = vector.extract %slice3A_375[0] : i32 from vector<1xi32>
      %slice3A_377 = vector.extract_strided_slice %mul3A_354 {offsets = [11], sizes = [1], strides = [1]} : vector<16xi32> to vector<1xi32>
      %squeeze3A_378 = vector.extract %slice3A_377[0] : i32 from vector<1xi32>
      %slice3A_379 = vector.extract_strided_slice %mul3A_354 {offsets = [12], sizes = [1], strides = [1]} : vector<16xi32> to vector<1xi32>
      %squeeze3A_380 = vector.extract %slice3A_379[0] : i32 from vector<1xi32>
      %slice3A_381 = vector.extract_strided_slice %mul3A_354 {offsets = [13], sizes = [1], strides = [1]} : vector<16xi32> to vector<1xi32>
      %squeeze3A_382 = vector.extract %slice3A_381[0] : i32 from vector<1xi32>
      %slice3A_383 = vector.extract_strided_slice %mul3A_354 {offsets = [14], sizes = [1], strides = [1]} : vector<16xi32> to vector<1xi32>
      %squeeze3A_384 = vector.extract %slice3A_383[0] : i32 from vector<1xi32>
      %slice3A_385 = vector.extract_strided_slice %mul3A_354 {offsets = [15], sizes = [1], strides = [1]} : vector<16xi32> to vector<1xi32>
      %squeeze3A_386 = vector.extract %slice3A_385[0] : i32 from vector<1xi32>
      %parallel_loop3A_387 = arith.constant 0 : i32
      %parallel_loop3A_388 = arith.constant 32 : i32
      %parallel_loop3A_389 = arith.constant 1 : i32
      scf.for %parallel_loop3A_599 = %parallel_loop3A_387 to %parallel_loop3A_388 step %parallel_loop3A_389  : i32 {
        %parallel_loop3A_600 = arith.constant 16 : i32
        %parallel_loop3A_601 = arith.muli %parallel_loop3A_599, %parallel_loop3A_600 : i32
        %parallel_loop3A_602 = arith.addi %squeeze3A_356, %parallel_loop3A_601 : i32
        %parallel_loop3A_603 = arith.index_cast %parallel_loop3A_602 : i32 to index
        %parallel_loop3A_604 = tpu.vector_load %arg6[%parallel_loop3A_603] {strides = array<i32>} : memref<34816xf32, #tpu.memory_space<vmem>>, vector<16xf32>,
        %parallel_loop3A_605 = vector.shape_cast %parallel_loop3A_604 : vector<16xf32> to vector<16xf32>
        %parallel_loop3A_606 = arith.constant 0 : i32
        %parallel_loop3A_607 = arith.index_cast %parallel_loop3A_606 : i32 to index
        %parallel_loop3A_608 = arith.index_cast %parallel_loop3A_601 : i32 to index
        %parallel_loop3A_609 = tpu.vector_load %arg8[%parallel_loop3A_607, %parallel_loop3A_608] {strides = array<i32>} : memref<16x512xf32, #tpu.memory_space<vmem>>, vector<1x16xf32>,
        %parallel_loop3A_610 = vector.shape_cast %parallel_loop3A_609 : vector<1x16xf32> to vector<16xf32>
        %parallel_loop3A_611 = vector.shape_cast %parallel_loop3A_605 : vector<16xf32> to vector<1x16xf32>
        tpu.vector_store %arg8[%parallel_loop3A_607, %parallel_loop3A_608], %parallel_loop3A_611 {add = true, strides = array<i32>} : memref<16x512xf32, #tpu.memory_space<vmem>>, vector<1x16xf32>,
        %parallel_loop3A_612 = arith.addi %squeeze3A_358, %parallel_loop3A_601 : i32
        %parallel_loop3A_613 = arith.index_cast %parallel_loop3A_612 : i32 to index
        %parallel_loop3A_614 = tpu.vector_load %arg6[%parallel_loop3A_613] {strides = array<i32>} : memref<34816xf32, #tpu.memory_space<vmem>>, vector<16xf32>,
        %parallel_loop3A_615 = vector.shape_cast %parallel_loop3A_614 : vector<16xf32> to vector<16xf32>
        %parallel_loop3A_616 = arith.constant 1 : i32
        %parallel_loop3A_617 = arith.index_cast %parallel_loop3A_616 : i32 to index
        %parallel_loop3A_618 = arith.index_cast %parallel_loop3A_601 : i32 to index
        %parallel_loop3A_619 = tpu.vector_load %arg8[%parallel_loop3A_617, %parallel_loop3A_618] {strides = array<i32>} : memref<16x512xf32, #tpu.memory_space<vmem>>, vector<1x16xf32>,
        %parallel_loop3A_620 = vector.shape_cast %parallel_loop3A_619 : vector<1x16xf32> to vector<16xf32>
        %parallel_loop3A_621 = vector.shape_cast %parallel_loop3A_615 : vector<16xf32> to vector<1x16xf32>
        tpu.vector_store %arg8[%parallel_loop3A_617, %parallel_loop3A_618], %parallel_loop3A_621 {add = true, strides = array<i32>} : memref<16x512xf32, #tpu.memory_space<vmem>>, vector<1x16xf32>,
        %parallel_loop3A_622 = arith.addi %squeeze3A_360, %parallel_loop3A_601 : i32
        %parallel_loop3A_623 = arith.index_cast %parallel_loop3A_622 : i32 to index
        %parallel_loop3A_624 = tpu.vector_load %arg6[%parallel_loop3A_623] {strides = array<i32>} : memref<34816xf32, #tpu.memory_space<vmem>>, vector<16xf32>,
        %parallel_loop3A_625 = vector.shape_cast %parallel_loop3A_624 : vector<16xf32> to vector<16xf32>
        %parallel_loop3A_626 = arith.constant 2 : i32
        %parallel_loop3A_627 = arith.index_cast %parallel_loop3A_626 : i32 to index
        %parallel_loop3A_628 = arith.index_cast %parallel_loop3A_601 : i32 to index
        %parallel_loop3A_629 = tpu.vector_load %arg8[%parallel_loop3A_627, %parallel_loop3A_628] {strides = array<i32>} : memref<16x512xf32, #tpu.memory_space<vmem>>, vector<1x16xf32>,
        %parallel_loop3A_630 = vector.shape_cast %parallel_loop3A_629 : vector<1x16xf32> to vector<16xf32>
        %parallel_loop3A_631 = vector.shape_cast %parallel_loop3A_625 : vector<16xf32> to vector<1x16xf32>
        tpu.vector_store %arg8[%parallel_loop3A_627, %parallel_loop3A_628], %parallel_loop3A_631 {add = true, strides = array<i32>} : memref<16x512xf32, #tpu.memory_space<vmem>>, vector<1x16xf32>,
        %parallel_loop3A_632 = arith.addi %squeeze3A_362, %parallel_loop3A_601 : i32
        %parallel_loop3A_633 = arith.index_cast %parallel_loop3A_632 : i32 to index
        %parallel_loop3A_634 = tpu.vector_load %arg6[%parallel_loop3A_633] {strides = array<i32>} : memref<34816xf32, #tpu.memory_space<vmem>>, vector<16xf32>,
        %parallel_loop3A_635 = vector.shape_cast %parallel_loop3A_634 : vector<16xf32> to vector<16xf32>
        %parallel_loop3A_636 = arith.constant 3 : i32
        %parallel_loop3A_637 = arith.index_cast %parallel_loop3A_636 : i32 to index
        %parallel_loop3A_638 = arith.index_cast %parallel_loop3A_601 : i32 to index
        %parallel_loop3A_639 = tpu.vector_load %arg8[%parallel_loop3A_637, %parallel_loop3A_638] {strides = array<i32>} : memref<16x512xf32, #tpu.memory_space<vmem>>, vector<1x16xf32>,
        %parallel_loop3A_640 = vector.shape_cast %parallel_loop3A_639 : vector<1x16xf32> to vector<16xf32>
        %parallel_loop3A_641 = vector.shape_cast %parallel_loop3A_635 : vector<16xf32> to vector<1x16xf32>
        tpu.vector_store %arg8[%parallel_loop3A_637, %parallel_loop3A_638], %parallel_loop3A_641 {add = true, strides = array<i32>} : memref<16x512xf32, #tpu.memory_space<vmem>>, vector<1x16xf32>,
        %parallel_loop3A_642 = arith.addi %squeeze3A_364, %parallel_loop3A_601 : i32
        %parallel_loop3A_643 = arith.index_cast %parallel_loop3A_642 : i32 to index
        %parallel_loop3A_644 = tpu.vector_load %arg6[%parallel_loop3A_643] {strides = array<i32>} : memref<34816xf32, #tpu.memory_space<vmem>>, vector<16xf32>,
        %parallel_loop3A_645 = vector.shape_cast %parallel_loop3A_644 : vector<16xf32> to vector<16xf32>
        %parallel_loop3A_646 = arith.constant 4 : i32
        %parallel_loop3A_647 = arith.index_cast %parallel_loop3A_646 : i32 to index
        %parallel_loop3A_648 = arith.index_cast %parallel_loop3A_601 : i32 to index
        %parallel_loop3A_649 = tpu.vector_load %arg8[%parallel_loop3A_647, %parallel_loop3A_648] {strides = array<i32>} : memref<16x512xf32, #tpu.memory_space<vmem>>, vector<1x16xf32>,
        %parallel_loop3A_650 = vector.shape_cast %parallel_loop3A_649 : vector<1x16xf32> to vector<16xf32>
        %parallel_loop3A_651 = vector.shape_cast %parallel_loop3A_645 : vector<16xf32> to vector<1x16xf32>
        tpu.vector_store %arg8[%parallel_loop3A_647, %parallel_loop3A_648], %parallel_loop3A_651 {add = true, strides = array<i32>} : memref<16x512xf32, #tpu.memory_space<vmem>>, vector<1x16xf32>,
        %parallel_loop3A_652 = arith.addi %squeeze3A_366, %parallel_loop3A_601 : i32
        %parallel_loop3A_653 = arith.index_cast %parallel_loop3A_652 : i32 to index
        %parallel_loop3A_654 = tpu.vector_load %arg6[%parallel_loop3A_653] {strides = array<i32>} : memref<34816xf32, #tpu.memory_space<vmem>>, vector<16xf32>,
        %parallel_loop3A_655 = vector.shape_cast %parallel_loop3A_654 : vector<16xf32> to vector<16xf32>
        %parallel_loop3A_656 = arith.constant 5 : i32
        %parallel_loop3A_657 = arith.index_cast %parallel_loop3A_656 : i32 to index
        %parallel_loop3A_658 = arith.index_cast %parallel_loop3A_601 : i32 to index
        %parallel_loop3A_659 = tpu.vector_load %arg8[%parallel_loop3A_657, %parallel_loop3A_658] {strides = array<i32>} : memref<16x512xf32, #tpu.memory_space<vmem>>, vector<1x16xf32>,
        %parallel_loop3A_660 = vector.shape_cast %parallel_loop3A_659 : vector<1x16xf32> to vector<16xf32>
        %parallel_loop3A_661 = vector.shape_cast %parallel_loop3A_655 : vector<16xf32> to vector<1x16xf32>
        tpu.vector_store %arg8[%parallel_loop3A_657, %parallel_loop3A_658], %parallel_loop3A_661 {add = true, strides = array<i32>} : memref<16x512xf32, #tpu.memory_space<vmem>>, vector<1x16xf32>,
        %parallel_loop3A_662 = arith.addi %squeeze3A_368, %parallel_loop3A_601 : i32
        %parallel_loop3A_663 = arith.index_cast %parallel_loop3A_662 : i32 to index
        %parallel_loop3A_664 = tpu.vector_load %arg6[%parallel_loop3A_663] {strides = array<i32>} : memref<34816xf32, #tpu.memory_space<vmem>>, vector<16xf32>,
        %parallel_loop3A_665 = vector.shape_cast %parallel_loop3A_664 : vector<16xf32> to vector<16xf32>
        %parallel_loop3A_666 = arith.constant 6 : i32
        %parallel_loop3A_667 = arith.index_cast %parallel_loop3A_666 : i32 to index
        %parallel_loop3A_668 = arith.index_cast %parallel_loop3A_601 : i32 to index
        %parallel_loop3A_669 = tpu.vector_load %arg8[%parallel_loop3A_667, %parallel_loop3A_668] {strides = array<i32>} : memref<16x512xf32, #tpu.memory_space<vmem>>, vector<1x16xf32>,
        %parallel_loop3A_670 = vector.shape_cast %parallel_loop3A_669 : vector<1x16xf32> to vector<16xf32>
        %parallel_loop3A_671 = vector.shape_cast %parallel_loop3A_665 : vector<16xf32> to vector<1x16xf32>
        tpu.vector_store %arg8[%parallel_loop3A_667, %parallel_loop3A_668], %parallel_loop3A_671 {add = true, strides = array<i32>} : memref<16x512xf32, #tpu.memory_space<vmem>>, vector<1x16xf32>,
        %parallel_loop3A_672 = arith.addi %squeeze3A_370, %parallel_loop3A_601 : i32
        %parallel_loop3A_673 = arith.index_cast %parallel_loop3A_672 : i32 to index
        %parallel_loop3A_674 = tpu.vector_load %arg6[%parallel_loop3A_673] {strides = array<i32>} : memref<34816xf32, #tpu.memory_space<vmem>>, vector<16xf32>,
        %parallel_loop3A_675 = vector.shape_cast %parallel_loop3A_674 : vector<16xf32> to vector<16xf32>
        %parallel_loop3A_676 = arith.constant 7 : i32
        %parallel_loop3A_677 = arith.index_cast %parallel_loop3A_676 : i32 to index
        %parallel_loop3A_678 = arith.index_cast %parallel_loop3A_601 : i32 to index
        %parallel_loop3A_679 = tpu.vector_load %arg8[%parallel_loop3A_677, %parallel_loop3A_678] {strides = array<i32>} : memref<16x512xf32, #tpu.memory_space<vmem>>, vector<1x16xf32>,
        %parallel_loop3A_680 = vector.shape_cast %parallel_loop3A_679 : vector<1x16xf32> to vector<16xf32>
        %parallel_loop3A_681 = vector.shape_cast %parallel_loop3A_675 : vector<16xf32> to vector<1x16xf32>
        tpu.vector_store %arg8[%parallel_loop3A_677, %parallel_loop3A_678], %parallel_loop3A_681 {add = true, strides = array<i32>} : memref<16x512xf32, #tpu.memory_space<vmem>>, vector<1x16xf32>,
        %parallel_loop3A_682 = arith.addi %squeeze3A_372, %parallel_loop3A_601 : i32
        %parallel_loop3A_683 = arith.index_cast %parallel_loop3A_682 : i32 to index
        %parallel_loop3A_684 = tpu.vector_load %arg6[%parallel_loop3A_683] {strides = array<i32>} : memref<34816xf32, #tpu.memory_space<vmem>>, vector<16xf32>,
        %parallel_loop3A_685 = vector.shape_cast %parallel_loop3A_684 : vector<16xf32> to vector<16xf32>
        %parallel_loop3A_686 = arith.constant 8 : i32
        %parallel_loop3A_687 = arith.index_cast %parallel_loop3A_686 : i32 to index
        %parallel_loop3A_688 = arith.index_cast %parallel_loop3A_601 : i32 to index
        %parallel_loop3A_689 = tpu.vector_load %arg8[%parallel_loop3A_687, %parallel_loop3A_688] {strides = array<i32>} : memref<16x512xf32, #tpu.memory_space<vmem>>, vector<1x16xf32>,
        %parallel_loop3A_690 = vector.shape_cast %parallel_loop3A_689 : vector<1x16xf32> to vector<16xf32>
        %parallel_loop3A_691 = vector.shape_cast %parallel_loop3A_685 : vector<16xf32> to vector<1x16xf32>
        tpu.vector_store %arg8[%parallel_loop3A_687, %parallel_loop3A_688], %parallel_loop3A_691 {add = true, strides = array<i32>} : memref<16x512xf32, #tpu.memory_space<vmem>>, vector<1x16xf32>,
        %parallel_loop3A_692 = arith.addi %squeeze3A_374, %parallel_loop3A_601 : i32
        %parallel_loop3A_693 = arith.index_cast %parallel_loop3A_692 : i32 to index
        %parallel_loop3A_694 = tpu.vector_load %arg6[%parallel_loop3A_693] {strides = array<i32>} : memref<34816xf32, #tpu.memory_space<vmem>>, vector<16xf32>,
        %parallel_loop3A_695 = vector.shape_cast %parallel_loop3A_694 : vector<16xf32> to vector<16xf32>
        %parallel_loop3A_696 = arith.constant 9 : i32
        %parallel_loop3A_697 = arith.index_cast %parallel_loop3A_696 : i32 to index
        %parallel_loop3A_698 = arith.index_cast %parallel_loop3A_601 : i32 to index
        %parallel_loop3A_699 = tpu.vector_load %arg8[%parallel_loop3A_697, %parallel_loop3A_698] {strides = array<i32>} : memref<16x512xf32, #tpu.memory_space<vmem>>, vector<1x16xf32>,
        %parallel_loop3A_700 = vector.shape_cast %parallel_loop3A_699 : vector<1x16xf32> to vector<16xf32>
        %parallel_loop3A_701 = vector.shape_cast %parallel_loop3A_695 : vector<16xf32> to vector<1x16xf32>
        tpu.vector_store %arg8[%parallel_loop3A_697, %parallel_loop3A_698], %parallel_loop3A_701 {add = true, strides = array<i32>} : memref<16x512xf32, #tpu.memory_space<vmem>>, vector<1x16xf32>,
        %parallel_loop3A_702 = arith.addi %squeeze3A_376, %parallel_loop3A_601 : i32
        %parallel_loop3A_703 = arith.index_cast %parallel_loop3A_702 : i32 to index
        %parallel_loop3A_704 = tpu.vector_load %arg6[%parallel_loop3A_703] {strides = array<i32>} : memref<34816xf32, #tpu.memory_space<vmem>>, vector<16xf32>,
        %parallel_loop3A_705 = vector.shape_cast %parallel_loop3A_704 : vector<16xf32> to vector<16xf32>
        %parallel_loop3A_706 = arith.constant 10 : i32
        %parallel_loop3A_707 = arith.index_cast %parallel_loop3A_706 : i32 to index
        %parallel_loop3A_708 = arith.index_cast %parallel_loop3A_601 : i32 to index
        %parallel_loop3A_709 = tpu.vector_load %arg8[%parallel_loop3A_707, %parallel_loop3A_708] {strides = array<i32>} : memref<16x512xf32, #tpu.memory_space<vmem>>, vector<1x16xf32>,
        %parallel_loop3A_710 = vector.shape_cast %parallel_loop3A_709 : vector<1x16xf32> to vector<16xf32>
        %parallel_loop3A_711 = vector.shape_cast %parallel_loop3A_705 : vector<16xf32> to vector<1x16xf32>
        tpu.vector_store %arg8[%parallel_loop3A_707, %parallel_loop3A_708], %parallel_loop3A_711 {add = true, strides = array<i32>} : memref<16x512xf32, #tpu.memory_space<vmem>>, vector<1x16xf32>,
        %parallel_loop3A_712 = arith.addi %squeeze3A_378, %parallel_loop3A_601 : i32
        %parallel_loop3A_713 = arith.index_cast %parallel_loop3A_712 : i32 to index
        %parallel_loop3A_714 = tpu.vector_load %arg6[%parallel_loop3A_713] {strides = array<i32>} : memref<34816xf32, #tpu.memory_space<vmem>>, vector<16xf32>,
        %parallel_loop3A_715 = vector.shape_cast %parallel_loop3A_714 : vector<16xf32> to vector<16xf32>
        %parallel_loop3A_716 = arith.constant 11 : i32
        %parallel_loop3A_717 = arith.index_cast %parallel_loop3A_716 : i32 to index
        %parallel_loop3A_718 = arith.index_cast %parallel_loop3A_601 : i32 to index
        %parallel_loop3A_719 = tpu.vector_load %arg8[%parallel_loop3A_717, %parallel_loop3A_718] {strides = array<i32>} : memref<16x512xf32, #tpu.memory_space<vmem>>, vector<1x16xf32>,
        %parallel_loop3A_720 = vector.shape_cast %parallel_loop3A_719 : vector<1x16xf32> to vector<16xf32>
        %parallel_loop3A_721 = vector.shape_cast %parallel_loop3A_715 : vector<16xf32> to vector<1x16xf32>
        tpu.vector_store %arg8[%parallel_loop3A_717, %parallel_loop3A_718], %parallel_loop3A_721 {add = true, strides = array<i32>} : memref<16x512xf32, #tpu.memory_space<vmem>>, vector<1x16xf32>,
        %parallel_loop3A_722 = arith.addi %squeeze3A_380, %parallel_loop3A_601 : i32
        %parallel_loop3A_723 = arith.index_cast %parallel_loop3A_722 : i32 to index
        %parallel_loop3A_724 = tpu.vector_load %arg6[%parallel_loop3A_723] {strides = array<i32>} : memref<34816xf32, #tpu.memory_space<vmem>>, vector<16xf32>,
        %parallel_loop3A_725 = vector.shape_cast %parallel_loop3A_724 : vector<16xf32> to vector<16xf32>
        %parallel_loop3A_726 = arith.constant 12 : i32
        %parallel_loop3A_727 = arith.index_cast %parallel_loop3A_726 : i32 to index
        %parallel_loop3A_728 = arith.index_cast %parallel_loop3A_601 : i32 to index
        %parallel_loop3A_729 = tpu.vector_load %arg8[%parallel_loop3A_727, %parallel_loop3A_728] {strides = array<i32>} : memref<16x512xf32, #tpu.memory_space<vmem>>, vector<1x16xf32>,
        %parallel_loop3A_730 = vector.shape_cast %parallel_loop3A_729 : vector<1x16xf32> to vector<16xf32>
        %parallel_loop3A_731 = vector.shape_cast %parallel_loop3A_725 : vector<16xf32> to vector<1x16xf32>
        tpu.vector_store %arg8[%parallel_loop3A_727, %parallel_loop3A_728], %parallel_loop3A_731 {add = true, strides = array<i32>} : memref<16x512xf32, #tpu.memory_space<vmem>>, vector<1x16xf32>,
        %parallel_loop3A_732 = arith.addi %squeeze3A_382, %parallel_loop3A_601 : i32
        %parallel_loop3A_733 = arith.index_cast %parallel_loop3A_732 : i32 to index
        %parallel_loop3A_734 = tpu.vector_load %arg6[%parallel_loop3A_733] {strides = array<i32>} : memref<34816xf32, #tpu.memory_space<vmem>>, vector<16xf32>,
        %parallel_loop3A_735 = vector.shape_cast %parallel_loop3A_734 : vector<16xf32> to vector<16xf32>
        %parallel_loop3A_736 = arith.constant 13 : i32
        %parallel_loop3A_737 = arith.index_cast %parallel_loop3A_736 : i32 to index
        %parallel_loop3A_738 = arith.index_cast %parallel_loop3A_601 : i32 to index
        %parallel_loop3A_739 = tpu.vector_load %arg8[%parallel_loop3A_737, %parallel_loop3A_738] {strides = array<i32>} : memref<16x512xf32, #tpu.memory_space<vmem>>, vector<1x16xf32>,
        %parallel_loop3A_740 = vector.shape_cast %parallel_loop3A_739 : vector<1x16xf32> to vector<16xf32>
        %parallel_loop3A_741 = vector.shape_cast %parallel_loop3A_735 : vector<16xf32> to vector<1x16xf32>
        tpu.vector_store %arg8[%parallel_loop3A_737, %parallel_loop3A_738], %parallel_loop3A_741 {add = true, strides = array<i32>} : memref<16x512xf32, #tpu.memory_space<vmem>>, vector<1x16xf32>,
        %parallel_loop3A_742 = arith.addi %squeeze3A_384, %parallel_loop3A_601 : i32
        %parallel_loop3A_743 = arith.index_cast %parallel_loop3A_742 : i32 to index
        %parallel_loop3A_744 = tpu.vector_load %arg6[%parallel_loop3A_743] {strides = array<i32>} : memref<34816xf32, #tpu.memory_space<vmem>>, vector<16xf32>,
        %parallel_loop3A_745 = vector.shape_cast %parallel_loop3A_744 : vector<16xf32> to vector<16xf32>
        %parallel_loop3A_746 = arith.constant 14 : i32
        %parallel_loop3A_747 = arith.index_cast %parallel_loop3A_746 : i32 to index
        %parallel_loop3A_748 = arith.index_cast %parallel_loop3A_601 : i32 to index
        %parallel_loop3A_749 = tpu.vector_load %arg8[%parallel_loop3A_747, %parallel_loop3A_748] {strides = array<i32>} : memref<16x512xf32, #tpu.memory_space<vmem>>, vector<1x16xf32>,
        %parallel_loop3A_750 = vector.shape_cast %parallel_loop3A_749 : vector<1x16xf32> to vector<16xf32>
        %parallel_loop3A_751 = vector.shape_cast %parallel_loop3A_745 : vector<16xf32> to vector<1x16xf32>
        tpu.vector_store %arg8[%parallel_loop3A_747, %parallel_loop3A_748], %parallel_loop3A_751 {add = true, strides = array<i32>} : memref<16x512xf32, #tpu.memory_space<vmem>>, vector<1x16xf32>,
        %parallel_loop3A_752 = arith.addi %squeeze3A_386, %parallel_loop3A_601 : i32
        %parallel_loop3A_753 = arith.index_cast %parallel_loop3A_752 : i32 to index
        %parallel_loop3A_754 = tpu.vector_load %arg6[%parallel_loop3A_753] {strides = array<i32>} : memref<34816xf32, #tpu.memory_space<vmem>>, vector<16xf32>,
        %parallel_loop3A_755 = vector.shape_cast %parallel_loop3A_754 : vector<16xf32> to vector<16xf32>
        %parallel_loop3A_756 = arith.constant 15 : i32
        %parallel_loop3A_757 = arith.index_cast %parallel_loop3A_756 : i32 to index
        %parallel_loop3A_758 = arith.index_cast %parallel_loop3A_601 : i32 to index
        %parallel_loop3A_759 = tpu.vector_load %arg8[%parallel_loop3A_757, %parallel_loop3A_758] {strides = array<i32>} : memref<16x512xf32, #tpu.memory_space<vmem>>, vector<1x16xf32>,
        %parallel_loop3A_760 = vector.shape_cast %parallel_loop3A_759 : vector<1x16xf32> to vector<16xf32>
        %parallel_loop3A_761 = vector.shape_cast %parallel_loop3A_755 : vector<16xf32> to vector<1x16xf32>
        tpu.vector_store %arg8[%parallel_loop3A_757, %parallel_loop3A_758], %parallel_loop3A_761 {add = true, strides = array<i32>} : memref<16x512xf32, #tpu.memory_space<vmem>>, vector<1x16xf32>,
      } {sc.loop_unroll_factor = 1 : i64, sc.parallel_access}
      %add3A_390 = arith.constant 0 : i32
      %add3A_391 = arith.addi %mul3A_2, %add3A_390 : i32
      %dma_start3A_392 = arith.constant 0 : i32
      %dma_start3A_393 = tpu.memref_slice %arg5[%add3A_69, %add3A_391, %dma_start3A_392] : memref<64x2048x512xf32, #tpu.memory_space<hbm>> -> memref<1x16x512xf32, #tpu.memory_space<hbm>>
      %dma_start3A_394 = tpu.memref_squeeze %dma_start3A_393 : memref<1x16x512xf32, #tpu.memory_space<hbm>> -> memref<16x512xf32, #tpu.memory_space<hbm>>
      %dma_start3A_395 = arith.constant 0 : i32
      %dma_start3A_396 = tpu.memref_slice %arg5[%add3A_69, %add3A_391, %dma_start3A_395] : memref<64x2048x512xf32, #tpu.memory_space<hbm>> -> memref<1x16x512xf32, #tpu.memory_space<hbm>>
      %dma_start3A_397 = tpu.memref_squeeze %dma_start3A_396 : memref<1x16x512xf32, #tpu.memory_space<hbm>> -> memref<16x512xf32, #tpu.memory_space<hbm>>
      tpu.enqueue_dma source(%arg8 : memref<16x512xf32, #tpu.memory_space<vmem>>) target(%dma_start3A_397 : memref<16x512xf32, #tpu.memory_space<hbm>>) target_semaphore(%arg14 : memref<!tpu.dma_semaphore, #tpu.memory_space<semaphore_mem>>)
      %gt3A_398 = arith.constant 0 : i32
      %gt3A_399 = arith.cmpi sgt, %add3A_69, %gt3A_398 : i32
      %convert_element_type3A_400 = arith.extui %gt3A_399 : i1 to i32
      %cond3A_401 = arith.constant 0 : i32
      %cond3A_402 = arith.cmpi ne, %convert_element_type3A_400, %cond3A_401 : i32
      scf.if %cond3A_402 {
        %dma_wait3A_599 = arith.constant 0 : i32
        %dma_wait3A_600 = arith.constant 0 : i32
        %dma_wait3A_601 = arith.constant 0 : i32
        %dma_wait3A_602 = tpu.memref_slice %arg5[%dma_wait3A_599, %dma_wait3A_600, %dma_wait3A_601] : memref<64x2048x512xf32, #tpu.memory_space<hbm>> -> memref<1x16x512xf32, #tpu.memory_space<hbm>>
        %dma_wait3A_603 = tpu.memref_squeeze %dma_wait3A_602 : memref<1x16x512xf32, #tpu.memory_space<hbm>> -> memref<16x512xf32, #tpu.memory_space<hbm>>
        %dma_wait3A_604 = arith.constant 0 : i32
        %dma_wait3A_605 = arith.constant 0 : i32
        %dma_wait3A_606 = tpu.memref_slice %arg5[%dma_wait3A_599, %dma_wait3A_604, %dma_wait3A_605] : memref<64x2048x512xf32, #tpu.memory_space<hbm>> -> memref<1x16x512xf32, #tpu.memory_space<hbm>>
        %dma_wait3A_607 = tpu.memref_squeeze %dma_wait3A_606 : memref<1x16x512xf32, #tpu.memory_space<hbm>> -> memref<16x512xf32, #tpu.memory_space<hbm>>
        tpu.wait_dma2 semaphore(%arg16 : memref<!tpu.dma_semaphore, #tpu.memory_space<semaphore_mem>>) src(%arg10 : memref<16x512xf32, #tpu.memory_space<vmem>>) dst(%dma_wait3A_607 : memref<16x512xf32, #tpu.memory_space<hbm>>)
      } else {
      }
      %mul3A_403 = arith.constant 64 : i32
      %mul3A_404 = arith.muli %arg1, %mul3A_403 : i32
      %add3A_405 = arith.constant 32 : i32
      %add3A_406 = arith.addi %mul3A_404, %add3A_405 : i32
      %dma_start3A_407 = arith.constant 0 : i32
      %dma_start3A_408 = tpu.memref_slice %arg7[%add3A_406, %dma_start3A_407] : memref<1024x512xf32, #tpu.memory_space<vmem_shared>> -> memref<16x512xf32, #tpu.memory_space<vmem_shared>>
      %dma_start3A_409 = arith.constant 0 : i32
      %dma_start3A_410 = tpu.memref_slice %arg7[%add3A_406, %dma_start3A_409] : memref<1024x512xf32, #tpu.memory_space<vmem_shared>> -> memref<16x512xf32, #tpu.memory_space<vmem_shared>>
      tpu.enqueue_dma source(%dma_start3A_410 : memref<16x512xf32, #tpu.memory_space<vmem_shared>>) target(%arg10 : memref<16x512xf32, #tpu.memory_space<vmem>>) target_semaphore(%arg20 : memref<!tpu.dma_semaphore, #tpu.memory_space<semaphore_mem>>)
      %dma_wait3A_411 = arith.constant 0 : i32
      %dma_wait3A_412 = arith.constant 0 : i32
      %dma_wait3A_413 = tpu.memref_slice %arg7[%dma_wait3A_411, %dma_wait3A_412] : memref<1024x512xf32, #tpu.memory_space<vmem_shared>> -> memref<16x512xf32, #tpu.memory_space<vmem_shared>>
      %dma_wait3A_414 = arith.constant 0 : i32
      %dma_wait3A_415 = arith.constant 0 : i32
      %dma_wait3A_416 = tpu.memref_slice %arg7[%dma_wait3A_414, %dma_wait3A_415] : memref<1024x512xf32, #tpu.memory_space<vmem_shared>> -> memref<16x512xf32, #tpu.memory_space<vmem_shared>>
      tpu.wait_dma2 semaphore(%arg19 : memref<!tpu.dma_semaphore, #tpu.memory_space<semaphore_mem>>) src(%dma_wait3A_416 : memref<16x512xf32, #tpu.memory_space<vmem_shared>>) dst(%arg9 : memref<16x512xf32, #tpu.memory_space<vmem>>)
      %get3A_417 = arith.constant 16 : index
      %get3A_418 = tpu.vector_load %arg13[%get3A_417] {strides = array<i32>} : memref<64xi32, #tpu.memory_space<vmem>>, vector<16xi32>,
      %get3A_419 = vector.shape_cast %get3A_418 : vector<16xi32> to vector<16xi32>
      %mul3A_420 = arith.constant 512 : i32
      %mul3A_421 = vector.broadcast %mul3A_420 : i32 to vector<16xi32>
      %mul3A_422 = arith.muli %get3A_419, %mul3A_421 : vector<16xi32>
      %slice3A_423 = vector.extract_strided_slice %mul3A_422 {offsets = [0], sizes = [1], strides = [1]} : vector<16xi32> to vector<1xi32>
      %squeeze3A_424 = vector.extract %slice3A_423[0] : i32 from vector<1xi32>
      %slice3A_425 = vector.extract_strided_slice %mul3A_422 {offsets = [1], sizes = [1], strides = [1]} : vector<16xi32> to vector<1xi32>
      %squeeze3A_426 = vector.extract %slice3A_425[0] : i32 from vector<1xi32>
      %slice3A_427 = vector.extract_strided_slice %mul3A_422 {offsets = [2], sizes = [1], strides = [1]} : vector<16xi32> to vector<1xi32>
      %squeeze3A_428 = vector.extract %slice3A_427[0] : i32 from vector<1xi32>
      %slice3A_429 = vector.extract_strided_slice %mul3A_422 {offsets = [3], sizes = [1], strides = [1]} : vector<16xi32> to vector<1xi32>
      %squeeze3A_430 = vector.extract %slice3A_429[0] : i32 from vector<1xi32>
      %slice3A_431 = vector.extract_strided_slice %mul3A_422 {offsets = [4], sizes = [1], strides = [1]} : vector<16xi32> to vector<1xi32>
      %squeeze3A_432 = vector.extract %slice3A_431[0] : i32 from vector<1xi32>
      %slice3A_433 = vector.extract_strided_slice %mul3A_422 {offsets = [5], sizes = [1], strides = [1]} : vector<16xi32> to vector<1xi32>
      %squeeze3A_434 = vector.extract %slice3A_433[0] : i32 from vector<1xi32>
      %slice3A_435 = vector.extract_strided_slice %mul3A_422 {offsets = [6], sizes = [1], strides = [1]} : vector<16xi32> to vector<1xi32>
      %squeeze3A_436 = vector.extract %slice3A_435[0] : i32 from vector<1xi32>
      %slice3A_437 = vector.extract_strided_slice %mul3A_422 {offsets = [7], sizes = [1], strides = [1]} : vector<16xi32> to vector<1xi32>
      %squeeze3A_438 = vector.extract %slice3A_437[0] : i32 from vector<1xi32>
      %slice3A_439 = vector.extract_strided_slice %mul3A_422 {offsets = [8], sizes = [1], strides = [1]} : vector<16xi32> to vector<1xi32>
      %squeeze3A_440 = vector.extract %slice3A_439[0] : i32 from vector<1xi32>
      %slice3A_441 = vector.extract_strided_slice %mul3A_422 {offsets = [9], sizes = [1], strides = [1]} : vector<16xi32> to vector<1xi32>
      %squeeze3A_442 = vector.extract %slice3A_441[0] : i32 from vector<1xi32>
      %slice3A_443 = vector.extract_strided_slice %mul3A_422 {offsets = [10], sizes = [1], strides = [1]} : vector<16xi32> to vector<1xi32>
      %squeeze3A_444 = vector.extract %slice3A_443[0] : i32 from vector<1xi32>
      %slice3A_445 = vector.extract_strided_slice %mul3A_422 {offsets = [11], sizes = [1], strides = [1]} : vector<16xi32> to vector<1xi32>
      %squeeze3A_446 = vector.extract %slice3A_445[0] : i32 from vector<1xi32>
      %slice3A_447 = vector.extract_strided_slice %mul3A_422 {offsets = [12], sizes = [1], strides = [1]} : vector<16xi32> to vector<1xi32>
      %squeeze3A_448 = vector.extract %slice3A_447[0] : i32 from vector<1xi32>
      %slice3A_449 = vector.extract_strided_slice %mul3A_422 {offsets = [13], sizes = [1], strides = [1]} : vector<16xi32> to vector<1xi32>
      %squeeze3A_450 = vector.extract %slice3A_449[0] : i32 from vector<1xi32>
      %slice3A_451 = vector.extract_strided_slice %mul3A_422 {offsets = [14], sizes = [1], strides = [1]} : vector<16xi32> to vector<1xi32>
      %squeeze3A_452 = vector.extract %slice3A_451[0] : i32 from vector<1xi32>
      %slice3A_453 = vector.extract_strided_slice %mul3A_422 {offsets = [15], sizes = [1], strides = [1]} : vector<16xi32> to vector<1xi32>
      %squeeze3A_454 = vector.extract %slice3A_453[0] : i32 from vector<1xi32>
      %parallel_loop3A_455 = arith.constant 0 : i32
      %parallel_loop3A_456 = arith.constant 32 : i32
      %parallel_loop3A_457 = arith.constant 1 : i32
      scf.for %parallel_loop3A_599 = %parallel_loop3A_455 to %parallel_loop3A_456 step %parallel_loop3A_457  : i32 {
        %parallel_loop3A_600 = arith.constant 16 : i32
        %parallel_loop3A_601 = arith.muli %parallel_loop3A_599, %parallel_loop3A_600 : i32
        %parallel_loop3A_602 = arith.addi %squeeze3A_424, %parallel_loop3A_601 : i32
        %parallel_loop3A_603 = arith.index_cast %parallel_loop3A_602 : i32 to index
        %parallel_loop3A_604 = tpu.vector_load %arg6[%parallel_loop3A_603] {strides = array<i32>} : memref<34816xf32, #tpu.memory_space<vmem>>, vector<16xf32>,
        %parallel_loop3A_605 = vector.shape_cast %parallel_loop3A_604 : vector<16xf32> to vector<16xf32>
        %parallel_loop3A_606 = arith.constant 0 : i32
        %parallel_loop3A_607 = arith.index_cast %parallel_loop3A_606 : i32 to index
        %parallel_loop3A_608 = arith.index_cast %parallel_loop3A_601 : i32 to index
        %parallel_loop3A_609 = tpu.vector_load %arg9[%parallel_loop3A_607, %parallel_loop3A_608] {strides = array<i32>} : memref<16x512xf32, #tpu.memory_space<vmem>>, vector<1x16xf32>,
        %parallel_loop3A_610 = vector.shape_cast %parallel_loop3A_609 : vector<1x16xf32> to vector<16xf32>
        %parallel_loop3A_611 = vector.shape_cast %parallel_loop3A_605 : vector<16xf32> to vector<1x16xf32>
        tpu.vector_store %arg9[%parallel_loop3A_607, %parallel_loop3A_608], %parallel_loop3A_611 {add = true, strides = array<i32>} : memref<16x512xf32, #tpu.memory_space<vmem>>, vector<1x16xf32>,
        %parallel_loop3A_612 = arith.addi %squeeze3A_426, %parallel_loop3A_601 : i32
        %parallel_loop3A_613 = arith.index_cast %parallel_loop3A_612 : i32 to index
        %parallel_loop3A_614 = tpu.vector_load %arg6[%parallel_loop3A_613] {strides = array<i32>} : memref<34816xf32, #tpu.memory_space<vmem>>, vector<16xf32>,
        %parallel_loop3A_615 = vector.shape_cast %parallel_loop3A_614 : vector<16xf32> to vector<16xf32>
        %parallel_loop3A_616 = arith.constant 1 : i32
        %parallel_loop3A_617 = arith.index_cast %parallel_loop3A_616 : i32 to index
        %parallel_loop3A_618 = arith.index_cast %parallel_loop3A_601 : i32 to index
        %parallel_loop3A_619 = tpu.vector_load %arg9[%parallel_loop3A_617, %parallel_loop3A_618] {strides = array<i32>} : memref<16x512xf32, #tpu.memory_space<vmem>>, vector<1x16xf32>,
        %parallel_loop3A_620 = vector.shape_cast %parallel_loop3A_619 : vector<1x16xf32> to vector<16xf32>
        %parallel_loop3A_621 = vector.shape_cast %parallel_loop3A_615 : vector<16xf32> to vector<1x16xf32>
        tpu.vector_store %arg9[%parallel_loop3A_617, %parallel_loop3A_618], %parallel_loop3A_621 {add = true, strides = array<i32>} : memref<16x512xf32, #tpu.memory_space<vmem>>, vector<1x16xf32>,
        %parallel_loop3A_622 = arith.addi %squeeze3A_428, %parallel_loop3A_601 : i32
        %parallel_loop3A_623 = arith.index_cast %parallel_loop3A_622 : i32 to index
        %parallel_loop3A_624 = tpu.vector_load %arg6[%parallel_loop3A_623] {strides = array<i32>} : memref<34816xf32, #tpu.memory_space<vmem>>, vector<16xf32>,
        %parallel_loop3A_625 = vector.shape_cast %parallel_loop3A_624 : vector<16xf32> to vector<16xf32>
        %parallel_loop3A_626 = arith.constant 2 : i32
        %parallel_loop3A_627 = arith.index_cast %parallel_loop3A_626 : i32 to index
        %parallel_loop3A_628 = arith.index_cast %parallel_loop3A_601 : i32 to index
        %parallel_loop3A_629 = tpu.vector_load %arg9[%parallel_loop3A_627, %parallel_loop3A_628] {strides = array<i32>} : memref<16x512xf32, #tpu.memory_space<vmem>>, vector<1x16xf32>,
        %parallel_loop3A_630 = vector.shape_cast %parallel_loop3A_629 : vector<1x16xf32> to vector<16xf32>
        %parallel_loop3A_631 = vector.shape_cast %parallel_loop3A_625 : vector<16xf32> to vector<1x16xf32>
        tpu.vector_store %arg9[%parallel_loop3A_627, %parallel_loop3A_628], %parallel_loop3A_631 {add = true, strides = array<i32>} : memref<16x512xf32, #tpu.memory_space<vmem>>, vector<1x16xf32>,
        %parallel_loop3A_632 = arith.addi %squeeze3A_430, %parallel_loop3A_601 : i32
        %parallel_loop3A_633 = arith.index_cast %parallel_loop3A_632 : i32 to index
        %parallel_loop3A_634 = tpu.vector_load %arg6[%parallel_loop3A_633] {strides = array<i32>} : memref<34816xf32, #tpu.memory_space<vmem>>, vector<16xf32>,
        %parallel_loop3A_635 = vector.shape_cast %parallel_loop3A_634 : vector<16xf32> to vector<16xf32>
        %parallel_loop3A_636 = arith.constant 3 : i32
        %parallel_loop3A_637 = arith.index_cast %parallel_loop3A_636 : i32 to index
        %parallel_loop3A_638 = arith.index_cast %parallel_loop3A_601 : i32 to index
        %parallel_loop3A_639 = tpu.vector_load %arg9[%parallel_loop3A_637, %parallel_loop3A_638] {strides = array<i32>} : memref<16x512xf32, #tpu.memory_space<vmem>>, vector<1x16xf32>,
        %parallel_loop3A_640 = vector.shape_cast %parallel_loop3A_639 : vector<1x16xf32> to vector<16xf32>
        %parallel_loop3A_641 = vector.shape_cast %parallel_loop3A_635 : vector<16xf32> to vector<1x16xf32>
        tpu.vector_store %arg9[%parallel_loop3A_637, %parallel_loop3A_638], %parallel_loop3A_641 {add = true, strides = array<i32>} : memref<16x512xf32, #tpu.memory_space<vmem>>, vector<1x16xf32>,
        %parallel_loop3A_642 = arith.addi %squeeze3A_432, %parallel_loop3A_601 : i32
        %parallel_loop3A_643 = arith.index_cast %parallel_loop3A_642 : i32 to index
        %parallel_loop3A_644 = tpu.vector_load %arg6[%parallel_loop3A_643] {strides = array<i32>} : memref<34816xf32, #tpu.memory_space<vmem>>, vector<16xf32>,
        %parallel_loop3A_645 = vector.shape_cast %parallel_loop3A_644 : vector<16xf32> to vector<16xf32>
        %parallel_loop3A_646 = arith.constant 4 : i32
        %parallel_loop3A_647 = arith.index_cast %parallel_loop3A_646 : i32 to index
        %parallel_loop3A_648 = arith.index_cast %parallel_loop3A_601 : i32 to index
        %parallel_loop3A_649 = tpu.vector_load %arg9[%parallel_loop3A_647, %parallel_loop3A_648] {strides = array<i32>} : memref<16x512xf32, #tpu.memory_space<vmem>>, vector<1x16xf32>,
        %parallel_loop3A_650 = vector.shape_cast %parallel_loop3A_649 : vector<1x16xf32> to vector<16xf32>
        %parallel_loop3A_651 = vector.shape_cast %parallel_loop3A_645 : vector<16xf32> to vector<1x16xf32>
        tpu.vector_store %arg9[%parallel_loop3A_647, %parallel_loop3A_648], %parallel_loop3A_651 {add = true, strides = array<i32>} : memref<16x512xf32, #tpu.memory_space<vmem>>, vector<1x16xf32>,
        %parallel_loop3A_652 = arith.addi %squeeze3A_434, %parallel_loop3A_601 : i32
        %parallel_loop3A_653 = arith.index_cast %parallel_loop3A_652 : i32 to index
        %parallel_loop3A_654 = tpu.vector_load %arg6[%parallel_loop3A_653] {strides = array<i32>} : memref<34816xf32, #tpu.memory_space<vmem>>, vector<16xf32>,
        %parallel_loop3A_655 = vector.shape_cast %parallel_loop3A_654 : vector<16xf32> to vector<16xf32>
        %parallel_loop3A_656 = arith.constant 5 : i32
        %parallel_loop3A_657 = arith.index_cast %parallel_loop3A_656 : i32 to index
        %parallel_loop3A_658 = arith.index_cast %parallel_loop3A_601 : i32 to index
        %parallel_loop3A_659 = tpu.vector_load %arg9[%parallel_loop3A_657, %parallel_loop3A_658] {strides = array<i32>} : memref<16x512xf32, #tpu.memory_space<vmem>>, vector<1x16xf32>,
        %parallel_loop3A_660 = vector.shape_cast %parallel_loop3A_659 : vector<1x16xf32> to vector<16xf32>
        %parallel_loop3A_661 = vector.shape_cast %parallel_loop3A_655 : vector<16xf32> to vector<1x16xf32>
        tpu.vector_store %arg9[%parallel_loop3A_657, %parallel_loop3A_658], %parallel_loop3A_661 {add = true, strides = array<i32>} : memref<16x512xf32, #tpu.memory_space<vmem>>, vector<1x16xf32>,
        %parallel_loop3A_662 = arith.addi %squeeze3A_436, %parallel_loop3A_601 : i32
        %parallel_loop3A_663 = arith.index_cast %parallel_loop3A_662 : i32 to index
        %parallel_loop3A_664 = tpu.vector_load %arg6[%parallel_loop3A_663] {strides = array<i32>} : memref<34816xf32, #tpu.memory_space<vmem>>, vector<16xf32>,
        %parallel_loop3A_665 = vector.shape_cast %parallel_loop3A_664 : vector<16xf32> to vector<16xf32>
        %parallel_loop3A_666 = arith.constant 6 : i32
        %parallel_loop3A_667 = arith.index_cast %parallel_loop3A_666 : i32 to index
        %parallel_loop3A_668 = arith.index_cast %parallel_loop3A_601 : i32 to index
        %parallel_loop3A_669 = tpu.vector_load %arg9[%parallel_loop3A_667, %parallel_loop3A_668] {strides = array<i32>} : memref<16x512xf32, #tpu.memory_space<vmem>>, vector<1x16xf32>,
        %parallel_loop3A_670 = vector.shape_cast %parallel_loop3A_669 : vector<1x16xf32> to vector<16xf32>
        %parallel_loop3A_671 = vector.shape_cast %parallel_loop3A_665 : vector<16xf32> to vector<1x16xf32>
        tpu.vector_store %arg9[%parallel_loop3A_667, %parallel_loop3A_668], %parallel_loop3A_671 {add = true, strides = array<i32>} : memref<16x512xf32, #tpu.memory_space<vmem>>, vector<1x16xf32>,
        %parallel_loop3A_672 = arith.addi %squeeze3A_438, %parallel_loop3A_601 : i32
        %parallel_loop3A_673 = arith.index_cast %parallel_loop3A_672 : i32 to index
        %parallel_loop3A_674 = tpu.vector_load %arg6[%parallel_loop3A_673] {strides = array<i32>} : memref<34816xf32, #tpu.memory_space<vmem>>, vector<16xf32>,
        %parallel_loop3A_675 = vector.shape_cast %parallel_loop3A_674 : vector<16xf32> to vector<16xf32>
        %parallel_loop3A_676 = arith.constant 7 : i32
        %parallel_loop3A_677 = arith.index_cast %parallel_loop3A_676 : i32 to index
        %parallel_loop3A_678 = arith.index_cast %parallel_loop3A_601 : i32 to index
        %parallel_loop3A_679 = tpu.vector_load %arg9[%parallel_loop3A_677, %parallel_loop3A_678] {strides = array<i32>} : memref<16x512xf32, #tpu.memory_space<vmem>>, vector<1x16xf32>,
        %parallel_loop3A_680 = vector.shape_cast %parallel_loop3A_679 : vector<1x16xf32> to vector<16xf32>
        %parallel_loop3A_681 = vector.shape_cast %parallel_loop3A_675 : vector<16xf32> to vector<1x16xf32>
        tpu.vector_store %arg9[%parallel_loop3A_677, %parallel_loop3A_678], %parallel_loop3A_681 {add = true, strides = array<i32>} : memref<16x512xf32, #tpu.memory_space<vmem>>, vector<1x16xf32>,
        %parallel_loop3A_682 = arith.addi %squeeze3A_440, %parallel_loop3A_601 : i32
        %parallel_loop3A_683 = arith.index_cast %parallel_loop3A_682 : i32 to index
        %parallel_loop3A_684 = tpu.vector_load %arg6[%parallel_loop3A_683] {strides = array<i32>} : memref<34816xf32, #tpu.memory_space<vmem>>, vector<16xf32>,
        %parallel_loop3A_685 = vector.shape_cast %parallel_loop3A_684 : vector<16xf32> to vector<16xf32>
        %parallel_loop3A_686 = arith.constant 8 : i32
        %parallel_loop3A_687 = arith.index_cast %parallel_loop3A_686 : i32 to index
        %parallel_loop3A_688 = arith.index_cast %parallel_loop3A_601 : i32 to index
        %parallel_loop3A_689 = tpu.vector_load %arg9[%parallel_loop3A_687, %parallel_loop3A_688] {strides = array<i32>} : memref<16x512xf32, #tpu.memory_space<vmem>>, vector<1x16xf32>,
        %parallel_loop3A_690 = vector.shape_cast %parallel_loop3A_689 : vector<1x16xf32> to vector<16xf32>
        %parallel_loop3A_691 = vector.shape_cast %parallel_loop3A_685 : vector<16xf32> to vector<1x16xf32>
        tpu.vector_store %arg9[%parallel_loop3A_687, %parallel_loop3A_688], %parallel_loop3A_691 {add = true, strides = array<i32>} : memref<16x512xf32, #tpu.memory_space<vmem>>, vector<1x16xf32>,
        %parallel_loop3A_692 = arith.addi %squeeze3A_442, %parallel_loop3A_601 : i32
        %parallel_loop3A_693 = arith.index_cast %parallel_loop3A_692 : i32 to index
        %parallel_loop3A_694 = tpu.vector_load %arg6[%parallel_loop3A_693] {strides = array<i32>} : memref<34816xf32, #tpu.memory_space<vmem>>, vector<16xf32>,
        %parallel_loop3A_695 = vector.shape_cast %parallel_loop3A_694 : vector<16xf32> to vector<16xf32>
        %parallel_loop3A_696 = arith.constant 9 : i32
        %parallel_loop3A_697 = arith.index_cast %parallel_loop3A_696 : i32 to index
        %parallel_loop3A_698 = arith.index_cast %parallel_loop3A_601 : i32 to index
        %parallel_loop3A_699 = tpu.vector_load %arg9[%parallel_loop3A_697, %parallel_loop3A_698] {strides = array<i32>} : memref<16x512xf32, #tpu.memory_space<vmem>>, vector<1x16xf32>,
        %parallel_loop3A_700 = vector.shape_cast %parallel_loop3A_699 : vector<1x16xf32> to vector<16xf32>
        %parallel_loop3A_701 = vector.shape_cast %parallel_loop3A_695 : vector<16xf32> to vector<1x16xf32>
        tpu.vector_store %arg9[%parallel_loop3A_697, %parallel_loop3A_698], %parallel_loop3A_701 {add = true, strides = array<i32>} : memref<16x512xf32, #tpu.memory_space<vmem>>, vector<1x16xf32>,
        %parallel_loop3A_702 = arith.addi %squeeze3A_444, %parallel_loop3A_601 : i32
        %parallel_loop3A_703 = arith.index_cast %parallel_loop3A_702 : i32 to index
        %parallel_loop3A_704 = tpu.vector_load %arg6[%parallel_loop3A_703] {strides = array<i32>} : memref<34816xf32, #tpu.memory_space<vmem>>, vector<16xf32>,
        %parallel_loop3A_705 = vector.shape_cast %parallel_loop3A_704 : vector<16xf32> to vector<16xf32>
        %parallel_loop3A_706 = arith.constant 10 : i32
        %parallel_loop3A_707 = arith.index_cast %parallel_loop3A_706 : i32 to index
        %parallel_loop3A_708 = arith.index_cast %parallel_loop3A_601 : i32 to index
        %parallel_loop3A_709 = tpu.vector_load %arg9[%parallel_loop3A_707, %parallel_loop3A_708] {strides = array<i32>} : memref<16x512xf32, #tpu.memory_space<vmem>>, vector<1x16xf32>,
        %parallel_loop3A_710 = vector.shape_cast %parallel_loop3A_709 : vector<1x16xf32> to vector<16xf32>
        %parallel_loop3A_711 = vector.shape_cast %parallel_loop3A_705 : vector<16xf32> to vector<1x16xf32>
        tpu.vector_store %arg9[%parallel_loop3A_707, %parallel_loop3A_708], %parallel_loop3A_711 {add = true, strides = array<i32>} : memref<16x512xf32, #tpu.memory_space<vmem>>, vector<1x16xf32>,
        %parallel_loop3A_712 = arith.addi %squeeze3A_446, %parallel_loop3A_601 : i32
        %parallel_loop3A_713 = arith.index_cast %parallel_loop3A_712 : i32 to index
        %parallel_loop3A_714 = tpu.vector_load %arg6[%parallel_loop3A_713] {strides = array<i32>} : memref<34816xf32, #tpu.memory_space<vmem>>, vector<16xf32>,
        %parallel_loop3A_715 = vector.shape_cast %parallel_loop3A_714 : vector<16xf32> to vector<16xf32>
        %parallel_loop3A_716 = arith.constant 11 : i32
        %parallel_loop3A_717 = arith.index_cast %parallel_loop3A_716 : i32 to index
        %parallel_loop3A_718 = arith.index_cast %parallel_loop3A_601 : i32 to index
        %parallel_loop3A_719 = tpu.vector_load %arg9[%parallel_loop3A_717, %parallel_loop3A_718] {strides = array<i32>} : memref<16x512xf32, #tpu.memory_space<vmem>>, vector<1x16xf32>,
        %parallel_loop3A_720 = vector.shape_cast %parallel_loop3A_719 : vector<1x16xf32> to vector<16xf32>
        %parallel_loop3A_721 = vector.shape_cast %parallel_loop3A_715 : vector<16xf32> to vector<1x16xf32>
        tpu.vector_store %arg9[%parallel_loop3A_717, %parallel_loop3A_718], %parallel_loop3A_721 {add = true, strides = array<i32>} : memref<16x512xf32, #tpu.memory_space<vmem>>, vector<1x16xf32>,
        %parallel_loop3A_722 = arith.addi %squeeze3A_448, %parallel_loop3A_601 : i32
        %parallel_loop3A_723 = arith.index_cast %parallel_loop3A_722 : i32 to index
        %parallel_loop3A_724 = tpu.vector_load %arg6[%parallel_loop3A_723] {strides = array<i32>} : memref<34816xf32, #tpu.memory_space<vmem>>, vector<16xf32>,
        %parallel_loop3A_725 = vector.shape_cast %parallel_loop3A_724 : vector<16xf32> to vector<16xf32>
        %parallel_loop3A_726 = arith.constant 12 : i32
        %parallel_loop3A_727 = arith.index_cast %parallel_loop3A_726 : i32 to index
        %parallel_loop3A_728 = arith.index_cast %parallel_loop3A_601 : i32 to index
        %parallel_loop3A_729 = tpu.vector_load %arg9[%parallel_loop3A_727, %parallel_loop3A_728] {strides = array<i32>} : memref<16x512xf32, #tpu.memory_space<vmem>>, vector<1x16xf32>,
        %parallel_loop3A_730 = vector.shape_cast %parallel_loop3A_729 : vector<1x16xf32> to vector<16xf32>
        %parallel_loop3A_731 = vector.shape_cast %parallel_loop3A_725 : vector<16xf32> to vector<1x16xf32>
        tpu.vector_store %arg9[%parallel_loop3A_727, %parallel_loop3A_728], %parallel_loop3A_731 {add = true, strides = array<i32>} : memref<16x512xf32, #tpu.memory_space<vmem>>, vector<1x16xf32>,
        %parallel_loop3A_732 = arith.addi %squeeze3A_450, %parallel_loop3A_601 : i32
        %parallel_loop3A_733 = arith.index_cast %parallel_loop3A_732 : i32 to index
        %parallel_loop3A_734 = tpu.vector_load %arg6[%parallel_loop3A_733] {strides = array<i32>} : memref<34816xf32, #tpu.memory_space<vmem>>, vector<16xf32>,
        %parallel_loop3A_735 = vector.shape_cast %parallel_loop3A_734 : vector<16xf32> to vector<16xf32>
        %parallel_loop3A_736 = arith.constant 13 : i32
        %parallel_loop3A_737 = arith.index_cast %parallel_loop3A_736 : i32 to index
        %parallel_loop3A_738 = arith.index_cast %parallel_loop3A_601 : i32 to index
        %parallel_loop3A_739 = tpu.vector_load %arg9[%parallel_loop3A_737, %parallel_loop3A_738] {strides = array<i32>} : memref<16x512xf32, #tpu.memory_space<vmem>>, vector<1x16xf32>,
        %parallel_loop3A_740 = vector.shape_cast %parallel_loop3A_739 : vector<1x16xf32> to vector<16xf32>
        %parallel_loop3A_741 = vector.shape_cast %parallel_loop3A_735 : vector<16xf32> to vector<1x16xf32>
        tpu.vector_store %arg9[%parallel_loop3A_737, %parallel_loop3A_738], %parallel_loop3A_741 {add = true, strides = array<i32>} : memref<16x512xf32, #tpu.memory_space<vmem>>, vector<1x16xf32>,
        %parallel_loop3A_742 = arith.addi %squeeze3A_452, %parallel_loop3A_601 : i32
        %parallel_loop3A_743 = arith.index_cast %parallel_loop3A_742 : i32 to index
        %parallel_loop3A_744 = tpu.vector_load %arg6[%parallel_loop3A_743] {strides = array<i32>} : memref<34816xf32, #tpu.memory_space<vmem>>, vector<16xf32>,
        %parallel_loop3A_745 = vector.shape_cast %parallel_loop3A_744 : vector<16xf32> to vector<16xf32>
        %parallel_loop3A_746 = arith.constant 14 : i32
        %parallel_loop3A_747 = arith.index_cast %parallel_loop3A_746 : i32 to index
        %parallel_loop3A_748 = arith.index_cast %parallel_loop3A_601 : i32 to index
        %parallel_loop3A_749 = tpu.vector_load %arg9[%parallel_loop3A_747, %parallel_loop3A_748] {strides = array<i32>} : memref<16x512xf32, #tpu.memory_space<vmem>>, vector<1x16xf32>,
        %parallel_loop3A_750 = vector.shape_cast %parallel_loop3A_749 : vector<1x16xf32> to vector<16xf32>
        %parallel_loop3A_751 = vector.shape_cast %parallel_loop3A_745 : vector<16xf32> to vector<1x16xf32>
        tpu.vector_store %arg9[%parallel_loop3A_747, %parallel_loop3A_748], %parallel_loop3A_751 {add = true, strides = array<i32>} : memref<16x512xf32, #tpu.memory_space<vmem>>, vector<1x16xf32>,
        %parallel_loop3A_752 = arith.addi %squeeze3A_454, %parallel_loop3A_601 : i32
        %parallel_loop3A_753 = arith.index_cast %parallel_loop3A_752 : i32 to index
        %parallel_loop3A_754 = tpu.vector_load %arg6[%parallel_loop3A_753] {strides = array<i32>} : memref<34816xf32, #tpu.memory_space<vmem>>, vector<16xf32>,
        %parallel_loop3A_755 = vector.shape_cast %parallel_loop3A_754 : vector<16xf32> to vector<16xf32>
        %parallel_loop3A_756 = arith.constant 15 : i32
        %parallel_loop3A_757 = arith.index_cast %parallel_loop3A_756 : i32 to index
        %parallel_loop3A_758 = arith.index_cast %parallel_loop3A_601 : i32 to index
        %parallel_loop3A_759 = tpu.vector_load %arg9[%parallel_loop3A_757, %parallel_loop3A_758] {strides = array<i32>} : memref<16x512xf32, #tpu.memory_space<vmem>>, vector<1x16xf32>,
        %parallel_loop3A_760 = vector.shape_cast %parallel_loop3A_759 : vector<1x16xf32> to vector<16xf32>
        %parallel_loop3A_761 = vector.shape_cast %parallel_loop3A_755 : vector<16xf32> to vector<1x16xf32>
        tpu.vector_store %arg9[%parallel_loop3A_757, %parallel_loop3A_758], %parallel_loop3A_761 {add = true, strides = array<i32>} : memref<16x512xf32, #tpu.memory_space<vmem>>, vector<1x16xf32>,
      } {sc.loop_unroll_factor = 1 : i64, sc.parallel_access}
      %add3A_458 = arith.constant 16 : i32
      %add3A_459 = arith.addi %mul3A_2, %add3A_458 : i32
      %dma_start3A_460 = arith.constant 0 : i32
      %dma_start3A_461 = tpu.memref_slice %arg5[%add3A_69, %add3A_459, %dma_start3A_460] : memref<64x2048x512xf32, #tpu.memory_space<hbm>> -> memref<1x16x512xf32, #tpu.memory_space<hbm>>
      %dma_start3A_462 = tpu.memref_squeeze %dma_start3A_461 : memref<1x16x512xf32, #tpu.memory_space<hbm>> -> memref<16x512xf32, #tpu.memory_space<hbm>>
      %dma_start3A_463 = arith.constant 0 : i32
      %dma_start3A_464 = tpu.memref_slice %arg5[%add3A_69, %add3A_459, %dma_start3A_463] : memref<64x2048x512xf32, #tpu.memory_space<hbm>> -> memref<1x16x512xf32, #tpu.memory_space<hbm>>
      %dma_start3A_465 = tpu.memref_squeeze %dma_start3A_464 : memref<1x16x512xf32, #tpu.memory_space<hbm>> -> memref<16x512xf32, #tpu.memory_space<hbm>>
      tpu.enqueue_dma source(%arg9 : memref<16x512xf32, #tpu.memory_space<vmem>>) target(%dma_start3A_465 : memref<16x512xf32, #tpu.memory_space<hbm>>) target_semaphore(%arg15 : memref<!tpu.dma_semaphore, #tpu.memory_space<semaphore_mem>>)
      %gt3A_466 = arith.constant 0 : i32
      %gt3A_467 = arith.cmpi sgt, %add3A_69, %gt3A_466 : i32
      %convert_element_type3A_468 = arith.extui %gt3A_467 : i1 to i32
      %cond3A_469 = arith.constant 0 : i32
      %cond3A_470 = arith.cmpi ne, %convert_element_type3A_468, %cond3A_469 : i32
      scf.if %cond3A_470 {
        %dma_wait3A_599 = arith.constant 0 : i32
        %dma_wait3A_600 = arith.constant 0 : i32
        %dma_wait3A_601 = arith.constant 0 : i32
        %dma_wait3A_602 = tpu.memref_slice %arg5[%dma_wait3A_599, %dma_wait3A_600, %dma_wait3A_601] : memref<64x2048x512xf32, #tpu.memory_space<hbm>> -> memref<1x16x512xf32, #tpu.memory_space<hbm>>
        %dma_wait3A_603 = tpu.memref_squeeze %dma_wait3A_602 : memref<1x16x512xf32, #tpu.memory_space<hbm>> -> memref<16x512xf32, #tpu.memory_space<hbm>>
        %dma_wait3A_604 = arith.constant 0 : i32
        %dma_wait3A_605 = arith.constant 0 : i32
        %dma_wait3A_606 = tpu.memref_slice %arg5[%dma_wait3A_599, %dma_wait3A_604, %dma_wait3A_605] : memref<64x2048x512xf32, #tpu.memory_space<hbm>> -> memref<1x16x512xf32, #tpu.memory_space<hbm>>
        %dma_wait3A_607 = tpu.memref_squeeze %dma_wait3A_606 : memref<1x16x512xf32, #tpu.memory_space<hbm>> -> memref<16x512xf32, #tpu.memory_space<hbm>>
        tpu.wait_dma2 semaphore(%arg17 : memref<!tpu.dma_semaphore, #tpu.memory_space<semaphore_mem>>) src(%arg11 : memref<16x512xf32, #tpu.memory_space<vmem>>) dst(%dma_wait3A_607 : memref<16x512xf32, #tpu.memory_space<hbm>>)
      } else {
      }
      %mul3A_471 = arith.constant 64 : i32
      %mul3A_472 = arith.muli %arg1, %mul3A_471 : i32
      %add3A_473 = arith.constant 48 : i32
      %add3A_474 = arith.addi %mul3A_472, %add3A_473 : i32
      %dma_start3A_475 = arith.constant 0 : i32
      %dma_start3A_476 = tpu.memref_slice %arg7[%add3A_474, %dma_start3A_475] : memref<1024x512xf32, #tpu.memory_space<vmem_shared>> -> memref<16x512xf32, #tpu.memory_space<vmem_shared>>
      %dma_start3A_477 = arith.constant 0 : i32
      %dma_start3A_478 = tpu.memref_slice %arg7[%add3A_474, %dma_start3A_477] : memref<1024x512xf32, #tpu.memory_space<vmem_shared>> -> memref<16x512xf32, #tpu.memory_space<vmem_shared>>
      tpu.enqueue_dma source(%dma_start3A_478 : memref<16x512xf32, #tpu.memory_space<vmem_shared>>) target(%arg11 : memref<16x512xf32, #tpu.memory_space<vmem>>) target_semaphore(%arg21 : memref<!tpu.dma_semaphore, #tpu.memory_space<semaphore_mem>>)
      %dma_wait3A_479 = arith.constant 0 : i32
      %dma_wait3A_480 = arith.constant 0 : i32
      %dma_wait3A_481 = tpu.memref_slice %arg7[%dma_wait3A_479, %dma_wait3A_480] : memref<1024x512xf32, #tpu.memory_space<vmem_shared>> -> memref<16x512xf32, #tpu.memory_space<vmem_shared>>
      %dma_wait3A_482 = arith.constant 0 : i32
      %dma_wait3A_483 = arith.constant 0 : i32
      %dma_wait3A_484 = tpu.memref_slice %arg7[%dma_wait3A_482, %dma_wait3A_483] : memref<1024x512xf32, #tpu.memory_space<vmem_shared>> -> memref<16x512xf32, #tpu.memory_space<vmem_shared>>
      tpu.wait_dma2 semaphore(%arg20 : memref<!tpu.dma_semaphore, #tpu.memory_space<semaphore_mem>>) src(%dma_wait3A_484 : memref<16x512xf32, #tpu.memory_space<vmem_shared>>) dst(%arg10 : memref<16x512xf32, #tpu.memory_space<vmem>>)
      %get3A_485 = arith.constant 32 : index
      %get3A_486 = tpu.vector_load %arg13[%get3A_485] {strides = array<i32>} : memref<64xi32, #tpu.memory_space<vmem>>, vector<16xi32>,
      %get3A_487 = vector.shape_cast %get3A_486 : vector<16xi32> to vector<16xi32>
      %mul3A_488 = arith.constant 512 : i32
      %mul3A_489 = vector.broadcast %mul3A_488 : i32 to vector<16xi32>
      %mul3A_490 = arith.muli %get3A_487, %mul3A_489 : vector<16xi32>
      %slice3A_491 = vector.extract_strided_slice %mul3A_490 {offsets = [0], sizes = [1], strides = [1]} : vector<16xi32> to vector<1xi32>
      %squeeze3A_492 = vector.extract %slice3A_491[0] : i32 from vector<1xi32>
      %slice3A_493 = vector.extract_strided_slice %mul3A_490 {offsets = [1], sizes = [1], strides = [1]} : vector<16xi32> to vector<1xi32>
      %squeeze3A_494 = vector.extract %slice3A_493[0] : i32 from vector<1xi32>
      %slice3A_495 = vector.extract_strided_slice %mul3A_490 {offsets = [2], sizes = [1], strides = [1]} : vector<16xi32> to vector<1xi32>
      %squeeze3A_496 = vector.extract %slice3A_495[0] : i32 from vector<1xi32>
      %slice3A_497 = vector.extract_strided_slice %mul3A_490 {offsets = [3], sizes = [1], strides = [1]} : vector<16xi32> to vector<1xi32>
      %squeeze3A_498 = vector.extract %slice3A_497[0] : i32 from vector<1xi32>
      %slice3A_499 = vector.extract_strided_slice %mul3A_490 {offsets = [4], sizes = [1], strides = [1]} : vector<16xi32> to vector<1xi32>
      %squeeze3A_500 = vector.extract %slice3A_499[0] : i32 from vector<1xi32>
      %slice3A_501 = vector.extract_strided_slice %mul3A_490 {offsets = [5], sizes = [1], strides = [1]} : vector<16xi32> to vector<1xi32>
      %squeeze3A_502 = vector.extract %slice3A_501[0] : i32 from vector<1xi32>
      %slice3A_503 = vector.extract_strided_slice %mul3A_490 {offsets = [6], sizes = [1], strides = [1]} : vector<16xi32> to vector<1xi32>
      %squeeze3A_504 = vector.extract %slice3A_503[0] : i32 from vector<1xi32>
      %slice3A_505 = vector.extract_strided_slice %mul3A_490 {offsets = [7], sizes = [1], strides = [1]} : vector<16xi32> to vector<1xi32>
      %squeeze3A_506 = vector.extract %slice3A_505[0] : i32 from vector<1xi32>
      %slice3A_507 = vector.extract_strided_slice %mul3A_490 {offsets = [8], sizes = [1], strides = [1]} : vector<16xi32> to vector<1xi32>
      %squeeze3A_508 = vector.extract %slice3A_507[0] : i32 from vector<1xi32>
      %slice3A_509 = vector.extract_strided_slice %mul3A_490 {offsets = [9], sizes = [1], strides = [1]} : vector<16xi32> to vector<1xi32>
      %squeeze3A_510 = vector.extract %slice3A_509[0] : i32 from vector<1xi32>
      %slice3A_511 = vector.extract_strided_slice %mul3A_490 {offsets = [10], sizes = [1], strides = [1]} : vector<16xi32> to vector<1xi32>
      %squeeze3A_512 = vector.extract %slice3A_511[0] : i32 from vector<1xi32>
      %slice3A_513 = vector.extract_strided_slice %mul3A_490 {offsets = [11], sizes = [1], strides = [1]} : vector<16xi32> to vector<1xi32>
      %squeeze3A_514 = vector.extract %slice3A_513[0] : i32 from vector<1xi32>
      %slice3A_515 = vector.extract_strided_slice %mul3A_490 {offsets = [12], sizes = [1], strides = [1]} : vector<16xi32> to vector<1xi32>
      %squeeze3A_516 = vector.extract %slice3A_515[0] : i32 from vector<1xi32>
      %slice3A_517 = vector.extract_strided_slice %mul3A_490 {offsets = [13], sizes = [1], strides = [1]} : vector<16xi32> to vector<1xi32>
      %squeeze3A_518 = vector.extract %slice3A_517[0] : i32 from vector<1xi32>
      %slice3A_519 = vector.extract_strided_slice %mul3A_490 {offsets = [14], sizes = [1], strides = [1]} : vector<16xi32> to vector<1xi32>
      %squeeze3A_520 = vector.extract %slice3A_519[0] : i32 from vector<1xi32>
      %slice3A_521 = vector.extract_strided_slice %mul3A_490 {offsets = [15], sizes = [1], strides = [1]} : vector<16xi32> to vector<1xi32>
      %squeeze3A_522 = vector.extract %slice3A_521[0] : i32 from vector<1xi32>
      %parallel_loop3A_523 = arith.constant 0 : i32
      %parallel_loop3A_524 = arith.constant 32 : i32
      %parallel_loop3A_525 = arith.constant 1 : i32
      scf.for %parallel_loop3A_599 = %parallel_loop3A_523 to %parallel_loop3A_524 step %parallel_loop3A_525  : i32 {
        %parallel_loop3A_600 = arith.constant 16 : i32
        %parallel_loop3A_601 = arith.muli %parallel_loop3A_599, %parallel_loop3A_600 : i32
        %parallel_loop3A_602 = arith.addi %squeeze3A_492, %parallel_loop3A_601 : i32
        %parallel_loop3A_603 = arith.index_cast %parallel_loop3A_602 : i32 to index
        %parallel_loop3A_604 = tpu.vector_load %arg6[%parallel_loop3A_603] {strides = array<i32>} : memref<34816xf32, #tpu.memory_space<vmem>>, vector<16xf32>,
        %parallel_loop3A_605 = vector.shape_cast %parallel_loop3A_604 : vector<16xf32> to vector<16xf32>
        %parallel_loop3A_606 = arith.constant 0 : i32
        %parallel_loop3A_607 = arith.index_cast %parallel_loop3A_606 : i32 to index
        %parallel_loop3A_608 = arith.index_cast %parallel_loop3A_601 : i32 to index
        %parallel_loop3A_609 = tpu.vector_load %arg10[%parallel_loop3A_607, %parallel_loop3A_608] {strides = array<i32>} : memref<16x512xf32, #tpu.memory_space<vmem>>, vector<1x16xf32>,
        %parallel_loop3A_610 = vector.shape_cast %parallel_loop3A_609 : vector<1x16xf32> to vector<16xf32>
        %parallel_loop3A_611 = vector.shape_cast %parallel_loop3A_605 : vector<16xf32> to vector<1x16xf32>
        tpu.vector_store %arg10[%parallel_loop3A_607, %parallel_loop3A_608], %parallel_loop3A_611 {add = true, strides = array<i32>} : memref<16x512xf32, #tpu.memory_space<vmem>>, vector<1x16xf32>,
        %parallel_loop3A_612 = arith.addi %squeeze3A_494, %parallel_loop3A_601 : i32
        %parallel_loop3A_613 = arith.index_cast %parallel_loop3A_612 : i32 to index
        %parallel_loop3A_614 = tpu.vector_load %arg6[%parallel_loop3A_613] {strides = array<i32>} : memref<34816xf32, #tpu.memory_space<vmem>>, vector<16xf32>,
        %parallel_loop3A_615 = vector.shape_cast %parallel_loop3A_614 : vector<16xf32> to vector<16xf32>
        %parallel_loop3A_616 = arith.constant 1 : i32
        %parallel_loop3A_617 = arith.index_cast %parallel_loop3A_616 : i32 to index
        %parallel_loop3A_618 = arith.index_cast %parallel_loop3A_601 : i32 to index
        %parallel_loop3A_619 = tpu.vector_load %arg10[%parallel_loop3A_617, %parallel_loop3A_618] {strides = array<i32>} : memref<16x512xf32, #tpu.memory_space<vmem>>, vector<1x16xf32>,
        %parallel_loop3A_620 = vector.shape_cast %parallel_loop3A_619 : vector<1x16xf32> to vector<16xf32>
        %parallel_loop3A_621 = vector.shape_cast %parallel_loop3A_615 : vector<16xf32> to vector<1x16xf32>
        tpu.vector_store %arg10[%parallel_loop3A_617, %parallel_loop3A_618], %parallel_loop3A_621 {add = true, strides = array<i32>} : memref<16x512xf32, #tpu.memory_space<vmem>>, vector<1x16xf32>,
        %parallel_loop3A_622 = arith.addi %squeeze3A_496, %parallel_loop3A_601 : i32
        %parallel_loop3A_623 = arith.index_cast %parallel_loop3A_622 : i32 to index
        %parallel_loop3A_624 = tpu.vector_load %arg6[%parallel_loop3A_623] {strides = array<i32>} : memref<34816xf32, #tpu.memory_space<vmem>>, vector<16xf32>,
        %parallel_loop3A_625 = vector.shape_cast %parallel_loop3A_624 : vector<16xf32> to vector<16xf32>
        %parallel_loop3A_626 = arith.constant 2 : i32
        %parallel_loop3A_627 = arith.index_cast %parallel_loop3A_626 : i32 to index
        %parallel_loop3A_628 = arith.index_cast %parallel_loop3A_601 : i32 to index
        %parallel_loop3A_629 = tpu.vector_load %arg10[%parallel_loop3A_627, %parallel_loop3A_628] {strides = array<i32>} : memref<16x512xf32, #tpu.memory_space<vmem>>, vector<1x16xf32>,
        %parallel_loop3A_630 = vector.shape_cast %parallel_loop3A_629 : vector<1x16xf32> to vector<16xf32>
        %parallel_loop3A_631 = vector.shape_cast %parallel_loop3A_625 : vector<16xf32> to vector<1x16xf32>
        tpu.vector_store %arg10[%parallel_loop3A_627, %parallel_loop3A_628], %parallel_loop3A_631 {add = true, strides = array<i32>} : memref<16x512xf32, #tpu.memory_space<vmem>>, vector<1x16xf32>,
        %parallel_loop3A_632 = arith.addi %squeeze3A_498, %parallel_loop3A_601 : i32
        %parallel_loop3A_633 = arith.index_cast %parallel_loop3A_632 : i32 to index
        %parallel_loop3A_634 = tpu.vector_load %arg6[%parallel_loop3A_633] {strides = array<i32>} : memref<34816xf32, #tpu.memory_space<vmem>>, vector<16xf32>,
        %parallel_loop3A_635 = vector.shape_cast %parallel_loop3A_634 : vector<16xf32> to vector<16xf32>
        %parallel_loop3A_636 = arith.constant 3 : i32
        %parallel_loop3A_637 = arith.index_cast %parallel_loop3A_636 : i32 to index
        %parallel_loop3A_638 = arith.index_cast %parallel_loop3A_601 : i32 to index
        %parallel_loop3A_639 = tpu.vector_load %arg10[%parallel_loop3A_637, %parallel_loop3A_638] {strides = array<i32>} : memref<16x512xf32, #tpu.memory_space<vmem>>, vector<1x16xf32>,
        %parallel_loop3A_640 = vector.shape_cast %parallel_loop3A_639 : vector<1x16xf32> to vector<16xf32>
        %parallel_loop3A_641 = vector.shape_cast %parallel_loop3A_635 : vector<16xf32> to vector<1x16xf32>
        tpu.vector_store %arg10[%parallel_loop3A_637, %parallel_loop3A_638], %parallel_loop3A_641 {add = true, strides = array<i32>} : memref<16x512xf32, #tpu.memory_space<vmem>>, vector<1x16xf32>,
        %parallel_loop3A_642 = arith.addi %squeeze3A_500, %parallel_loop3A_601 : i32
        %parallel_loop3A_643 = arith.index_cast %parallel_loop3A_642 : i32 to index
        %parallel_loop3A_644 = tpu.vector_load %arg6[%parallel_loop3A_643] {strides = array<i32>} : memref<34816xf32, #tpu.memory_space<vmem>>, vector<16xf32>,
        %parallel_loop3A_645 = vector.shape_cast %parallel_loop3A_644 : vector<16xf32> to vector<16xf32>
        %parallel_loop3A_646 = arith.constant 4 : i32
        %parallel_loop3A_647 = arith.index_cast %parallel_loop3A_646 : i32 to index
        %parallel_loop3A_648 = arith.index_cast %parallel_loop3A_601 : i32 to index
        %parallel_loop3A_649 = tpu.vector_load %arg10[%parallel_loop3A_647, %parallel_loop3A_648] {strides = array<i32>} : memref<16x512xf32, #tpu.memory_space<vmem>>, vector<1x16xf32>,
        %parallel_loop3A_650 = vector.shape_cast %parallel_loop3A_649 : vector<1x16xf32> to vector<16xf32>
        %parallel_loop3A_651 = vector.shape_cast %parallel_loop3A_645 : vector<16xf32> to vector<1x16xf32>
        tpu.vector_store %arg10[%parallel_loop3A_647, %parallel_loop3A_648], %parallel_loop3A_651 {add = true, strides = array<i32>} : memref<16x512xf32, #tpu.memory_space<vmem>>, vector<1x16xf32>,
        %parallel_loop3A_652 = arith.addi %squeeze3A_502, %parallel_loop3A_601 : i32
        %parallel_loop3A_653 = arith.index_cast %parallel_loop3A_652 : i32 to index
        %parallel_loop3A_654 = tpu.vector_load %arg6[%parallel_loop3A_653] {strides = array<i32>} : memref<34816xf32, #tpu.memory_space<vmem>>, vector<16xf32>,
        %parallel_loop3A_655 = vector.shape_cast %parallel_loop3A_654 : vector<16xf32> to vector<16xf32>
        %parallel_loop3A_656 = arith.constant 5 : i32
        %parallel_loop3A_657 = arith.index_cast %parallel_loop3A_656 : i32 to index
        %parallel_loop3A_658 = arith.index_cast %parallel_loop3A_601 : i32 to index
        %parallel_loop3A_659 = tpu.vector_load %arg10[%parallel_loop3A_657, %parallel_loop3A_658] {strides = array<i32>} : memref<16x512xf32, #tpu.memory_space<vmem>>, vector<1x16xf32>,
        %parallel_loop3A_660 = vector.shape_cast %parallel_loop3A_659 : vector<1x16xf32> to vector<16xf32>
        %parallel_loop3A_661 = vector.shape_cast %parallel_loop3A_655 : vector<16xf32> to vector<1x16xf32>
        tpu.vector_store %arg10[%parallel_loop3A_657, %parallel_loop3A_658], %parallel_loop3A_661 {add = true, strides = array<i32>} : memref<16x512xf32, #tpu.memory_space<vmem>>, vector<1x16xf32>,
        %parallel_loop3A_662 = arith.addi %squeeze3A_504, %parallel_loop3A_601 : i32
        %parallel_loop3A_663 = arith.index_cast %parallel_loop3A_662 : i32 to index
        %parallel_loop3A_664 = tpu.vector_load %arg6[%parallel_loop3A_663] {strides = array<i32>} : memref<34816xf32, #tpu.memory_space<vmem>>, vector<16xf32>,
        %parallel_loop3A_665 = vector.shape_cast %parallel_loop3A_664 : vector<16xf32> to vector<16xf32>
        %parallel_loop3A_666 = arith.constant 6 : i32
        %parallel_loop3A_667 = arith.index_cast %parallel_loop3A_666 : i32 to index
        %parallel_loop3A_668 = arith.index_cast %parallel_loop3A_601 : i32 to index
        %parallel_loop3A_669 = tpu.vector_load %arg10[%parallel_loop3A_667, %parallel_loop3A_668] {strides = array<i32>} : memref<16x512xf32, #tpu.memory_space<vmem>>, vector<1x16xf32>,
        %parallel_loop3A_670 = vector.shape_cast %parallel_loop3A_669 : vector<1x16xf32> to vector<16xf32>
        %parallel_loop3A_671 = vector.shape_cast %parallel_loop3A_665 : vector<16xf32> to vector<1x16xf32>
        tpu.vector_store %arg10[%parallel_loop3A_667, %parallel_loop3A_668], %parallel_loop3A_671 {add = true, strides = array<i32>} : memref<16x512xf32, #tpu.memory_space<vmem>>, vector<1x16xf32>,
        %parallel_loop3A_672 = arith.addi %squeeze3A_506, %parallel_loop3A_601 : i32
        %parallel_loop3A_673 = arith.index_cast %parallel_loop3A_672 : i32 to index
        %parallel_loop3A_674 = tpu.vector_load %arg6[%parallel_loop3A_673] {strides = array<i32>} : memref<34816xf32, #tpu.memory_space<vmem>>, vector<16xf32>,
        %parallel_loop3A_675 = vector.shape_cast %parallel_loop3A_674 : vector<16xf32> to vector<16xf32>
        %parallel_loop3A_676 = arith.constant 7 : i32
        %parallel_loop3A_677 = arith.index_cast %parallel_loop3A_676 : i32 to index
        %parallel_loop3A_678 = arith.index_cast %parallel_loop3A_601 : i32 to index
        %parallel_loop3A_679 = tpu.vector_load %arg10[%parallel_loop3A_677, %parallel_loop3A_678] {strides = array<i32>} : memref<16x512xf32, #tpu.memory_space<vmem>>, vector<1x16xf32>,
        %parallel_loop3A_680 = vector.shape_cast %parallel_loop3A_679 : vector<1x16xf32> to vector<16xf32>
        %parallel_loop3A_681 = vector.shape_cast %parallel_loop3A_675 : vector<16xf32> to vector<1x16xf32>
        tpu.vector_store %arg10[%parallel_loop3A_677, %parallel_loop3A_678], %parallel_loop3A_681 {add = true, strides = array<i32>} : memref<16x512xf32, #tpu.memory_space<vmem>>, vector<1x16xf32>,
        %parallel_loop3A_682 = arith.addi %squeeze3A_508, %parallel_loop3A_601 : i32
        %parallel_loop3A_683 = arith.index_cast %parallel_loop3A_682 : i32 to index
        %parallel_loop3A_684 = tpu.vector_load %arg6[%parallel_loop3A_683] {strides = array<i32>} : memref<34816xf32, #tpu.memory_space<vmem>>, vector<16xf32>,
        %parallel_loop3A_685 = vector.shape_cast %parallel_loop3A_684 : vector<16xf32> to vector<16xf32>
        %parallel_loop3A_686 = arith.constant 8 : i32
        %parallel_loop3A_687 = arith.index_cast %parallel_loop3A_686 : i32 to index
        %parallel_loop3A_688 = arith.index_cast %parallel_loop3A_601 : i32 to index
        %parallel_loop3A_689 = tpu.vector_load %arg10[%parallel_loop3A_687, %parallel_loop3A_688] {strides = array<i32>} : memref<16x512xf32, #tpu.memory_space<vmem>>, vector<1x16xf32>,
        %parallel_loop3A_690 = vector.shape_cast %parallel_loop3A_689 : vector<1x16xf32> to vector<16xf32>
        %parallel_loop3A_691 = vector.shape_cast %parallel_loop3A_685 : vector<16xf32> to vector<1x16xf32>
        tpu.vector_store %arg10[%parallel_loop3A_687, %parallel_loop3A_688], %parallel_loop3A_691 {add = true, strides = array<i32>} : memref<16x512xf32, #tpu.memory_space<vmem>>, vector<1x16xf32>,
        %parallel_loop3A_692 = arith.addi %squeeze3A_510, %parallel_loop3A_601 : i32
        %parallel_loop3A_693 = arith.index_cast %parallel_loop3A_692 : i32 to index
        %parallel_loop3A_694 = tpu.vector_load %arg6[%parallel_loop3A_693] {strides = array<i32>} : memref<34816xf32, #tpu.memory_space<vmem>>, vector<16xf32>,
        %parallel_loop3A_695 = vector.shape_cast %parallel_loop3A_694 : vector<16xf32> to vector<16xf32>
        %parallel_loop3A_696 = arith.constant 9 : i32
        %parallel_loop3A_697 = arith.index_cast %parallel_loop3A_696 : i32 to index
        %parallel_loop3A_698 = arith.index_cast %parallel_loop3A_601 : i32 to index
        %parallel_loop3A_699 = tpu.vector_load %arg10[%parallel_loop3A_697, %parallel_loop3A_698] {strides = array<i32>} : memref<16x512xf32, #tpu.memory_space<vmem>>, vector<1x16xf32>,
        %parallel_loop3A_700 = vector.shape_cast %parallel_loop3A_699 : vector<1x16xf32> to vector<16xf32>
        %parallel_loop3A_701 = vector.shape_cast %parallel_loop3A_695 : vector<16xf32> to vector<1x16xf32>
        tpu.vector_store %arg10[%parallel_loop3A_697, %parallel_loop3A_698], %parallel_loop3A_701 {add = true, strides = array<i32>} : memref<16x512xf32, #tpu.memory_space<vmem>>, vector<1x16xf32>,
        %parallel_loop3A_702 = arith.addi %squeeze3A_512, %parallel_loop3A_601 : i32
        %parallel_loop3A_703 = arith.index_cast %parallel_loop3A_702 : i32 to index
        %parallel_loop3A_704 = tpu.vector_load %arg6[%parallel_loop3A_703] {strides = array<i32>} : memref<34816xf32, #tpu.memory_space<vmem>>, vector<16xf32>,
        %parallel_loop3A_705 = vector.shape_cast %parallel_loop3A_704 : vector<16xf32> to vector<16xf32>
        %parallel_loop3A_706 = arith.constant 10 : i32
        %parallel_loop3A_707 = arith.index_cast %parallel_loop3A_706 : i32 to index
        %parallel_loop3A_708 = arith.index_cast %parallel_loop3A_601 : i32 to index
        %parallel_loop3A_709 = tpu.vector_load %arg10[%parallel_loop3A_707, %parallel_loop3A_708] {strides = array<i32>} : memref<16x512xf32, #tpu.memory_space<vmem>>, vector<1x16xf32>,
        %parallel_loop3A_710 = vector.shape_cast %parallel_loop3A_709 : vector<1x16xf32> to vector<16xf32>
        %parallel_loop3A_711 = vector.shape_cast %parallel_loop3A_705 : vector<16xf32> to vector<1x16xf32>
        tpu.vector_store %arg10[%parallel_loop3A_707, %parallel_loop3A_708], %parallel_loop3A_711 {add = true, strides = array<i32>} : memref<16x512xf32, #tpu.memory_space<vmem>>, vector<1x16xf32>,
        %parallel_loop3A_712 = arith.addi %squeeze3A_514, %parallel_loop3A_601 : i32
        %parallel_loop3A_713 = arith.index_cast %parallel_loop3A_712 : i32 to index
        %parallel_loop3A_714 = tpu.vector_load %arg6[%parallel_loop3A_713] {strides = array<i32>} : memref<34816xf32, #tpu.memory_space<vmem>>, vector<16xf32>,
        %parallel_loop3A_715 = vector.shape_cast %parallel_loop3A_714 : vector<16xf32> to vector<16xf32>
        %parallel_loop3A_716 = arith.constant 11 : i32
        %parallel_loop3A_717 = arith.index_cast %parallel_loop3A_716 : i32 to index
        %parallel_loop3A_718 = arith.index_cast %parallel_loop3A_601 : i32 to index
        %parallel_loop3A_719 = tpu.vector_load %arg10[%parallel_loop3A_717, %parallel_loop3A_718] {strides = array<i32>} : memref<16x512xf32, #tpu.memory_space<vmem>>, vector<1x16xf32>,
        %parallel_loop3A_720 = vector.shape_cast %parallel_loop3A_719 : vector<1x16xf32> to vector<16xf32>
        %parallel_loop3A_721 = vector.shape_cast %parallel_loop3A_715 : vector<16xf32> to vector<1x16xf32>
        tpu.vector_store %arg10[%parallel_loop3A_717, %parallel_loop3A_718], %parallel_loop3A_721 {add = true, strides = array<i32>} : memref<16x512xf32, #tpu.memory_space<vmem>>, vector<1x16xf32>,
        %parallel_loop3A_722 = arith.addi %squeeze3A_516, %parallel_loop3A_601 : i32
        %parallel_loop3A_723 = arith.index_cast %parallel_loop3A_722 : i32 to index
        %parallel_loop3A_724 = tpu.vector_load %arg6[%parallel_loop3A_723] {strides = array<i32>} : memref<34816xf32, #tpu.memory_space<vmem>>, vector<16xf32>,
        %parallel_loop3A_725 = vector.shape_cast %parallel_loop3A_724 : vector<16xf32> to vector<16xf32>
        %parallel_loop3A_726 = arith.constant 12 : i32
        %parallel_loop3A_727 = arith.index_cast %parallel_loop3A_726 : i32 to index
        %parallel_loop3A_728 = arith.index_cast %parallel_loop3A_601 : i32 to index
        %parallel_loop3A_729 = tpu.vector_load %arg10[%parallel_loop3A_727, %parallel_loop3A_728] {strides = array<i32>} : memref<16x512xf32, #tpu.memory_space<vmem>>, vector<1x16xf32>,
        %parallel_loop3A_730 = vector.shape_cast %parallel_loop3A_729 : vector<1x16xf32> to vector<16xf32>
        %parallel_loop3A_731 = vector.shape_cast %parallel_loop3A_725 : vector<16xf32> to vector<1x16xf32>
        tpu.vector_store %arg10[%parallel_loop3A_727, %parallel_loop3A_728], %parallel_loop3A_731 {add = true, strides = array<i32>} : memref<16x512xf32, #tpu.memory_space<vmem>>, vector<1x16xf32>,
        %parallel_loop3A_732 = arith.addi %squeeze3A_518, %parallel_loop3A_601 : i32
        %parallel_loop3A_733 = arith.index_cast %parallel_loop3A_732 : i32 to index
        %parallel_loop3A_734 = tpu.vector_load %arg6[%parallel_loop3A_733] {strides = array<i32>} : memref<34816xf32, #tpu.memory_space<vmem>>, vector<16xf32>,
        %parallel_loop3A_735 = vector.shape_cast %parallel_loop3A_734 : vector<16xf32> to vector<16xf32>
        %parallel_loop3A_736 = arith.constant 13 : i32
        %parallel_loop3A_737 = arith.index_cast %parallel_loop3A_736 : i32 to index
        %parallel_loop3A_738 = arith.index_cast %parallel_loop3A_601 : i32 to index
        %parallel_loop3A_739 = tpu.vector_load %arg10[%parallel_loop3A_737, %parallel_loop3A_738] {strides = array<i32>} : memref<16x512xf32, #tpu.memory_space<vmem>>, vector<1x16xf32>,
        %parallel_loop3A_740 = vector.shape_cast %parallel_loop3A_739 : vector<1x16xf32> to vector<16xf32>
        %parallel_loop3A_741 = vector.shape_cast %parallel_loop3A_735 : vector<16xf32> to vector<1x16xf32>
        tpu.vector_store %arg10[%parallel_loop3A_737, %parallel_loop3A_738], %parallel_loop3A_741 {add = true, strides = array<i32>} : memref<16x512xf32, #tpu.memory_space<vmem>>, vector<1x16xf32>,
        %parallel_loop3A_742 = arith.addi %squeeze3A_520, %parallel_loop3A_601 : i32
        %parallel_loop3A_743 = arith.index_cast %parallel_loop3A_742 : i32 to index
        %parallel_loop3A_744 = tpu.vector_load %arg6[%parallel_loop3A_743] {strides = array<i32>} : memref<34816xf32, #tpu.memory_space<vmem>>, vector<16xf32>,
        %parallel_loop3A_745 = vector.shape_cast %parallel_loop3A_744 : vector<16xf32> to vector<16xf32>
        %parallel_loop3A_746 = arith.constant 14 : i32
        %parallel_loop3A_747 = arith.index_cast %parallel_loop3A_746 : i32 to index
        %parallel_loop3A_748 = arith.index_cast %parallel_loop3A_601 : i32 to index
        %parallel_loop3A_749 = tpu.vector_load %arg10[%parallel_loop3A_747, %parallel_loop3A_748] {strides = array<i32>} : memref<16x512xf32, #tpu.memory_space<vmem>>, vector<1x16xf32>,
        %parallel_loop3A_750 = vector.shape_cast %parallel_loop3A_749 : vector<1x16xf32> to vector<16xf32>
        %parallel_loop3A_751 = vector.shape_cast %parallel_loop3A_745 : vector<16xf32> to vector<1x16xf32>
        tpu.vector_store %arg10[%parallel_loop3A_747, %parallel_loop3A_748], %parallel_loop3A_751 {add = true, strides = array<i32>} : memref<16x512xf32, #tpu.memory_space<vmem>>, vector<1x16xf32>,
        %parallel_loop3A_752 = arith.addi %squeeze3A_522, %parallel_loop3A_601 : i32
        %parallel_loop3A_753 = arith.index_cast %parallel_loop3A_752 : i32 to index
        %parallel_loop3A_754 = tpu.vector_load %arg6[%parallel_loop3A_753] {strides = array<i32>} : memref<34816xf32, #tpu.memory_space<vmem>>, vector<16xf32>,
        %parallel_loop3A_755 = vector.shape_cast %parallel_loop3A_754 : vector<16xf32> to vector<16xf32>
        %parallel_loop3A_756 = arith.constant 15 : i32
        %parallel_loop3A_757 = arith.index_cast %parallel_loop3A_756 : i32 to index
        %parallel_loop3A_758 = arith.index_cast %parallel_loop3A_601 : i32 to index
        %parallel_loop3A_759 = tpu.vector_load %arg10[%parallel_loop3A_757, %parallel_loop3A_758] {strides = array<i32>} : memref<16x512xf32, #tpu.memory_space<vmem>>, vector<1x16xf32>,
        %parallel_loop3A_760 = vector.shape_cast %parallel_loop3A_759 : vector<1x16xf32> to vector<16xf32>
        %parallel_loop3A_761 = vector.shape_cast %parallel_loop3A_755 : vector<16xf32> to vector<1x16xf32>
        tpu.vector_store %arg10[%parallel_loop3A_757, %parallel_loop3A_758], %parallel_loop3A_761 {add = true, strides = array<i32>} : memref<16x512xf32, #tpu.memory_space<vmem>>, vector<1x16xf32>,
      } {sc.loop_unroll_factor = 1 : i64, sc.parallel_access}
      %add3A_526 = arith.constant 32 : i32
      %add3A_527 = arith.addi %mul3A_2, %add3A_526 : i32
      %dma_start3A_528 = arith.constant 0 : i32
      %dma_start3A_529 = tpu.memref_slice %arg5[%add3A_69, %add3A_527, %dma_start3A_528] : memref<64x2048x512xf32, #tpu.memory_space<hbm>> -> memref<1x16x512xf32, #tpu.memory_space<hbm>>
      %dma_start3A_530 = tpu.memref_squeeze %dma_start3A_529 : memref<1x16x512xf32, #tpu.memory_space<hbm>> -> memref<16x512xf32, #tpu.memory_space<hbm>>
      %dma_start3A_531 = arith.constant 0 : i32
      %dma_start3A_532 = tpu.memref_slice %arg5[%add3A_69, %add3A_527, %dma_start3A_531] : memref<64x2048x512xf32, #tpu.memory_space<hbm>> -> memref<1x16x512xf32, #tpu.memory_space<hbm>>
      %dma_start3A_533 = tpu.memref_squeeze %dma_start3A_532 : memref<1x16x512xf32, #tpu.memory_space<hbm>> -> memref<16x512xf32, #tpu.memory_space<hbm>>
      tpu.enqueue_dma source(%arg10 : memref<16x512xf32, #tpu.memory_space<vmem>>) target(%dma_start3A_533 : memref<16x512xf32, #tpu.memory_space<hbm>>) target_semaphore(%arg16 : memref<!tpu.dma_semaphore, #tpu.memory_space<semaphore_mem>>)
      %lt3A_534 = arith.constant 63 : i32
      %lt3A_535 = arith.cmpi slt, %add3A_69, %lt3A_534 : i32
      %convert_element_type3A_536 = arith.extui %lt3A_535 : i1 to i32
      %cond3A_537 = arith.constant 0 : i32
      %cond3A_538 = arith.cmpi ne, %convert_element_type3A_536, %cond3A_537 : i32
      scf.if %cond3A_538 {
        %dma_wait3A_599 = arith.constant 0 : i32
        %dma_wait3A_600 = arith.constant 0 : i32
        %dma_wait3A_601 = arith.constant 0 : i32
        %dma_wait3A_602 = tpu.memref_slice %arg5[%dma_wait3A_599, %dma_wait3A_600, %dma_wait3A_601] : memref<64x2048x512xf32, #tpu.memory_space<hbm>> -> memref<1x16x512xf32, #tpu.memory_space<hbm>>
        %dma_wait3A_603 = tpu.memref_squeeze %dma_wait3A_602 : memref<1x16x512xf32, #tpu.memory_space<hbm>> -> memref<16x512xf32, #tpu.memory_space<hbm>>
        %dma_wait3A_604 = arith.constant 0 : i32
        %dma_wait3A_605 = arith.constant 0 : i32
        %dma_wait3A_606 = tpu.memref_slice %arg5[%dma_wait3A_599, %dma_wait3A_604, %dma_wait3A_605] : memref<64x2048x512xf32, #tpu.memory_space<hbm>> -> memref<1x16x512xf32, #tpu.memory_space<hbm>>
        %dma_wait3A_607 = tpu.memref_squeeze %dma_wait3A_606 : memref<1x16x512xf32, #tpu.memory_space<hbm>> -> memref<16x512xf32, #tpu.memory_space<hbm>>
        tpu.wait_dma2 semaphore(%arg14 : memref<!tpu.dma_semaphore, #tpu.memory_space<semaphore_mem>>) src(%arg8 : memref<16x512xf32, #tpu.memory_space<vmem>>) dst(%dma_wait3A_607 : memref<16x512xf32, #tpu.memory_space<hbm>>)
        %mul3A_608 = arith.constant 64 : i32
        %mul3A_609 = arith.muli %arg1, %mul3A_608 : i32
        %add3A_610 = arith.constant 0 : i32
        %add3A_611 = arith.addi %mul3A_609, %add3A_610 : i32
        %dma_start3A_612 = arith.constant 0 : i32
        %dma_start3A_613 = tpu.memref_slice %arg7[%add3A_611, %dma_start3A_612] : memref<1024x512xf32, #tpu.memory_space<vmem_shared>> -> memref<16x512xf32, #tpu.memory_space<vmem_shared>>
        %dma_start3A_614 = arith.constant 0 : i32
        %dma_start3A_615 = tpu.memref_slice %arg7[%add3A_611, %dma_start3A_614] : memref<1024x512xf32, #tpu.memory_space<vmem_shared>> -> memref<16x512xf32, #tpu.memory_space<vmem_shared>>
        tpu.enqueue_dma source(%dma_start3A_615 : memref<16x512xf32, #tpu.memory_space<vmem_shared>>) target(%arg8 : memref<16x512xf32, #tpu.memory_space<vmem>>) target_semaphore(%arg18 : memref<!tpu.dma_semaphore, #tpu.memory_space<semaphore_mem>>)
      } else {
      }
      %dma_wait3A_539 = arith.constant 0 : i32
      %dma_wait3A_540 = arith.constant 0 : i32
      %dma_wait3A_541 = tpu.memref_slice %arg7[%dma_wait3A_539, %dma_wait3A_540] : memref<1024x512xf32, #tpu.memory_space<vmem_shared>> -> memref<16x512xf32, #tpu.memory_space<vmem_shared>>
      %dma_wait3A_542 = arith.constant 0 : i32
      %dma_wait3A_543 = arith.constant 0 : i32
      %dma_wait3A_544 = tpu.memref_slice %arg7[%dma_wait3A_542, %dma_wait3A_543] : memref<1024x512xf32, #tpu.memory_space<vmem_shared>> -> memref<16x512xf32, #tpu.memory_space<vmem_shared>>
      tpu.wait_dma2 semaphore(%arg21 : memref<!tpu.dma_semaphore, #tpu.memory_space<semaphore_mem>>) src(%dma_wait3A_544 : memref<16x512xf32, #tpu.memory_space<vmem_shared>>) dst(%arg11 : memref<16x512xf32, #tpu.memory_space<vmem>>)
      %get3A_545 = arith.constant 48 : index
      %get3A_546 = tpu.vector_load %arg13[%get3A_545] {strides = array<i32>} : memref<64xi32, #tpu.memory_space<vmem>>, vector<16xi32>,
      %get3A_547 = vector.shape_cast %get3A_546 : vector<16xi32> to vector<16xi32>
      %mul3A_548 = arith.constant 512 : i32
      %mul3A_549 = vector.broadcast %mul3A_548 : i32 to vector<16xi32>
      %mul3A_550 = arith.muli %get3A_547, %mul3A_549 : vector<16xi32>
      %slice3A_551 = vector.extract_strided_slice %mul3A_550 {offsets = [0], sizes = [1], strides = [1]} : vector<16xi32> to vector<1xi32>
      %squeeze3A_552 = vector.extract %slice3A_551[0] : i32 from vector<1xi32>
      %slice3A_553 = vector.extract_strided_slice %mul3A_550 {offsets = [1], sizes = [1], strides = [1]} : vector<16xi32> to vector<1xi32>
      %squeeze3A_554 = vector.extract %slice3A_553[0] : i32 from vector<1xi32>
      %slice3A_555 = vector.extract_strided_slice %mul3A_550 {offsets = [2], sizes = [1], strides = [1]} : vector<16xi32> to vector<1xi32>
      %squeeze3A_556 = vector.extract %slice3A_555[0] : i32 from vector<1xi32>
      %slice3A_557 = vector.extract_strided_slice %mul3A_550 {offsets = [3], sizes = [1], strides = [1]} : vector<16xi32> to vector<1xi32>
      %squeeze3A_558 = vector.extract %slice3A_557[0] : i32 from vector<1xi32>
      %slice3A_559 = vector.extract_strided_slice %mul3A_550 {offsets = [4], sizes = [1], strides = [1]} : vector<16xi32> to vector<1xi32>
      %squeeze3A_560 = vector.extract %slice3A_559[0] : i32 from vector<1xi32>
      %slice3A_561 = vector.extract_strided_slice %mul3A_550 {offsets = [5], sizes = [1], strides = [1]} : vector<16xi32> to vector<1xi32>
      %squeeze3A_562 = vector.extract %slice3A_561[0] : i32 from vector<1xi32>
      %slice3A_563 = vector.extract_strided_slice %mul3A_550 {offsets = [6], sizes = [1], strides = [1]} : vector<16xi32> to vector<1xi32>
      %squeeze3A_564 = vector.extract %slice3A_563[0] : i32 from vector<1xi32>
      %slice3A_565 = vector.extract_strided_slice %mul3A_550 {offsets = [7], sizes = [1], strides = [1]} : vector<16xi32> to vector<1xi32>
      %squeeze3A_566 = vector.extract %slice3A_565[0] : i32 from vector<1xi32>
      %slice3A_567 = vector.extract_strided_slice %mul3A_550 {offsets = [8], sizes = [1], strides = [1]} : vector<16xi32> to vector<1xi32>
      %squeeze3A_568 = vector.extract %slice3A_567[0] : i32 from vector<1xi32>
      %slice3A_569 = vector.extract_strided_slice %mul3A_550 {offsets = [9], sizes = [1], strides = [1]} : vector<16xi32> to vector<1xi32>
      %squeeze3A_570 = vector.extract %slice3A_569[0] : i32 from vector<1xi32>
      %slice3A_571 = vector.extract_strided_slice %mul3A_550 {offsets = [10], sizes = [1], strides = [1]} : vector<16xi32> to vector<1xi32>
      %squeeze3A_572 = vector.extract %slice3A_571[0] : i32 from vector<1xi32>
      %slice3A_573 = vector.extract_strided_slice %mul3A_550 {offsets = [11], sizes = [1], strides = [1]} : vector<16xi32> to vector<1xi32>
      %squeeze3A_574 = vector.extract %slice3A_573[0] : i32 from vector<1xi32>
      %slice3A_575 = vector.extract_strided_slice %mul3A_550 {offsets = [12], sizes = [1], strides = [1]} : vector<16xi32> to vector<1xi32>
      %squeeze3A_576 = vector.extract %slice3A_575[0] : i32 from vector<1xi32>
      %slice3A_577 = vector.extract_strided_slice %mul3A_550 {offsets = [13], sizes = [1], strides = [1]} : vector<16xi32> to vector<1xi32>
      %squeeze3A_578 = vector.extract %slice3A_577[0] : i32 from vector<1xi32>
      %slice3A_579 = vector.extract_strided_slice %mul3A_550 {offsets = [14], sizes = [1], strides = [1]} : vector<16xi32> to vector<1xi32>
      %squeeze3A_580 = vector.extract %slice3A_579[0] : i32 from vector<1xi32>
      %slice3A_581 = vector.extract_strided_slice %mul3A_550 {offsets = [15], sizes = [1], strides = [1]} : vector<16xi32> to vector<1xi32>
      %squeeze3A_582 = vector.extract %slice3A_581[0] : i32 from vector<1xi32>
      %parallel_loop3A_583 = arith.constant 0 : i32
      %parallel_loop3A_584 = arith.constant 32 : i32
      %parallel_loop3A_585 = arith.constant 1 : i32
      scf.for %parallel_loop3A_599 = %parallel_loop3A_583 to %parallel_loop3A_584 step %parallel_loop3A_585  : i32 {
        %parallel_loop3A_600 = arith.constant 16 : i32
        %parallel_loop3A_601 = arith.muli %parallel_loop3A_599, %parallel_loop3A_600 : i32
        %parallel_loop3A_602 = arith.addi %squeeze3A_552, %parallel_loop3A_601 : i32
        %parallel_loop3A_603 = arith.index_cast %parallel_loop3A_602 : i32 to index
        %parallel_loop3A_604 = tpu.vector_load %arg6[%parallel_loop3A_603] {strides = array<i32>} : memref<34816xf32, #tpu.memory_space<vmem>>, vector<16xf32>,
        %parallel_loop3A_605 = vector.shape_cast %parallel_loop3A_604 : vector<16xf32> to vector<16xf32>
        %parallel_loop3A_606 = arith.constant 0 : i32
        %parallel_loop3A_607 = arith.index_cast %parallel_loop3A_606 : i32 to index
        %parallel_loop3A_608 = arith.index_cast %parallel_loop3A_601 : i32 to index
        %parallel_loop3A_609 = tpu.vector_load %arg11[%parallel_loop3A_607, %parallel_loop3A_608] {strides = array<i32>} : memref<16x512xf32, #tpu.memory_space<vmem>>, vector<1x16xf32>,
        %parallel_loop3A_610 = vector.shape_cast %parallel_loop3A_609 : vector<1x16xf32> to vector<16xf32>
        %parallel_loop3A_611 = vector.shape_cast %parallel_loop3A_605 : vector<16xf32> to vector<1x16xf32>
        tpu.vector_store %arg11[%parallel_loop3A_607, %parallel_loop3A_608], %parallel_loop3A_611 {add = true, strides = array<i32>} : memref<16x512xf32, #tpu.memory_space<vmem>>, vector<1x16xf32>,
        %parallel_loop3A_612 = arith.addi %squeeze3A_554, %parallel_loop3A_601 : i32
        %parallel_loop3A_613 = arith.index_cast %parallel_loop3A_612 : i32 to index
        %parallel_loop3A_614 = tpu.vector_load %arg6[%parallel_loop3A_613] {strides = array<i32>} : memref<34816xf32, #tpu.memory_space<vmem>>, vector<16xf32>,
        %parallel_loop3A_615 = vector.shape_cast %parallel_loop3A_614 : vector<16xf32> to vector<16xf32>
        %parallel_loop3A_616 = arith.constant 1 : i32
        %parallel_loop3A_617 = arith.index_cast %parallel_loop3A_616 : i32 to index
        %parallel_loop3A_618 = arith.index_cast %parallel_loop3A_601 : i32 to index
        %parallel_loop3A_619 = tpu.vector_load %arg11[%parallel_loop3A_617, %parallel_loop3A_618] {strides = array<i32>} : memref<16x512xf32, #tpu.memory_space<vmem>>, vector<1x16xf32>,
        %parallel_loop3A_620 = vector.shape_cast %parallel_loop3A_619 : vector<1x16xf32> to vector<16xf32>
        %parallel_loop3A_621 = vector.shape_cast %parallel_loop3A_615 : vector<16xf32> to vector<1x16xf32>
        tpu.vector_store %arg11[%parallel_loop3A_617, %parallel_loop3A_618], %parallel_loop3A_621 {add = true, strides = array<i32>} : memref<16x512xf32, #tpu.memory_space<vmem>>, vector<1x16xf32>,
        %parallel_loop3A_622 = arith.addi %squeeze3A_556, %parallel_loop3A_601 : i32
        %parallel_loop3A_623 = arith.index_cast %parallel_loop3A_622 : i32 to index
        %parallel_loop3A_624 = tpu.vector_load %arg6[%parallel_loop3A_623] {strides = array<i32>} : memref<34816xf32, #tpu.memory_space<vmem>>, vector<16xf32>,
        %parallel_loop3A_625 = vector.shape_cast %parallel_loop3A_624 : vector<16xf32> to vector<16xf32>
        %parallel_loop3A_626 = arith.constant 2 : i32
        %parallel_loop3A_627 = arith.index_cast %parallel_loop3A_626 : i32 to index
        %parallel_loop3A_628 = arith.index_cast %parallel_loop3A_601 : i32 to index
        %parallel_loop3A_629 = tpu.vector_load %arg11[%parallel_loop3A_627, %parallel_loop3A_628] {strides = array<i32>} : memref<16x512xf32, #tpu.memory_space<vmem>>, vector<1x16xf32>,
        %parallel_loop3A_630 = vector.shape_cast %parallel_loop3A_629 : vector<1x16xf32> to vector<16xf32>
        %parallel_loop3A_631 = vector.shape_cast %parallel_loop3A_625 : vector<16xf32> to vector<1x16xf32>
        tpu.vector_store %arg11[%parallel_loop3A_627, %parallel_loop3A_628], %parallel_loop3A_631 {add = true, strides = array<i32>} : memref<16x512xf32, #tpu.memory_space<vmem>>, vector<1x16xf32>,
        %parallel_loop3A_632 = arith.addi %squeeze3A_558, %parallel_loop3A_601 : i32
        %parallel_loop3A_633 = arith.index_cast %parallel_loop3A_632 : i32 to index
        %parallel_loop3A_634 = tpu.vector_load %arg6[%parallel_loop3A_633] {strides = array<i32>} : memref<34816xf32, #tpu.memory_space<vmem>>, vector<16xf32>,
        %parallel_loop3A_635 = vector.shape_cast %parallel_loop3A_634 : vector<16xf32> to vector<16xf32>
        %parallel_loop3A_636 = arith.constant 3 : i32
        %parallel_loop3A_637 = arith.index_cast %parallel_loop3A_636 : i32 to index
        %parallel_loop3A_638 = arith.index_cast %parallel_loop3A_601 : i32 to index
        %parallel_loop3A_639 = tpu.vector_load %arg11[%parallel_loop3A_637, %parallel_loop3A_638] {strides = array<i32>} : memref<16x512xf32, #tpu.memory_space<vmem>>, vector<1x16xf32>,
        %parallel_loop3A_640 = vector.shape_cast %parallel_loop3A_639 : vector<1x16xf32> to vector<16xf32>
        %parallel_loop3A_641 = vector.shape_cast %parallel_loop3A_635 : vector<16xf32> to vector<1x16xf32>
        tpu.vector_store %arg11[%parallel_loop3A_637, %parallel_loop3A_638], %parallel_loop3A_641 {add = true, strides = array<i32>} : memref<16x512xf32, #tpu.memory_space<vmem>>, vector<1x16xf32>,
        %parallel_loop3A_642 = arith.addi %squeeze3A_560, %parallel_loop3A_601 : i32
        %parallel_loop3A_643 = arith.index_cast %parallel_loop3A_642 : i32 to index
        %parallel_loop3A_644 = tpu.vector_load %arg6[%parallel_loop3A_643] {strides = array<i32>} : memref<34816xf32, #tpu.memory_space<vmem>>, vector<16xf32>,
        %parallel_loop3A_645 = vector.shape_cast %parallel_loop3A_644 : vector<16xf32> to vector<16xf32>
        %parallel_loop3A_646 = arith.constant 4 : i32
        %parallel_loop3A_647 = arith.index_cast %parallel_loop3A_646 : i32 to index
        %parallel_loop3A_648 = arith.index_cast %parallel_loop3A_601 : i32 to index
        %parallel_loop3A_649 = tpu.vector_load %arg11[%parallel_loop3A_647, %parallel_loop3A_648] {strides = array<i32>} : memref<16x512xf32, #tpu.memory_space<vmem>>, vector<1x16xf32>,
        %parallel_loop3A_650 = vector.shape_cast %parallel_loop3A_649 : vector<1x16xf32> to vector<16xf32>
        %parallel_loop3A_651 = vector.shape_cast %parallel_loop3A_645 : vector<16xf32> to vector<1x16xf32>
        tpu.vector_store %arg11[%parallel_loop3A_647, %parallel_loop3A_648], %parallel_loop3A_651 {add = true, strides = array<i32>} : memref<16x512xf32, #tpu.memory_space<vmem>>, vector<1x16xf32>,
        %parallel_loop3A_652 = arith.addi %squeeze3A_562, %parallel_loop3A_601 : i32
        %parallel_loop3A_653 = arith.index_cast %parallel_loop3A_652 : i32 to index
        %parallel_loop3A_654 = tpu.vector_load %arg6[%parallel_loop3A_653] {strides = array<i32>} : memref<34816xf32, #tpu.memory_space<vmem>>, vector<16xf32>,
        %parallel_loop3A_655 = vector.shape_cast %parallel_loop3A_654 : vector<16xf32> to vector<16xf32>
        %parallel_loop3A_656 = arith.constant 5 : i32
        %parallel_loop3A_657 = arith.index_cast %parallel_loop3A_656 : i32 to index
        %parallel_loop3A_658 = arith.index_cast %parallel_loop3A_601 : i32 to index
        %parallel_loop3A_659 = tpu.vector_load %arg11[%parallel_loop3A_657, %parallel_loop3A_658] {strides = array<i32>} : memref<16x512xf32, #tpu.memory_space<vmem>>, vector<1x16xf32>,
        %parallel_loop3A_660 = vector.shape_cast %parallel_loop3A_659 : vector<1x16xf32> to vector<16xf32>
        %parallel_loop3A_661 = vector.shape_cast %parallel_loop3A_655 : vector<16xf32> to vector<1x16xf32>
        tpu.vector_store %arg11[%parallel_loop3A_657, %parallel_loop3A_658], %parallel_loop3A_661 {add = true, strides = array<i32>} : memref<16x512xf32, #tpu.memory_space<vmem>>, vector<1x16xf32>,
        %parallel_loop3A_662 = arith.addi %squeeze3A_564, %parallel_loop3A_601 : i32
        %parallel_loop3A_663 = arith.index_cast %parallel_loop3A_662 : i32 to index
        %parallel_loop3A_664 = tpu.vector_load %arg6[%parallel_loop3A_663] {strides = array<i32>} : memref<34816xf32, #tpu.memory_space<vmem>>, vector<16xf32>,
        %parallel_loop3A_665 = vector.shape_cast %parallel_loop3A_664 : vector<16xf32> to vector<16xf32>
        %parallel_loop3A_666 = arith.constant 6 : i32
        %parallel_loop3A_667 = arith.index_cast %parallel_loop3A_666 : i32 to index
        %parallel_loop3A_668 = arith.index_cast %parallel_loop3A_601 : i32 to index
        %parallel_loop3A_669 = tpu.vector_load %arg11[%parallel_loop3A_667, %parallel_loop3A_668] {strides = array<i32>} : memref<16x512xf32, #tpu.memory_space<vmem>>, vector<1x16xf32>,
        %parallel_loop3A_670 = vector.shape_cast %parallel_loop3A_669 : vector<1x16xf32> to vector<16xf32>
        %parallel_loop3A_671 = vector.shape_cast %parallel_loop3A_665 : vector<16xf32> to vector<1x16xf32>
        tpu.vector_store %arg11[%parallel_loop3A_667, %parallel_loop3A_668], %parallel_loop3A_671 {add = true, strides = array<i32>} : memref<16x512xf32, #tpu.memory_space<vmem>>, vector<1x16xf32>,
        %parallel_loop3A_672 = arith.addi %squeeze3A_566, %parallel_loop3A_601 : i32
        %parallel_loop3A_673 = arith.index_cast %parallel_loop3A_672 : i32 to index
        %parallel_loop3A_674 = tpu.vector_load %arg6[%parallel_loop3A_673] {strides = array<i32>} : memref<34816xf32, #tpu.memory_space<vmem>>, vector<16xf32>,
        %parallel_loop3A_675 = vector.shape_cast %parallel_loop3A_674 : vector<16xf32> to vector<16xf32>
        %parallel_loop3A_676 = arith.constant 7 : i32
        %parallel_loop3A_677 = arith.index_cast %parallel_loop3A_676 : i32 to index
        %parallel_loop3A_678 = arith.index_cast %parallel_loop3A_601 : i32 to index
        %parallel_loop3A_679 = tpu.vector_load %arg11[%parallel_loop3A_677, %parallel_loop3A_678] {strides = array<i32>} : memref<16x512xf32, #tpu.memory_space<vmem>>, vector<1x16xf32>,
        %parallel_loop3A_680 = vector.shape_cast %parallel_loop3A_679 : vector<1x16xf32> to vector<16xf32>
        %parallel_loop3A_681 = vector.shape_cast %parallel_loop3A_675 : vector<16xf32> to vector<1x16xf32>
        tpu.vector_store %arg11[%parallel_loop3A_677, %parallel_loop3A_678], %parallel_loop3A_681 {add = true, strides = array<i32>} : memref<16x512xf32, #tpu.memory_space<vmem>>, vector<1x16xf32>,
        %parallel_loop3A_682 = arith.addi %squeeze3A_568, %parallel_loop3A_601 : i32
        %parallel_loop3A_683 = arith.index_cast %parallel_loop3A_682 : i32 to index
        %parallel_loop3A_684 = tpu.vector_load %arg6[%parallel_loop3A_683] {strides = array<i32>} : memref<34816xf32, #tpu.memory_space<vmem>>, vector<16xf32>,
        %parallel_loop3A_685 = vector.shape_cast %parallel_loop3A_684 : vector<16xf32> to vector<16xf32>
        %parallel_loop3A_686 = arith.constant 8 : i32
        %parallel_loop3A_687 = arith.index_cast %parallel_loop3A_686 : i32 to index
        %parallel_loop3A_688 = arith.index_cast %parallel_loop3A_601 : i32 to index
        %parallel_loop3A_689 = tpu.vector_load %arg11[%parallel_loop3A_687, %parallel_loop3A_688] {strides = array<i32>} : memref<16x512xf32, #tpu.memory_space<vmem>>, vector<1x16xf32>,
        %parallel_loop3A_690 = vector.shape_cast %parallel_loop3A_689 : vector<1x16xf32> to vector<16xf32>
        %parallel_loop3A_691 = vector.shape_cast %parallel_loop3A_685 : vector<16xf32> to vector<1x16xf32>
        tpu.vector_store %arg11[%parallel_loop3A_687, %parallel_loop3A_688], %parallel_loop3A_691 {add = true, strides = array<i32>} : memref<16x512xf32, #tpu.memory_space<vmem>>, vector<1x16xf32>,
        %parallel_loop3A_692 = arith.addi %squeeze3A_570, %parallel_loop3A_601 : i32
        %parallel_loop3A_693 = arith.index_cast %parallel_loop3A_692 : i32 to index
        %parallel_loop3A_694 = tpu.vector_load %arg6[%parallel_loop3A_693] {strides = array<i32>} : memref<34816xf32, #tpu.memory_space<vmem>>, vector<16xf32>,
        %parallel_loop3A_695 = vector.shape_cast %parallel_loop3A_694 : vector<16xf32> to vector<16xf32>
        %parallel_loop3A_696 = arith.constant 9 : i32
        %parallel_loop3A_697 = arith.index_cast %parallel_loop3A_696 : i32 to index
        %parallel_loop3A_698 = arith.index_cast %parallel_loop3A_601 : i32 to index
        %parallel_loop3A_699 = tpu.vector_load %arg11[%parallel_loop3A_697, %parallel_loop3A_698] {strides = array<i32>} : memref<16x512xf32, #tpu.memory_space<vmem>>, vector<1x16xf32>,
        %parallel_loop3A_700 = vector.shape_cast %parallel_loop3A_699 : vector<1x16xf32> to vector<16xf32>
        %parallel_loop3A_701 = vector.shape_cast %parallel_loop3A_695 : vector<16xf32> to vector<1x16xf32>
        tpu.vector_store %arg11[%parallel_loop3A_697, %parallel_loop3A_698], %parallel_loop3A_701 {add = true, strides = array<i32>} : memref<16x512xf32, #tpu.memory_space<vmem>>, vector<1x16xf32>,
        %parallel_loop3A_702 = arith.addi %squeeze3A_572, %parallel_loop3A_601 : i32
        %parallel_loop3A_703 = arith.index_cast %parallel_loop3A_702 : i32 to index
        %parallel_loop3A_704 = tpu.vector_load %arg6[%parallel_loop3A_703] {strides = array<i32>} : memref<34816xf32, #tpu.memory_space<vmem>>, vector<16xf32>,
        %parallel_loop3A_705 = vector.shape_cast %parallel_loop3A_704 : vector<16xf32> to vector<16xf32>
        %parallel_loop3A_706 = arith.constant 10 : i32
        %parallel_loop3A_707 = arith.index_cast %parallel_loop3A_706 : i32 to index
        %parallel_loop3A_708 = arith.index_cast %parallel_loop3A_601 : i32 to index
        %parallel_loop3A_709 = tpu.vector_load %arg11[%parallel_loop3A_707, %parallel_loop3A_708] {strides = array<i32>} : memref<16x512xf32, #tpu.memory_space<vmem>>, vector<1x16xf32>,
        %parallel_loop3A_710 = vector.shape_cast %parallel_loop3A_709 : vector<1x16xf32> to vector<16xf32>
        %parallel_loop3A_711 = vector.shape_cast %parallel_loop3A_705 : vector<16xf32> to vector<1x16xf32>
        tpu.vector_store %arg11[%parallel_loop3A_707, %parallel_loop3A_708], %parallel_loop3A_711 {add = true, strides = array<i32>} : memref<16x512xf32, #tpu.memory_space<vmem>>, vector<1x16xf32>,
        %parallel_loop3A_712 = arith.addi %squeeze3A_574, %parallel_loop3A_601 : i32
        %parallel_loop3A_713 = arith.index_cast %parallel_loop3A_712 : i32 to index
        %parallel_loop3A_714 = tpu.vector_load %arg6[%parallel_loop3A_713] {strides = array<i32>} : memref<34816xf32, #tpu.memory_space<vmem>>, vector<16xf32>,
        %parallel_loop3A_715 = vector.shape_cast %parallel_loop3A_714 : vector<16xf32> to vector<16xf32>
        %parallel_loop3A_716 = arith.constant 11 : i32
        %parallel_loop3A_717 = arith.index_cast %parallel_loop3A_716 : i32 to index
        %parallel_loop3A_718 = arith.index_cast %parallel_loop3A_601 : i32 to index
        %parallel_loop3A_719 = tpu.vector_load %arg11[%parallel_loop3A_717, %parallel_loop3A_718] {strides = array<i32>} : memref<16x512xf32, #tpu.memory_space<vmem>>, vector<1x16xf32>,
        %parallel_loop3A_720 = vector.shape_cast %parallel_loop3A_719 : vector<1x16xf32> to vector<16xf32>
        %parallel_loop3A_721 = vector.shape_cast %parallel_loop3A_715 : vector<16xf32> to vector<1x16xf32>
        tpu.vector_store %arg11[%parallel_loop3A_717, %parallel_loop3A_718], %parallel_loop3A_721 {add = true, strides = array<i32>} : memref<16x512xf32, #tpu.memory_space<vmem>>, vector<1x16xf32>,
        %parallel_loop3A_722 = arith.addi %squeeze3A_576, %parallel_loop3A_601 : i32
        %parallel_loop3A_723 = arith.index_cast %parallel_loop3A_722 : i32 to index
        %parallel_loop3A_724 = tpu.vector_load %arg6[%parallel_loop3A_723] {strides = array<i32>} : memref<34816xf32, #tpu.memory_space<vmem>>, vector<16xf32>,
        %parallel_loop3A_725 = vector.shape_cast %parallel_loop3A_724 : vector<16xf32> to vector<16xf32>
        %parallel_loop3A_726 = arith.constant 12 : i32
        %parallel_loop3A_727 = arith.index_cast %parallel_loop3A_726 : i32 to index
        %parallel_loop3A_728 = arith.index_cast %parallel_loop3A_601 : i32 to index
        %parallel_loop3A_729 = tpu.vector_load %arg11[%parallel_loop3A_727, %parallel_loop3A_728] {strides = array<i32>} : memref<16x512xf32, #tpu.memory_space<vmem>>, vector<1x16xf32>,
        %parallel_loop3A_730 = vector.shape_cast %parallel_loop3A_729 : vector<1x16xf32> to vector<16xf32>
        %parallel_loop3A_731 = vector.shape_cast %parallel_loop3A_725 : vector<16xf32> to vector<1x16xf32>
        tpu.vector_store %arg11[%parallel_loop3A_727, %parallel_loop3A_728], %parallel_loop3A_731 {add = true, strides = array<i32>} : memref<16x512xf32, #tpu.memory_space<vmem>>, vector<1x16xf32>,
        %parallel_loop3A_732 = arith.addi %squeeze3A_578, %parallel_loop3A_601 : i32
        %parallel_loop3A_733 = arith.index_cast %parallel_loop3A_732 : i32 to index
        %parallel_loop3A_734 = tpu.vector_load %arg6[%parallel_loop3A_733] {strides = array<i32>} : memref<34816xf32, #tpu.memory_space<vmem>>, vector<16xf32>,
        %parallel_loop3A_735 = vector.shape_cast %parallel_loop3A_734 : vector<16xf32> to vector<16xf32>
        %parallel_loop3A_736 = arith.constant 13 : i32
        %parallel_loop3A_737 = arith.index_cast %parallel_loop3A_736 : i32 to index
        %parallel_loop3A_738 = arith.index_cast %parallel_loop3A_601 : i32 to index
        %parallel_loop3A_739 = tpu.vector_load %arg11[%parallel_loop3A_737, %parallel_loop3A_738] {strides = array<i32>} : memref<16x512xf32, #tpu.memory_space<vmem>>, vector<1x16xf32>,
        %parallel_loop3A_740 = vector.shape_cast %parallel_loop3A_739 : vector<1x16xf32> to vector<16xf32>
        %parallel_loop3A_741 = vector.shape_cast %parallel_loop3A_735 : vector<16xf32> to vector<1x16xf32>
        tpu.vector_store %arg11[%parallel_loop3A_737, %parallel_loop3A_738], %parallel_loop3A_741 {add = true, strides = array<i32>} : memref<16x512xf32, #tpu.memory_space<vmem>>, vector<1x16xf32>,
        %parallel_loop3A_742 = arith.addi %squeeze3A_580, %parallel_loop3A_601 : i32
        %parallel_loop3A_743 = arith.index_cast %parallel_loop3A_742 : i32 to index
        %parallel_loop3A_744 = tpu.vector_load %arg6[%parallel_loop3A_743] {strides = array<i32>} : memref<34816xf32, #tpu.memory_space<vmem>>, vector<16xf32>,
        %parallel_loop3A_745 = vector.shape_cast %parallel_loop3A_744 : vector<16xf32> to vector<16xf32>
        %parallel_loop3A_746 = arith.constant 14 : i32
        %parallel_loop3A_747 = arith.index_cast %parallel_loop3A_746 : i32 to index
        %parallel_loop3A_748 = arith.index_cast %parallel_loop3A_601 : i32 to index
        %parallel_loop3A_749 = tpu.vector_load %arg11[%parallel_loop3A_747, %parallel_loop3A_748] {strides = array<i32>} : memref<16x512xf32, #tpu.memory_space<vmem>>, vector<1x16xf32>,
        %parallel_loop3A_750 = vector.shape_cast %parallel_loop3A_749 : vector<1x16xf32> to vector<16xf32>
        %parallel_loop3A_751 = vector.shape_cast %parallel_loop3A_745 : vector<16xf32> to vector<1x16xf32>
        tpu.vector_store %arg11[%parallel_loop3A_747, %parallel_loop3A_748], %parallel_loop3A_751 {add = true, strides = array<i32>} : memref<16x512xf32, #tpu.memory_space<vmem>>, vector<1x16xf32>,
        %parallel_loop3A_752 = arith.addi %squeeze3A_582, %parallel_loop3A_601 : i32
        %parallel_loop3A_753 = arith.index_cast %parallel_loop3A_752 : i32 to index
        %parallel_loop3A_754 = tpu.vector_load %arg6[%parallel_loop3A_753] {strides = array<i32>} : memref<34816xf32, #tpu.memory_space<vmem>>, vector<16xf32>,
        %parallel_loop3A_755 = vector.shape_cast %parallel_loop3A_754 : vector<16xf32> to vector<16xf32>
        %parallel_loop3A_756 = arith.constant 15 : i32
        %parallel_loop3A_757 = arith.index_cast %parallel_loop3A_756 : i32 to index
        %parallel_loop3A_758 = arith.index_cast %parallel_loop3A_601 : i32 to index
        %parallel_loop3A_759 = tpu.vector_load %arg11[%parallel_loop3A_757, %parallel_loop3A_758] {strides = array<i32>} : memref<16x512xf32, #tpu.memory_space<vmem>>, vector<1x16xf32>,
        %parallel_loop3A_760 = vector.shape_cast %parallel_loop3A_759 : vector<1x16xf32> to vector<16xf32>
        %parallel_loop3A_761 = vector.shape_cast %parallel_loop3A_755 : vector<16xf32> to vector<1x16xf32>
        tpu.vector_store %arg11[%parallel_loop3A_757, %parallel_loop3A_758], %parallel_loop3A_761 {add = true, strides = array<i32>} : memref<16x512xf32, #tpu.memory_space<vmem>>, vector<1x16xf32>,
      } {sc.loop_unroll_factor = 1 : i64, sc.parallel_access}
      %add3A_586 = arith.constant 48 : i32
      %add3A_587 = arith.addi %mul3A_2, %add3A_586 : i32
      %dma_start3A_588 = arith.constant 0 : i32
      %dma_start3A_589 = tpu.memref_slice %arg5[%add3A_69, %add3A_587, %dma_start3A_588] : memref<64x2048x512xf32, #tpu.memory_space<hbm>> -> memref<1x16x512xf32, #tpu.memory_space<hbm>>
      %dma_start3A_590 = tpu.memref_squeeze %dma_start3A_589 : memref<1x16x512xf32, #tpu.memory_space<hbm>> -> memref<16x512xf32, #tpu.memory_space<hbm>>
      %dma_start3A_591 = arith.constant 0 : i32
      %dma_start3A_592 = tpu.memref_slice %arg5[%add3A_69, %add3A_587, %dma_start3A_591] : memref<64x2048x512xf32, #tpu.memory_space<hbm>> -> memref<1x16x512xf32, #tpu.memory_space<hbm>>
      %dma_start3A_593 = tpu.memref_squeeze %dma_start3A_592 : memref<1x16x512xf32, #tpu.memory_space<hbm>> -> memref<16x512xf32, #tpu.memory_space<hbm>>
      tpu.enqueue_dma source(%arg11 : memref<16x512xf32, #tpu.memory_space<vmem>>) target(%dma_start3A_593 : memref<16x512xf32, #tpu.memory_space<hbm>>) target_semaphore(%arg17 : memref<!tpu.dma_semaphore, #tpu.memory_space<semaphore_mem>>)
      %lt3A_594 = arith.constant 63 : i32
      %lt3A_595 = arith.cmpi slt, %add3A_69, %lt3A_594 : i32
      %convert_element_type3A_596 = arith.extui %lt3A_595 : i1 to i32
      %cond3A_597 = arith.constant 0 : i32
      %cond3A_598 = arith.cmpi ne, %convert_element_type3A_596, %cond3A_597 : i32
      scf.if %cond3A_598 {
        %dma_wait3A_599 = arith.constant 0 : i32
        %dma_wait3A_600 = arith.constant 0 : i32
        %dma_wait3A_601 = arith.constant 0 : i32
        %dma_wait3A_602 = tpu.memref_slice %arg5[%dma_wait3A_599, %dma_wait3A_600, %dma_wait3A_601] : memref<64x2048x512xf32, #tpu.memory_space<hbm>> -> memref<1x16x512xf32, #tpu.memory_space<hbm>>
        %dma_wait3A_603 = tpu.memref_squeeze %dma_wait3A_602 : memref<1x16x512xf32, #tpu.memory_space<hbm>> -> memref<16x512xf32, #tpu.memory_space<hbm>>
        %dma_wait3A_604 = arith.constant 0 : i32
        %dma_wait3A_605 = arith.constant 0 : i32
        %dma_wait3A_606 = tpu.memref_slice %arg5[%dma_wait3A_599, %dma_wait3A_604, %dma_wait3A_605] : memref<64x2048x512xf32, #tpu.memory_space<hbm>> -> memref<1x16x512xf32, #tpu.memory_space<hbm>>
        %dma_wait3A_607 = tpu.memref_squeeze %dma_wait3A_606 : memref<1x16x512xf32, #tpu.memory_space<hbm>> -> memref<16x512xf32, #tpu.memory_space<hbm>>
        tpu.wait_dma2 semaphore(%arg15 : memref<!tpu.dma_semaphore, #tpu.memory_space<semaphore_mem>>) src(%arg9 : memref<16x512xf32, #tpu.memory_space<vmem>>) dst(%dma_wait3A_607 : memref<16x512xf32, #tpu.memory_space<hbm>>)
        %mul3A_608 = arith.constant 64 : i32
        %mul3A_609 = arith.muli %arg1, %mul3A_608 : i32
        %add3A_610 = arith.constant 16 : i32
        %add3A_611 = arith.addi %mul3A_609, %add3A_610 : i32
        %dma_start3A_612 = arith.constant 0 : i32
        %dma_start3A_613 = tpu.memref_slice %arg7[%add3A_611, %dma_start3A_612] : memref<1024x512xf32, #tpu.memory_space<vmem_shared>> -> memref<16x512xf32, #tpu.memory_space<vmem_shared>>
        %dma_start3A_614 = arith.constant 0 : i32
        %dma_start3A_615 = tpu.memref_slice %arg7[%add3A_611, %dma_start3A_614] : memref<1024x512xf32, #tpu.memory_space<vmem_shared>> -> memref<16x512xf32, #tpu.memory_space<vmem_shared>>
        tpu.enqueue_dma source(%dma_start3A_615 : memref<16x512xf32, #tpu.memory_space<vmem_shared>>) target(%arg9 : memref<16x512xf32, #tpu.memory_space<vmem>>) target_semaphore(%arg19 : memref<!tpu.dma_semaphore, #tpu.memory_space<semaphore_mem>>)
      } else {
      }
    }
    %scan3A_29 = arith.constant 32 : i32
    %dma_wait3A = arith.constant 0 : i32
    %dma_wait3A_30 = arith.constant 0 : i32
    %dma_wait3A_31 = arith.constant 0 : i32
    %dma_wait3A_32 = tpu.memref_slice %arg5[%dma_wait3A, %dma_wait3A_30, %dma_wait3A_31] : memref<64x2048x512xf32, #tpu.memory_space<hbm>> -> memref<1x16x512xf32, #tpu.memory_space<hbm>>
    %dma_wait3A_33 = tpu.memref_squeeze %dma_wait3A_32 : memref<1x16x512xf32, #tpu.memory_space<hbm>> -> memref<16x512xf32, #tpu.memory_space<hbm>>
    %dma_wait3A_34 = arith.constant 0 : i32
    %dma_wait3A_35 = arith.constant 0 : i32
    %dma_wait3A_36 = tpu.memref_slice %arg5[%dma_wait3A, %dma_wait3A_34, %dma_wait3A_35] : memref<64x2048x512xf32, #tpu.memory_space<hbm>> -> memref<1x16x512xf32, #tpu.memory_space<hbm>>
    %dma_wait3A_37 = tpu.memref_squeeze %dma_wait3A_36 : memref<1x16x512xf32, #tpu.memory_space<hbm>> -> memref<16x512xf32, #tpu.memory_space<hbm>>
    tpu.wait_dma2 semaphore(%arg14 : memref<!tpu.dma_semaphore, #tpu.memory_space<semaphore_mem>>) src(%arg8 : memref<16x512xf32, #tpu.memory_space<vmem>>) dst(%dma_wait3A_37 : memref<16x512xf32, #tpu.memory_space<hbm>>)
    %dma_wait3A_38 = arith.constant 0 : i32
    %dma_wait3A_39 = arith.constant 0 : i32
    %dma_wait3A_40 = arith.constant 0 : i32
    %dma_wait3A_41 = tpu.memref_slice %arg5[%dma_wait3A_38, %dma_wait3A_39, %dma_wait3A_40] : memref<64x2048x512xf32, #tpu.memory_space<hbm>> -> memref<1x16x512xf32, #tpu.memory_space<hbm>>
    %dma_wait3A_42 = tpu.memref_squeeze %dma_wait3A_41 : memref<1x16x512xf32, #tpu.memory_space<hbm>> -> memref<16x512xf32, #tpu.memory_space<hbm>>
    %dma_wait3A_43 = arith.constant 0 : i32
    %dma_wait3A_44 = arith.constant 0 : i32
    %dma_wait3A_45 = tpu.memref_slice %arg5[%dma_wait3A_38, %dma_wait3A_43, %dma_wait3A_44] : memref<64x2048x512xf32, #tpu.memory_space<hbm>> -> memref<1x16x512xf32, #tpu.memory_space<hbm>>
    %dma_wait3A_46 = tpu.memref_squeeze %dma_wait3A_45 : memref<1x16x512xf32, #tpu.memory_space<hbm>> -> memref<16x512xf32, #tpu.memory_space<hbm>>
    tpu.wait_dma2 semaphore(%arg15 : memref<!tpu.dma_semaphore, #tpu.memory_space<semaphore_mem>>) src(%arg9 : memref<16x512xf32, #tpu.memory_space<vmem>>) dst(%dma_wait3A_46 : memref<16x512xf32, #tpu.memory_space<hbm>>)
    %dma_wait3A_47 = arith.constant 0 : i32
    %dma_wait3A_48 = arith.constant 0 : i32
    %dma_wait3A_49 = arith.constant 0 : i32
    %dma_wait3A_50 = tpu.memref_slice %arg5[%dma_wait3A_47, %dma_wait3A_48, %dma_wait3A_49] : memref<64x2048x512xf32, #tpu.memory_space<hbm>> -> memref<1x16x512xf32, #tpu.memory_space<hbm>>
    %dma_wait3A_51 = tpu.memref_squeeze %dma_wait3A_50 : memref<1x16x512xf32, #tpu.memory_space<hbm>> -> memref<16x512xf32, #tpu.memory_space<hbm>>
    %dma_wait3A_52 = arith.constant 0 : i32
    %dma_wait3A_53 = arith.constant 0 : i32
    %dma_wait3A_54 = tpu.memref_slice %arg5[%dma_wait3A_47, %dma_wait3A_52, %dma_wait3A_53] : memref<64x2048x512xf32, #tpu.memory_space<hbm>> -> memref<1x16x512xf32, #tpu.memory_space<hbm>>
    %dma_wait3A_55 = tpu.memref_squeeze %dma_wait3A_54 : memref<1x16x512xf32, #tpu.memory_space<hbm>> -> memref<16x512xf32, #tpu.memory_space<hbm>>
    tpu.wait_dma2 semaphore(%arg16 : memref<!tpu.dma_semaphore, #tpu.memory_space<semaphore_mem>>) src(%arg10 : memref<16x512xf32, #tpu.memory_space<vmem>>) dst(%dma_wait3A_55 : memref<16x512xf32, #tpu.memory_space<hbm>>)
    %dma_wait3A_56 = arith.constant 0 : i32
    %dma_wait3A_57 = arith.constant 0 : i32
    %dma_wait3A_58 = arith.constant 0 : i32
    %dma_wait3A_59 = tpu.memref_slice %arg5[%dma_wait3A_56, %dma_wait3A_57, %dma_wait3A_58] : memref<64x2048x512xf32, #tpu.memory_space<hbm>> -> memref<1x16x512xf32, #tpu.memory_space<hbm>>
    %dma_wait3A_60 = tpu.memref_squeeze %dma_wait3A_59 : memref<1x16x512xf32, #tpu.memory_space<hbm>> -> memref<16x512xf32, #tpu.memory_space<hbm>>
    %dma_wait3A_61 = arith.constant 0 : i32
    %dma_wait3A_62 = arith.constant 0 : i32
    %dma_wait3A_63 = tpu.memref_slice %arg5[%dma_wait3A_56, %dma_wait3A_61, %dma_wait3A_62] : memref<64x2048x512xf32, #tpu.memory_space<hbm>> -> memref<1x16x512xf32, #tpu.memory_space<hbm>>
    %dma_wait3A_64 = tpu.memref_squeeze %dma_wait3A_63 : memref<1x16x512xf32, #tpu.memory_space<hbm>> -> memref<16x512xf32, #tpu.memory_space<hbm>>
    tpu.wait_dma2 semaphore(%arg17 : memref<!tpu.dma_semaphore, #tpu.memory_space<semaphore_mem>>) src(%arg11 : memref<16x512xf32, #tpu.memory_space<vmem>>) dst(%dma_wait3A_64 : memref<16x512xf32, #tpu.memory_space<hbm>>)
    return
  }
}

</mosaic_0001>

<sc_bundles>
// kernel: kernel.3.cloned.1.call-start
scs
__scs_entry_jumppad:
0x0: {  	(pc) =	sbr.rel $0x88, $3  }
0x1: {  	(tag) =	ssettag $0x0;
	lr =	simm.s32 $0x1  }
0x2: {  	[smem:$0x3F9F] =	sst lr;
	_ =	strace $0xD0000000  }
0x3: {  	_ = 	snop  }
0x4: {  	_ = 	snop  }
0x5: {  	_ = 	snop  }
0x6: {  	_ = 	snop  }
0x7: {  	_ = 	snop  }
__scs_overlays_trampoline_lowered:
0x8: {  	[smem:$0x3FAE] =	sst s0  }
0x9: {  	[smem:$0x3FAF] =	sst s1  }
0xa: {  	[smem:$0x3FB0] =	sst s2  }
0xb: {  	[smem:$0x3FB1] =	sst s3  }
0xc: {  	[smem:$0x3FB2] =	sst s4  }
0xd: {  	[smem:$0x3FB3] =	sst s5  }
0xe: {  	[smem:$0x3FB4] =	sst s6  }
0xf: {  	[smem:$0x3FB5] =	sst s7  }
0x10: {  	[smem:$0x3FB6] =	sst s8  }
0x11: {  	[smem:$0x3FB7] =	sst s9;
	s0 =	simm.s32 @!p0 $0x0  }
0x12: {  	s1 =	sld [smem:$0x3F9D];
	s0 =	simm.s32 @p0 $0x1  }
0x13: {  	[smem:$0x3FB8] =	sst s0;
	s0 =	simm.s32 @!p1 $0x0  }
0x14: {  	s2 =	sld [smem:$0x3F9C];
	s0 =	simm.s32 @p1 $0x1  }
0x15: {  	[smem:$0x3FB9] =	sst s0;
	s0 =	simm.s32 @!p2 $0x0  }
0x16: {  	s3 =	sld [smem:$0x3FDB];
	s0 =	simm.s32 @p2 $0x1  }
0x17: {  	s4 =	simm.s32 $0x1BF5;
	[smem:$0x3FBB] =	sst s0  }
0x18: {  	s0 =	sld [smem:$0x3F9E];
	_ =	swait.ge [sflag:s4], $0x0  }
0x19: {  	s7 =	sld [smem:$0x3F9F]  }
0x1a: {  	s8 =	sadd.s32 $0xFFFFE003, lr  }
0x1b: {  	s9 =	sadd.s32 $0xFFFFFEF7, lr;
	s5 =	simm.s32 $0xFFFFFFFF;
	p2 =	slt.u32 s8, $0xFFFFF086  }
0x1c: {  	p1 =	slt.u32 s9, $0xF7A;
	s5 =	simm.s32 @!p2 $0x0  }
0x1d: {  	s5 =	simm.s32 @p1 $0x1;
	p0 =	seq.s32 s7, s2  }
0x1e: {  	s7 =	smul.u32 @!p0 $0xF7A, s2;
	p2 =	seq.s32 @!p0 s5, $0x0  }
0x1f: {  	s9 =	smul.u32 $0xF7A, s1;
	s8 =	simm.s32 @!p0 $0x1BF5;
	p2 =	por !p2, p0  }
0x20: {  	[sflag:s8] =	ssyncset.s32 @!p0 $0xFFFFF086;
	s6 =	sadd.s32 @!p0 s3, s7;
	s7 =	simm.s32 @!p0 $0x108  }
0x21: {  	s3 =	sadd.s32 s3, s9;
	s6 =	sadd.s32 @!p0 $0x88, s6;
	s7 =	simm.s32 @p2 $0x1082  }
0x22: {  	[simem:s7], [sflag:s8] =	dma.local @!p0 [hbm:s6], $0xF7A  }
0x23: {  	s9 =	sor.u32 $0xD0000000, s2;
	s6 =	simm.s32 $0x108;
	_ =	swait.ge @!p0 [sflag:s8], $0x0  }
0x24: {  	s3 =	sadd.s32 $0x88, s3;
	s6 =	simm.s32 @!p1 $0x1082;
	[sflag:s4] =	ssyncset.s32 $0xFFFFF086  }
0x25: {  	[simem:s6], [sflag:s4] =	dma.local [hbm:s3], $0xF7A  }
0x26: {  	[smem:$0x3F9F] =	sst s1;
	(tag) =	ssettag s2;
	_ =	strace s9  }
0x27: {  	s1 =	sld [smem:$0x3FAF]  }
0x28: {  	s2 =	sld [smem:$0x3FB0]  }
0x29: {  	s4 =	sld [smem:$0x3FB2]  }
0x2a: {  	p0 =	seq.s32 s5, $0x0;
	s5 =	sld [smem:$0x3FB3]  }
0x2b: {  	s6 =	sld [smem:$0x3FB4]  }
0x2c: {  	s7 =	sld [smem:$0x3FB5]  }
0x2d: {  	s3 =	simm.s32 $0x108;
	s8 =	sld [smem:$0x3FB6]  }
0x2e: {  	s3 =	simm.s32 @!p0 $0x1082;
	s9 =	sld [smem:$0x3FB7]  }
0x2f: {  	lr =	sadd.s32 s0, s3;
	s0 =	sld [smem:$0x3FAE]  }
0x30: {  	s3 =	sld [smem:$0x3FB1]  }
0x31: {  	[smem:$0x3FBA] =	sst s10  }
0x32: {  	s10 =	sld [smem:$0x3FB8];
	_ =	sdelay $0x3  }
0x33: {  	p0 =	seq.s32 s10, $0x1;
	s10 =	sld [smem:$0x3FBA];
	_ =	sdelay $0x3  }
0x34: {  	[smem:$0x3FBA] =	sst s10  }
0x35: {  	s10 =	sld [smem:$0x3FB9];
	_ =	sdelay $0x3  }
0x36: {  	p1 =	seq.s32 s10, $0x1;
	s10 =	sld [smem:$0x3FBA];
	_ =	sdelay $0x3  }
0x37: {  	[smem:$0x3FBA] =	sst s10  }
0x38: {  	s10 =	sld [smem:$0x3FBB]  }
0x39: {  	_ = 	snop;
	(pc) =	sbr.ind lr, $3  }
0x3a: {  	_ = 	snop  }
0x3b: {  	_ = 	snop  }
0x3c: {  	p2 =	seq.s32 s10, $0x1;
	s10 =	sld [smem:$0x3FBA]  }
0x3d: {  	_ =	shalt  }
0x3e: {  	_ =	shalt  }
0x3f: {  	_ =	shalt  }
0x40: {  	_ =	shalt  }
0x41: {  	_ =	shalt  }
0x42: {  	_ =	shalt  }
0x43: {  	_ =	shalt  }
0x44: {  	_ =	shalt  }
0x45: {  	_ =	shalt  }
0x46: {  	_ =	shalt  }
0x47: {  	_ =	shalt  }
0x48: {  	_ =	shalt  }
0x49: {  	_ =	shalt  }
0x4a: {  	_ =	shalt  }
0x4b: {  	_ =	shalt  }
0x4c: {  	_ =	shalt  }
0x4d: {  	_ =	shalt  }
0x4e: {  	_ =	shalt  }
0x4f: {  	_ =	shalt  }
0x50: {  	_ =	shalt  }
0x51: {  	_ =	shalt  }
0x52: {  	_ =	shalt  }
0x53: {  	_ =	shalt  }
0x54: {  	_ =	shalt  }
0x55: {  	_ =	shalt  }
0x56: {  	_ =	shalt  }
0x57: {  	_ =	shalt  }
0x58: {  	_ =	shalt  }
0x59: {  	_ =	shalt  }
0x5a: {  	_ =	shalt  }
0x5b: {  	_ =	shalt  }
0x5c: {  	_ =	shalt  }
0x5d: {  	_ =	shalt  }
0x5e: {  	_ =	shalt  }
0x5f: {  	_ =	shalt  }
0x60: {  	_ =	shalt  }
0x61: {  	_ =	shalt  }
0x62: {  	_ =	shalt  }
0x63: {  	_ =	shalt  }
0x64: {  	_ =	shalt  }
0x65: {  	_ =	shalt  }
0x66: {  	_ =	shalt  }
0x67: {  	_ =	shalt  }
0x68: {  	_ =	shalt  }
0x69: {  	_ =	shalt  }
0x6a: {  	_ =	shalt  }
0x6b: {  	_ =	shalt  }
0x6c: {  	_ =	shalt  }
0x6d: {  	_ =	shalt  }
0x6e: {  	_ =	shalt  }
0x6f: {  	_ =	shalt  }
0x70: {  	_ =	shalt  }
0x71: {  	_ =	shalt  }
0x72: {  	_ =	shalt  }
0x73: {  	_ =	shalt  }
0x74: {  	_ =	shalt  }
0x75: {  	_ =	shalt  }
0x76: {  	_ =	shalt  }
0x77: {  	_ =	shalt  }
0x78: {  	_ =	shalt  }
0x79: {  	_ =	shalt  }
0x7a: {  	_ =	shalt  }
0x7b: {  	_ =	shalt  }
0x7c: {  	_ =	shalt  }
0x7d: {  	_ =	shalt  }
0x7e: {  	_ =	shalt  }
0x7f: {  	_ =	shalt  }
0x80: {  	_ =	shalt  }
0x81: {  	_ =	shalt  }
0x82: {  	_ =	shalt  }
0x83: {  	_ =	shalt  }
0x84: {  	_ =	shalt  }
0x85: {  	_ =	shalt  }
0x86: {  	_ =	shalt  }
0x87: {  	_ =	shalt  }
.Lfunc_end0:
.L_simem_size_0:
called_computation_lowered:
.L_overlay_start_0:
0x88: {  	s2 =	sld [smem:$0x3FD9]  }
0x89: {  	s3 =	sld [smem:$0x3FFE];
	_ =	sdelay $0x1  }
0x8a: {  	s1 =	srdreg.scid  }
0x8b: {  	s0 =	sand.u32 $0x1, s1  }
0x8c: {  	s17 =	sshll.u32 s0, $0xA;
	s2 =	sadd.s32 s3, s2  }
0x8d: {  	s2 =	sadd.s32 s2, s17  }
0x8e: {  	[smem:$0x3FC6] =	sst s2  }
0x8f: {  	_ = 	snop  }
0x90: {  	s2 =	sld [smem:$0x3FC9]  }
0x91: {  	s18 =	sld [smem:$0x3FD0];
	(tm) =	ssettm $0x1  }
0x92: {  	s4 =	sld [smem:$0x3FFB];
	_ =	sdelay $0x3  }
0x93: {  	_ =	strace s4  }
0x94: {  	s4 =	sld [smem:$0x3FFC];
	_ =	sdelay $0x3  }
0x95: {  	_ =	strace s4  }
0x96: {  	s4 =	sld [smem:$0x3FFD];
	_ =	sdelay $0x3  }
0x97: {  	_ =	strace s4  }
0x98: {  	_ =	strace $0x8FFFFFFF  }
0x99: {  	s19 =	sld [smem:$0x3FDB];
	_ =	sdelay $0x1  }
0x9a: {  	s5 =	simm.s32 $_scs_section_size  }
0x9b: {  	s6 =	simm.s32 $_size__tile_overlayer_lowered;
	s7 =	simm.s32 $_tile_overlayer_lowered  }
0x9c: {  	s22 =	simm.s32 $0x1BFF;
	s21 =	sshll.u32 s7, $0x1;
	s4 =	sadd.s32 s5, s19  }
0x9d: {  	s8 =	simm.s32 $0x0;
	s20 =	sshll.u32 s6, $0x1;
	s6 =	sadd.s32 s21, s4  }
0x9e: {  	[timem:s8], [sflag:s22] =	dma.local [hbm:s6], s20  }
0x9f: {  	_ =	swait.ge [sflag:s22], s20  }
0xa0: {  	s5 =	ssub.s32 $0x0, s20;
	[sflag:s22] =	ssyncset.done $0x0  }
0xa1: {  	[sflag:s22] =	ssyncadd.s32 s5;
	_ =	sdelay $0x1  }
0xa2: {  	s23 =	simm.s32 $0x1B8B  }
0xa3: {  	_ =	swait.ge [sflag:s23], $0x1  }
0xa4: {  	[sflag:s23] =	ssyncset.done $0x0  }
0xa5: {  	s25 =	simm.s32 $0x1B8E;
	s24 =	sld [smem:$0x3FFE];
	[sflag:s23] =	ssyncadd.s32 $0xFFFFFFFF  }
0xa6: {  	s26 =	simm.s32 $execute0_lowered;
	[smem:$0x3FD2] =	sst s25  }
0xa7: {  	s6 =	sshll.u32 s26, $0x1;
	_ =	strace $0x80000046;
	[dreg:$0x1] =	wrdreg $0xFFFFFFFF  }
0xa8: {  	s28 =	simm.s32 $_size_execute0_lowered;
	s4 =	sadd.s32 s4, s6;
	[dreg:$0x0] =	wrdreg $0x0  }
0xa9: {  	s6 =	sshll.u32 s28, $0x1;
	[dreg:$0x2] =	wrdreg s4  }
0xaa: {  	[dreg:$0x3] =	wrdreg s6  }
0xab: {  	[dreg:$0x4] =	wrdreg $0xC0  }
0xac: {  	_ =	task [dreg:s8], $0x5FFFF  }
0xad: {  	[dreg:$0x1] =	wrdreg $0xFFFFFFFF  }
0xae: {  	[dreg:$0x0] =	wrdreg $0x60  }
0xaf: {  	[dreg:$0x2] =	wrdreg s2  }
0xb0: {  	[dreg:$0x3] =	wrdreg s24  }
0xb1: {  	[dreg:$0x4] =	wrdreg s18  }
0xb2: {  	[dreg:$0x5] =	wrdreg $0x88000  }
0xb3: {  	[dreg:$0x6] =	wrdreg $0x9  }
0xb4: {  	_ =	task.clear_ibuf [dreg:s8], $0x7FFFF;
	_ =	strace $0x90000046  }
0xb5: {  	s29 =	simm.s32 $0x9;
	_ =	strace $0x80000048  }
0xb6: {  	_ =	swait.ge [sflag:s29], $0x1  }
0xb7: {  	[sflag:s29] =	ssyncadd.s32 $0xFFFFFFFF  }
0xb8: {  	_ =	strace $0x90000048  }
0xb9: {  	_ =	sfence  }
0xba: {  	s30 =	sld [smem:$0x0];
	_ =	sdelay $0x2  }
0xbb: {  	s31 =	sshll.u32 s1, $0xD;
	s1 =	sshrl.u32 s1, $0x2  }
0xbc: {  	s3 =	sand.u32 $0x4000, s31;
	s1 =	sadd.s32 s1, s30  }
0xbd: {  	s0 =	sor.u32 s3, s0;
	s1 =	sshll.u32 s1, $0x11  }
0xbe: {  	s0 =	sor.u32 s1, s0  }
0xbf: {  	s0 =	sadd.s32 $0x8F2B, s0  }
0xc0: {  	[sflag:s0] =	ssyncadd.remote.s32 $0x1  }
0xc1: {  	_ =	sfence.sel $0xFFFF  }
0xc2: {  	[dreg:$0x0] =	wrdreg $0xFFFFFFFF;
	(pc) =	sbr.abs _section_cstart, $3  }
0xc3: {  	[dreg:$0x1] =	wrdreg $0xFFFFFFFF  }
0xc4: {  	_ =	task.clear_ibuf [dreg:s8], $0x2FFFF;
	_ =	strace $0x9FFFFFFF  }
0xc5: {  	(tm) =	ssettm $0x7FFFFFFF  }
tec
execute0_lowered:
.L_overlay_start_1:
0x0: {  	(tag) =	ssettag $0x1  }
0x1: {  	s31 =	rddreg [dreg:$0x0]  }
0x2: {  	s0 =	rddreg [dreg:$0x1]  }
0x3: {  	s2 =	rddreg [dreg:$0x2]  }
0x4: {  	s4 =	rddreg [dreg:$0x3];
	s1 =	simm.s32 $0x0;
	s7 =	srdreg.scid  }
0x5: {  	s9 =	stileid.u32;
	[smem:$0x7FF] =	sst s1;
	s1 =	sand.u32 $0x1, s7  }
0x6: {  	s3 =	sadd.s32 $0x400, s0;
	s28 =	sshll.u32 s9, $0xF;
	_ =	strace $0x80000047  }
0x7: {  	[smem:$0x7D3] =	sst s3;
	s8 =	sshll.u32 s1, $0xC;
	s3 =	sadd.s32 s28, s4  }
0x8: {  	s0 =	sadd.s32 s8, s0;
	[smem:$0x7F9] =	sst s3;
	s28 =	sadd.s32 $0x6000, s3  }
0x9: {  	s7 =	sadd.s32 $0x1600, s0;
	[smem:$0x7FA] =	sst s28  }
0xa: {  	s11 =	sadd.s32 $0x3600, s0;
	[smem:$0x7D4] =	sst s7  }
0xb: {  	s12 =	sadd.s32 $0x5600, s0;
	[smem:$0x7D5] =	sst s11  }
0xc: {  	s13 =	sadd.s32 $0x7600, s0;
	[smem:$0x7D6] =	sst s12  }
0xd: {  	s14 =	sadd.s32 $0x9600, s0;
	[smem:$0x7D7] =	sst s13  }
0xe: {  	s15 =	sadd.s32 $0xB600, s0;
	[smem:$0x7D8] =	sst s14  }
0xf: {  	s16 =	sadd.s32 $0xD600, s0;
	[smem:$0x7D9] =	sst s15  }
0x10: {  	s17 =	sadd.s32 $0xF600, s0;
	[smem:$0x7DA] =	sst s16  }
0x11: {  	s18 =	sadd.s32 $0x11600, s0;
	[smem:$0x7DB] =	sst s17  }
0x12: {  	s19 =	sadd.s32 $0x13600, s0;
	[smem:$0x7DC] =	sst s18  }
0x13: {  	s20 =	sadd.s32 $0x15600, s0;
	[smem:$0x7DD] =	sst s19  }
0x14: {  	s21 =	sadd.s32 $0x17600, s0;
	[smem:$0x7DE] =	sst s20  }
0x15: {  	s23 =	sshll.u32 s9, $0xA;
	s22 =	sadd.s32 $0x19600, s0;
	[smem:$0x7DF] =	sst s21  }
0x16: {  	s5 =	ssub.s32 $0x2, s1;
	s24 =	sadd.s32 $0x1B600, s0;
	[smem:$0x7E0] =	sst s22  }
0x17: {  	s10 =	sshll.u32 s1, $0x6;
	s25 =	sadd.s32 $0x1D600, s0;
	[smem:$0x7E1] =	sst s24  }
0x18: {  	s6 =	sshrl.u32 s5, $0x1;
	s0 =	sadd.s32 $0x1F600, s0;
	[smem:$0x7E2] =	sst s25  }
0x19: {  	s5 =	ssub.s32 s5, s6;
	s6 =	sor.u32 s10, s23;
	[smem:$0x7E3] =	sst s0  }
0x1a: {  	s10 =	sadd.s32 $0x30000, s4;
	[smem:$0x7E4] =	sst s6;
	s29 =	smax.u32 s5, $0x1  }
0x1b: {  	p0 =	sne.s32 s9, $0x0;
	s11 =	sshrl.u32 s10, $0x3;
	[smem:$0x7E6] =	sst s29  }
0x1c: {  	s1 =	sshll.u32 s1, $0xF;
	s24 =	sadd.s32 $0x2000, s3;
	[smem:$0x7EC] =	sst s11  }
0x1d: {  	s8 =	sshll.u32 s9, $0x10;
	s25 =	sadd.s32 $0x4000, s3;
	[smem:$0x7F6] =	sst s24  }
0x1e: {  	s7 =	sor.u32 s1, s8;
	s26 =	sshrl.u32 s6, $0x3;
	[smem:$0x7F7] =	sst s25  }
0x1f: {  	s5 =	sadd.s32 $0x18000, s4;
	s0 =	sadd.s32 s31, s26;
	[smem:$0x7FC] =	sst s7  }
0x20: {  	s14 =	sadd.s32 $0x48000, s4;
	s6 =	sshrl.u32 s5, $0x3;
	[smem:$0x7E5] =	sst s0  }
0x21: {  	s18 =	sadd.s32 $0x60000, s4;
	s15 =	sshrl.u32 s14, $0x3;
	[smem:$0x7E9] =	sst s6  }
0x22: {  	s22 =	sadd.s32 $0x78000, s4;
	s19 =	sshrl.u32 s18, $0x3;
	[smem:$0x7EF] =	sst s15  }
0x23: {  	s30 =	sadd.s32 $0x8000, s4;
	s23 =	sshrl.u32 s22, $0x3;
	[smem:$0x7F2] =	sst s19  }
0x24: {  	s9 =	sadd.s32 $0x28000, s4;
	s26 =	sor.u32 $0x2000, s7;
	[smem:$0x7F5] =	sst s23  }
0x25: {  	s1 =	sadd.s32 $0x10000, s4;
	s29 =	sor.u32 $0x4000, s7;
	[smem:$0x7F8] =	sst s26  }
0x26: {  	s8 =	sadd.s32 $0x20000, s4;
	s0 =	sshrl.u32 s30, $0x3;
	[smem:$0x7FB] =	sst s29  }
0x27: {  	s12 =	sadd.s32 $0x38000, s4;
	s30 =	sor.u32 $0x6000, s7;
	[smem:$0x7E7] =	sst s0  }
0x28: {  	s13 =	sadd.s32 $0x40000, s4;
	s0 =	sshrl.u32 s1, $0x3;
	[smem:$0x7FD] =	sst s30  }
0x29: {  	s16 =	sadd.s32 $0x50000, s4;
	[smem:$0x7E8] =	sst s0;
	s0 =	sshrl.u32 s8, $0x3  }
0x2a: {  	s17 =	sadd.s32 $0x58000, s4;
	[smem:$0x7EA] =	sst s0;
	s0 =	sshrl.u32 s9, $0x3  }
0x2b: {  	s20 =	sadd.s32 $0x68000, s4;
	[smem:$0x7EB] =	sst s0;
	s0 =	sshrl.u32 s12, $0x3  }
0x2c: {  	s21 =	sadd.s32 $0x70000, s4;
	[smem:$0x7ED] =	sst s0;
	s0 =	sshrl.u32 s13, $0x3  }
0x2d: {  	s10 =	simm.s32 $0x6;
	[smem:$0x7EE] =	sst s0;
	s0 =	sshrl.u32 s16, $0x3  }
0x2e: {  	s3 =	simm.s32 $0x0;
	[smem:$0x7F0] =	sst s0;
	s0 =	sshrl.u32 s17, $0x3  }
0x2f: {  	s14 =	simm.s32 $0x8;
	[smem:$0x7F1] =	sst s0;
	s0 =	sshrl.u32 s20, $0x3  }
0x30: {  	s26 =	simm.s32 $0x0;
	[smem:$0x7F3] =	sst s0;
	s0 =	sshrl.u32 s21, $0x3  }
0x31: {  	s8 =	simm.s32 $0x5;
	s12 =	simm.s32 $0x7;
	[smem:$0x7F4] =	sst s0  }
.LBB2_1:
.Ltmp0:
0x32: {  	(pc) =	sbr.rel @p0 .LBB2_3-.Ltmp0, $2  }
0x33: {  	_ =	sdelay $0x2  }
0x34: {  	[smem:$0x7D2] =	sst s3  }
0x35: {  	s1 =	sld [smem:$0x7D4]  }
0x36: {  	s0 =	rddreg [dreg:$0x3]  }
0x37: {  	s3 =	simm.s32 $0x1C0B;
	s4 =	simm.s32 $0xB;
	s0 =	sshrl.u32 s0, $0x3  }
0x38: {  	[spmem:s0], [sflag:s3] =	dma.local [hbm:s1], $0x1000  }
0x39: {  	_ =	swait.ge [sflag:s4], $0x1000  }
0x3a: {  	s19 =	sld [smem:$0x7D5]  }
0x3b: {  	s20 =	sld [smem:$0x7E7]  }
0x3c: {  	[sflag:s4] =	ssyncset.done $0x0  }
0x3d: {  	[sflag:s4] =	ssyncadd.s32 $0xFFFFF000  }
0x3e: {  	[spmem:s20], [sflag:s3] =	dma.local [hbm:s19], $0x1000  }
0x3f: {  	_ =	swait.ge [sflag:s4], $0x1000  }
0x40: {  	s21 =	sld [smem:$0x7D6]  }
0x41: {  	s22 =	sld [smem:$0x7E8]  }
0x42: {  	[sflag:s4] =	ssyncset.done $0x0  }
0x43: {  	[sflag:s4] =	ssyncadd.s32 $0xFFFFF000  }
0x44: {  	[spmem:s22], [sflag:s3] =	dma.local [hbm:s21], $0x1000  }
0x45: {  	_ =	swait.ge [sflag:s4], $0x1000  }
0x46: {  	s23 =	sld [smem:$0x7D7]  }
0x47: {  	s24 =	sld [smem:$0x7E9]  }
0x48: {  	[sflag:s4] =	ssyncset.done $0x0  }
0x49: {  	[sflag:s4] =	ssyncadd.s32 $0xFFFFF000  }
0x4a: {  	[spmem:s24], [sflag:s3] =	dma.local [hbm:s23], $0x1000  }
0x4b: {  	_ =	swait.ge [sflag:s4], $0x1000  }
0x4c: {  	s25 =	sld [smem:$0x7D8]  }
0x4d: {  	s28 =	sld [smem:$0x7EA]  }
0x4e: {  	[sflag:s4] =	ssyncset.done $0x0  }
0x4f: {  	[sflag:s4] =	ssyncadd.s32 $0xFFFFF000  }
0x50: {  	[spmem:s28], [sflag:s3] =	dma.local [hbm:s25], $0x1000  }
0x51: {  	_ =	swait.ge [sflag:s4], $0x1000  }
0x52: {  	s29 =	sld [smem:$0x7D9]  }
0x53: {  	s30 =	sld [smem:$0x7EB]  }
0x54: {  	[sflag:s4] =	ssyncset.done $0x0  }
0x55: {  	[sflag:s4] =	ssyncadd.s32 $0xFFFFF000  }
0x56: {  	[spmem:s30], [sflag:s3] =	dma.local [hbm:s29], $0x1000  }
0x57: {  	_ =	swait.ge [sflag:s4], $0x1000  }
0x58: {  	s5 =	sld [smem:$0x7DA]  }
0x59: {  	s6 =	sld [smem:$0x7EC]  }
0x5a: {  	[sflag:s4] =	ssyncset.done $0x0  }
0x5b: {  	[sflag:s4] =	ssyncadd.s32 $0xFFFFF000  }
0x5c: {  	[spmem:s6], [sflag:s3] =	dma.local [hbm:s5], $0x1000  }
0x5d: {  	_ =	swait.ge [sflag:s4], $0x1000  }
0x5e: {  	s7 =	sld [smem:$0x7DB]  }
0x5f: {  	s9 =	sld [smem:$0x7ED]  }
0x60: {  	[sflag:s4] =	ssyncset.done $0x0  }
0x61: {  	[sflag:s4] =	ssyncadd.s32 $0xFFFFF000  }
0x62: {  	[spmem:s9], [sflag:s3] =	dma.local [hbm:s7], $0x1000  }
0x63: {  	_ =	swait.ge [sflag:s4], $0x1000  }
0x64: {  	s11 =	sld [smem:$0x7DC]  }
0x65: {  	s13 =	sld [smem:$0x7EE]  }
0x66: {  	[sflag:s4] =	ssyncset.done $0x0  }
0x67: {  	[sflag:s4] =	ssyncadd.s32 $0xFFFFF000  }
0x68: {  	[spmem:s13], [sflag:s3] =	dma.local [hbm:s11], $0x1000  }
0x69: {  	_ =	swait.ge [sflag:s4], $0x1000  }
0x6a: {  	s15 =	sld [smem:$0x7DD]  }
0x6b: {  	s16 =	sld [smem:$0x7EF]  }
0x6c: {  	[sflag:s4] =	ssyncset.done $0x0  }
0x6d: {  	[sflag:s4] =	ssyncadd.s32 $0xFFFFF000  }
0x6e: {  	[spmem:s16], [sflag:s3] =	dma.local [hbm:s15], $0x1000  }
0x6f: {  	_ =	swait.ge [sflag:s4], $0x1000  }
0x70: {  	s17 =	sld [smem:$0x7DE]  }
0x71: {  	s18 =	sld [smem:$0x7F0]  }
0x72: {  	[sflag:s4] =	ssyncset.done $0x0  }
0x73: {  	[sflag:s4] =	ssyncadd.s32 $0xFFFFF000  }
0x74: {  	[spmem:s18], [sflag:s3] =	dma.local [hbm:s17], $0x1000  }
0x75: {  	_ =	swait.ge [sflag:s4], $0x1000  }
0x76: {  	s19 =	sld [smem:$0x7DF]  }
0x77: {  	s20 =	sld [smem:$0x7F1]  }
0x78: {  	[sflag:s4] =	ssyncset.done $0x0  }
0x79: {  	[sflag:s4] =	ssyncadd.s32 $0xFFFFF000  }
0x7a: {  	[spmem:s20], [sflag:s3] =	dma.local [hbm:s19], $0x1000  }
0x7b: {  	_ =	swait.ge [sflag:s4], $0x1000  }
0x7c: {  	s21 =	sld [smem:$0x7E0]  }
0x7d: {  	s22 =	sld [smem:$0x7F2]  }
0x7e: {  	[sflag:s4] =	ssyncset.done $0x0  }
0x7f: {  	[sflag:s4] =	ssyncadd.s32 $0xFFFFF000  }
0x80: {  	[spmem:s22], [sflag:s3] =	dma.local [hbm:s21], $0x1000  }
0x81: {  	_ =	swait.ge [sflag:s4], $0x1000  }
0x82: {  	s23 =	sld [smem:$0x7E1]  }
0x83: {  	s24 =	sld [smem:$0x7F3]  }
0x84: {  	[sflag:s4] =	ssyncset.done $0x0  }
0x85: {  	[sflag:s4] =	ssyncadd.s32 $0xFFFFF000  }
0x86: {  	[spmem:s24], [sflag:s3] =	dma.local [hbm:s23], $0x1000  }
0x87: {  	_ =	swait.ge [sflag:s4], $0x1000  }
0x88: {  	s25 =	sld [smem:$0x7E2]  }
0x89: {  	s28 =	sld [smem:$0x7F4]  }
0x8a: {  	[sflag:s4] =	ssyncset.done $0x0  }
0x8b: {  	[sflag:s4] =	ssyncadd.s32 $0xFFFFF000  }
0x8c: {  	[spmem:s28], [sflag:s3] =	dma.local [hbm:s25], $0x1000  }
0x8d: {  	_ =	swait.ge [sflag:s4], $0x1000  }
0x8e: {  	s29 =	sld [smem:$0x7E3]  }
0x8f: {  	s30 =	sld [smem:$0x7F5]  }
0x90: {  	[sflag:s4] =	ssyncset.done $0x0  }
0x91: {  	[sflag:s4] =	ssyncadd.s32 $0xFFFFF000  }
0x92: {  	[spmem:s30], [sflag:s3] =	dma.local [hbm:s29], $0x1000  }
0x93: {  	_ =	swait.ge [sflag:s4], $0x1000  }
0x94: {  	[sflag:s4] =	ssyncset.done $0x0  }
0x95: {  	[sflag:s4] =	ssyncadd.s32 $0xFFFFF000  }
.LBB2_3:
0x96: {  	s0 =	sld [smem:$0x7D3];
	_ =	sdelay $0x1  }
0x97: {  	s22 =	simm.s32 $0xB  }
0x98: {  	[tilespmem:s26], [sflag:$0xB] =	stream.linear.gather [hbm4b:s0+s26], $0x8800, $0x38;
	[tilespmem:$0x18900] =	vst v63  }
0x99: {  	_ =	swait.ge [sflag:s22], $0x8800  }
0x9a: {  	[sflag:s22] =	ssyncset.done $0x0  }
0x9b: {  	[sflag:s22] =	ssyncadd.s32 $0xFFFF7800  }
0x9c: {  	[bflag:$0x0] =	sbarrier.arrive $0xFFFF  }
0x9d: {  	s23 =	sld [smem:$0x7E5];
	_ =	sdelay $0x1  }
0x9e: {  	s1 =	simm.s32 $0x18800;
	s24 =	sld [smem:$0x7F9]  }
0x9f: {  	[tilespmem:s1], [sflag:$0x9] =	stream.linear.gather [hbm4b:s23+s26], $0x40, $0x38;
	[tilespmem:$0x18900] =	vst v63  }
0xa0: {  	s25 =	simm.s32 $0x10800;
	s29 =	sld [smem:$0x7F6]  }
0xa1: {  	[tilespmem:s25], [sflag:$0x5] =	stream.linear.gather [spmem:s24], $0x2000, $0x38;
	[tilespmem:$0x18900] =	vst v63  }
0xa2: {  	s30 =	simm.s32 $0x12800;
	s28 =	simm.s32 $0x0  }
0xa3: {  	[tilespmem:s30], [sflag:$0x6] =	stream.linear.gather [spmem:s29], $0x2000, $0x38;
	[tilespmem:$0x18900] =	vst v63  }
.LBB2_4:
0xa4: {  	s24 =	sshllo.u32 s28, $0x1  }
0xa5: {  	s0 =	sshll.u32 s28, $0xC;
	s9 =	sld [smem:$0x7E4];
	s1 =	sshll.u32 s24, $0x7  }
0xa6: {  	s0 =	sand.u32 $0x1C000, s0;
	s1 =	sand.u32 $0x380, s1  }
0xa7: {  	s0 =	sor.u32 s1, s0  }
0xa8: {  	s0 =	sor.u32 s9, s0  }
0xa9: {  	s0 =	sshrl.u32 s0, $0x3  }
0xaa: {  	s11 =	simm.s32 $0x18880;
	s13 =	simm.s32 $0x9;
	s0 =	sadd.s32 s31, s0  }
0xab: {  	[tilespmem:s11], [sflag:$0xA] =	stream.linear.gather [hbm4b:s0+s26], $0x40, $0x38;
	[tilespmem:$0x18900] =	vst v63  }
0xac: {  	_ =	swait.ge [sflag:s13], $0x40  }
0xad: {  	[sflag:s13] =	ssyncset.done $0x0  }
0xae: {  	[sflag:s13] =	ssyncadd.s32 $0xFFFFFFC0  }
0xaf: {  	_ =	swait.ge [sflag:s8], $0x2000  }
0xb0: {  	[sflag:s8] =	ssyncset.done $0x0  }
0xb1: {  	[sflag:s8] =	ssyncadd.s32 $0xFFFFE000  }
0xb2: {  	v0 =	vld [tilespmem:$0x18800];
	_ =	sdelay $0x4  }
0xb3: {  	v0 =	vshll.u32 v0, $0x9  }
0xb4: {  	(v2sf) =	vpush v0, $0x0  }
0xb5: {  	(v2sf) =	vpush v0, $0x1;
	_ =	sdelay $0x1  }
0xb6: {  	(v2sf) =	vpush v0, $0x2  }
0xb7: {  	(v2sf) =	vpush v0, $0x3  }
0xb8: {  	(v2sf) =	vpush v0, $0x4  }
0xb9: {  	(v2sf) =	vpush v0, $0x5  }
0xba: {  	(v2sf) =	vpush v0, $0x6  }
0xbb: {  	(v2sf) =	vpush v0, $0x7  }
0xbc: {  	(v2sf) =	vpush v0, $0x8  }
0xbd: {  	(v2sf) =	vpush v0, $0x9  }
0xbe: {  	(v2sf) =	vpush v0, $0xA  }
0xbf: {  	(v2sf) =	vpush v0, $0xB  }
0xc0: {  	(v2sf) =	vpush v0, $0xC  }
0xc1: {  	(v2sf) =	vpush v0, $0xD  }
0xc2: {  	s15 =	spop (v2sf);
	(v2sf) =	vpush v0, $0xE  }
0xc3: {  	s16 =	spop (v2sf);
	[dreg:$0x5] =	wrdreg s15;
	(v2sf) =	vpush v0, $0xF  }
0xc4: {  	[dreg:$0x6] =	wrdreg s16  }
0xc5: {  	s17 =	spop (v2sf);
	s9 =	rddreg [dreg:$0x5]  }
0xc6: {  	s18 =	spop (v2sf);
	[dreg:$0x7] =	wrdreg s17  }
0xc7: {  	s19 =	spop (v2sf);
	[dreg:$0x8] =	wrdreg s18  }
0xc8: {  	s20 =	spop (v2sf);
	[dreg:$0x9] =	wrdreg s19  }
0xc9: {  	s21 =	spop (v2sf);
	[dreg:$0xa] =	wrdreg s20  }
0xca: {  	s22 =	spop (v2sf);
	[dreg:$0xb] =	wrdreg s21  }
0xcb: {  	s23 =	spop (v2sf);
	[dreg:$0xc] =	wrdreg s22  }
0xcc: {  	s25 =	spop (v2sf);
	[dreg:$0xd] =	wrdreg s23  }
0xcd: {  	s3 =	spop (v2sf);
	[dreg:$0xe] =	wrdreg s25  }
0xce: {  	s5 =	spop (v2sf);
	[dreg:$0xf] =	wrdreg s3  }
0xcf: {  	s6 =	spop (v2sf);
	[dreg:$0x10] =	wrdreg s5  }
0xd0: {  	s17 =	sand.u32 $0x70, s26;
	[dreg:$0x11] =	wrdreg s6;
	s7 =	spop (v2sf)  }
0xd1: {  	s19 =	sand.u32 $0x180, s26;
	[dreg:$0x12] =	wrdreg s7;
	s3 =	spop (v2sf)  }
0xd2: {  	s1 =	sadd.s32 s19, s9;
	[dreg:$0x13] =	wrdreg s3;
	s11 =	spop (v2sf)  }
0xd3: {  	s13 =	sadd.s32 s17, s1;
	[dreg:$0x14] =	wrdreg s11  }
0xd4: {  	v0 =	vld [tilespmem:s13+$0x0];
	_ =	sdelay $0x2  }
0xd5: {  	s16 =	sand.u32 $0xC00, s26;
	s15 =	rddreg [dreg:$0x6]  }
0xd6: {  	s0 =	sadd.s32 s19, s15;
	s6 =	sor.u32 s17, s16  }
0xd7: {  	s0 =	sadd.s32 s17, s0;
	[tilespmem:s6+$0x10800] =	vst.add.f32.msk $0xffff, v0  }
0xd8: {  	v0 =	vld [tilespmem:s0+$0x0];
	_ =	sdelay $0x2  }
0xd9: {  	s5 =	sadd.s32 $0x10800, s6;
	s18 =	rddreg [dreg:$0x7]  }
0xda: {  	s20 =	sor.u32 $0x80, s5;
	s0 =	sadd.s32 s19, s18  }
0xdb: {  	s0 =	sadd.s32 s17, s0;
	[tilespmem:s20+$0x0] =	vst.add.f32.msk $0xffff, v0  }
0xdc: {  	v0 =	vld [tilespmem:s0+$0x0];
	_ =	sdelay $0x2  }
0xdd: {  	s21 =	rddreg [dreg:$0x8]  }
0xde: {  	s22 =	sor.u32 $0x100, s5;
	s0 =	sadd.s32 s19, s21  }
0xdf: {  	s0 =	sadd.s32 s17, s0;
	[tilespmem:s22+$0x0] =	vst.add.f32.msk $0xffff, v0  }
0xe0: {  	v0 =	vld [tilespmem:s0+$0x0];
	_ =	sdelay $0x2  }
0xe1: {  	s23 =	rddreg [dreg:$0x9]  }
0xe2: {  	s25 =	sor.u32 $0x180, s5;
	s0 =	sadd.s32 s19, s23  }
0xe3: {  	s0 =	sadd.s32 s17, s0;
	[tilespmem:s25+$0x0] =	vst.add.f32.msk $0xffff, v0  }
0xe4: {  	v0 =	vld [tilespmem:s0+$0x0];
	_ =	sdelay $0x2  }
0xe5: {  	s3 =	rddreg [dreg:$0xa]  }
0xe6: {  	s7 =	sor.u32 $0x200, s5;
	s18 =	simm.s32 $0x10;
	s0 =	sadd.s32 s19, s3  }
0xe7: {  	s9 =	rddreg [dreg:$0x5];
	s1 =	sand.u32 $0x180, s18;
	s0 =	sadd.s32 s17, s0;
	[tilespmem:s7+$0x0] =	vst.add.f32.msk $0xffff, v0  }
0xe8: {  	s3 =	sadd.s32 s1, s9;
	s7 =	sand.u32 $0x70, s18;
	v0 =	vld [tilespmem:s0+$0x0]  }
0xe9: {  	s11 =	sadd.s32 s7, s3  }
0xea: {  	v1 =	vld [tilespmem:s11+$0x0]  }
0xeb: {  	s13 =	rddreg [dreg:$0xb]  }
0xec: {  	s20 =	simm.s32 $0x80;
	s9 =	sor.u32 $0x280, s5;
	s3 =	sadd.s32 s19, s13  }
0xed: {  	s15 =	rddreg [dreg:$0x6];
	s13 =	sand.u32 $0xC00, s20;
	s16 =	sadd.s32 s17, s3;
	[tilespmem:s9+$0x0] =	vst.add.f32.msk $0xffff, v0  }
0xee: {  	s0 =	sadd.s32 s1, s15;
	s3 =	sor.u32 s7, s13;
	v0 =	vld [tilespmem:s16+$0x0]  }
0xef: {  	s0 =	sadd.s32 s7, s0;
	[tilespmem:s3+$0x10800] =	vst.add.f32.msk $0xffff, v1  }
0xf0: {  	v1 =	vld [tilespmem:s0+$0x0]  }
0xf1: {  	s21 =	rddreg [dreg:$0xc]  }
0xf2: {  	s5 =	sor.u32 $0x300, s5;
	s9 =	sadd.s32 s19, s21  }
0xf3: {  	s22 =	rddreg [dreg:$0x7];
	s21 =	sadd.s32 $0x10800, s3;
	s23 =	sadd.s32 s17, s9;
	[tilespmem:s5+$0x0] =	vst.add.f32.msk $0xffff, v0  }
0xf4: {  	s25 =	sor.u32 $0x80, s21;
	s0 =	sadd.s32 s1, s22;
	v0 =	vld [tilespmem:s23+$0x0]  }
0xf5: {  	s0 =	sadd.s32 s7, s0;
	[tilespmem:s25+$0x0] =	vst.add.f32.msk $0xffff, v1  }
0xf6: {  	v1 =	vld [tilespmem:s0+$0x0]  }
0xf7: {  	s15 =	sor.u32 s26, s26;
	s11 =	rddreg [dreg:$0xd]  }
0xf8: {  	s9 =	sor.u32 $0x380, s15;
	s5 =	sadd.s32 s19, s11  }
0xf9: {  	s13 =	rddreg [dreg:$0x8];
	s5 =	sadd.s32 s17, s5;
	[tilespmem:s9+$0x10800] =	vst.add.f32.msk $0xffff, v0  }
0xfa: {  	s16 =	sor.u32 $0x100, s21;
	s0 =	sadd.s32 s1, s13;
	v0 =	vld [tilespmem:s5+$0x0]  }
0xfb: {  	s0 =	sadd.s32 s7, s0;
	[tilespmem:s16+$0x0] =	vst.add.f32.msk $0xffff, v1  }
0xfc: {  	v1 =	vld [tilespmem:s0+$0x0]  }
0xfd: {  	s22 =	rddreg [dreg:$0xe]  }
0xfe: {  	s5 =	sadd.s32 s19, s22  }
0xff: {  	s23 =	rddreg [dreg:$0x9];
	s5 =	sadd.s32 s17, s5;
	[tilespmem:s6+$0x11800] =	vst.add.f32.msk $0xffff, v0  }
0x100: {  	s25 =	sor.u32 $0x180, s21;
	s0 =	sadd.s32 s1, s23;
	v0 =	vld [tilespmem:s5+$0x0]  }
0x101: {  	s0 =	sadd.s32 s7, s0;
	[tilespmem:s25+$0x0] =	vst.add.f32.msk $0xffff, v1  }
0x102: {  	v1 =	vld [tilespmem:s0+$0x0]  }
0x103: {  	s11 =	rddreg [dreg:$0xf]  }
0x104: {  	s5 =	sadd.s32 s19, s11  }
0x105: {  	s4 =	smov.u32 s31;
	s13 =	rddreg [dreg:$0xa];
	s5 =	sadd.s32 s17, s5;
	[tilespmem:s6+$0x11880] =	vst.add.f32.msk $0xffff, v0  }
0x106: {  	s15 =	simm.s32 $0x20;
	s22 =	sor.u32 $0x200, s21;
	s0 =	sadd.s32 s1, s13;
	v0 =	vld [tilespmem:s5+$0x0]  }
0x107: {  	s31 =	sand.u32 $0x180, s15;
	s16 =	rddreg [dreg:$0x5];
	s23 =	sadd.s32 s7, s0;
	[tilespmem:s22+$0x0] =	vst.add.f32.msk $0xffff, v1  }
0x108: {  	s9 =	sadd.s32 s31, s16;
	s0 =	sand.u32 $0x70, s15;
	v1 =	vld [tilespmem:s23+$0x0]  }
0x109: {  	s9 =	sadd.s32 s0, s9;
	s25 =	rddreg [dreg:$0x10]  }
0x10a: {  	v2 =	vld [tilespmem:s9+$0x0];
	s13 =	sadd.s32 s19, s25  }
0x10b: {  	s11 =	rddreg [dreg:$0xb];
	s13 =	sadd.s32 s17, s13;
	[tilespmem:s6+$0x11900] =	vst.add.f32.msk $0xffff, v0  }
0x10c: {  	s5 =	simm.s32 $0x100;
	s23 =	sor.u32 $0x280, s21;
	s9 =	sadd.s32 s1, s11;
	v0 =	vld [tilespmem:s13+$0x0]  }
0x10d: {  	s22 =	rddreg [dreg:$0x6];
	s16 =	sand.u32 $0xC00, s5;
	s9 =	sadd.s32 s7, s9;
	[tilespmem:s23+$0x0] =	vst.add.f32.msk $0xffff, v1  }
0x10e: {  	s22 =	sadd.s32 s31, s22;
	s13 =	sor.u32 s0, s16;
	v1 =	vld [tilespmem:s9+$0x0]  }
0x10f: {  	s11 =	sadd.s32 s0, s22;
	s25 =	rddreg [dreg:$0x11];
	[tilespmem:s13+$0x10800] =	vst.add.f32.msk $0xffff, v2  }
0x110: {  	s23 =	sadd.s32 s19, s25;
	v2 =	vld [tilespmem:s11+$0x0]  }
0x111: {  	s16 =	rddreg [dreg:$0xc];
	s9 =	sadd.s32 s17, s23;
	[tilespmem:s6+$0x11980] =	vst.add.f32.msk $0xffff, v0  }
0x112: {  	s21 =	sor.u32 $0x300, s21;
	s22 =	sadd.s32 s1, s16;
	v0 =	vld [tilespmem:s9+$0x0]  }
0x113: {  	s30 =	sadd.s32 $0x10800, s13;
	s25 =	rddreg [dreg:$0x7];
	s11 =	sadd.s32 s7, s22;
	[tilespmem:s21+$0x0] =	vst.add.f32.msk $0xffff, v1  }
0x114: {  	s22 =	sor.u32 $0x80, s30;
	s23 =	sadd.s32 s31, s25;
	v1 =	vld [tilespmem:s11+$0x0]  }
0x115: {  	s25 =	sadd.s32 s0, s23;
	s16 =	rddreg [dreg:$0x12];
	[tilespmem:s22+$0x0] =	vst.add.f32.msk $0xffff, v2  }
0x116: {  	s16 =	sadd.s32 s19, s16;
	v2 =	vld [tilespmem:s25+$0x0]  }
0x117: {  	s18 =	sor.u32 s20, s18;
	s11 =	rddreg [dreg:$0xd];
	s9 =	sadd.s32 s17, s16;
	[tilespmem:s6+$0x11A00] =	vst.add.f32.msk $0xffff, v0  }
0x118: {  	s18 =	sor.u32 $0x380, s18;
	s23 =	sadd.s32 s1, s11;
	v0 =	vld [tilespmem:s9+$0x0]  }
0x119: {  	s21 =	rddreg [dreg:$0x8];
	s25 =	sadd.s32 s7, s23;
	[tilespmem:s18+$0x10800] =	vst.add.f32.msk $0xffff, v1  }
0x11a: {  	s16 =	sor.u32 $0x100, s30;
	s21 =	sadd.s32 s31, s21;
	v1 =	vld [tilespmem:s25+$0x0]  }
0x11b: {  	s20 =	sadd.s32 s0, s21;
	s11 =	rddreg [dreg:$0x13];
	[tilespmem:s16+$0x0] =	vst.add.f32.msk $0xffff, v2  }
0x11c: {  	s22 =	sadd.s32 s19, s11;
	v2 =	vld [tilespmem:s20+$0x0]  }
0x11d: {  	s21 =	rddreg [dreg:$0xe];
	s9 =	sadd.s32 s17, s22;
	[tilespmem:s6+$0x11A80] =	vst.add.f32.msk $0xffff, v0  }
0x11e: {  	s20 =	sadd.s32 s1, s21;
	v0 =	vld [tilespmem:s9+$0x0]  }
0x11f: {  	s23 =	rddreg [dreg:$0x9];
	s25 =	sadd.s32 s7, s20;
	[tilespmem:s3+$0x11800] =	vst.add.f32.msk $0xffff, v1  }
0x120: {  	s16 =	sor.u32 $0x180, s30;
	s18 =	sadd.s32 s31, s23;
	v3 =	vld [tilespmem:s25+$0x0]  }
0x121: {  	s21 =	sadd.s32 s0, s18;
	s11 =	rddreg [dreg:$0x14];
	[tilespmem:s16+$0x0] =	vst.add.f32.msk $0xffff, v2  }
0x122: {  	s29 =	sshll.u32 s28, $0x1;
	s25 =	sadd.s32 s19, s11;
	v1 =	vld [tilespmem:s21+$0x0]  }
0x123: {  	s22 =	rddreg [dreg:$0xf];
	s19 =	simm.s32 $0x30;
	s9 =	sadd.s32 s17, s25;
	[tilespmem:s6+$0x11B00] =	vst.add.f32.msk $0xffff, v0  }
0x124: {  	s23 =	rddreg [dreg:$0xa];
	s18 =	sadd.s32 s1, s22;
	s17 =	simm.s32 $0x40;
	v0 =	vld [tilespmem:s9+$0x0]  }
0x125: {  	s21 =	simm.s32 $0x100;
	s20 =	sadd.s32 s7, s18;
	s9 =	rddreg [dreg:$0x5];
	[tilespmem:s3+$0x11880] =	vst.add.f32.msk $0xffff, v3  }
.LBB2_5:
0x126: {  	s18 =	sor.u32 $0x200, s30;
	s22 =	sadd.s32 s31, s23;
	v2 =	vld [tilespmem:s20+$0x0]  }
0x127: {  	s20 =	sand.u32 $0x180, s19;
	s22 =	sadd.s32 s0, s22;
	[tilespmem:s18+$0x0] =	vst.add.f32.msk $0xffff, v1  }
0x128: {  	s9 =	sadd.s32 s20, s9;
	s18 =	sand.u32 $0x70, s19;
	v1 =	vld [tilespmem:s22+$0x0]  }
0x129: {  	s16 =	rddreg [dreg:$0x10];
	s9 =	sadd.s32 s18, s9;
	[tilespmem:s6+$0x11B80] =	vst.add.f32.msk $0xffff, v0  }
0x12a: {  	s11 =	sadd.s32 s1, s16;
	s6 =	smov.u32 s3;
	v0 =	vld [tilespmem:s9+$0x0]  }
0x12b: {  	s25 =	rddreg [dreg:$0xb];
	[tilespmem:s6+$0x11900] =	vst.add.f32.msk $0xffff, v2;
	s9 =	sadd.s32 s7, s11  }
0x12c: {  	s5 =	sadd.s32 $0x80, s5;
	s16 =	sor.u32 $0x280, s30;
	s22 =	sadd.s32 s31, s25;
	v2 =	vld [tilespmem:s9+$0x0]  }
0x12d: {  	s23 =	rddreg [dreg:$0x6];
	s25 =	sand.u32 $0xC00, s5;
	s22 =	sadd.s32 s0, s22;
	[tilespmem:s16+$0x0] =	vst.add.f32.msk $0xffff, v1  }
0x12e: {  	s3 =	smov.u32 s13;
	s13 =	sor.u32 s18, s25;
	s16 =	sadd.s32 s20, s23;
	v1 =	vld [tilespmem:s22+$0x0]  }
0x12f: {  	s11 =	rddreg [dreg:$0x11];
	[tilespmem:s13+$0x10800] =	vst.add.f32.msk $0xffff, v0;
	s9 =	sadd.s32 s18, s16  }
0x130: {  	s25 =	sadd.s32 s1, s11;
	v0 =	vld [tilespmem:s9+$0x0]  }
0x131: {  	s23 =	rddreg [dreg:$0xc];
	[tilespmem:s6+$0x11980] =	vst.add.f32.msk $0xffff, v2;
	s9 =	sadd.s32 s7, s25  }
0x132: {  	s16 =	sor.u32 $0x300, s30;
	s22 =	sadd.s32 s31, s23;
	v2 =	vld [tilespmem:s9+$0x0]  }
0x133: {  	s11 =	rddreg [dreg:$0x7];
	s30 =	sadd.s32 $0x10800, s13;
	s23 =	sadd.s32 s0, s22;
	[tilespmem:s16+$0x0] =	vst.add.f32.msk $0xffff, v1  }
0x134: {  	s11 =	sadd.s32 s20, s11;
	s25 =	sor.u32 $0x80, s30;
	v1 =	vld [tilespmem:s23+$0x0]  }
0x135: {  	s11 =	sadd.s32 s18, s11;
	s22 =	rddreg [dreg:$0x12];
	[tilespmem:s25+$0x0] =	vst.add.f32.msk $0xffff, v0  }
0x136: {  	s22 =	sadd.s32 s1, s22;
	v0 =	vld [tilespmem:s11+$0x0]  }
0x137: {  	s15 =	sor.u32 s21, s15;
	s9 =	sadd.s32 s7, s22;
	s16 =	rddreg [dreg:$0xd];
	[tilespmem:s6+$0x11A00] =	vst.add.f32.msk $0xffff, v2  }
0x138: {  	s15 =	sor.u32 $0x380, s15;
	s11 =	sadd.s32 s31, s16;
	v2 =	vld [tilespmem:s9+$0x0]  }
0x139: {  	s23 =	rddreg [dreg:$0x8];
	s25 =	sadd.s32 s0, s11;
	[tilespmem:s15+$0x10800] =	vst.add.f32.msk $0xffff, v1  }
0x13a: {  	s16 =	sor.u32 $0x100, s30;
	s22 =	sadd.s32 s20, s23;
	v1 =	vld [tilespmem:s25+$0x0]  }
0x13b: {  	s11 =	rddreg [dreg:$0x13];
	s23 =	sadd.s32 s18, s22;
	[tilespmem:s16+$0x0] =	vst.add.f32.msk $0xffff, v0  }
0x13c: {  	s11 =	sadd.s32 s1, s11;
	v0 =	vld [tilespmem:s23+$0x0]  }
0x13d: {  	s9 =	sadd.s32 s7, s11;
	s25 =	rddreg [dreg:$0xe];
	[tilespmem:s6+$0x11A80] =	vst.add.f32.msk $0xffff, v2  }
0x13e: {  	p1 =	sne.s32 s17, $0x1F0;
	s21 =	smov.u32 s5;
	s22 =	sadd.s32 s31, s25;
	v2 =	vld [tilespmem:s9+$0x0]  }
0x13f: {  	s15 =	smov.u32 s19;
	s16 =	rddreg [dreg:$0x9];
	s23 =	sadd.s32 s0, s22;
	[tilespmem:s3+$0x11800] =	vst.add.f32.msk $0xffff, v1  }
0x140: {  	s19 =	smov.u32 s17;
	s25 =	sor.u32 $0x180, s30;
	s11 =	sadd.s32 s20, s16;
	v3 =	vld [tilespmem:s23+$0x0]  }
.Ltmp1:
0x141: {  	s22 =	rddreg [dreg:$0x14];
	s11 =	sadd.s32 s18, s11;
	[tilespmem:s25+$0x0] =	vst.add.f32.msk $0xffff, v0;
	(pc) =	sbr.rel @p1 .LBB2_5-.Ltmp1, $4  }
0x142: {  	s17 =	sadd.s32 $0x10, s17;
	s16 =	rddreg [dreg:$0xf];
	s25 =	sadd.s32 s1, s22;
	v1 =	vld [tilespmem:s11+$0x0]  }
0x143: {  	s1 =	smov.u32 s31;
	s31 =	smov.u32 s20;
	[tilespmem:s6+$0x11B00] =	vst.add.f32.msk $0xffff, v2;
	s9 =	sadd.s32 s7, s25  }
0x144: {  	s23 =	rddreg [dreg:$0xa];
	s7 =	smov.u32 s0;
	s11 =	sadd.s32 s1, s16;
	v0 =	vld [tilespmem:s9+$0x0]  }
0x145: {  	s0 =	smov.u32 s18;
	s9 =	rddreg [dreg:$0x5];
	s20 =	sadd.s32 s7, s11;
	[tilespmem:s3+$0x11880] =	vst.add.f32.msk $0xffff, v3  }
0x146: {  	s18 =	sand.u32 $0x180, s19  }
0x147: {  	s17 =	sand.u32 $0x70, s19;
	s9 =	sadd.s32 s18, s9  }
0x148: {  	s9 =	sadd.s32 s17, s9  }
0x149: {  	v2 =	vld [tilespmem:s9+$0x0];
	_ =	sdelay $0x1  }
0x14a: {  	s22 =	sadd.s32 $0x80, s5  }
0x14b: {  	s11 =	rddreg [dreg:$0x6];
	s5 =	sand.u32 $0xC00, s22  }
0x14c: {  	s5 =	sor.u32 s17, s5;
	s9 =	sadd.s32 s18, s11  }
0x14d: {  	s9 =	sadd.s32 s17, s9;
	[tilespmem:s5+$0x10800] =	vst.add.f32.msk $0xffff, v2  }
0x14e: {  	v2 =	vld [tilespmem:s9+$0x0];
	_ =	sdelay $0x2  }
0x14f: {  	s11 =	sadd.s32 $0x10800, s5;
	s16 =	rddreg [dreg:$0x7]  }
0x150: {  	s25 =	sor.u32 $0x80, s11;
	s9 =	sadd.s32 s18, s16  }
0x151: {  	s9 =	sadd.s32 s17, s9;
	[tilespmem:s25+$0x0] =	vst.add.f32.msk $0xffff, v2  }
0x152: {  	v2 =	vld [tilespmem:s9+$0x0];
	_ =	sdelay $0x2  }
0x153: {  	s25 =	rddreg [dreg:$0x8]  }
0x154: {  	s16 =	sor.u32 $0x100, s11;
	s9 =	sadd.s32 s18, s25  }
0x155: {  	s9 =	sadd.s32 s17, s9;
	[tilespmem:s16+$0x0] =	vst.add.f32.msk $0xffff, v2  }
0x156: {  	v2 =	vld [tilespmem:s9+$0x0];
	_ =	sdelay $0x2  }
0x157: {  	s25 =	rddreg [dreg:$0x9]  }
0x158: {  	s16 =	sor.u32 $0x180, s11;
	s9 =	sadd.s32 s18, s25  }
0x159: {  	s9 =	sadd.s32 s17, s9;
	[tilespmem:s16+$0x0] =	vst.add.f32.msk $0xffff, v2  }
0x15a: {  	v2 =	vld [tilespmem:s9+$0x0];
	_ =	sdelay $0x1  }
0x15b: {  	s23 =	sadd.s32 s31, s23;
	s16 =	sor.u32 $0x200, s30  }
0x15c: {  	s23 =	sadd.s32 s0, s23;
	s9 =	rddreg [dreg:$0xa];
	[tilespmem:s16+$0x0] =	vst.add.f32.msk $0xffff, v1  }
0x15d: {  	s16 =	sor.u32 $0x200, s11;
	v1 =	vld [tilespmem:s23+$0x0];
	s9 =	sadd.s32 s18, s9  }
0x15e: {  	s9 =	sadd.s32 s17, s9;
	[tilespmem:s16+$0x0] =	vst.add.f32.msk $0xffff, v2  }
0x15f: {  	v2 =	vld [tilespmem:s9+$0x0]  }
0x160: {  	s25 =	rddreg [dreg:$0xb]  }
0x161: {  	s25 =	sadd.s32 s31, s25;
	s16 =	sor.u32 $0x280, s30  }
0x162: {  	s25 =	sadd.s32 s0, s25;
	s9 =	rddreg [dreg:$0xb];
	[tilespmem:s16+$0x0] =	vst.add.f32.msk $0xffff, v1  }
0x163: {  	s16 =	sor.u32 $0x280, s11;
	v1 =	vld [tilespmem:s25+$0x0];
	s9 =	sadd.s32 s18, s9  }
0x164: {  	s9 =	sadd.s32 s17, s9;
	[tilespmem:s16+$0x0] =	vst.add.f32.msk $0xffff, v2  }
0x165: {  	v2 =	vld [tilespmem:s9+$0x0]  }
0x166: {  	s25 =	rddreg [dreg:$0xc]  }
0x167: {  	s23 =	sadd.s32 s31, s25;
	s16 =	sor.u32 $0x300, s30  }
0x168: {  	s23 =	sadd.s32 s0, s23;
	s9 =	rddreg [dreg:$0xc];
	[tilespmem:s16+$0x0] =	vst.add.f32.msk $0xffff, v1  }
0x169: {  	s11 =	sor.u32 $0x300, s11;
	v1 =	vld [tilespmem:s23+$0x0];
	s9 =	sadd.s32 s18, s9  }
0x16a: {  	s9 =	sadd.s32 s17, s9;
	[tilespmem:s11+$0x0] =	vst.add.f32.msk $0xffff, v2  }
0x16b: {  	v2 =	vld [tilespmem:s9+$0x0]  }
0x16c: {  	s21 =	sor.u32 s21, s15;
	s16 =	rddreg [dreg:$0xd]  }
0x16d: {  	s25 =	sadd.s32 s31, s16;
	s9 =	sor.u32 $0x380, s21  }
0x16e: {  	s16 =	sor.u32 s22, s19;
	s15 =	sadd.s32 s0, s25;
	s11 =	rddreg [dreg:$0xd];
	[tilespmem:s9+$0x10800] =	vst.add.f32.msk $0xffff, v1  }
0x16f: {  	s19 =	sor.u32 $0x380, s16;
	s11 =	sadd.s32 s18, s11;
	v1 =	vld [tilespmem:s15+$0x0]  }
0x170: {  	s22 =	sadd.s32 s17, s11;
	[tilespmem:s19+$0x10800] =	vst.add.f32.msk $0xffff, v2  }
0x171: {  	v2 =	vld [tilespmem:s22+$0x0]  }
0x172: {  	s21 =	rddreg [dreg:$0xe]  }
0x173: {  	v3 =	vld [tilespmem:s20+$0x0];
	s25 =	sadd.s32 s31, s21  }
0x174: {  	s11 =	sadd.s32 s0, s25;
	s23 =	rddreg [dreg:$0xe];
	[tilespmem:s13+$0x11800] =	vst.add.f32.msk $0xffff, v1  }
0x175: {  	s19 =	rddreg [dreg:$0x10];
	s9 =	sadd.s32 s18, s23;
	v1 =	vld [tilespmem:s11+$0x0]  }
0x176: {  	s15 =	rddreg [dreg:$0xf];
	s9 =	sadd.s32 s17, s9;
	[tilespmem:s5+$0x11800] =	vst.add.f32.msk $0xffff, v2  }
0x177: {  	s11 =	sadd.s32 s31, s15;
	s15 =	sadd.s32 s1, s19;
	v2 =	vld [tilespmem:s9+$0x0]  }
0x178: {  	[tilespmem:s3+$0x11900] =	vst.add.f32.msk $0xffff, v3;
	s21 =	sadd.s32 s7, s15  }
0x179: {  	v3 =	vld [tilespmem:s21+$0x0]  }
0x17a: {  	s11 =	sadd.s32 s0, s11;
	s16 =	rddreg [dreg:$0xf];
	[tilespmem:s13+$0x11880] =	vst.add.f32.msk $0xffff, v1  }
0x17b: {  	s9 =	sadd.s32 s18, s16;
	v1 =	vld [tilespmem:s11+$0x0]  }
0x17c: {  	s25 =	rddreg [dreg:$0x11];
	s9 =	sadd.s32 s17, s9;
	[tilespmem:s5+$0x11880] =	vst.add.f32.msk $0xffff, v2  }
0x17d: {  	s11 =	sadd.s32 s1, s25;
	v2 =	vld [tilespmem:s9+$0x0]  }
0x17e: {  	s20 =	rddreg [dreg:$0x10];
	s19 =	sadd.s32 s7, s11;
	[tilespmem:s3+$0x11980] =	vst.add.f32.msk $0xffff, v3  }
0x17f: {  	s23 =	sadd.s32 s31, s20;
	v3 =	vld [tilespmem:s19+$0x0]  }
0x180: {  	s22 =	rddreg [dreg:$0x10];
	s9 =	sadd.s32 s0, s23;
	[tilespmem:s13+$0x11900] =	vst.add.f32.msk $0xffff, v1  }
0x181: {  	s15 =	sadd.s32 s18, s22;
	v1 =	vld [tilespmem:s9+$0x0]  }
0x182: {  	s22 =	rddreg [dreg:$0x12];
	s9 =	sadd.s32 s17, s15;
	[tilespmem:s5+$0x11900] =	vst.add.f32.msk $0xffff, v2  }
0x183: {  	s15 =	sadd.s32 s1, s22;
	v2 =	vld [tilespmem:s9+$0x0]  }
0x184: {  	s16 =	rddreg [dreg:$0x11];
	s15 =	sadd.s32 s7, s15;
	[tilespmem:s3+$0x11A00] =	vst.add.f32.msk $0xffff, v3  }
0x185: {  	s21 =	sadd.s32 s31, s16;
	v3 =	vld [tilespmem:s15+$0x0]  }
0x186: {  	s20 =	rddreg [dreg:$0x11];
	s9 =	sadd.s32 s0, s21;
	[tilespmem:s13+$0x11980] =	vst.add.f32.msk $0xffff, v1  }
0x187: {  	s23 =	sadd.s32 s18, s20;
	v1 =	vld [tilespmem:s9+$0x0]  }
0x188: {  	s20 =	rddreg [dreg:$0x13];
	s9 =	sadd.s32 s17, s23;
	[tilespmem:s5+$0x11980] =	vst.add.f32.msk $0xffff, v2  }
0x189: {  	s11 =	sadd.s32 s1, s20;
	v2 =	vld [tilespmem:s9+$0x0]  }
0x18a: {  	s25 =	rddreg [dreg:$0x12];
	s23 =	sadd.s32 s7, s11;
	[tilespmem:s3+$0x11A80] =	vst.add.f32.msk $0xffff, v3  }
0x18b: {  	s19 =	sadd.s32 s31, s25;
	v3 =	vld [tilespmem:s23+$0x0]  }
0x18c: {  	s16 =	rddreg [dreg:$0x12];
	s9 =	sadd.s32 s0, s19;
	[tilespmem:s13+$0x11A00] =	vst.add.f32.msk $0xffff, v1  }
0x18d: {  	s21 =	sadd.s32 s18, s16;
	v1 =	vld [tilespmem:s9+$0x0]  }
0x18e: {  	s16 =	rddreg [dreg:$0x14];
	s9 =	sadd.s32 s17, s21;
	[tilespmem:s5+$0x11A00] =	vst.add.f32.msk $0xffff, v2  }
0x18f: {  	s21 =	sadd.s32 s1, s16;
	v2 =	vld [tilespmem:s9+$0x0]  }
0x190: {  	s22 =	rddreg [dreg:$0x13];
	s1 =	sadd.s32 s7, s21;
	[tilespmem:s3+$0x11B00] =	vst.add.f32.msk $0xffff, v3  }
0x191: {  	s15 =	sadd.s32 s31, s22;
	v3 =	vld [tilespmem:s1+$0x0]  }
0x192: {  	s25 =	rddreg [dreg:$0x13];
	s9 =	sadd.s32 s0, s15;
	[tilespmem:s13+$0x11A80] =	vst.add.f32.msk $0xffff, v1  }
0x193: {  	s19 =	sadd.s32 s18, s25;
	v1 =	vld [tilespmem:s9+$0x0]  }
0x194: {  	s9 =	sadd.s32 s17, s19;
	[tilespmem:s5+$0x11A80] =	vst.add.f32.msk $0xffff, v2  }
0x195: {  	v2 =	vld [tilespmem:s9+$0x0]  }
0x196: {  	[tilespmem:s6+$0x11B80] =	vst.add.f32.msk $0xffff, v0;
	s20 =	rddreg [dreg:$0x14]  }
0x197: {  	s23 =	sadd.s32 s31, s20;
	[tilespmem:s3+$0x11B80] =	vst.add.f32.msk $0xffff, v3  }
0x198: {  	s25 =	sadd.s32 s0, s23;
	s22 =	rddreg [dreg:$0x14];
	[tilespmem:s13+$0x11B00] =	vst.add.f32.msk $0xffff, v1  }
0x199: {  	s1 =	sadd.s32 s18, s22;
	v1 =	vld [tilespmem:s25+$0x0]  }
0x19a: {  	s0 =	sadd.s32 s17, s1;
	[tilespmem:s5+$0x11B00] =	vst.add.f32.msk $0xffff, v2  }
0x19b: {  	v2 =	vld [tilespmem:s0+$0x0];
	s7 =	sld [smem:$0x7FC];
	_ =	sdelay $0x1  }
0x19c: {  	s6 =	sshll.u32 s28, $0x15  }
0x19d: {  	s0 =	sor.u32 s7, s6  }
0x19e: {  	p1 =	seq.s32 s28, $0x0;
	[tilespmem:s13+$0x11B80] =	vst.add.f32.msk $0xffff, v1;
	s0 =	sshrl.u32 s0, $0x3  }
0x19f: {  	s11 =	simm.s32 $0x10800;
	s9 =	simm.s32 $0x0;
	[tilespmem:s5+$0x11B80] =	vst.add.f32.msk $0xffff, v2;
	s0 =	sadd.s32 s2, s0  }
0x1a0: {  	[hbm4b:s0+s9] =	stream.linear.scatter [tilespmem:s11], [sflag:$0x1], $0x2000, $0x38;
	[tilespmem:$0x18900] =	vst v63  }
0x1a1: {  	s0 =	simm.s32 @!p1 $0x3  }
0x1a2: {  	_ =	swait.ge @!p1 [sflag:s0], $0x2000  }
0x1a3: {  	s13 =	sld [smem:$0x7F7]  }
0x1a4: {  	[sflag:s0] =	ssyncset.done @!p1 $0x0  }
0x1a5: {  	s15 =	simm.s32 $0x14800;
	[sflag:s0] =	ssyncadd.s32 @!p1 $0xFFFFE000  }
0x1a6: {  	[tilespmem:s15], [sflag:$0x7] =	stream.linear.gather [spmem:s13], $0x2000, $0x38;
	[tilespmem:$0x18900] =	vst v63  }
0x1a7: {  	_ =	swait.ge [sflag:s10], $0x2000  }
0x1a8: {  	[sflag:s10] =	ssyncset.done $0x0  }
0x1a9: {  	[sflag:s10] =	ssyncadd.s32 $0xFFFFE000  }
0x1aa: {  	v0 =	vld [tilespmem:$0x18810];
	_ =	sdelay $0x4  }
0x1ab: {  	v0 =	vshll.u32 v0, $0x9  }
0x1ac: {  	(v2sf) =	vpush v0, $0x0  }
0x1ad: {  	(v2sf) =	vpush v0, $0x1;
	_ =	sdelay $0x1  }
0x1ae: {  	(v2sf) =	vpush v0, $0x2  }
0x1af: {  	(v2sf) =	vpush v0, $0x3  }
0x1b0: {  	(v2sf) =	vpush v0, $0x4  }
0x1b1: {  	(v2sf) =	vpush v0, $0x5  }
0x1b2: {  	(v2sf) =	vpush v0, $0x6  }
0x1b3: {  	(v2sf) =	vpush v0, $0x7  }
0x1b4: {  	(v2sf) =	vpush v0, $0x8  }
0x1b5: {  	(v2sf) =	vpush v0, $0x9  }
0x1b6: {  	(v2sf) =	vpush v0, $0xA  }
0x1b7: {  	(v2sf) =	vpush v0, $0xB  }
0x1b8: {  	(v2sf) =	vpush v0, $0xC  }
0x1b9: {  	(v2sf) =	vpush v0, $0xD  }
0x1ba: {  	s16 =	spop (v2sf);
	(v2sf) =	vpush v0, $0xE  }
0x1bb: {  	s17 =	spop (v2sf);
	[dreg:$0x15] =	wrdreg s16;
	(v2sf) =	vpush v0, $0xF  }
0x1bc: {  	[dreg:$0x16] =	wrdreg s17  }
0x1bd: {  	s18 =	spop (v2sf);
	s13 =	rddreg [dreg:$0x15]  }
0x1be: {  	s19 =	spop (v2sf);
	[dreg:$0x17] =	wrdreg s18  }
0x1bf: {  	s20 =	spop (v2sf);
	[dreg:$0x18] =	wrdreg s19  }
0x1c0: {  	s21 =	spop (v2sf);
	[dreg:$0x19] =	wrdreg s20  }
0x1c1: {  	s22 =	spop (v2sf);
	[dreg:$0x1a] =	wrdreg s21  }
0x1c2: {  	s23 =	spop (v2sf);
	[dreg:$0x1b] =	wrdreg s22  }
0x1c3: {  	s25 =	spop (v2sf);
	[dreg:$0x1c] =	wrdreg s23  }
0x1c4: {  	s3 =	spop (v2sf);
	[dreg:$0x1d] =	wrdreg s25  }
0x1c5: {  	s5 =	spop (v2sf);
	[dreg:$0x1e] =	wrdreg s3  }
0x1c6: {  	s7 =	spop (v2sf);
	[dreg:$0x1f] =	wrdreg s5  }
0x1c7: {  	s0 =	simm.s32 $0x0;
	s9 =	spop (v2sf);
	[smem:$0x7CD] =	sst s7  }
0x1c8: {  	s17 =	sand.u32 $0x70, s0;
	[smem:$0x7CE] =	sst s9;
	s11 =	spop (v2sf)  }
0x1c9: {  	s21 =	sand.u32 $0x180, s0;
	[smem:$0x7CF] =	sst s11;
	s15 =	spop (v2sf)  }
0x1ca: {  	s1 =	sadd.s32 s21, s13;
	[smem:$0x7D0] =	sst s15;
	s16 =	spop (v2sf)  }
0x1cb: {  	s1 =	sadd.s32 s17, s1;
	[smem:$0x7D1] =	sst s16  }
0x1cc: {  	v0 =	vld [tilespmem:s1+$0x0];
	_ =	sdelay $0x2  }
0x1cd: {  	s18 =	rddreg [dreg:$0x16];
	s19 =	sand.u32 $0xC00, s0  }
0x1ce: {  	s3 =	sadd.s32 s21, s18;
	s1 =	sor.u32 s17, s19  }
0x1cf: {  	s3 =	sadd.s32 s17, s3;
	[tilespmem:s1+$0x12800] =	vst.add.f32.msk $0xffff, v0  }
0x1d0: {  	v0 =	vld [tilespmem:s3+$0x0];
	_ =	sdelay $0x2  }
0x1d1: {  	s5 =	sadd.s32 $0x12800, s1;
	s20 =	rddreg [dreg:$0x17]  }
0x1d2: {  	s22 =	sor.u32 $0x80, s5;
	s3 =	sadd.s32 s21, s20  }
0x1d3: {  	s3 =	sadd.s32 s17, s3;
	[tilespmem:s22+$0x0] =	vst.add.f32.msk $0xffff, v0  }
0x1d4: {  	v0 =	vld [tilespmem:s3+$0x0];
	_ =	sdelay $0x2  }
0x1d5: {  	s23 =	rddreg [dreg:$0x18]  }
0x1d6: {  	s25 =	sor.u32 $0x100, s5;
	s3 =	sadd.s32 s21, s23  }
0x1d7: {  	s3 =	sadd.s32 s17, s3;
	[tilespmem:s25+$0x0] =	vst.add.f32.msk $0xffff, v0  }
0x1d8: {  	v0 =	vld [tilespmem:s3+$0x0];
	_ =	sdelay $0x2  }
0x1d9: {  	s9 =	rddreg [dreg:$0x19]  }
0x1da: {  	s11 =	sor.u32 $0x180, s5;
	s3 =	sadd.s32 s21, s9  }
0x1db: {  	s3 =	sadd.s32 s17, s3;
	[tilespmem:s11+$0x0] =	vst.add.f32.msk $0xffff, v0  }
0x1dc: {  	v0 =	vld [tilespmem:s3+$0x0];
	_ =	sdelay $0x2  }
0x1dd: {  	s13 =	rddreg [dreg:$0x1a]  }
0x1de: {  	s18 =	simm.s32 $0x10;
	s16 =	sor.u32 $0x200, s5;
	s3 =	sadd.s32 s21, s13  }
0x1df: {  	s7 =	sand.u32 $0x180, s18;
	s15 =	rddreg [dreg:$0x15];
	s19 =	sadd.s32 s17, s3;
	[tilespmem:s16+$0x0] =	vst.add.f32.msk $0xffff, v0  }
0x1e0: {  	s9 =	sadd.s32 s7, s15;
	s3 =	sand.u32 $0x70, s18;
	v0 =	vld [tilespmem:s19+$0x0]  }
0x1e1: {  	s9 =	sadd.s32 s3, s9  }
0x1e2: {  	v1 =	vld [tilespmem:s9+$0x0]  }
0x1e3: {  	s20 =	rddreg [dreg:$0x1b]  }
0x1e4: {  	s23 =	sor.u32 $0x280, s5;
	s11 =	sadd.s32 s21, s20;
	s20 =	simm.s32 $0x80  }
0x1e5: {  	s22 =	rddreg [dreg:$0x16];
	s25 =	sand.u32 $0xC00, s20;
	s11 =	sadd.s32 s17, s11;
	[tilespmem:s23+$0x0] =	vst.add.f32.msk $0xffff, v0  }
0x1e6: {  	s9 =	sadd.s32 s7, s22;
	s31 =	sor.u32 s3, s25;
	v0 =	vld [tilespmem:s11+$0x0]  }
0x1e7: {  	s9 =	sadd.s32 s3, s9;
	[tilespmem:s31+$0x12800] =	vst.add.f32.msk $0xffff, v1  }
0x1e8: {  	v1 =	vld [tilespmem:s9+$0x0]  }
0x1e9: {  	s16 =	rddreg [dreg:$0x1c]  }
0x1ea: {  	s22 =	sor.u32 $0x300, s5;
	s11 =	sadd.s32 s21, s16  }
0x1eb: {  	s5 =	sadd.s32 $0x12800, s31;
	s19 =	rddreg [dreg:$0x17];
	s11 =	sadd.s32 s17, s11;
	[tilespmem:s22+$0x0] =	vst.add.f32.msk $0xffff, v0  }
0x1ec: {  	s23 =	sor.u32 $0x80, s5;
	s9 =	sadd.s32 s7, s19;
	v0 =	vld [tilespmem:s11+$0x0]  }
0x1ed: {  	s9 =	sadd.s32 s3, s9;
	[tilespmem:s23+$0x0] =	vst.add.f32.msk $0xffff, v1  }
0x1ee: {  	v1 =	vld [tilespmem:s9+$0x0]  }
0x1ef: {  	s0 =	sor.u32 s0, s0;
	s25 =	rddreg [dreg:$0x1d]  }
0x1f0: {  	s0 =	sor.u32 $0x380, s0;
	s11 =	sadd.s32 s21, s25  }
0x1f1: {  	s13 =	rddreg [dreg:$0x18];
	s15 =	sadd.s32 s17, s11;
	[tilespmem:s0+$0x12800] =	vst.add.f32.msk $0xffff, v0  }
0x1f2: {  	s16 =	sor.u32 $0x100, s5;
	s9 =	sadd.s32 s7, s13;
	v0 =	vld [tilespmem:s15+$0x0]  }
0x1f3: {  	s19 =	sadd.s32 s3, s9;
	[tilespmem:s16+$0x0] =	vst.add.f32.msk $0xffff, v1  }
0x1f4: {  	v1 =	vld [tilespmem:s19+$0x0]  }
0x1f5: {  	s22 =	rddreg [dreg:$0x1e]  }
0x1f6: {  	s9 =	sadd.s32 s21, s22  }
0x1f7: {  	s23 =	rddreg [dreg:$0x19];
	s9 =	sadd.s32 s17, s9;
	[tilespmem:s1+$0x13800] =	vst.add.f32.msk $0xffff, v0  }
0x1f8: {  	s25 =	sor.u32 $0x180, s5;
	s0 =	sadd.s32 s7, s23;
	v0 =	vld [tilespmem:s9+$0x0]  }
0x1f9: {  	s0 =	sadd.s32 s3, s0;
	[tilespmem:s25+$0x0] =	vst.add.f32.msk $0xffff, v1  }
0x1fa: {  	v1 =	vld [tilespmem:s0+$0x0]  }
0x1fb: {  	s13 =	rddreg [dreg:$0x1f]  }
0x1fc: {  	s9 =	sadd.s32 s21, s13  }
0x1fd: {  	s30 =	simm.s32 $0x20;
	s15 =	rddreg [dreg:$0x1a];
	s9 =	sadd.s32 s17, s9;
	[tilespmem:s1+$0x13880] =	vst.add.f32.msk $0xffff, v0  }
0x1fe: {  	s16 =	rddreg [dreg:$0x15];
	s19 =	sor.u32 $0x200, s5;
	s22 =	sadd.s32 s7, s15;
	v0 =	vld [tilespmem:s9+$0x0]  }
0x1ff: {  	s0 =	sand.u32 $0x180, s30;
	s23 =	sadd.s32 s3, s22;
	[tilespmem:s19+$0x0] =	vst.add.f32.msk $0xffff, v1;
	s25 =	sld [smem:$0x7CD]  }
0x200: {  	s11 =	sadd.s32 s0, s16;
	s13 =	sand.u32 $0x70, s30;
	v1 =	vld [tilespmem:s23+$0x0]  }
0x201: {  	s11 =	sadd.s32 s13, s11  }
0x202: {  	s22 =	rddreg [dreg:$0x16];
	v2 =	vld [tilespmem:s11+$0x0];
	s19 =	sadd.s32 s21, s25  }
0x203: {  	s16 =	rddreg [dreg:$0x1b];
	s9 =	sadd.s32 s17, s19;
	[tilespmem:s1+$0x13900] =	vst.add.f32.msk $0xffff, v0  }
0x204: {  	s23 =	sor.u32 $0x280, s5;
	s11 =	sadd.s32 s7, s16;
	s19 =	simm.s32 $0x100;
	v0 =	vld [tilespmem:s9+$0x0]  }
0x205: {  	s11 =	sadd.s32 s3, s11;
	[tilespmem:s23+$0x0] =	vst.add.f32.msk $0xffff, v1;
	s25 =	sand.u32 $0xC00, s19;
	s16 =	sld [smem:$0x7CE]  }
0x206: {  	s22 =	sadd.s32 s0, s22;
	v1 =	vld [tilespmem:s11+$0x0];
	s15 =	sor.u32 s13, s25  }
0x207: {  	s9 =	sadd.s32 s13, s22;
	[tilespmem:s15+$0x12800] =	vst.add.f32.msk $0xffff, v2  }
0x208: {  	v2 =	vld [tilespmem:s9+$0x0];
	s25 =	sadd.s32 s21, s16  }
0x209: {  	s11 =	rddreg [dreg:$0x1c];
	s9 =	sadd.s32 s17, s25;
	[tilespmem:s1+$0x13980] =	vst.add.f32.msk $0xffff, v0  }
0x20a: {  	s11 =	sadd.s32 s7, s11;
	s22 =	rddreg [dreg:$0x17];
	s16 =	sor.u32 $0x300, s5;
	v0 =	vld [tilespmem:s9+$0x0]  }
0x20b: {  	s5 =	sadd.s32 $0x12800, s15;
	[tilespmem:s16+$0x0] =	vst.add.f32.msk $0xffff, v1;
	s25 =	sadd.s32 s3, s11;
	s11 =	sld [smem:$0x7CF]  }
0x20c: {  	s22 =	sadd.s32 s0, s22;
	s16 =	sor.u32 $0x80, s5;
	v1 =	vld [tilespmem:s25+$0x0]  }
0x20d: {  	s23 =	sadd.s32 s13, s22;
	[tilespmem:s16+$0x0] =	vst.add.f32.msk $0xffff, v2  }
0x20e: {  	v2 =	vld [tilespmem:s23+$0x0];
	s16 =	sadd.s32 s21, s11  }
0x20f: {  	s20 =	sor.u32 s20, s18;
	s25 =	rddreg [dreg:$0x1d];
	s9 =	sadd.s32 s17, s16;
	[tilespmem:s1+$0x13A00] =	vst.add.f32.msk $0xffff, v0  }
0x210: {  	s22 =	sadd.s32 s7, s25;
	s18 =	rddreg [dreg:$0x18];
	s11 =	sor.u32 $0x380, s20;
	v0 =	vld [tilespmem:s9+$0x0]  }
0x211: {  	s23 =	sadd.s32 s3, s22;
	[tilespmem:s11+$0x12800] =	vst.add.f32.msk $0xffff, v1;
	s25 =	sld [smem:$0x7D0]  }
0x212: {  	s18 =	sadd.s32 s0, s18;
	s16 =	sor.u32 $0x100, s5;
	v1 =	vld [tilespmem:s23+$0x0]  }
0x213: {  	s18 =	sadd.s32 s13, s18;
	[tilespmem:s16+$0x0] =	vst.add.f32.msk $0xffff, v2  }
0x214: {  	v2 =	vld [tilespmem:s18+$0x0];
	s22 =	sadd.s32 s21, s25  }
0x215: {  	s20 =	rddreg [dreg:$0x1e];
	s9 =	sadd.s32 s17, s22;
	[tilespmem:s1+$0x13A80] =	vst.add.f32.msk $0xffff, v0  }
0x216: {  	s23 =	rddreg [dreg:$0x19];
	s18 =	sadd.s32 s7, s20;
	v0 =	vld [tilespmem:s9+$0x0]  }
0x217: {  	s25 =	sadd.s32 s3, s18;
	[tilespmem:s31+$0x13800] =	vst.add.f32.msk $0xffff, v1;
	s16 =	sld [smem:$0x7D1]  }
0x218: {  	s11 =	sadd.s32 s0, s23;
	s22 =	sor.u32 $0x180, s5;
	v3 =	vld [tilespmem:s25+$0x0]  }
0x219: {  	s23 =	sadd.s32 s13, s11;
	[tilespmem:s22+$0x0] =	vst.add.f32.msk $0xffff, v2  }
0x21a: {  	s25 =	rddreg [dreg:$0x1f];
	v1 =	vld [tilespmem:s23+$0x0];
	s18 =	sadd.s32 s21, s16  }
0x21b: {  	s11 =	sadd.s32 s7, s25;
	s9 =	rddreg [dreg:$0x1a];
	s17 =	sadd.s32 s17, s18;
	[tilespmem:s1+$0x13B00] =	vst.add.f32.msk $0xffff, v0  }
0x21c: {  	s22 =	sadd.s32 s3, s11;
	s23 =	rddreg [dreg:$0x15];
	v0 =	vld [tilespmem:s17+$0x0]  }
0x21d: {  	s21 =	simm.s32 $0x30;
	s18 =	simm.s32 $0x40;
	[tilespmem:s31+$0x13880] =	vst.add.f32.msk $0xffff, v3;
	s17 =	simm.s32 $0x100  }
.LBB2_7:
0x21e: {  	s11 =	sor.u32 $0x200, s5;
	s9 =	sadd.s32 s0, s9;
	v2 =	vld [tilespmem:s22+$0x0]  }
0x21f: {  	s22 =	sand.u32 $0x180, s21;
	s16 =	sld [smem:$0x7CD];
	s9 =	sadd.s32 s13, s9;
	[tilespmem:s11+$0x0] =	vst.add.f32.msk $0xffff, v1  }
0x220: {  	s20 =	sand.u32 $0x70, s21;
	s23 =	sadd.s32 s22, s23;
	v1 =	vld [tilespmem:s9+$0x0]  }
0x221: {  	s25 =	sadd.s32 s20, s23;
	[tilespmem:s1+$0x13B80] =	vst.add.f32.msk $0xffff, v0  }
0x222: {  	s16 =	sadd.s32 s7, s16;
	s1 =	smov.u32 s31;
	v0 =	vld [tilespmem:s25+$0x0]  }
0x223: {  	s19 =	sadd.s32 $0x80, s19;
	s23 =	rddreg [dreg:$0x1b];
	s9 =	sadd.s32 s3, s16;
	[tilespmem:s1+$0x13900] =	vst.add.f32.msk $0xffff, v2  }
0x224: {  	s11 =	rddreg [dreg:$0x16];
	s23 =	sadd.s32 s0, s23;
	s25 =	sor.u32 $0x280, s5;
	v2 =	vld [tilespmem:s9+$0x0]  }
0x225: {  	s16 =	sand.u32 $0xC00, s19;
	s23 =	sadd.s32 s13, s23;
	[tilespmem:s25+$0x0] =	vst.add.f32.msk $0xffff, v1;
	s25 =	sld [smem:$0x7CE]  }
0x226: {  	s31 =	smov.u32 s15;
	s15 =	sor.u32 s20, s16;
	s16 =	sadd.s32 s22, s11;
	v1 =	vld [tilespmem:s23+$0x0]  }
0x227: {  	s9 =	sadd.s32 s20, s16;
	[tilespmem:s15+$0x12800] =	vst.add.f32.msk $0xffff, v0  }
0x228: {  	v0 =	vld [tilespmem:s9+$0x0];
	s25 =	sadd.s32 s7, s25  }
0x229: {  	s11 =	rddreg [dreg:$0x1c];
	[tilespmem:s1+$0x13980] =	vst.add.f32.msk $0xffff, v2;
	s9 =	sadd.s32 s3, s25  }
0x22a: {  	s16 =	sor.u32 $0x300, s5;
	s11 =	sadd.s32 s0, s11;
	s23 =	rddreg [dreg:$0x17];
	v2 =	vld [tilespmem:s9+$0x0]  }
0x22b: {  	s5 =	sadd.s32 $0x12800, s15;
	s25 =	sadd.s32 s13, s11;
	s11 =	sld [smem:$0x7CF];
	[tilespmem:s16+$0x0] =	vst.add.f32.msk $0xffff, v1  }
0x22c: {  	s23 =	sadd.s32 s22, s23;
	s16 =	sor.u32 $0x80, s5;
	v1 =	vld [tilespmem:s25+$0x0]  }
0x22d: {  	[tilespmem:s16+$0x0] =	vst.add.f32.msk $0xffff, v0;
	s16 =	sadd.s32 s20, s23  }
0x22e: {  	s25 =	sadd.s32 s7, s11;
	v0 =	vld [tilespmem:s16+$0x0]  }
0x22f: {  	s17 =	sor.u32 s17, s30;
	s23 =	rddreg [dreg:$0x1d];
	s9 =	sadd.s32 s3, s25;
	[tilespmem:s1+$0x13A00] =	vst.add.f32.msk $0xffff, v2  }
0x230: {  	s11 =	rddreg [dreg:$0x18];
	s16 =	sor.u32 $0x380, s17;
	s23 =	sadd.s32 s0, s23;
	v2 =	vld [tilespmem:s9+$0x0]  }
0x231: {  	s25 =	sadd.s32 s13, s23;
	s23 =	sld [smem:$0x7D0];
	[tilespmem:s16+$0x12800] =	vst.add.f32.msk $0xffff, v1  }
0x232: {  	s11 =	sadd.s32 s22, s11;
	s16 =	sor.u32 $0x100, s5;
	v1 =	vld [tilespmem:s25+$0x0]  }
0x233: {  	[tilespmem:s16+$0x0] =	vst.add.f32.msk $0xffff, v0;
	s16 =	sadd.s32 s20, s11  }
0x234: {  	v0 =	vld [tilespmem:s16+$0x0];
	s16 =	sadd.s32 s7, s23  }
0x235: {  	s25 =	rddreg [dreg:$0x1e];
	s9 =	sadd.s32 s3, s16;
	[tilespmem:s1+$0x13A80] =	vst.add.f32.msk $0xffff, v2  }
0x236: {  	p2 =	sne.s32 s18, $0x1F0;
	s23 =	rddreg [dreg:$0x19];
	s11 =	sadd.s32 s0, s25;
	v2 =	vld [tilespmem:s9+$0x0]  }
0x237: {  	s30 =	smov.u32 s21;
	s25 =	sadd.s32 s13, s11;
	s11 =	sld [smem:$0x7D1];
	[tilespmem:s31+$0x13800] =	vst.add.f32.msk $0xffff, v1  }
0x238: {  	s21 =	smov.u32 s18;
	s16 =	sor.u32 $0x180, s5;
	s23 =	sadd.s32 s22, s23;
	v3 =	vld [tilespmem:s25+$0x0]  }
.Ltmp2:
0x239: {  	s18 =	sadd.s32 $0x10, s18;
	[tilespmem:s16+$0x0] =	vst.add.f32.msk $0xffff, v0;
	s25 =	sadd.s32 s20, s23;
	(pc) =	sbr.rel @p2 .LBB2_7-.Ltmp2, $4  }
0x23a: {  	s17 =	smov.u32 s19;
	s9 =	rddreg [dreg:$0x1a];
	s11 =	sadd.s32 s7, s11;
	v1 =	vld [tilespmem:s25+$0x0]  }
0x23b: {  	s7 =	smov.u32 s0;
	s16 =	rddreg [dreg:$0x1f];
	s11 =	sadd.s32 s3, s11;
	[tilespmem:s1+$0x13B00] =	vst.add.f32.msk $0xffff, v2  }
0x23c: {  	s0 =	smov.u32 s22;
	s3 =	smov.u32 s13;
	s25 =	sadd.s32 s7, s16;
	v0 =	vld [tilespmem:s11+$0x0]  }
0x23d: {  	s13 =	smov.u32 s20;
	s23 =	rddreg [dreg:$0x15];
	s22 =	sadd.s32 s3, s25;
	[tilespmem:s31+$0x13880] =	vst.add.f32.msk $0xffff, v3  }
0x23e: {  	s20 =	sand.u32 $0x180, s21  }
0x23f: {  	s18 =	sand.u32 $0x70, s21;
	s11 =	sadd.s32 s20, s23  }
0x240: {  	s11 =	sadd.s32 s18, s11  }
0x241: {  	v2 =	vld [tilespmem:s11+$0x0];
	_ =	sdelay $0x1  }
0x242: {  	s23 =	sadd.s32 $0x80, s19  }
0x243: {  	s25 =	rddreg [dreg:$0x16];
	s19 =	sand.u32 $0xC00, s23  }
0x244: {  	s19 =	sor.u32 s18, s19;
	s11 =	sadd.s32 s20, s25  }
0x245: {  	s11 =	sadd.s32 s18, s11;
	[tilespmem:s19+$0x12800] =	vst.add.f32.msk $0xffff, v2  }
0x246: {  	v2 =	vld [tilespmem:s11+$0x0];
	_ =	sdelay $0x2  }
0x247: {  	s25 =	sadd.s32 $0x12800, s19;
	s11 =	rddreg [dreg:$0x17]  }
0x248: {  	s16 =	sor.u32 $0x80, s25;
	s11 =	sadd.s32 s20, s11  }
0x249: {  	s11 =	sadd.s32 s18, s11;
	[tilespmem:s16+$0x0] =	vst.add.f32.msk $0xffff, v2  }
0x24a: {  	v2 =	vld [tilespmem:s11+$0x0];
	_ =	sdelay $0x2  }
0x24b: {  	s11 =	rddreg [dreg:$0x18]  }
0x24c: {  	s16 =	sor.u32 $0x100, s25;
	s11 =	sadd.s32 s20, s11  }
0x24d: {  	s11 =	sadd.s32 s18, s11;
	[tilespmem:s16+$0x0] =	vst.add.f32.msk $0xffff, v2  }
0x24e: {  	v2 =	vld [tilespmem:s11+$0x0];
	_ =	sdelay $0x2  }
0x24f: {  	s11 =	rddreg [dreg:$0x19]  }
0x250: {  	s16 =	sor.u32 $0x180, s25;
	s11 =	sadd.s32 s20, s11  }
0x251: {  	s11 =	sadd.s32 s18, s11;
	[tilespmem:s16+$0x0] =	vst.add.f32.msk $0xffff, v2  }
0x252: {  	v2 =	vld [tilespmem:s11+$0x0]  }
0x253: {  	s9 =	sadd.s32 s0, s9;
	s16 =	sor.u32 $0x200, s5  }
0x254: {  	s9 =	sadd.s32 s13, s9;
	[tilespmem:s16+$0x0] =	vst.add.f32.msk $0xffff, v1  }
0x255: {  	s11 =	rddreg [dreg:$0x1a];
	v1 =	vld [tilespmem:s9+$0x0]  }
0x256: {  	s9 =	sor.u32 $0x200, s25;
	s11 =	sadd.s32 s20, s11  }
0x257: {  	s11 =	sadd.s32 s18, s11;
	[tilespmem:s9+$0x0] =	vst.add.f32.msk $0xffff, v2  }
0x258: {  	s16 =	rddreg [dreg:$0x1b];
	v2 =	vld [tilespmem:s11+$0x0]  }
0x259: {  	s16 =	sadd.s32 s0, s16;
	s11 =	sor.u32 $0x280, s5  }
0x25a: {  	s16 =	sadd.s32 s13, s16;
	[tilespmem:s11+$0x0] =	vst.add.f32.msk $0xffff, v1  }
0x25b: {  	s9 =	rddreg [dreg:$0x1b];
	v1 =	vld [tilespmem:s16+$0x0]  }
0x25c: {  	s9 =	sadd.s32 s20, s9;
	s16 =	sor.u32 $0x280, s25  }
0x25d: {  	s9 =	sadd.s32 s18, s9;
	[tilespmem:s16+$0x0] =	vst.add.f32.msk $0xffff, v2  }
0x25e: {  	s11 =	rddreg [dreg:$0x1c];
	v2 =	vld [tilespmem:s9+$0x0]  }
0x25f: {  	s11 =	sadd.s32 s0, s11;
	s16 =	sor.u32 $0x300, s5  }
0x260: {  	[tilespmem:s16+$0x0] =	vst.add.f32.msk $0xffff, v1;
	s16 =	sadd.s32 s13, s11  }
0x261: {  	s9 =	rddreg [dreg:$0x1c];
	v1 =	vld [tilespmem:s16+$0x0]  }
0x262: {  	s25 =	sor.u32 $0x300, s25;
	s9 =	sadd.s32 s20, s9  }
0x263: {  	s9 =	sadd.s32 s18, s9;
	[tilespmem:s25+$0x0] =	vst.add.f32.msk $0xffff, v2  }
0x264: {  	s11 =	rddreg [dreg:$0x1d];
	s16 =	sor.u32 s17, s30;
	v2 =	vld [tilespmem:s9+$0x0]  }
0x265: {  	v3 =	vld [tilespmem:s22+$0x0];
	s5 =	sadd.s32 s0, s11;
	s9 =	sor.u32 $0x380, s16  }
0x266: {  	s5 =	sadd.s32 s13, s5;
	[tilespmem:s9+$0x12800] =	vst.add.f32.msk $0xffff, v1  }
0x267: {  	s25 =	sor.u32 s23, s21;
	s17 =	rddreg [dreg:$0x1d];
	v1 =	vld [tilespmem:s5+$0x0]  }
0x268: {  	s16 =	sor.u32 $0x380, s25;
	s17 =	sadd.s32 s20, s17;
	s21 =	rddreg [dreg:$0x1e]  }
0x269: {  	s23 =	sadd.s32 s18, s17;
	s11 =	sadd.s32 s0, s21;
	s21 =	sld [smem:$0x7CD];
	[tilespmem:s16+$0x12800] =	vst.add.f32.msk $0xffff, v2  }
0x26a: {  	v2 =	vld [tilespmem:s23+$0x0]  }
0x26b: {  	[tilespmem:s31+$0x13900] =	vst.add.f32.msk $0xffff, v3  }
0x26c: {  	s9 =	sadd.s32 s13, s11;
	s11 =	sadd.s32 s7, s21;
	[tilespmem:s15+$0x13800] =	vst.add.f32.msk $0xffff, v1  }
0x26d: {  	s25 =	rddreg [dreg:$0x1e];
	s23 =	sadd.s32 s3, s11;
	v1 =	vld [tilespmem:s9+$0x0]  }
0x26e: {  	s5 =	sadd.s32 s20, s25;
	v3 =	vld [tilespmem:s23+$0x0]  }
0x26f: {  	s5 =	sadd.s32 s18, s5;
	[tilespmem:s19+$0x13800] =	vst.add.f32.msk $0xffff, v2  }
0x270: {  	s16 =	rddreg [dreg:$0x1f];
	v2 =	vld [tilespmem:s5+$0x0]  }
0x271: {  	s17 =	rddreg [dreg:$0x1f]  }
0x272: {  	s9 =	sadd.s32 s0, s16;
	[tilespmem:s15+$0x13880] =	vst.add.f32.msk $0xffff, v1;
	s5 =	sadd.s32 s20, s17;
	s17 =	sld [smem:$0x7CE]  }
0x273: {  	s9 =	sadd.s32 s13, s9;
	[tilespmem:s31+$0x13980] =	vst.add.f32.msk $0xffff, v3  }
0x274: {  	v1 =	vld [tilespmem:s9+$0x0]  }
0x275: {  	s22 =	sld [smem:$0x7CD];
	s5 =	sadd.s32 s18, s5;
	s9 =	sadd.s32 s7, s17;
	[tilespmem:s19+$0x13880] =	vst.add.f32.msk $0xffff, v2  }
0x276: {  	s23 =	sadd.s32 s3, s9;
	v2 =	vld [tilespmem:s5+$0x0]  }
0x277: {  	v3 =	vld [tilespmem:s23+$0x0]  }
0x278: {  	s16 =	sadd.s32 s0, s22;
	s25 =	sld [smem:$0x7CD]  }
0x279: {  	s17 =	sld [smem:$0x7CF];
	s5 =	sadd.s32 s13, s16;
	[tilespmem:s15+$0x13900] =	vst.add.f32.msk $0xffff, v1  }
0x27a: {  	v1 =	vld [tilespmem:s5+$0x0]  }
0x27b: {  	s21 =	sadd.s32 s20, s25;
	[tilespmem:s19+$0x13900] =	vst.add.f32.msk $0xffff, v2  }
0x27c: {  	s11 =	sadd.s32 s7, s17;
	s22 =	sld [smem:$0x7CE];
	s5 =	sadd.s32 s18, s21;
	[tilespmem:s31+$0x13A00] =	vst.add.f32.msk $0xffff, v3  }
0x27d: {  	s23 =	sadd.s32 s3, s11;
	v2 =	vld [tilespmem:s5+$0x0]  }
0x27e: {  	v3 =	vld [tilespmem:s23+$0x0]  }
0x27f: {  	s16 =	sadd.s32 s0, s22;
	s25 =	sld [smem:$0x7CE]  }
0x280: {  	s5 =	sadd.s32 s13, s16;
	s17 =	sld [smem:$0x7D0];
	[tilespmem:s15+$0x13980] =	vst.add.f32.msk $0xffff, v1  }
0x281: {  	v1 =	vld [tilespmem:s5+$0x0]  }
0x282: {  	s22 =	sld [smem:$0x7CF];
	s21 =	sadd.s32 s20, s25;
	[tilespmem:s19+$0x13980] =	vst.add.f32.msk $0xffff, v2  }
0x283: {  	s9 =	sadd.s32 s7, s17;
	s5 =	sadd.s32 s18, s21;
	[tilespmem:s31+$0x13A80] =	vst.add.f32.msk $0xffff, v3  }
0x284: {  	s23 =	sadd.s32 s3, s9;
	v2 =	vld [tilespmem:s5+$0x0]  }
0x285: {  	s16 =	sadd.s32 s0, s22;
	s25 =	sld [smem:$0x7CF];
	v3 =	vld [tilespmem:s23+$0x0]  }
0x286: {  	s5 =	sadd.s32 s13, s16;
	[tilespmem:s15+$0x13A00] =	vst.add.f32.msk $0xffff, v1  }
0x287: {  	s16 =	sld [smem:$0x7D1];
	v1 =	vld [tilespmem:s5+$0x0]  }
0x288: {  	s22 =	sld [smem:$0x7D0];
	s21 =	sadd.s32 s20, s25  }
0x289: {  	s5 =	sadd.s32 s18, s21;
	[tilespmem:s19+$0x13A00] =	vst.add.f32.msk $0xffff, v2  }
0x28a: {  	v2 =	vld [tilespmem:s5+$0x0]  }
0x28b: {  	s11 =	sadd.s32 s0, s22;
	s22 =	sadd.s32 s7, s16;
	[tilespmem:s31+$0x13B00] =	vst.add.f32.msk $0xffff, v3;
	s25 =	sld [smem:$0x7D0]  }
0x28c: {  	s23 =	sadd.s32 s3, s22;
	[tilespmem:s15+$0x13A80] =	vst.add.f32.msk $0xffff, v1  }
0x28d: {  	s5 =	sadd.s32 s13, s11;
	v3 =	vld [tilespmem:s23+$0x0]  }
0x28e: {  	v1 =	vld [tilespmem:s5+$0x0];
	s17 =	sadd.s32 s20, s25  }
0x28f: {  	s21 =	sld [smem:$0x7D1];
	s5 =	sadd.s32 s18, s17;
	[tilespmem:s19+$0x13A80] =	vst.add.f32.msk $0xffff, v2  }
0x290: {  	v2 =	vld [tilespmem:s5+$0x0]  }
0x291: {  	[tilespmem:s1+$0x13B80] =	vst.add.f32.msk $0xffff, v0;
	s25 =	sld [smem:$0x7D1]  }
0x292: {  	s3 =	sadd.s32 s0, s21;
	[tilespmem:s31+$0x13B80] =	vst.add.f32.msk $0xffff, v3  }
0x293: {  	s0 =	sadd.s32 s13, s3;
	[tilespmem:s15+$0x13B00] =	vst.add.f32.msk $0xffff, v1  }
0x294: {  	v1 =	vld [tilespmem:s0+$0x0];
	s5 =	sadd.s32 s20, s25  }
0x295: {  	s0 =	sadd.s32 s18, s5;
	[tilespmem:s19+$0x13B00] =	vst.add.f32.msk $0xffff, v2  }
0x296: {  	v2 =	vld [tilespmem:s0+$0x0];
	s7 =	sld [smem:$0x7F8];
	_ =	sdelay $0x2  }
0x297: {  	s0 =	sor.u32 s7, s6  }
0x298: {  	[tilespmem:s15+$0x13B80] =	vst.add.f32.msk $0xffff, v1;
	s0 =	sshrl.u32 s0, $0x3  }
0x299: {  	s9 =	simm.s32 $0x0;
	s11 =	simm.s32 $0x12800;
	[tilespmem:s19+$0x13B80] =	vst.add.f32.msk $0xffff, v2;
	s0 =	sadd.s32 s2, s0  }
0x29a: {  	[hbm4b:s0+s9] =	stream.linear.scatter [tilespmem:s11], [sflag:$0x2], $0x2000, $0x38;
	[tilespmem:$0x18900] =	vst v63  }
0x29b: {  	s0 =	simm.s32 @!p1 $0x4  }
0x29c: {  	_ =	swait.ge @!p1 [sflag:s0], $0x2000  }
0x29d: {  	s13 =	sld [smem:$0x7FA]  }
0x29e: {  	[sflag:s0] =	ssyncset.done @!p1 $0x0  }
0x29f: {  	s15 =	simm.s32 $0x16800;
	[sflag:s0] =	ssyncadd.s32 @!p1 $0xFFFFE000  }
0x2a0: {  	[tilespmem:s15], [sflag:$0x8] =	stream.linear.gather [spmem:s13], $0x2000, $0x38;
	[tilespmem:$0x18900] =	vst v63  }
0x2a1: {  	_ =	swait.ge [sflag:s12], $0x2000  }
0x2a2: {  	[sflag:s12] =	ssyncset.done $0x0  }
0x2a3: {  	[sflag:s12] =	ssyncadd.s32 $0xFFFFE000  }
0x2a4: {  	v0 =	vld [tilespmem:$0x18820];
	_ =	sdelay $0x4  }
0x2a5: {  	v0 =	vshll.u32 v0, $0x9  }
0x2a6: {  	(v2sf) =	vpush v0, $0x0  }
0x2a7: {  	(v2sf) =	vpush v0, $0x1;
	_ =	sdelay $0x1  }
0x2a8: {  	(v2sf) =	vpush v0, $0x2  }
0x2a9: {  	(v2sf) =	vpush v0, $0x3  }
0x2aa: {  	(v2sf) =	vpush v0, $0x4  }
0x2ab: {  	(v2sf) =	vpush v0, $0x5  }
0x2ac: {  	(v2sf) =	vpush v0, $0x6  }
0x2ad: {  	(v2sf) =	vpush v0, $0x7  }
0x2ae: {  	(v2sf) =	vpush v0, $0x8  }
0x2af: {  	(v2sf) =	vpush v0, $0x9  }
0x2b0: {  	(v2sf) =	vpush v0, $0xA  }
0x2b1: {  	(v2sf) =	vpush v0, $0xB  }
0x2b2: {  	(v2sf) =	vpush v0, $0xC  }
0x2b3: {  	(v2sf) =	vpush v0, $0xD  }
0x2b4: {  	s16 =	spop (v2sf);
	(v2sf) =	vpush v0, $0xE  }
0x2b5: {  	s17 =	spop (v2sf);
	[smem:$0x7CC] =	sst s16;
	(v2sf) =	vpush v0, $0xF  }
0x2b6: {  	[smem:$0x7BF] =	sst s17  }
0x2b7: {  	s18 =	spop (v2sf);
	s13 =	sld [smem:$0x7CC]  }
0x2b8: {  	s19 =	spop (v2sf);
	[smem:$0x7C2] =	sst s18  }
0x2b9: {  	s20 =	spop (v2sf);
	[smem:$0x7C5] =	sst s19  }
0x2ba: {  	s21 =	spop (v2sf);
	[smem:$0x7C8] =	sst s20  }
0x2bb: {  	s22 =	spop (v2sf);
	[smem:$0x7CB] =	sst s21  }
0x2bc: {  	s23 =	spop (v2sf);
	[smem:$0x7BE] =	sst s22  }
0x2bd: {  	s25 =	spop (v2sf);
	[smem:$0x7C1] =	sst s23  }
0x2be: {  	s3 =	spop (v2sf);
	[smem:$0x7C4] =	sst s25  }
0x2bf: {  	s5 =	spop (v2sf);
	[smem:$0x7C7] =	sst s3  }
0x2c0: {  	s7 =	spop (v2sf);
	[smem:$0x7CA] =	sst s5  }
0x2c1: {  	s0 =	simm.s32 $0x0;
	s9 =	spop (v2sf);
	[smem:$0x7BD] =	sst s7  }
0x2c2: {  	s17 =	sand.u32 $0x70, s0;
	[smem:$0x7C0] =	sst s9;
	s11 =	spop (v2sf)  }
0x2c3: {  	s21 =	sand.u32 $0x180, s0;
	[smem:$0x7C3] =	sst s11;
	s15 =	spop (v2sf)  }
0x2c4: {  	s1 =	sadd.s32 s21, s13;
	[smem:$0x7C6] =	sst s15;
	s16 =	spop (v2sf)  }
0x2c5: {  	s1 =	sadd.s32 s17, s1;
	[smem:$0x7C9] =	sst s16  }
0x2c6: {  	v0 =	vld [tilespmem:s1+$0x0]  }
0x2c7: {  	s18 =	sld [smem:$0x7BF];
	_ =	sdelay $0x1  }
0x2c8: {  	s19 =	sand.u32 $0xC00, s0  }
0x2c9: {  	s3 =	sadd.s32 s21, s18;
	s1 =	sor.u32 s17, s19  }
0x2ca: {  	s3 =	sadd.s32 s17, s3;
	[tilespmem:s1+$0x14800] =	vst.add.f32.msk $0xffff, v0  }
0x2cb: {  	v0 =	vld [tilespmem:s3+$0x0]  }
0x2cc: {  	s20 =	sld [smem:$0x7C2];
	_ =	sdelay $0x1  }
0x2cd: {  	s5 =	sadd.s32 $0x14800, s1  }
0x2ce: {  	s22 =	sor.u32 $0x80, s5;
	s3 =	sadd.s32 s21, s20  }
0x2cf: {  	s3 =	sadd.s32 s17, s3;
	[tilespmem:s22+$0x0] =	vst.add.f32.msk $0xffff, v0  }
0x2d0: {  	v0 =	vld [tilespmem:s3+$0x0]  }
0x2d1: {  	s23 =	sld [smem:$0x7C5];
	_ =	sdelay $0x2  }
0x2d2: {  	s25 =	sor.u32 $0x100, s5;
	s3 =	sadd.s32 s21, s23  }
0x2d3: {  	s3 =	sadd.s32 s17, s3;
	[tilespmem:s25+$0x0] =	vst.add.f32.msk $0xffff, v0  }
0x2d4: {  	v0 =	vld [tilespmem:s3+$0x0]  }
0x2d5: {  	s9 =	sld [smem:$0x7C8];
	_ =	sdelay $0x2  }
0x2d6: {  	s11 =	sor.u32 $0x180, s5;
	s3 =	sadd.s32 s21, s9  }
0x2d7: {  	s3 =	sadd.s32 s17, s3;
	[tilespmem:s11+$0x0] =	vst.add.f32.msk $0xffff, v0  }
0x2d8: {  	v0 =	vld [tilespmem:s3+$0x0]  }
0x2d9: {  	s13 =	sld [smem:$0x7CB];
	_ =	sdelay $0x1  }
0x2da: {  	s15 =	sld [smem:$0x7CC]  }
0x2db: {  	s18 =	simm.s32 $0x10;
	s16 =	sor.u32 $0x200, s5;
	s19 =	sadd.s32 s21, s13  }
0x2dc: {  	s3 =	sand.u32 $0x180, s18;
	s11 =	sadd.s32 s17, s19;
	[tilespmem:s16+$0x0] =	vst.add.f32.msk $0xffff, v0  }
0x2dd: {  	s7 =	sand.u32 $0x70, s18;
	s9 =	sadd.s32 s3, s15;
	v0 =	vld [tilespmem:s11+$0x0]  }
0x2de: {  	s9 =	sadd.s32 s7, s9;
	s20 =	sld [smem:$0x7BE]  }
0x2df: {  	v1 =	vld [tilespmem:s9+$0x0]  }
0x2e0: {  	s22 =	sld [smem:$0x7BF]  }
0x2e1: {  	s23 =	sor.u32 $0x280, s5;
	s11 =	sadd.s32 s21, s20;
	s20 =	simm.s32 $0x80  }
0x2e2: {  	s25 =	sand.u32 $0xC00, s20;
	s11 =	sadd.s32 s17, s11;
	[tilespmem:s23+$0x0] =	vst.add.f32.msk $0xffff, v0  }
0x2e3: {  	s9 =	sadd.s32 s3, s22;
	s31 =	sor.u32 s7, s25;
	v0 =	vld [tilespmem:s11+$0x0]  }
0x2e4: {  	s9 =	sadd.s32 s7, s9;
	[tilespmem:s31+$0x14800] =	vst.add.f32.msk $0xffff, v1;
	s16 =	sld [smem:$0x7C1]  }
0x2e5: {  	v1 =	vld [tilespmem:s9+$0x0]  }
0x2e6: {  	s19 =	sld [smem:$0x7C2]  }
0x2e7: {  	s22 =	sor.u32 $0x300, s5;
	s11 =	sadd.s32 s21, s16  }
0x2e8: {  	s5 =	sadd.s32 $0x14800, s31;
	s11 =	sadd.s32 s17, s11;
	[tilespmem:s22+$0x0] =	vst.add.f32.msk $0xffff, v0  }
0x2e9: {  	s23 =	sor.u32 $0x80, s5;
	s9 =	sadd.s32 s3, s19;
	v0 =	vld [tilespmem:s11+$0x0]  }
0x2ea: {  	s9 =	sadd.s32 s7, s9;
	[tilespmem:s23+$0x0] =	vst.add.f32.msk $0xffff, v1;
	s25 =	sld [smem:$0x7C4]  }
0x2eb: {  	v1 =	vld [tilespmem:s9+$0x0]  }
0x2ec: {  	s0 =	sor.u32 s0, s0;
	s13 =	sld [smem:$0x7C5]  }
0x2ed: {  	s0 =	sor.u32 $0x380, s0;
	s11 =	sadd.s32 s21, s25  }
0x2ee: {  	s15 =	sadd.s32 s17, s11;
	[tilespmem:s0+$0x14800] =	vst.add.f32.msk $0xffff, v0  }
0x2ef: {  	s16 =	sor.u32 $0x100, s5;
	s9 =	sadd.s32 s3, s13;
	v0 =	vld [tilespmem:s15+$0x0]  }
0x2f0: {  	s19 =	sadd.s32 s7, s9;
	[tilespmem:s16+$0x0] =	vst.add.f32.msk $0xffff, v1;
	s22 =	sld [smem:$0x7C7]  }
0x2f1: {  	v1 =	vld [tilespmem:s19+$0x0]  }
0x2f2: {  	s23 =	sld [smem:$0x7C8]  }
0x2f3: {  	s9 =	sadd.s32 s21, s22  }
0x2f4: {  	s9 =	sadd.s32 s17, s9;
	[tilespmem:s1+$0x15800] =	vst.add.f32.msk $0xffff, v0  }
0x2f5: {  	s25 =	sor.u32 $0x180, s5;
	s0 =	sadd.s32 s3, s23;
	v0 =	vld [tilespmem:s9+$0x0]  }
0x2f6: {  	s0 =	sadd.s32 s7, s0;
	[tilespmem:s25+$0x0] =	vst.add.f32.msk $0xffff, v1;
	s13 =	sld [smem:$0x7CA]  }
0x2f7: {  	v1 =	vld [tilespmem:s0+$0x0]  }
0x2f8: {  	s15 =	sld [smem:$0x7CB]  }
0x2f9: {  	s9 =	sadd.s32 s21, s13  }
0x2fa: {  	s16 =	sld [smem:$0x7CC];
	s9 =	sadd.s32 s17, s9;
	[tilespmem:s1+$0x15880] =	vst.add.f32.msk $0xffff, v0  }
0x2fb: {  	s30 =	simm.s32 $0x20;
	s19 =	sor.u32 $0x200, s5;
	s22 =	sadd.s32 s3, s15;
	v0 =	vld [tilespmem:s9+$0x0]  }
0x2fc: {  	s0 =	sand.u32 $0x180, s30;
	s23 =	sadd.s32 s7, s22;
	[tilespmem:s19+$0x0] =	vst.add.f32.msk $0xffff, v1;
	s25 =	sld [smem:$0x7BD]  }
0x2fd: {  	s11 =	sadd.s32 s0, s16;
	s13 =	sand.u32 $0x70, s30;
	v1 =	vld [tilespmem:s23+$0x0]  }
0x2fe: {  	s16 =	sadd.s32 s13, s11;
	s19 =	sld [smem:$0x7BE]  }
0x2ff: {  	v2 =	vld [tilespmem:s16+$0x0];
	s22 =	sadd.s32 s21, s25  }
0x300: {  	s16 =	sld [smem:$0x7BF];
	s9 =	sadd.s32 s17, s22;
	[tilespmem:s1+$0x15900] =	vst.add.f32.msk $0xffff, v0  }
0x301: {  	s23 =	sor.u32 $0x280, s5;
	s11 =	sadd.s32 s3, s19;
	s19 =	simm.s32 $0x100;
	v0 =	vld [tilespmem:s9+$0x0]  }
0x302: {  	s25 =	sand.u32 $0xC00, s19;
	s11 =	sadd.s32 s7, s11;
	[tilespmem:s23+$0x0] =	vst.add.f32.msk $0xffff, v1;
	s22 =	sld [smem:$0x7C0]  }
0x303: {  	s15 =	sor.u32 s13, s25;
	s23 =	sadd.s32 s0, s16;
	v1 =	vld [tilespmem:s11+$0x0]  }
0x304: {  	[tilespmem:s15+$0x14800] =	vst.add.f32.msk $0xffff, v2;
	s9 =	sadd.s32 s13, s23;
	s25 =	sld [smem:$0x7C1]  }
0x305: {  	v2 =	vld [tilespmem:s9+$0x0];
	s22 =	sadd.s32 s21, s22  }
0x306: {  	s16 =	sld [smem:$0x7C2];
	s9 =	sadd.s32 s17, s22;
	[tilespmem:s1+$0x15980] =	vst.add.f32.msk $0xffff, v0  }
0x307: {  	s23 =	sor.u32 $0x300, s5;
	s11 =	sadd.s32 s3, s25;
	v0 =	vld [tilespmem:s9+$0x0]  }
0x308: {  	s5 =	sadd.s32 $0x14800, s15;
	s25 =	sadd.s32 s7, s11;
	[tilespmem:s23+$0x0] =	vst.add.f32.msk $0xffff, v1;
	s11 =	sld [smem:$0x7C3]  }
0x309: {  	s22 =	sor.u32 $0x80, s5;
	s16 =	sadd.s32 s0, s16;
	v1 =	vld [tilespmem:s25+$0x0]  }
0x30a: {  	s23 =	sadd.s32 s13, s16;
	[tilespmem:s22+$0x0] =	vst.add.f32.msk $0xffff, v2;
	s25 =	sld [smem:$0x7C4]  }
0x30b: {  	v2 =	vld [tilespmem:s23+$0x0];
	s11 =	sadd.s32 s21, s11  }
0x30c: {  	s18 =	sor.u32 s20, s18;
	s20 =	sld [smem:$0x7C5];
	s9 =	sadd.s32 s17, s11;
	[tilespmem:s1+$0x15A00] =	vst.add.f32.msk $0xffff, v0  }
0x30d: {  	s11 =	sor.u32 $0x380, s18;
	s16 =	sadd.s32 s3, s25;
	v0 =	vld [tilespmem:s9+$0x0]  }
0x30e: {  	s22 =	sadd.s32 s7, s16;
	[tilespmem:s11+$0x14800] =	vst.add.f32.msk $0xffff, v1;
	s23 =	sld [smem:$0x7C6]  }
0x30f: {  	s25 =	sor.u32 $0x100, s5;
	s18 =	sadd.s32 s0, s20;
	v1 =	vld [tilespmem:s22+$0x0]  }
0x310: {  	s20 =	sadd.s32 s13, s18;
	[tilespmem:s25+$0x0] =	vst.add.f32.msk $0xffff, v2;
	s22 =	sld [smem:$0x7C7]  }
0x311: {  	v2 =	vld [tilespmem:s20+$0x0];
	s23 =	sadd.s32 s21, s23  }
0x312: {  	s25 =	sld [smem:$0x7C8];
	s9 =	sadd.s32 s17, s23;
	[tilespmem:s1+$0x15A80] =	vst.add.f32.msk $0xffff, v0  }
0x313: {  	s16 =	sadd.s32 s3, s22;
	v0 =	vld [tilespmem:s9+$0x0]  }
0x314: {  	s18 =	sadd.s32 s7, s16;
	[tilespmem:s31+$0x15800] =	vst.add.f32.msk $0xffff, v1;
	s20 =	sld [smem:$0x7C9]  }
0x315: {  	s22 =	sor.u32 $0x180, s5;
	s11 =	sadd.s32 s0, s25;
	v3 =	vld [tilespmem:s18+$0x0]  }
0x316: {  	s23 =	sadd.s32 s13, s11;
	[tilespmem:s22+$0x0] =	vst.add.f32.msk $0xffff, v2;
	s25 =	sld [smem:$0x7CA]  }
0x317: {  	v1 =	vld [tilespmem:s23+$0x0];
	s16 =	sadd.s32 s21, s20  }
0x318: {  	s9 =	sld [smem:$0x7CB];
	s16 =	sadd.s32 s17, s16;
	[tilespmem:s1+$0x15B00] =	vst.add.f32.msk $0xffff, v0  }
0x319: {  	s18 =	simm.s32 $0x40;
	s23 =	sld [smem:$0x7CC];
	s11 =	sadd.s32 s3, s25;
	v0 =	vld [tilespmem:s16+$0x0]  }
0x31a: {  	s21 =	simm.s32 $0x30;
	s17 =	simm.s32 $0x100;
	s22 =	sadd.s32 s7, s11;
	[tilespmem:s31+$0x15880] =	vst.add.f32.msk $0xffff, v3  }
.LBB2_9:
0x31b: {  	p1 =	sne.s32 s18, $0x1F0;
	s11 =	sor.u32 $0x200, s5;
	s9 =	sadd.s32 s0, s9;
	v2 =	vld [tilespmem:s22+$0x0]  }
0x31c: {  	s22 =	sand.u32 $0x180, s21;
	[tilespmem:s11+$0x0] =	vst.add.f32.msk $0xffff, v1;
	s9 =	sadd.s32 s13, s9;
	s11 =	sld [smem:$0x7BD]  }
0x31d: {  	s20 =	sand.u32 $0x70, s21;
	s16 =	sadd.s32 s22, s23;
	v1 =	vld [tilespmem:s9+$0x0]  }
0x31e: {  	s9 =	sadd.s32 s20, s16;
	s16 =	sld [smem:$0x7BE];
	[tilespmem:s1+$0x15B80] =	vst.add.f32.msk $0xffff, v0;
	s1 =	smov.u32 s31  }
0x31f: {  	s31 =	smov.u32 s15;
	v0 =	vld [tilespmem:s9+$0x0];
	s9 =	sadd.s32 s3, s11  }
0x320: {  	s11 =	sld [smem:$0x7BF];
	[tilespmem:s1+$0x15900] =	vst.add.f32.msk $0xffff, v2;
	s9 =	sadd.s32 s7, s9  }
0x321: {  	s19 =	sadd.s32 $0x80, s19;
	s15 =	sor.u32 $0x280, s5;
	s16 =	sadd.s32 s0, s16;
	v2 =	vld [tilespmem:s9+$0x0]  }
0x322: {  	s9 =	sand.u32 $0xC00, s19;
	[tilespmem:s15+$0x0] =	vst.add.f32.msk $0xffff, v1;
	s16 =	sadd.s32 s13, s16;
	s23 =	sld [smem:$0x7C0]  }
0x323: {  	s15 =	sor.u32 s20, s9;
	s9 =	sadd.s32 s22, s11;
	v1 =	vld [tilespmem:s16+$0x0]  }
0x324: {  	[tilespmem:s15+$0x14800] =	vst.add.f32.msk $0xffff, v0;
	s9 =	sadd.s32 s20, s9;
	s11 =	sld [smem:$0x7C1]  }
0x325: {  	v0 =	vld [tilespmem:s9+$0x0];
	s9 =	sadd.s32 s3, s23  }
0x326: {  	s16 =	sld [smem:$0x7C2];
	[tilespmem:s1+$0x15980] =	vst.add.f32.msk $0xffff, v2;
	s9 =	sadd.s32 s7, s9  }
0x327: {  	s23 =	sor.u32 $0x300, s5;
	s11 =	sadd.s32 s0, s11;
	v2 =	vld [tilespmem:s9+$0x0]  }
0x328: {  	s5 =	sadd.s32 $0x14800, s15;
	[tilespmem:s23+$0x0] =	vst.add.f32.msk $0xffff, v1;
	s9 =	sadd.s32 s13, s11;
	s11 =	sld [smem:$0x7C3]  }
0x329: {  	s23 =	sor.u32 $0x80, s5;
	s16 =	sadd.s32 s22, s16;
	v1 =	vld [tilespmem:s9+$0x0]  }
0x32a: {  	[tilespmem:s23+$0x0] =	vst.add.f32.msk $0xffff, v0;
	s9 =	sadd.s32 s20, s16;
	s16 =	sld [smem:$0x7C4]  }
0x32b: {  	v0 =	vld [tilespmem:s9+$0x0];
	s9 =	sadd.s32 s3, s11  }
0x32c: {  	s17 =	sor.u32 s17, s30;
	s11 =	sld [smem:$0x7C5];
	[tilespmem:s1+$0x15A00] =	vst.add.f32.msk $0xffff, v2;
	s9 =	sadd.s32 s7, s9  }
0x32d: {  	s23 =	sor.u32 $0x380, s17;
	s17 =	smov.u32 s19;
	s16 =	sadd.s32 s0, s16;
	v2 =	vld [tilespmem:s9+$0x0]  }
0x32e: {  	s30 =	smov.u32 s21;
	[tilespmem:s23+$0x14800] =	vst.add.f32.msk $0xffff, v1;
	s9 =	sadd.s32 s13, s16;
	s16 =	sld [smem:$0x7C6]  }
0x32f: {  	s21 =	smov.u32 s18;
	s23 =	sor.u32 $0x100, s5;
	s11 =	sadd.s32 s22, s11;
	v1 =	vld [tilespmem:s9+$0x0]  }
0x330: {  	[tilespmem:s23+$0x0] =	vst.add.f32.msk $0xffff, v0;
	s9 =	sadd.s32 s20, s11;
	s11 =	sld [smem:$0x7C7]  }
0x331: {  	v0 =	vld [tilespmem:s9+$0x0];
	s9 =	sadd.s32 s3, s16  }
0x332: {  	s16 =	sld [smem:$0x7C8];
	[tilespmem:s1+$0x15A80] =	vst.add.f32.msk $0xffff, v2;
	s9 =	sadd.s32 s7, s9  }
0x333: {  	s11 =	sadd.s32 s0, s11;
	v2 =	vld [tilespmem:s9+$0x0]  }
0x334: {  	[tilespmem:s31+$0x15800] =	vst.add.f32.msk $0xffff, v1;
	s9 =	sadd.s32 s13, s11;
	s11 =	sld [smem:$0x7C9]  }
0x335: {  	s23 =	sor.u32 $0x180, s5;
	s16 =	sadd.s32 s22, s16;
	v3 =	vld [tilespmem:s9+$0x0]  }
.Ltmp3:
0x336: {  	[tilespmem:s23+$0x0] =	vst.add.f32.msk $0xffff, v0;
	s9 =	sadd.s32 s20, s16;
	s16 =	sld [smem:$0x7CA];
	(pc) =	sbr.rel @p1 .LBB2_9-.Ltmp3, $4  }
0x337: {  	v1 =	vld [tilespmem:s9+$0x0];
	s11 =	sadd.s32 s3, s11;
	s3 =	smov.u32 s0;
	s0 =	smov.u32 s22  }
0x338: {  	s9 =	sld [smem:$0x7CB];
	[tilespmem:s1+$0x15B00] =	vst.add.f32.msk $0xffff, v2;
	s11 =	sadd.s32 s7, s11;
	s7 =	smov.u32 s13  }
0x339: {  	s13 =	smov.u32 s20;
	s16 =	sadd.s32 s3, s16;
	v0 =	vld [tilespmem:s11+$0x0]  }
0x33a: {  	s18 =	sadd.s32 $0x10, s18;
	s23 =	sld [smem:$0x7CC];
	[tilespmem:s31+$0x15880] =	vst.add.f32.msk $0xffff, v3;
	s22 =	sadd.s32 s7, s16  }
0x33b: {  	_ = 	snop  }
0x33c: {  	s20 =	sand.u32 $0x180, s21  }
0x33d: {  	s18 =	sand.u32 $0x70, s21;
	s11 =	sadd.s32 s20, s23  }
0x33e: {  	s11 =	sadd.s32 s18, s11  }
0x33f: {  	v2 =	vld [tilespmem:s11+$0x0]  }
0x340: {  	s25 =	sld [smem:$0x7BF]  }
0x341: {  	s23 =	sadd.s32 $0x80, s19  }
0x342: {  	s16 =	sand.u32 $0xC00, s23  }
0x343: {  	s19 =	sor.u32 s18, s16;
	s11 =	sadd.s32 s20, s25  }
0x344: {  	s11 =	sadd.s32 s18, s11;
	[tilespmem:s19+$0x14800] =	vst.add.f32.msk $0xffff, v2  }
0x345: {  	v2 =	vld [tilespmem:s11+$0x0]  }
0x346: {  	s11 =	sld [smem:$0x7C2];
	_ =	sdelay $0x1  }
0x347: {  	s16 =	sadd.s32 $0x14800, s19  }
0x348: {  	s25 =	sor.u32 $0x80, s16;
	s11 =	sadd.s32 s20, s11  }
0x349: {  	s11 =	sadd.s32 s18, s11;
	[tilespmem:s25+$0x0] =	vst.add.f32.msk $0xffff, v2  }
0x34a: {  	v2 =	vld [tilespmem:s11+$0x0]  }
0x34b: {  	s11 =	sld [smem:$0x7C5];
	_ =	sdelay $0x2  }
0x34c: {  	s25 =	sor.u32 $0x100, s16;
	s11 =	sadd.s32 s20, s11  }
0x34d: {  	s11 =	sadd.s32 s18, s11;
	[tilespmem:s25+$0x0] =	vst.add.f32.msk $0xffff, v2  }
0x34e: {  	v2 =	vld [tilespmem:s11+$0x0]  }
0x34f: {  	s11 =	sld [smem:$0x7C8];
	_ =	sdelay $0x2  }
0x350: {  	s25 =	sor.u32 $0x180, s16;
	s11 =	sadd.s32 s20, s11  }
0x351: {  	s11 =	sadd.s32 s18, s11;
	[tilespmem:s25+$0x0] =	vst.add.f32.msk $0xffff, v2  }
0x352: {  	v2 =	vld [tilespmem:s11+$0x0]  }
0x353: {  	s11 =	sld [smem:$0x7CB]  }
0x354: {  	s9 =	sadd.s32 s0, s9;
	s25 =	sor.u32 $0x200, s5  }
0x355: {  	s9 =	sadd.s32 s13, s9;
	[tilespmem:s25+$0x0] =	vst.add.f32.msk $0xffff, v1  }
0x356: {  	v1 =	vld [tilespmem:s9+$0x0];
	s9 =	sor.u32 $0x200, s16;
	s11 =	sadd.s32 s20, s11  }
0x357: {  	s25 =	sld [smem:$0x7BE];
	s11 =	sadd.s32 s18, s11;
	[tilespmem:s9+$0x0] =	vst.add.f32.msk $0xffff, v2  }
0x358: {  	v2 =	vld [tilespmem:s11+$0x0]  }
0x359: {  	s9 =	sld [smem:$0x7BE]  }
0x35a: {  	s25 =	sadd.s32 s0, s25;
	s11 =	sor.u32 $0x280, s5  }
0x35b: {  	s25 =	sadd.s32 s13, s25;
	[tilespmem:s11+$0x0] =	vst.add.f32.msk $0xffff, v1  }
0x35c: {  	v1 =	vld [tilespmem:s25+$0x0];
	s25 =	sor.u32 $0x280, s16;
	s9 =	sadd.s32 s20, s9  }
0x35d: {  	s11 =	sld [smem:$0x7C1];
	s9 =	sadd.s32 s18, s9;
	[tilespmem:s25+$0x0] =	vst.add.f32.msk $0xffff, v2  }
0x35e: {  	v2 =	vld [tilespmem:s9+$0x0]  }
0x35f: {  	s9 =	sld [smem:$0x7C1]  }
0x360: {  	s25 =	sor.u32 $0x300, s5;
	s11 =	sadd.s32 s0, s11  }
0x361: {  	s11 =	sadd.s32 s13, s11;
	[tilespmem:s25+$0x0] =	vst.add.f32.msk $0xffff, v1  }
0x362: {  	s25 =	sor.u32 $0x300, s16;
	v1 =	vld [tilespmem:s11+$0x0];
	s9 =	sadd.s32 s20, s9  }
0x363: {  	s11 =	sld [smem:$0x7C4];
	s9 =	sadd.s32 s18, s9;
	[tilespmem:s25+$0x0] =	vst.add.f32.msk $0xffff, v2  }
0x364: {  	v2 =	vld [tilespmem:s9+$0x0]  }
0x365: {  	s16 =	sor.u32 s17, s30;
	s17 =	sld [smem:$0x7C4]  }
0x366: {  	s5 =	sadd.s32 s0, s11;
	s9 =	sor.u32 $0x380, s16  }
0x367: {  	s25 =	sor.u32 s23, s21;
	s5 =	sadd.s32 s13, s5;
	[tilespmem:s9+$0x14800] =	vst.add.f32.msk $0xffff, v1  }
0x368: {  	s9 =	sor.u32 $0x380, s25;
	v1 =	vld [tilespmem:s5+$0x0];
	s11 =	sadd.s32 s20, s17  }
0x369: {  	s16 =	sld [smem:$0x7C7];
	s17 =	sadd.s32 s18, s11;
	[tilespmem:s9+$0x14800] =	vst.add.f32.msk $0xffff, v2  }
0x36a: {  	v2 =	vld [tilespmem:s17+$0x0]  }
0x36b: {  	s21 =	sld [smem:$0x7C7]  }
0x36c: {  	v3 =	vld [tilespmem:s22+$0x0];
	s23 =	sadd.s32 s0, s16  }
0x36d: {  	s9 =	sadd.s32 s13, s23;
	[tilespmem:s15+$0x15800] =	vst.add.f32.msk $0xffff, v1  }
0x36e: {  	v1 =	vld [tilespmem:s9+$0x0];
	s5 =	sadd.s32 s20, s21  }
0x36f: {  	s25 =	sld [smem:$0x7CA];
	s5 =	sadd.s32 s18, s5;
	[tilespmem:s19+$0x15800] =	vst.add.f32.msk $0xffff, v2  }
0x370: {  	s16 =	sld [smem:$0x7BD];
	v2 =	vld [tilespmem:s5+$0x0]  }
0x371: {  	s11 =	sld [smem:$0x7CA]  }
0x372: {  	[tilespmem:s31+$0x15900] =	vst.add.f32.msk $0xffff, v3;
	s9 =	sadd.s32 s0, s25  }
0x373: {  	s9 =	sadd.s32 s13, s9;
	[tilespmem:s15+$0x15880] =	vst.add.f32.msk $0xffff, v1  }
0x374: {  	v1 =	vld [tilespmem:s9+$0x0];
	s5 =	sadd.s32 s20, s11;
	s11 =	sadd.s32 s3, s16  }
0x375: {  	s17 =	sld [smem:$0x7BD];
	s21 =	sadd.s32 s7, s11;
	[tilespmem:s19+$0x15880] =	vst.add.f32.msk $0xffff, v2  }
0x376: {  	s5 =	sadd.s32 s18, s5;
	v3 =	vld [tilespmem:s21+$0x0]  }
0x377: {  	v2 =	vld [tilespmem:s5+$0x0]  }
0x378: {  	s25 =	sld [smem:$0x7C0];
	s23 =	sadd.s32 s0, s17  }
0x379: {  	s22 =	sld [smem:$0x7BD];
	s5 =	sadd.s32 s13, s23;
	[tilespmem:s15+$0x15900] =	vst.add.f32.msk $0xffff, v1  }
0x37a: {  	v1 =	vld [tilespmem:s5+$0x0]  }
0x37b: {  	s9 =	sadd.s32 s3, s25;
	[tilespmem:s31+$0x15980] =	vst.add.f32.msk $0xffff, v3  }
0x37c: {  	s21 =	sadd.s32 s7, s9;
	s17 =	sld [smem:$0x7C0];
	s16 =	sadd.s32 s20, s22;
	[tilespmem:s19+$0x15900] =	vst.add.f32.msk $0xffff, v2  }
0x37d: {  	s5 =	sadd.s32 s18, s16;
	v3 =	vld [tilespmem:s21+$0x0]  }
0x37e: {  	v2 =	vld [tilespmem:s5+$0x0]  }
0x37f: {  	s23 =	sadd.s32 s0, s17;
	s25 =	sld [smem:$0x7C3]  }
0x380: {  	s22 =	sld [smem:$0x7C0];
	s5 =	sadd.s32 s13, s23;
	[tilespmem:s15+$0x15980] =	vst.add.f32.msk $0xffff, v1  }
0x381: {  	v1 =	vld [tilespmem:s5+$0x0]  }
0x382: {  	s11 =	sadd.s32 s3, s25;
	[tilespmem:s31+$0x15A00] =	vst.add.f32.msk $0xffff, v3  }
0x383: {  	s17 =	sld [smem:$0x7C3];
	s16 =	sadd.s32 s20, s22;
	s21 =	sadd.s32 s7, s11;
	[tilespmem:s19+$0x15980] =	vst.add.f32.msk $0xffff, v2  }
0x384: {  	s5 =	sadd.s32 s18, s16;
	v3 =	vld [tilespmem:s21+$0x0]  }
0x385: {  	v2 =	vld [tilespmem:s5+$0x0]  }
0x386: {  	s23 =	sadd.s32 s0, s17;
	s25 =	sld [smem:$0x7C6]  }
0x387: {  	s22 =	sld [smem:$0x7C3];
	s5 =	sadd.s32 s13, s23;
	[tilespmem:s15+$0x15A00] =	vst.add.f32.msk $0xffff, v1  }
0x388: {  	v1 =	vld [tilespmem:s5+$0x0]  }
0x389: {  	s9 =	sadd.s32 s3, s25;
	[tilespmem:s31+$0x15A80] =	vst.add.f32.msk $0xffff, v3  }
0x38a: {  	s17 =	sld [smem:$0x7C6];
	s16 =	sadd.s32 s20, s22;
	s21 =	sadd.s32 s7, s9;
	[tilespmem:s19+$0x15A00] =	vst.add.f32.msk $0xffff, v2  }
0x38b: {  	s5 =	sadd.s32 s18, s16;
	v3 =	vld [tilespmem:s21+$0x0]  }
0x38c: {  	v2 =	vld [tilespmem:s5+$0x0]  }
0x38d: {  	s23 =	sadd.s32 s0, s17;
	s25 =	sld [smem:$0x7C9]  }
0x38e: {  	s22 =	sld [smem:$0x7C6];
	s5 =	sadd.s32 s13, s23;
	[tilespmem:s15+$0x15A80] =	vst.add.f32.msk $0xffff, v1  }
0x38f: {  	v1 =	vld [tilespmem:s5+$0x0]  }
0x390: {  	s21 =	sadd.s32 s3, s25;
	[tilespmem:s31+$0x15B00] =	vst.add.f32.msk $0xffff, v3  }
0x391: {  	s17 =	sld [smem:$0x7C9];
	s16 =	sadd.s32 s20, s22;
	s3 =	sadd.s32 s7, s21;
	[tilespmem:s19+$0x15A80] =	vst.add.f32.msk $0xffff, v2  }
0x392: {  	s5 =	sadd.s32 s18, s16;
	v3 =	vld [tilespmem:s3+$0x0]  }
0x393: {  	v2 =	vld [tilespmem:s5+$0x0]  }
0x394: {  	[tilespmem:s1+$0x15B80] =	vst.add.f32.msk $0xffff, v0;
	s23 =	sadd.s32 s0, s17;
	s22 =	sld [smem:$0x7C9]  }
0x395: {  	s0 =	sadd.s32 s13, s23;
	[tilespmem:s15+$0x15B00] =	vst.add.f32.msk $0xffff, v1  }
0x396: {  	v1 =	vld [tilespmem:s0+$0x0]  }
0x397: {  	s25 =	sadd.s32 s20, s22;
	[tilespmem:s31+$0x15B80] =	vst.add.f32.msk $0xffff, v3  }
0x398: {  	s0 =	sadd.s32 s18, s25;
	[tilespmem:s19+$0x15B00] =	vst.add.f32.msk $0xffff, v2  }
0x399: {  	v2 =	vld [tilespmem:s0+$0x0];
	s1 =	sld [smem:$0x7FB];
	_ =	sdelay $0x2  }
0x39a: {  	s0 =	sor.u32 s1, s6  }
0x39b: {  	s7 =	simm.s32 $0x1;
	[tilespmem:s15+$0x15B80] =	vst.add.f32.msk $0xffff, v1;
	s0 =	sshrl.u32 s0, $0x3  }
0x39c: {  	s5 =	simm.s32 $0x14800;
	[tilespmem:s19+$0x15B80] =	vst.add.f32.msk $0xffff, v2;
	s3 =	sadd.s32 s2, s0;
	s0 =	simm.s32 $0x0  }
0x39d: {  	[hbm4b:s3+s0] =	stream.linear.scatter [tilespmem:s5], [sflag:$0x3], $0x2000, $0x38;
	[tilespmem:$0x18900] =	vst v63  }
0x39e: {  	_ =	swait.ge [sflag:s7], $0x2000  }
0x39f: {  	s9 =	sld [smem:$0x7F9]  }
0x3a0: {  	[sflag:s7] =	ssyncset.done $0x0  }
0x3a1: {  	s11 =	simm.s32 $0x10800;
	[sflag:s7] =	ssyncadd.s32 $0xFFFFE000  }
0x3a2: {  	[tilespmem:s11], [sflag:$0x5] =	stream.linear.gather [spmem:s9], $0x2000, $0x38;
	[tilespmem:$0x18900] =	vst v63  }
0x3a3: {  	_ =	swait.ge [sflag:s14], $0x2000  }
0x3a4: {  	[sflag:s14] =	ssyncset.done $0x0  }
0x3a5: {  	[sflag:s14] =	ssyncadd.s32 $0xFFFFE000  }
0x3a6: {  	v0 =	vld [tilespmem:$0x18830];
	_ =	sdelay $0x4  }
0x3a7: {  	v0 =	vshll.u32 v0, $0x9  }
0x3a8: {  	(v2sf) =	vpush v0, $0x0  }
0x3a9: {  	(v2sf) =	vpush v0, $0x1;
	_ =	sdelay $0x1  }
0x3aa: {  	(v2sf) =	vpush v0, $0x2  }
0x3ab: {  	(v2sf) =	vpush v0, $0x3  }
0x3ac: {  	(v2sf) =	vpush v0, $0x4  }
0x3ad: {  	(v2sf) =	vpush v0, $0x5  }
0x3ae: {  	(v2sf) =	vpush v0, $0x6  }
0x3af: {  	(v2sf) =	vpush v0, $0x7  }
0x3b0: {  	(v2sf) =	vpush v0, $0x8  }
0x3b1: {  	(v2sf) =	vpush v0, $0x9  }
0x3b2: {  	(v2sf) =	vpush v0, $0xA  }
0x3b3: {  	(v2sf) =	vpush v0, $0xB  }
0x3b4: {  	(v2sf) =	vpush v0, $0xC  }
0x3b5: {  	(v2sf) =	vpush v0, $0xD  }
0x3b6: {  	s13 =	spop (v2sf);
	(v2sf) =	vpush v0, $0xE  }
0x3b7: {  	s15 =	spop (v2sf);
	[smem:$0x7BC] =	sst s13;
	(v2sf) =	vpush v0, $0xF  }
0x3b8: {  	[smem:$0x7AF] =	sst s15  }
0x3b9: {  	s16 =	spop (v2sf);
	s11 =	sld [smem:$0x7BC]  }
0x3ba: {  	s17 =	spop (v2sf);
	[smem:$0x7B2] =	sst s16  }
0x3bb: {  	s18 =	spop (v2sf);
	[smem:$0x7B5] =	sst s17  }
0x3bc: {  	s19 =	spop (v2sf);
	[smem:$0x7B8] =	sst s18  }
0x3bd: {  	s20 =	spop (v2sf);
	[smem:$0x7BB] =	sst s19  }
0x3be: {  	s21 =	spop (v2sf);
	[smem:$0x7AE] =	sst s20  }
0x3bf: {  	s22 =	spop (v2sf);
	[smem:$0x7B1] =	sst s21  }
0x3c0: {  	s23 =	spop (v2sf);
	[smem:$0x7B4] =	sst s22  }
0x3c1: {  	s25 =	spop (v2sf);
	[smem:$0x7B7] =	sst s23  }
0x3c2: {  	s5 =	spop (v2sf);
	[smem:$0x7BA] =	sst s25  }
0x3c3: {  	s7 =	spop (v2sf);
	[smem:$0x7AD] =	sst s5  }
0x3c4: {  	s17 =	sand.u32 $0x70, s0;
	[smem:$0x7B0] =	sst s7;
	s9 =	spop (v2sf)  }
0x3c5: {  	s21 =	sand.u32 $0x180, s0;
	[smem:$0x7B3] =	sst s9;
	s13 =	spop (v2sf)  }
0x3c6: {  	s3 =	sadd.s32 s21, s11;
	[smem:$0x7B6] =	sst s13;
	s15 =	spop (v2sf)  }
0x3c7: {  	s16 =	sadd.s32 s17, s3;
	[smem:$0x7B9] =	sst s15  }
0x3c8: {  	v0 =	vld [tilespmem:s16+$0x0]  }
0x3c9: {  	s18 =	sld [smem:$0x7AF];
	_ =	sdelay $0x1  }
0x3ca: {  	s19 =	sand.u32 $0xC00, s0  }
0x3cb: {  	s1 =	sor.u32 s17, s19;
	s3 =	sadd.s32 s21, s18  }
0x3cc: {  	s3 =	sadd.s32 s17, s3;
	[tilespmem:s1+$0x16800] =	vst.add.f32.msk $0xffff, v0  }
0x3cd: {  	v0 =	vld [tilespmem:s3+$0x0]  }
0x3ce: {  	s20 =	sld [smem:$0x7B2];
	_ =	sdelay $0x1  }
0x3cf: {  	s5 =	sadd.s32 $0x16800, s1  }
0x3d0: {  	s22 =	sor.u32 $0x80, s5;
	s3 =	sadd.s32 s21, s20  }
0x3d1: {  	s3 =	sadd.s32 s17, s3;
	[tilespmem:s22+$0x0] =	vst.add.f32.msk $0xffff, v0  }
0x3d2: {  	v0 =	vld [tilespmem:s3+$0x0]  }
0x3d3: {  	s23 =	sld [smem:$0x7B5];
	_ =	sdelay $0x2  }
0x3d4: {  	s25 =	sor.u32 $0x100, s5;
	s3 =	sadd.s32 s21, s23  }
0x3d5: {  	s3 =	sadd.s32 s17, s3;
	[tilespmem:s25+$0x0] =	vst.add.f32.msk $0xffff, v0  }
0x3d6: {  	v0 =	vld [tilespmem:s3+$0x0]  }
0x3d7: {  	s9 =	sld [smem:$0x7B8];
	_ =	sdelay $0x2  }
0x3d8: {  	s11 =	sor.u32 $0x180, s5;
	s3 =	sadd.s32 s21, s9  }
0x3d9: {  	s3 =	sadd.s32 s17, s3;
	[tilespmem:s11+$0x0] =	vst.add.f32.msk $0xffff, v0  }
0x3da: {  	v0 =	vld [tilespmem:s3+$0x0]  }
0x3db: {  	s13 =	sld [smem:$0x7BB];
	_ =	sdelay $0x1  }
0x3dc: {  	s15 =	sld [smem:$0x7BC]  }
0x3dd: {  	s18 =	simm.s32 $0x10;
	s16 =	sor.u32 $0x200, s5;
	s19 =	sadd.s32 s21, s13  }
0x3de: {  	s3 =	sand.u32 $0x180, s18;
	s11 =	sadd.s32 s17, s19;
	[tilespmem:s16+$0x0] =	vst.add.f32.msk $0xffff, v0  }
0x3df: {  	s7 =	sand.u32 $0x70, s18;
	s9 =	sadd.s32 s3, s15;
	v0 =	vld [tilespmem:s11+$0x0]  }
0x3e0: {  	s9 =	sadd.s32 s7, s9;
	s20 =	sld [smem:$0x7AE]  }
0x3e1: {  	v1 =	vld [tilespmem:s9+$0x0]  }
0x3e2: {  	s22 =	sld [smem:$0x7AF]  }
0x3e3: {  	s23 =	sor.u32 $0x280, s5;
	s11 =	sadd.s32 s21, s20;
	s20 =	simm.s32 $0x80  }
0x3e4: {  	s25 =	sand.u32 $0xC00, s20;
	s11 =	sadd.s32 s17, s11;
	[tilespmem:s23+$0x0] =	vst.add.f32.msk $0xffff, v0  }
0x3e5: {  	s9 =	sadd.s32 s3, s22;
	s31 =	sor.u32 s7, s25;
	v0 =	vld [tilespmem:s11+$0x0]  }
0x3e6: {  	s9 =	sadd.s32 s7, s9;
	[tilespmem:s31+$0x16800] =	vst.add.f32.msk $0xffff, v1;
	s16 =	sld [smem:$0x7B1]  }
0x3e7: {  	v1 =	vld [tilespmem:s9+$0x0]  }
0x3e8: {  	s19 =	sld [smem:$0x7B2]  }
0x3e9: {  	s22 =	sor.u32 $0x300, s5;
	s11 =	sadd.s32 s21, s16  }
0x3ea: {  	s5 =	sadd.s32 $0x16800, s31;
	s11 =	sadd.s32 s17, s11;
	[tilespmem:s22+$0x0] =	vst.add.f32.msk $0xffff, v0  }
0x3eb: {  	s23 =	sor.u32 $0x80, s5;
	s9 =	sadd.s32 s3, s19;
	v0 =	vld [tilespmem:s11+$0x0]  }
0x3ec: {  	s9 =	sadd.s32 s7, s9;
	[tilespmem:s23+$0x0] =	vst.add.f32.msk $0xffff, v1;
	s25 =	sld [smem:$0x7B4]  }
0x3ed: {  	v1 =	vld [tilespmem:s9+$0x0]  }
0x3ee: {  	s0 =	sor.u32 s0, s0;
	s13 =	sld [smem:$0x7B5]  }
0x3ef: {  	s0 =	sor.u32 $0x380, s0;
	s11 =	sadd.s32 s21, s25  }
0x3f0: {  	s15 =	sadd.s32 s17, s11;
	[tilespmem:s0+$0x16800] =	vst.add.f32.msk $0xffff, v0  }
0x3f1: {  	s16 =	sor.u32 $0x100, s5;
	s9 =	sadd.s32 s3, s13;
	v0 =	vld [tilespmem:s15+$0x0]  }
0x3f2: {  	s19 =	sadd.s32 s7, s9;
	[tilespmem:s16+$0x0] =	vst.add.f32.msk $0xffff, v1;
	s22 =	sld [smem:$0x7B7]  }
0x3f3: {  	v1 =	vld [tilespmem:s19+$0x0]  }
0x3f4: {  	s23 =	sld [smem:$0x7B8]  }
0x3f5: {  	s9 =	sadd.s32 s21, s22  }
0x3f6: {  	s9 =	sadd.s32 s17, s9;
	[tilespmem:s1+$0x17800] =	vst.add.f32.msk $0xffff, v0  }
0x3f7: {  	s25 =	sor.u32 $0x180, s5;
	s0 =	sadd.s32 s3, s23;
	v0 =	vld [tilespmem:s9+$0x0]  }
0x3f8: {  	s0 =	sadd.s32 s7, s0;
	[tilespmem:s25+$0x0] =	vst.add.f32.msk $0xffff, v1;
	s13 =	sld [smem:$0x7BA]  }
0x3f9: {  	v1 =	vld [tilespmem:s0+$0x0]  }
0x3fa: {  	s15 =	sld [smem:$0x7BB]  }
0x3fb: {  	s9 =	sadd.s32 s21, s13  }
0x3fc: {  	s16 =	sld [smem:$0x7BC];
	s9 =	sadd.s32 s17, s9;
	[tilespmem:s1+$0x17880] =	vst.add.f32.msk $0xffff, v0  }
0x3fd: {  	s30 =	simm.s32 $0x20;
	s19 =	sor.u32 $0x200, s5;
	s22 =	sadd.s32 s3, s15;
	v0 =	vld [tilespmem:s9+$0x0]  }
0x3fe: {  	s0 =	sand.u32 $0x180, s30;
	s23 =	sadd.s32 s7, s22;
	[tilespmem:s19+$0x0] =	vst.add.f32.msk $0xffff, v1;
	s25 =	sld [smem:$0x7AD]  }
0x3ff: {  	s11 =	sadd.s32 s0, s16;
	s13 =	sand.u32 $0x70, s30;
	v1 =	vld [tilespmem:s23+$0x0]  }
0x400: {  	s16 =	sadd.s32 s13, s11;
	s19 =	sld [smem:$0x7AE]  }
0x401: {  	v2 =	vld [tilespmem:s16+$0x0];
	s22 =	sadd.s32 s21, s25  }
0x402: {  	s16 =	sld [smem:$0x7AF];
	s9 =	sadd.s32 s17, s22;
	[tilespmem:s1+$0x17900] =	vst.add.f32.msk $0xffff, v0  }
0x403: {  	s23 =	sor.u32 $0x280, s5;
	s11 =	sadd.s32 s3, s19;
	s19 =	simm.s32 $0x100;
	v0 =	vld [tilespmem:s9+$0x0]  }
0x404: {  	s25 =	sand.u32 $0xC00, s19;
	s11 =	sadd.s32 s7, s11;
	[tilespmem:s23+$0x0] =	vst.add.f32.msk $0xffff, v1;
	s22 =	sld [smem:$0x7B0]  }
0x405: {  	s15 =	sor.u32 s13, s25;
	s23 =	sadd.s32 s0, s16;
	v1 =	vld [tilespmem:s11+$0x0]  }
0x406: {  	[tilespmem:s15+$0x16800] =	vst.add.f32.msk $0xffff, v2;
	s9 =	sadd.s32 s13, s23;
	s25 =	sld [smem:$0x7B1]  }
0x407: {  	v2 =	vld [tilespmem:s9+$0x0];
	s22 =	sadd.s32 s21, s22  }
0x408: {  	s16 =	sld [smem:$0x7B2];
	s9 =	sadd.s32 s17, s22;
	[tilespmem:s1+$0x17980] =	vst.add.f32.msk $0xffff, v0  }
0x409: {  	s23 =	sor.u32 $0x300, s5;
	s11 =	sadd.s32 s3, s25;
	v0 =	vld [tilespmem:s9+$0x0]  }
0x40a: {  	s5 =	sadd.s32 $0x16800, s15;
	s25 =	sadd.s32 s7, s11;
	[tilespmem:s23+$0x0] =	vst.add.f32.msk $0xffff, v1;
	s11 =	sld [smem:$0x7B3]  }
0x40b: {  	s22 =	sor.u32 $0x80, s5;
	s16 =	sadd.s32 s0, s16;
	v1 =	vld [tilespmem:s25+$0x0]  }
0x40c: {  	s23 =	sadd.s32 s13, s16;
	[tilespmem:s22+$0x0] =	vst.add.f32.msk $0xffff, v2;
	s25 =	sld [smem:$0x7B4]  }
0x40d: {  	v2 =	vld [tilespmem:s23+$0x0];
	s11 =	sadd.s32 s21, s11  }
0x40e: {  	s18 =	sor.u32 s20, s18;
	s20 =	sld [smem:$0x7B5];
	s9 =	sadd.s32 s17, s11;
	[tilespmem:s1+$0x17A00] =	vst.add.f32.msk $0xffff, v0  }
0x40f: {  	s11 =	sor.u32 $0x380, s18;
	s16 =	sadd.s32 s3, s25;
	v0 =	vld [tilespmem:s9+$0x0]  }
0x410: {  	s22 =	sadd.s32 s7, s16;
	[tilespmem:s11+$0x16800] =	vst.add.f32.msk $0xffff, v1;
	s23 =	sld [smem:$0x7B6]  }
0x411: {  	s25 =	sor.u32 $0x100, s5;
	s18 =	sadd.s32 s0, s20;
	v1 =	vld [tilespmem:s22+$0x0]  }
0x412: {  	s20 =	sadd.s32 s13, s18;
	[tilespmem:s25+$0x0] =	vst.add.f32.msk $0xffff, v2;
	s22 =	sld [smem:$0x7B7]  }
0x413: {  	v2 =	vld [tilespmem:s20+$0x0];
	s23 =	sadd.s32 s21, s23  }
0x414: {  	s25 =	sld [smem:$0x7B8];
	s9 =	sadd.s32 s17, s23;
	[tilespmem:s1+$0x17A80] =	vst.add.f32.msk $0xffff, v0  }
0x415: {  	s16 =	sadd.s32 s3, s22;
	v0 =	vld [tilespmem:s9+$0x0]  }
0x416: {  	s18 =	sadd.s32 s7, s16;
	[tilespmem:s31+$0x17800] =	vst.add.f32.msk $0xffff, v1;
	s20 =	sld [smem:$0x7B9]  }
0x417: {  	s22 =	sor.u32 $0x180, s5;
	s11 =	sadd.s32 s0, s25;
	v3 =	vld [tilespmem:s18+$0x0]  }
0x418: {  	s23 =	sadd.s32 s13, s11;
	[tilespmem:s22+$0x0] =	vst.add.f32.msk $0xffff, v2;
	s25 =	sld [smem:$0x7BA]  }
0x419: {  	v1 =	vld [tilespmem:s23+$0x0];
	s16 =	sadd.s32 s21, s20  }
0x41a: {  	s9 =	sld [smem:$0x7BB];
	s16 =	sadd.s32 s17, s16;
	[tilespmem:s1+$0x17B00] =	vst.add.f32.msk $0xffff, v0  }
0x41b: {  	s18 =	simm.s32 $0x40;
	s23 =	sld [smem:$0x7BC];
	s11 =	sadd.s32 s3, s25;
	v0 =	vld [tilespmem:s16+$0x0]  }
0x41c: {  	s21 =	simm.s32 $0x30;
	s17 =	simm.s32 $0x100;
	s22 =	sadd.s32 s7, s11;
	[tilespmem:s31+$0x17880] =	vst.add.f32.msk $0xffff, v3  }
.LBB2_11:
0x41d: {  	p1 =	sne.s32 s18, $0x1F0;
	s11 =	sor.u32 $0x200, s5;
	s9 =	sadd.s32 s0, s9;
	v2 =	vld [tilespmem:s22+$0x0]  }
0x41e: {  	s22 =	sand.u32 $0x180, s21;
	[tilespmem:s11+$0x0] =	vst.add.f32.msk $0xffff, v1;
	s9 =	sadd.s32 s13, s9;
	s11 =	sld [smem:$0x7AD]  }
0x41f: {  	s20 =	sand.u32 $0x70, s21;
	s16 =	sadd.s32 s22, s23;
	v1 =	vld [tilespmem:s9+$0x0]  }
0x420: {  	s9 =	sadd.s32 s20, s16;
	s16 =	sld [smem:$0x7AE];
	[tilespmem:s1+$0x17B80] =	vst.add.f32.msk $0xffff, v0;
	s1 =	smov.u32 s31  }
0x421: {  	s31 =	smov.u32 s15;
	v0 =	vld [tilespmem:s9+$0x0];
	s9 =	sadd.s32 s3, s11  }
0x422: {  	s11 =	sld [smem:$0x7AF];
	[tilespmem:s1+$0x17900] =	vst.add.f32.msk $0xffff, v2;
	s9 =	sadd.s32 s7, s9  }
0x423: {  	s19 =	sadd.s32 $0x80, s19;
	s15 =	sor.u32 $0x280, s5;
	s16 =	sadd.s32 s0, s16;
	v2 =	vld [tilespmem:s9+$0x0]  }
0x424: {  	s9 =	sand.u32 $0xC00, s19;
	[tilespmem:s15+$0x0] =	vst.add.f32.msk $0xffff, v1;
	s16 =	sadd.s32 s13, s16;
	s23 =	sld [smem:$0x7B0]  }
0x425: {  	s15 =	sor.u32 s20, s9;
	s9 =	sadd.s32 s22, s11;
	v1 =	vld [tilespmem:s16+$0x0]  }
0x426: {  	[tilespmem:s15+$0x16800] =	vst.add.f32.msk $0xffff, v0;
	s9 =	sadd.s32 s20, s9;
	s11 =	sld [smem:$0x7B1]  }
0x427: {  	v0 =	vld [tilespmem:s9+$0x0];
	s9 =	sadd.s32 s3, s23  }
0x428: {  	s16 =	sld [smem:$0x7B2];
	[tilespmem:s1+$0x17980] =	vst.add.f32.msk $0xffff, v2;
	s9 =	sadd.s32 s7, s9  }
0x429: {  	s23 =	sor.u32 $0x300, s5;
	s11 =	sadd.s32 s0, s11;
	v2 =	vld [tilespmem:s9+$0x0]  }
0x42a: {  	s5 =	sadd.s32 $0x16800, s15;
	[tilespmem:s23+$0x0] =	vst.add.f32.msk $0xffff, v1;
	s9 =	sadd.s32 s13, s11;
	s11 =	sld [smem:$0x7B3]  }
0x42b: {  	s23 =	sor.u32 $0x80, s5;
	s16 =	sadd.s32 s22, s16;
	v1 =	vld [tilespmem:s9+$0x0]  }
0x42c: {  	[tilespmem:s23+$0x0] =	vst.add.f32.msk $0xffff, v0;
	s9 =	sadd.s32 s20, s16;
	s16 =	sld [smem:$0x7B4]  }
0x42d: {  	v0 =	vld [tilespmem:s9+$0x0];
	s9 =	sadd.s32 s3, s11  }
0x42e: {  	s17 =	sor.u32 s17, s30;
	s11 =	sld [smem:$0x7B5];
	[tilespmem:s1+$0x17A00] =	vst.add.f32.msk $0xffff, v2;
	s9 =	sadd.s32 s7, s9  }
0x42f: {  	s23 =	sor.u32 $0x380, s17;
	s17 =	smov.u32 s19;
	s16 =	sadd.s32 s0, s16;
	v2 =	vld [tilespmem:s9+$0x0]  }
0x430: {  	s30 =	smov.u32 s21;
	[tilespmem:s23+$0x16800] =	vst.add.f32.msk $0xffff, v1;
	s9 =	sadd.s32 s13, s16;
	s16 =	sld [smem:$0x7B6]  }
0x431: {  	s21 =	smov.u32 s18;
	s23 =	sor.u32 $0x100, s5;
	s11 =	sadd.s32 s22, s11;
	v1 =	vld [tilespmem:s9+$0x0]  }
0x432: {  	[tilespmem:s23+$0x0] =	vst.add.f32.msk $0xffff, v0;
	s9 =	sadd.s32 s20, s11;
	s11 =	sld [smem:$0x7B7]  }
0x433: {  	v0 =	vld [tilespmem:s9+$0x0];
	s9 =	sadd.s32 s3, s16  }
0x434: {  	s16 =	sld [smem:$0x7B8];
	[tilespmem:s1+$0x17A80] =	vst.add.f32.msk $0xffff, v2;
	s9 =	sadd.s32 s7, s9  }
0x435: {  	s11 =	sadd.s32 s0, s11;
	v2 =	vld [tilespmem:s9+$0x0]  }
0x436: {  	[tilespmem:s31+$0x17800] =	vst.add.f32.msk $0xffff, v1;
	s9 =	sadd.s32 s13, s11;
	s11 =	sld [smem:$0x7B9]  }
0x437: {  	s23 =	sor.u32 $0x180, s5;
	s16 =	sadd.s32 s22, s16;
	v3 =	vld [tilespmem:s9+$0x0]  }
.Ltmp4:
0x438: {  	[tilespmem:s23+$0x0] =	vst.add.f32.msk $0xffff, v0;
	s9 =	sadd.s32 s20, s16;
	s16 =	sld [smem:$0x7BA];
	(pc) =	sbr.rel @p1 .LBB2_11-.Ltmp4, $4  }
0x439: {  	v1 =	vld [tilespmem:s9+$0x0];
	s11 =	sadd.s32 s3, s11;
	s3 =	smov.u32 s0;
	s0 =	smov.u32 s22  }
0x43a: {  	s9 =	sld [smem:$0x7BB];
	[tilespmem:s1+$0x17B00] =	vst.add.f32.msk $0xffff, v2;
	s11 =	sadd.s32 s7, s11;
	s7 =	smov.u32 s13  }
0x43b: {  	s13 =	smov.u32 s20;
	s16 =	sadd.s32 s3, s16;
	v0 =	vld [tilespmem:s11+$0x0]  }
0x43c: {  	s18 =	sadd.s32 $0x10, s18;
	s23 =	sld [smem:$0x7BC];
	[tilespmem:s31+$0x17880] =	vst.add.f32.msk $0xffff, v3;
	s22 =	sadd.s32 s7, s16  }
0x43d: {  	_ = 	snop  }
0x43e: {  	s20 =	sand.u32 $0x180, s21  }
0x43f: {  	s18 =	sand.u32 $0x70, s21;
	s11 =	sadd.s32 s20, s23  }
0x440: {  	s11 =	sadd.s32 s18, s11  }
0x441: {  	v2 =	vld [tilespmem:s11+$0x0]  }
0x442: {  	s25 =	sld [smem:$0x7AF]  }
0x443: {  	s23 =	sadd.s32 $0x80, s19  }
0x444: {  	s16 =	sand.u32 $0xC00, s23  }
0x445: {  	s19 =	sor.u32 s18, s16;
	s11 =	sadd.s32 s20, s25  }
0x446: {  	s11 =	sadd.s32 s18, s11;
	[tilespmem:s19+$0x16800] =	vst.add.f32.msk $0xffff, v2  }
0x447: {  	v2 =	vld [tilespmem:s11+$0x0]  }
0x448: {  	s11 =	sld [smem:$0x7B2];
	_ =	sdelay $0x1  }
0x449: {  	s16 =	sadd.s32 $0x16800, s19  }
0x44a: {  	s25 =	sor.u32 $0x80, s16;
	s11 =	sadd.s32 s20, s11  }
0x44b: {  	s11 =	sadd.s32 s18, s11;
	[tilespmem:s25+$0x0] =	vst.add.f32.msk $0xffff, v2  }
0x44c: {  	v2 =	vld [tilespmem:s11+$0x0]  }
0x44d: {  	s11 =	sld [smem:$0x7B5];
	_ =	sdelay $0x2  }
0x44e: {  	s25 =	sor.u32 $0x100, s16;
	s11 =	sadd.s32 s20, s11  }
0x44f: {  	s11 =	sadd.s32 s18, s11;
	[tilespmem:s25+$0x0] =	vst.add.f32.msk $0xffff, v2  }
0x450: {  	v2 =	vld [tilespmem:s11+$0x0]  }
0x451: {  	s11 =	sld [smem:$0x7B8];
	_ =	sdelay $0x2  }
0x452: {  	s25 =	sor.u32 $0x180, s16;
	s11 =	sadd.s32 s20, s11  }
0x453: {  	s11 =	sadd.s32 s18, s11;
	[tilespmem:s25+$0x0] =	vst.add.f32.msk $0xffff, v2  }
0x454: {  	s9 =	sadd.s32 s0, s9;
	s25 =	sor.u32 $0x200, s5;
	v2 =	vld [tilespmem:s11+$0x0]  }
0x455: {  	s9 =	sadd.s32 s13, s9;
	s11 =	sld [smem:$0x7BB];
	[tilespmem:s25+$0x0] =	vst.add.f32.msk $0xffff, v1  }
0x456: {  	v1 =	vld [tilespmem:s9+$0x0]  }
0x457: {  	s25 =	sld [smem:$0x7AE]  }
0x458: {  	s9 =	sor.u32 $0x200, s16;
	s11 =	sadd.s32 s20, s11  }
0x459: {  	s11 =	sadd.s32 s18, s11;
	[tilespmem:s9+$0x0] =	vst.add.f32.msk $0xffff, v2  }
0x45a: {  	s25 =	sadd.s32 s0, s25;
	v2 =	vld [tilespmem:s11+$0x0];
	s11 =	sor.u32 $0x280, s5  }
0x45b: {  	s25 =	sadd.s32 s13, s25;
	s9 =	sld [smem:$0x7AE];
	[tilespmem:s11+$0x0] =	vst.add.f32.msk $0xffff, v1  }
0x45c: {  	v1 =	vld [tilespmem:s25+$0x0]  }
0x45d: {  	s11 =	sld [smem:$0x7B1]  }
0x45e: {  	s25 =	sor.u32 $0x280, s16;
	s9 =	sadd.s32 s20, s9  }
0x45f: {  	s9 =	sadd.s32 s18, s9;
	[tilespmem:s25+$0x0] =	vst.add.f32.msk $0xffff, v2  }
0x460: {  	s25 =	sor.u32 $0x300, s5;
	s11 =	sadd.s32 s0, s11;
	v2 =	vld [tilespmem:s9+$0x0]  }
0x461: {  	s9 =	sld [smem:$0x7B1];
	s11 =	sadd.s32 s13, s11;
	[tilespmem:s25+$0x0] =	vst.add.f32.msk $0xffff, v1  }
0x462: {  	v1 =	vld [tilespmem:s11+$0x0]  }
0x463: {  	s11 =	sld [smem:$0x7B4]  }
0x464: {  	s25 =	sor.u32 $0x300, s16;
	s9 =	sadd.s32 s20, s9  }
0x465: {  	s16 =	sor.u32 s17, s30;
	s9 =	sadd.s32 s18, s9;
	[tilespmem:s25+$0x0] =	vst.add.f32.msk $0xffff, v2  }
0x466: {  	s5 =	sadd.s32 s0, s11;
	v2 =	vld [tilespmem:s9+$0x0];
	s9 =	sor.u32 $0x380, s16  }
0x467: {  	s17 =	sld [smem:$0x7B4];
	s5 =	sadd.s32 s13, s5;
	[tilespmem:s9+$0x16800] =	vst.add.f32.msk $0xffff, v1  }
0x468: {  	v1 =	vld [tilespmem:s5+$0x0]  }
0x469: {  	s21 =	sor.u32 s23, s21;
	s30 =	sld [smem:$0x7B7]  }
0x46a: {  	v3 =	vld [tilespmem:s22+$0x0];
	s23 =	sor.u32 $0x380, s21;
	s25 =	sadd.s32 s20, s17  }
0x46b: {  	s9 =	sadd.s32 s18, s25;
	s25 =	sld [smem:$0x7AD];
	[tilespmem:s23+$0x16800] =	vst.add.f32.msk $0xffff, v2  }
0x46c: {  	s17 =	sadd.s32 s0, s30;
	v2 =	vld [tilespmem:s9+$0x0]  }
0x46d: {  	s16 =	sld [smem:$0x7B7];
	s9 =	sadd.s32 s13, s17;
	[tilespmem:s15+$0x17800] =	vst.add.f32.msk $0xffff, v1  }
0x46e: {  	s11 =	sadd.s32 s3, s25;
	v1 =	vld [tilespmem:s9+$0x0];
	s21 =	sld [smem:$0x7BA]  }
0x46f: {  	[tilespmem:s31+$0x17900] =	vst.add.f32.msk $0xffff, v3;
	s11 =	sadd.s32 s7, s11  }
0x470: {  	s5 =	sadd.s32 s20, s16;
	v3 =	vld [tilespmem:s11+$0x0]  }
0x471: {  	s5 =	sadd.s32 s18, s5;
	[tilespmem:s19+$0x17800] =	vst.add.f32.msk $0xffff, v2;
	s9 =	sadd.s32 s0, s21;
	s21 =	sld [smem:$0x7B0]  }
0x472: {  	v2 =	vld [tilespmem:s5+$0x0]  }
0x473: {  	s23 =	sld [smem:$0x7BA];
	s9 =	sadd.s32 s13, s9;
	[tilespmem:s15+$0x17880] =	vst.add.f32.msk $0xffff, v1  }
0x474: {  	v1 =	vld [tilespmem:s9+$0x0];
	s9 =	sadd.s32 s3, s21  }
0x475: {  	s30 =	sld [smem:$0x7AD];
	[tilespmem:s31+$0x17980] =	vst.add.f32.msk $0xffff, v3;
	s25 =	sadd.s32 s7, s9  }
0x476: {  	s5 =	sadd.s32 s20, s23;
	v3 =	vld [tilespmem:s25+$0x0]  }
0x477: {  	s5 =	sadd.s32 s18, s5;
	[tilespmem:s19+$0x17880] =	vst.add.f32.msk $0xffff, v2  }
0x478: {  	s17 =	sadd.s32 s0, s30;
	v2 =	vld [tilespmem:s5+$0x0]  }
0x479: {  	s16 =	sld [smem:$0x7AD];
	s5 =	sadd.s32 s13, s17;
	[tilespmem:s15+$0x17900] =	vst.add.f32.msk $0xffff, v1  }
0x47a: {  	v1 =	vld [tilespmem:s5+$0x0]  }
0x47b: {  	s23 =	sld [smem:$0x7B0]  }
0x47c: {  	s22 =	sadd.s32 s20, s16;
	s16 =	sld [smem:$0x7B3];
	[tilespmem:s31+$0x17A00] =	vst.add.f32.msk $0xffff, v3  }
0x47d: {  	s5 =	sadd.s32 s18, s22;
	[tilespmem:s19+$0x17900] =	vst.add.f32.msk $0xffff, v2  }
0x47e: {  	s11 =	sadd.s32 s0, s23;
	v2 =	vld [tilespmem:s5+$0x0]  }
0x47f: {  	s30 =	sld [smem:$0x7B0];
	s5 =	sadd.s32 s13, s11;
	s11 =	sadd.s32 s3, s16;
	[tilespmem:s15+$0x17980] =	vst.add.f32.msk $0xffff, v1  }
0x480: {  	s22 =	sadd.s32 s7, s11;
	v1 =	vld [tilespmem:s5+$0x0]  }
0x481: {  	v3 =	vld [tilespmem:s22+$0x0]  }
0x482: {  	s21 =	sld [smem:$0x7B3];
	s17 =	sadd.s32 s20, s30  }
0x483: {  	s30 =	sld [smem:$0x7B6];
	s5 =	sadd.s32 s18, s17;
	[tilespmem:s19+$0x17980] =	vst.add.f32.msk $0xffff, v2  }
0x484: {  	v2 =	vld [tilespmem:s5+$0x0]  }
0x485: {  	s25 =	sadd.s32 s0, s21;
	[tilespmem:s15+$0x17A00] =	vst.add.f32.msk $0xffff, v1  }
0x486: {  	s23 =	sld [smem:$0x7B3];
	s5 =	sadd.s32 s13, s25;
	s9 =	sadd.s32 s3, s30;
	[tilespmem:s31+$0x17A80] =	vst.add.f32.msk $0xffff, v3  }
0x487: {  	s17 =	sadd.s32 s7, s9;
	v1 =	vld [tilespmem:s5+$0x0]  }
0x488: {  	v3 =	vld [tilespmem:s17+$0x0]  }
0x489: {  	s16 =	sld [smem:$0x7B6];
	s11 =	sadd.s32 s20, s23  }
0x48a: {  	s23 =	sld [smem:$0x7B9];
	s5 =	sadd.s32 s18, s11;
	[tilespmem:s19+$0x17A00] =	vst.add.f32.msk $0xffff, v2  }
0x48b: {  	v2 =	vld [tilespmem:s5+$0x0]  }
0x48c: {  	s22 =	sadd.s32 s0, s16;
	s21 =	sld [smem:$0x7B6];
	[tilespmem:s15+$0x17A80] =	vst.add.f32.msk $0xffff, v1  }
0x48d: {  	s5 =	sadd.s32 s13, s22;
	s11 =	sadd.s32 s3, s23;
	[tilespmem:s31+$0x17B00] =	vst.add.f32.msk $0xffff, v3  }
0x48e: {  	s3 =	sadd.s32 s7, s11;
	v1 =	vld [tilespmem:s5+$0x0]  }
0x48f: {  	v3 =	vld [tilespmem:s3+$0x0];
	s25 =	sadd.s32 s20, s21  }
0x490: {  	s30 =	sld [smem:$0x7B9];
	s5 =	sadd.s32 s18, s25;
	[tilespmem:s19+$0x17A80] =	vst.add.f32.msk $0xffff, v2  }
0x491: {  	v2 =	vld [tilespmem:s5+$0x0]  }
0x492: {  	[tilespmem:s1+$0x17B80] =	vst.add.f32.msk $0xffff, v0;
	s16 =	sld [smem:$0x7B9]  }
0x493: {  	s17 =	sadd.s32 s0, s30;
	[tilespmem:s15+$0x17B00] =	vst.add.f32.msk $0xffff, v1  }
0x494: {  	s0 =	sadd.s32 s13, s17;
	[tilespmem:s31+$0x17B80] =	vst.add.f32.msk $0xffff, v3  }
0x495: {  	v1 =	vld [tilespmem:s0+$0x0];
	s21 =	sadd.s32 s20, s16  }
0x496: {  	s0 =	sadd.s32 s18, s21;
	[tilespmem:s19+$0x17B00] =	vst.add.f32.msk $0xffff, v2  }
0x497: {  	v2 =	vld [tilespmem:s0+$0x0];
	s22 =	sld [smem:$0x7FD];
	_ =	sdelay $0x2  }
0x498: {  	s0 =	sor.u32 s22, s6  }
0x499: {  	s23 =	simm.s32 $0x0;
	[tilespmem:s15+$0x17B80] =	vst.add.f32.msk $0xffff, v1;
	s0 =	sshrl.u32 s0, $0x3  }
0x49a: {  	s25 =	simm.s32 $0x16800;
	s30 =	simm.s32 $0x2;
	[tilespmem:s19+$0x17B80] =	vst.add.f32.msk $0xffff, v2;
	s0 =	sadd.s32 s2, s0  }
0x49b: {  	[hbm4b:s0+s23] =	stream.linear.scatter [tilespmem:s25], [sflag:$0x4], $0x2000, $0x38;
	[tilespmem:$0x18900] =	vst v63  }
0x49c: {  	_ =	swait.ge [sflag:s30], $0x2000  }
0x49d: {  	s1 =	sld [smem:$0x7F6]  }
0x49e: {  	p1 =	seq.s32 s28, $0x1F;
	[sflag:s30] =	ssyncset.done $0x0  }
0x49f: {  	s3 =	simm.s32 $0x12800;
	s0 =	sadd.s32 @!p1 $0x2, s29;
	[sflag:s30] =	ssyncadd.s32 $0xFFFFE000  }
0x4a0: {  	[tilespmem:s3], [sflag:$0x6] =	stream.linear.gather [spmem:s1], $0x2000, $0x38;
	[tilespmem:$0x18900] =	vst v63  }
0x4a1: {  	s1 =	sshll.u32 @!p1 s0, $0xB;
	s0 =	sshll.u32 @!p1 s0, $0x7  }
0x4a2: {  	s1 =	sand.u32 @!p1 $0x3C000, s1;
	s0 =	sand.u32 @!p1 $0x300, s0  }
0x4a3: {  	s0 =	sor.u32 @!p1 s1, s0;
	s1 =	sld [smem:$0x7E4];
	_ =	sdelay $0x2  }
0x4a4: {  	s0 =	sor.u32 @!p1 s1, s0  }
0x4a5: {  	s31 =	smov.u32 s4;
	s3 =	simm.s32 @!p1 $0x18800;
	s0 =	sshrl.u32 @!p1 s0, $0x3  }
0x4a6: {  	s1 =	simm.s32 @!p1 $0x0;
	s0 =	sadd.s32 @!p1 s4, s0;
	s4 =	simm.s32 $0xA  }
0x4a7: {  	[tilespmem:s3], [sflag:$0x9] =	stream.linear.gather @!p1 [hbm4b:s0+s1], $0x40, $0x38;
	[tilespmem:$0x18900] =	vst v63  }
0x4a8: {  	_ =	swait.ge [sflag:s4], $0x40  }
0x4a9: {  	[sflag:s4] =	ssyncset.done $0x0  }
0x4aa: {  	[sflag:s4] =	ssyncadd.s32 $0xFFFFFFC0  }
0x4ab: {  	_ =	swait.ge [sflag:s8], $0x2000  }
0x4ac: {  	[sflag:s8] =	ssyncset.done $0x0  }
0x4ad: {  	[sflag:s8] =	ssyncadd.s32 $0xFFFFE000  }
0x4ae: {  	v0 =	vld [tilespmem:$0x18880];
	_ =	sdelay $0x4  }
0x4af: {  	v0 =	vshll.u32 v0, $0x9  }
0x4b0: {  	(v2sf) =	vpush v0, $0x0  }
0x4b1: {  	(v2sf) =	vpush v0, $0x1;
	_ =	sdelay $0x1  }
0x4b2: {  	(v2sf) =	vpush v0, $0x2  }
0x4b3: {  	(v2sf) =	vpush v0, $0x3  }
0x4b4: {  	(v2sf) =	vpush v0, $0x4  }
0x4b5: {  	(v2sf) =	vpush v0, $0x5  }
0x4b6: {  	(v2sf) =	vpush v0, $0x6  }
0x4b7: {  	(v2sf) =	vpush v0, $0x7  }
0x4b8: {  	(v2sf) =	vpush v0, $0x8  }
0x4b9: {  	(v2sf) =	vpush v0, $0x9  }
0x4ba: {  	(v2sf) =	vpush v0, $0xA  }
0x4bb: {  	(v2sf) =	vpush v0, $0xB  }
0x4bc: {  	(v2sf) =	vpush v0, $0xC  }
0x4bd: {  	(v2sf) =	vpush v0, $0xD  }
0x4be: {  	s5 =	spop (v2sf);
	(v2sf) =	vpush v0, $0xE  }
0x4bf: {  	s6 =	spop (v2sf);
	[smem:$0x7AC] =	sst s5;
	(v2sf) =	vpush v0, $0xF  }
0x4c0: {  	[smem:$0x79F] =	sst s6  }
0x4c1: {  	s7 =	spop (v2sf);
	s23 =	sld [smem:$0x7AC]  }
0x4c2: {  	s9 =	spop (v2sf);
	[smem:$0x7A2] =	sst s7  }
0x4c3: {  	s11 =	spop (v2sf);
	[smem:$0x7A5] =	sst s9  }
0x4c4: {  	s13 =	spop (v2sf);
	[smem:$0x7A8] =	sst s11  }
0x4c5: {  	s15 =	spop (v2sf);
	[smem:$0x7AB] =	sst s13  }
0x4c6: {  	s16 =	spop (v2sf);
	[smem:$0x79E] =	sst s15  }
0x4c7: {  	s17 =	spop (v2sf);
	[smem:$0x7A1] =	sst s16  }
0x4c8: {  	s18 =	spop (v2sf);
	[smem:$0x7A4] =	sst s17  }
0x4c9: {  	s19 =	spop (v2sf);
	[smem:$0x7A7] =	sst s18  }
0x4ca: {  	s20 =	spop (v2sf);
	[smem:$0x7AA] =	sst s19  }
0x4cb: {  	s0 =	simm.s32 $0x0;
	s21 =	spop (v2sf);
	[smem:$0x79D] =	sst s20  }
0x4cc: {  	s17 =	sand.u32 $0x70, s0;
	[smem:$0x7A0] =	sst s21;
	s22 =	spop (v2sf)  }
0x4cd: {  	s21 =	sand.u32 $0x180, s0;
	[smem:$0x7A3] =	sst s22;
	s25 =	spop (v2sf)  }
0x4ce: {  	s1 =	sadd.s32 s21, s23;
	[smem:$0x7A6] =	sst s25;
	s30 =	spop (v2sf)  }
0x4cf: {  	s1 =	sadd.s32 s17, s1;
	[smem:$0x7A9] =	sst s30  }
0x4d0: {  	v0 =	vld [tilespmem:s1+$0x0]  }
0x4d1: {  	s4 =	sld [smem:$0x79F];
	_ =	sdelay $0x1  }
0x4d2: {  	s5 =	sand.u32 $0xC00, s0  }
0x4d3: {  	s3 =	sadd.s32 s21, s4;
	s1 =	sor.u32 s17, s5  }
0x4d4: {  	s3 =	sadd.s32 s17, s3;
	[tilespmem:s1+$0x10800] =	vst.add.f32.msk $0xffff, v0  }
0x4d5: {  	v0 =	vld [tilespmem:s3+$0x0]  }
0x4d6: {  	s6 =	sld [smem:$0x7A2];
	_ =	sdelay $0x1  }
0x4d7: {  	s5 =	sadd.s32 $0x10800, s1  }
0x4d8: {  	s7 =	sor.u32 $0x80, s5;
	s3 =	sadd.s32 s21, s6  }
0x4d9: {  	s3 =	sadd.s32 s17, s3;
	[tilespmem:s7+$0x0] =	vst.add.f32.msk $0xffff, v0  }
0x4da: {  	v0 =	vld [tilespmem:s3+$0x0]  }
0x4db: {  	s9 =	sld [smem:$0x7A5];
	_ =	sdelay $0x2  }
0x4dc: {  	s11 =	sor.u32 $0x100, s5;
	s3 =	sadd.s32 s21, s9  }
0x4dd: {  	s3 =	sadd.s32 s17, s3;
	[tilespmem:s11+$0x0] =	vst.add.f32.msk $0xffff, v0  }
0x4de: {  	v0 =	vld [tilespmem:s3+$0x0]  }
0x4df: {  	s13 =	sld [smem:$0x7A8];
	_ =	sdelay $0x2  }
0x4e0: {  	s15 =	sor.u32 $0x180, s5;
	s3 =	sadd.s32 s21, s13  }
0x4e1: {  	s3 =	sadd.s32 s17, s3;
	[tilespmem:s15+$0x0] =	vst.add.f32.msk $0xffff, v0  }
0x4e2: {  	v0 =	vld [tilespmem:s3+$0x0]  }
0x4e3: {  	s16 =	sld [smem:$0x7AB];
	_ =	sdelay $0x1  }
0x4e4: {  	s19 =	sld [smem:$0x7AC]  }
0x4e5: {  	s18 =	simm.s32 $0x10;
	s20 =	sor.u32 $0x200, s5;
	s22 =	sadd.s32 s21, s16  }
0x4e6: {  	s3 =	sand.u32 $0x180, s18;
	s9 =	sadd.s32 s17, s22;
	[tilespmem:s20+$0x0] =	vst.add.f32.msk $0xffff, v0  }
0x4e7: {  	s6 =	sand.u32 $0x70, s18;
	s7 =	sadd.s32 s3, s19;
	v0 =	vld [tilespmem:s9+$0x0]  }
0x4e8: {  	s7 =	sadd.s32 s6, s7;
	s23 =	sld [smem:$0x79E]  }
0x4e9: {  	v1 =	vld [tilespmem:s7+$0x0]  }
0x4ea: {  	s25 =	sld [smem:$0x79F]  }
0x4eb: {  	s30 =	sor.u32 $0x280, s5;
	s20 =	simm.s32 $0x80;
	s9 =	sadd.s32 s21, s23  }
0x4ec: {  	s4 =	sand.u32 $0xC00, s20;
	s9 =	sadd.s32 s17, s9;
	[tilespmem:s30+$0x0] =	vst.add.f32.msk $0xffff, v0  }
0x4ed: {  	s11 =	sadd.s32 s3, s25;
	s7 =	sor.u32 s6, s4;
	v0 =	vld [tilespmem:s9+$0x0]  }
0x4ee: {  	s13 =	sadd.s32 s6, s11;
	[tilespmem:s7+$0x10800] =	vst.add.f32.msk $0xffff, v1;
	s15 =	sld [smem:$0x7A1]  }
0x4ef: {  	v1 =	vld [tilespmem:s13+$0x0]  }
0x4f0: {  	s16 =	sld [smem:$0x7A2]  }
0x4f1: {  	s19 =	sor.u32 $0x300, s5;
	s11 =	sadd.s32 s21, s15  }
0x4f2: {  	s5 =	sadd.s32 $0x10800, s7;
	s11 =	sadd.s32 s17, s11;
	[tilespmem:s19+$0x0] =	vst.add.f32.msk $0xffff, v0  }
0x4f3: {  	s22 =	sor.u32 $0x80, s5;
	s9 =	sadd.s32 s3, s16;
	v0 =	vld [tilespmem:s11+$0x0]  }
0x4f4: {  	s9 =	sadd.s32 s6, s9;
	[tilespmem:s22+$0x0] =	vst.add.f32.msk $0xffff, v1;
	s23 =	sld [smem:$0x7A4]  }
0x4f5: {  	v1 =	vld [tilespmem:s9+$0x0]  }
0x4f6: {  	s0 =	sor.u32 s0, s0;
	s25 =	sld [smem:$0x7A5]  }
0x4f7: {  	s0 =	sor.u32 $0x380, s0;
	s11 =	sadd.s32 s21, s23  }
0x4f8: {  	s30 =	sadd.s32 s17, s11;
	[tilespmem:s0+$0x10800] =	vst.add.f32.msk $0xffff, v0  }
0x4f9: {  	s4 =	sor.u32 $0x100, s5;
	s9 =	sadd.s32 s3, s25;
	v0 =	vld [tilespmem:s30+$0x0]  }
0x4fa: {  	s9 =	sadd.s32 s6, s9;
	[tilespmem:s4+$0x0] =	vst.add.f32.msk $0xffff, v1;
	s11 =	sld [smem:$0x7A7]  }
0x4fb: {  	v1 =	vld [tilespmem:s9+$0x0]  }
0x4fc: {  	s13 =	sld [smem:$0x7A8]  }
0x4fd: {  	s9 =	sadd.s32 s21, s11  }
0x4fe: {  	s9 =	sadd.s32 s17, s9;
	[tilespmem:s1+$0x11800] =	vst.add.f32.msk $0xffff, v0  }
0x4ff: {  	s15 =	sor.u32 $0x180, s5;
	s0 =	sadd.s32 s3, s13;
	v0 =	vld [tilespmem:s9+$0x0]  }
0x500: {  	s0 =	sadd.s32 s6, s0;
	[tilespmem:s15+$0x0] =	vst.add.f32.msk $0xffff, v1;
	s16 =	sld [smem:$0x7AA]  }
0x501: {  	v1 =	vld [tilespmem:s0+$0x0]  }
0x502: {  	s19 =	sld [smem:$0x7AB]  }
0x503: {  	s9 =	sadd.s32 s21, s16  }
0x504: {  	s22 =	sld [smem:$0x7AC];
	s9 =	sadd.s32 s17, s9;
	[tilespmem:s1+$0x11880] =	vst.add.f32.msk $0xffff, v0  }
0x505: {  	s23 =	sor.u32 $0x200, s5;
	s15 =	simm.s32 $0x20;
	s25 =	sadd.s32 s3, s19;
	v0 =	vld [tilespmem:s9+$0x0]  }
0x506: {  	s0 =	sand.u32 $0x180, s15;
	s30 =	sadd.s32 s6, s25;
	[tilespmem:s23+$0x0] =	vst.add.f32.msk $0xffff, v1;
	s4 =	sld [smem:$0x79D]  }
0x507: {  	s13 =	sand.u32 $0x70, s15;
	s11 =	sadd.s32 s0, s22;
	v1 =	vld [tilespmem:s30+$0x0]  }
0x508: {  	s11 =	sadd.s32 s13, s11;
	s19 =	sld [smem:$0x79E]  }
0x509: {  	v2 =	vld [tilespmem:s11+$0x0];
	s22 =	sadd.s32 s21, s4  }
0x50a: {  	s23 =	sld [smem:$0x79F];
	s9 =	sadd.s32 s17, s22;
	[tilespmem:s1+$0x11900] =	vst.add.f32.msk $0xffff, v0  }
0x50b: {  	s25 =	sor.u32 $0x280, s5;
	s11 =	sadd.s32 s3, s19;
	s19 =	simm.s32 $0x100;
	v0 =	vld [tilespmem:s9+$0x0]  }
0x50c: {  	s30 =	sand.u32 $0xC00, s19;
	s11 =	sadd.s32 s6, s11;
	[tilespmem:s25+$0x0] =	vst.add.f32.msk $0xffff, v1;
	s4 =	sld [smem:$0x7A0]  }
0x50d: {  	s16 =	sadd.s32 s0, s23;
	s29 =	sor.u32 s13, s30;
	v1 =	vld [tilespmem:s11+$0x0]  }
0x50e: {  	[tilespmem:s29+$0x10800] =	vst.add.f32.msk $0xffff, v2;
	s23 =	sld [smem:$0x7A1];
	s9 =	sadd.s32 s13, s16  }
0x50f: {  	v2 =	vld [tilespmem:s9+$0x0];
	s25 =	sadd.s32 s21, s4  }
0x510: {  	s30 =	sld [smem:$0x7A2];
	s9 =	sadd.s32 s17, s25;
	[tilespmem:s1+$0x11980] =	vst.add.f32.msk $0xffff, v0  }
0x511: {  	s11 =	sadd.s32 s3, s23;
	s4 =	sor.u32 $0x300, s5;
	v0 =	vld [tilespmem:s9+$0x0]  }
0x512: {  	s22 =	sadd.s32 s6, s11;
	s5 =	sadd.s32 $0x10800, s29;
	[tilespmem:s4+$0x0] =	vst.add.f32.msk $0xffff, v1;
	s23 =	sld [smem:$0x7A3]  }
0x513: {  	s16 =	sadd.s32 s0, s30;
	s25 =	sor.u32 $0x80, s5;
	v1 =	vld [tilespmem:s22+$0x0]  }
0x514: {  	s30 =	sadd.s32 s13, s16;
	s4 =	sld [smem:$0x7A4];
	[tilespmem:s25+$0x0] =	vst.add.f32.msk $0xffff, v2  }
0x515: {  	v2 =	vld [tilespmem:s30+$0x0];
	s11 =	sadd.s32 s21, s23  }
0x516: {  	s18 =	sor.u32 s20, s18;
	s20 =	sld [smem:$0x7A5];
	s9 =	sadd.s32 s17, s11;
	[tilespmem:s1+$0x11A00] =	vst.add.f32.msk $0xffff, v0  }
0x517: {  	s16 =	sadd.s32 s3, s4;
	s11 =	sor.u32 $0x380, s18;
	v0 =	vld [tilespmem:s9+$0x0]  }
0x518: {  	s22 =	sadd.s32 s6, s16;
	[tilespmem:s11+$0x10800] =	vst.add.f32.msk $0xffff, v1;
	s23 =	sld [smem:$0x7A6]  }
0x519: {  	s25 =	sor.u32 $0x100, s5;
	s18 =	sadd.s32 s0, s20;
	v1 =	vld [tilespmem:s22+$0x0]  }
0x51a: {  	s30 =	sadd.s32 s13, s18;
	[tilespmem:s25+$0x0] =	vst.add.f32.msk $0xffff, v2;
	s4 =	sld [smem:$0x7A7]  }
0x51b: {  	v2 =	vld [tilespmem:s30+$0x0];
	s11 =	sadd.s32 s21, s23  }
0x51c: {  	s18 =	sld [smem:$0x7A8];
	s9 =	sadd.s32 s17, s11;
	[tilespmem:s1+$0x11A80] =	vst.add.f32.msk $0xffff, v0  }
0x51d: {  	s16 =	sadd.s32 s3, s4;
	v0 =	vld [tilespmem:s9+$0x0]  }
0x51e: {  	s20 =	sadd.s32 s6, s16;
	[tilespmem:s7+$0x11800] =	vst.add.f32.msk $0xffff, v1;
	s22 =	sld [smem:$0x7A9]  }
0x51f: {  	s23 =	sor.u32 $0x180, s5;
	s11 =	sadd.s32 s0, s18;
	v3 =	vld [tilespmem:s20+$0x0]  }
0x520: {  	s25 =	sadd.s32 s13, s11;
	[tilespmem:s23+$0x0] =	vst.add.f32.msk $0xffff, v2;
	s30 =	sld [smem:$0x7AA]  }
0x521: {  	v1 =	vld [tilespmem:s25+$0x0];
	s16 =	sadd.s32 s21, s22  }
0x522: {  	s9 =	sld [smem:$0x7AB];
	s16 =	sadd.s32 s17, s16;
	[tilespmem:s1+$0x11B00] =	vst.add.f32.msk $0xffff, v0  }
0x523: {  	s18 =	simm.s32 $0x40;
	s23 =	sld [smem:$0x7AC];
	s11 =	sadd.s32 s3, s30;
	v0 =	vld [tilespmem:s16+$0x0]  }
0x524: {  	s21 =	simm.s32 $0x30;
	s22 =	sadd.s32 s6, s11;
	s17 =	simm.s32 $0x100;
	[tilespmem:s7+$0x11880] =	vst.add.f32.msk $0xffff, v3  }
.LBB2_13:
0x525: {  	p1 =	sne.s32 s18, $0x1F0;
	s11 =	sor.u32 $0x200, s5;
	s9 =	sadd.s32 s0, s9;
	v2 =	vld [tilespmem:s22+$0x0]  }
0x526: {  	s22 =	sand.u32 $0x180, s21;
	[tilespmem:s11+$0x0] =	vst.add.f32.msk $0xffff, v1;
	s9 =	sadd.s32 s13, s9;
	s11 =	sld [smem:$0x79D]  }
0x527: {  	s20 =	sand.u32 $0x70, s21;
	s16 =	sadd.s32 s22, s23;
	v1 =	vld [tilespmem:s9+$0x0]  }
0x528: {  	s9 =	sadd.s32 s20, s16;
	s16 =	sld [smem:$0x79E];
	[tilespmem:s1+$0x11B80] =	vst.add.f32.msk $0xffff, v0;
	s1 =	smov.u32 s7  }
0x529: {  	s7 =	smov.u32 s29;
	v0 =	vld [tilespmem:s9+$0x0];
	s9 =	sadd.s32 s3, s11  }
0x52a: {  	s11 =	sld [smem:$0x79F];
	[tilespmem:s1+$0x11900] =	vst.add.f32.msk $0xffff, v2;
	s9 =	sadd.s32 s6, s9  }
0x52b: {  	s19 =	sadd.s32 $0x80, s19;
	s23 =	sor.u32 $0x280, s5;
	s16 =	sadd.s32 s0, s16;
	v2 =	vld [tilespmem:s9+$0x0]  }
0x52c: {  	s9 =	sand.u32 $0xC00, s19;
	[tilespmem:s23+$0x0] =	vst.add.f32.msk $0xffff, v1;
	s16 =	sadd.s32 s13, s16;
	s23 =	sld [smem:$0x7A0]  }
0x52d: {  	s29 =	sor.u32 s20, s9;
	s9 =	sadd.s32 s22, s11;
	v1 =	vld [tilespmem:s16+$0x0]  }
0x52e: {  	[tilespmem:s29+$0x10800] =	vst.add.f32.msk $0xffff, v0;
	s9 =	sadd.s32 s20, s9;
	s11 =	sld [smem:$0x7A1]  }
0x52f: {  	v0 =	vld [tilespmem:s9+$0x0];
	s9 =	sadd.s32 s3, s23  }
0x530: {  	s16 =	sld [smem:$0x7A2];
	[tilespmem:s1+$0x11980] =	vst.add.f32.msk $0xffff, v2;
	s9 =	sadd.s32 s6, s9  }
0x531: {  	s23 =	sor.u32 $0x300, s5;
	s11 =	sadd.s32 s0, s11;
	v2 =	vld [tilespmem:s9+$0x0]  }
0x532: {  	s5 =	sadd.s32 $0x10800, s29;
	[tilespmem:s23+$0x0] =	vst.add.f32.msk $0xffff, v1;
	s9 =	sadd.s32 s13, s11;
	s11 =	sld [smem:$0x7A3]  }
0x533: {  	s23 =	sor.u32 $0x80, s5;
	s16 =	sadd.s32 s22, s16;
	v1 =	vld [tilespmem:s9+$0x0]  }
0x534: {  	[tilespmem:s23+$0x0] =	vst.add.f32.msk $0xffff, v0;
	s9 =	sadd.s32 s20, s16;
	s16 =	sld [smem:$0x7A4]  }
0x535: {  	v0 =	vld [tilespmem:s9+$0x0];
	s9 =	sadd.s32 s3, s11  }
0x536: {  	s15 =	sor.u32 s17, s15;
	s11 =	sld [smem:$0x7A5];
	[tilespmem:s1+$0x11A00] =	vst.add.f32.msk $0xffff, v2;
	s9 =	sadd.s32 s6, s9  }
0x537: {  	s15 =	sor.u32 $0x380, s15;
	s17 =	smov.u32 s19;
	s16 =	sadd.s32 s0, s16;
	v2 =	vld [tilespmem:s9+$0x0]  }
0x538: {  	[tilespmem:s15+$0x10800] =	vst.add.f32.msk $0xffff, v1;
	s9 =	sadd.s32 s13, s16;
	s16 =	sld [smem:$0x7A6];
	s15 =	smov.u32 s21  }
0x539: {  	s23 =	sor.u32 $0x100, s5;
	s21 =	smov.u32 s18;
	s11 =	sadd.s32 s22, s11;
	v1 =	vld [tilespmem:s9+$0x0]  }
0x53a: {  	[tilespmem:s23+$0x0] =	vst.add.f32.msk $0xffff, v0;
	s9 =	sadd.s32 s20, s11;
	s11 =	sld [smem:$0x7A7]  }
0x53b: {  	v0 =	vld [tilespmem:s9+$0x0];
	s9 =	sadd.s32 s3, s16  }
0x53c: {  	s16 =	sld [smem:$0x7A8];
	[tilespmem:s1+$0x11A80] =	vst.add.f32.msk $0xffff, v2;
	s9 =	sadd.s32 s6, s9  }
0x53d: {  	s11 =	sadd.s32 s0, s11;
	v2 =	vld [tilespmem:s9+$0x0]  }
0x53e: {  	[tilespmem:s7+$0x11800] =	vst.add.f32.msk $0xffff, v1;
	s9 =	sadd.s32 s13, s11;
	s11 =	sld [smem:$0x7A9]  }
0x53f: {  	s23 =	sor.u32 $0x180, s5;
	s16 =	sadd.s32 s22, s16;
	v3 =	vld [tilespmem:s9+$0x0]  }
.Ltmp5:
0x540: {  	[tilespmem:s23+$0x0] =	vst.add.f32.msk $0xffff, v0;
	s9 =	sadd.s32 s20, s16;
	s16 =	sld [smem:$0x7AA];
	(pc) =	sbr.rel @p1 .LBB2_13-.Ltmp5, $4  }
0x541: {  	v1 =	vld [tilespmem:s9+$0x0];
	s11 =	sadd.s32 s3, s11;
	s3 =	smov.u32 s0;
	s0 =	smov.u32 s22  }
0x542: {  	s9 =	sld [smem:$0x7AB];
	[tilespmem:s1+$0x11B00] =	vst.add.f32.msk $0xffff, v2;
	s11 =	sadd.s32 s6, s11;
	s6 =	smov.u32 s13  }
0x543: {  	s13 =	smov.u32 s20;
	s16 =	sadd.s32 s3, s16;
	v0 =	vld [tilespmem:s11+$0x0]  }
0x544: {  	s18 =	sadd.s32 $0x10, s18;
	s23 =	sld [smem:$0x7AC];
	[tilespmem:s7+$0x11880] =	vst.add.f32.msk $0xffff, v3;
	s22 =	sadd.s32 s6, s16  }
0x545: {  	_ = 	snop  }
0x546: {  	s20 =	sand.u32 $0x180, s21  }
0x547: {  	s18 =	sand.u32 $0x70, s21;
	s11 =	sadd.s32 s20, s23  }
0x548: {  	s11 =	sadd.s32 s18, s11  }
0x549: {  	v2 =	vld [tilespmem:s11+$0x0]  }
0x54a: {  	s25 =	sld [smem:$0x79F]  }
0x54b: {  	s23 =	sadd.s32 $0x80, s19  }
0x54c: {  	s16 =	sand.u32 $0xC00, s23  }
0x54d: {  	s19 =	sor.u32 s18, s16;
	s11 =	sadd.s32 s20, s25  }
0x54e: {  	s11 =	sadd.s32 s18, s11;
	[tilespmem:s19+$0x10800] =	vst.add.f32.msk $0xffff, v2  }
0x54f: {  	v2 =	vld [tilespmem:s11+$0x0]  }
0x550: {  	s4 =	sld [smem:$0x7A2];
	_ =	sdelay $0x1  }
0x551: {  	s16 =	sadd.s32 $0x10800, s19  }
0x552: {  	s25 =	sor.u32 $0x80, s16;
	s11 =	sadd.s32 s20, s4  }
0x553: {  	s11 =	sadd.s32 s18, s11;
	[tilespmem:s25+$0x0] =	vst.add.f32.msk $0xffff, v2  }
0x554: {  	v2 =	vld [tilespmem:s11+$0x0]  }
0x555: {  	s25 =	sld [smem:$0x7A5];
	_ =	sdelay $0x2  }
0x556: {  	s4 =	sor.u32 $0x100, s16;
	s11 =	sadd.s32 s20, s25  }
0x557: {  	s11 =	sadd.s32 s18, s11;
	[tilespmem:s4+$0x0] =	vst.add.f32.msk $0xffff, v2  }
0x558: {  	v2 =	vld [tilespmem:s11+$0x0]  }
0x559: {  	s25 =	sld [smem:$0x7A8];
	_ =	sdelay $0x2  }
0x55a: {  	s4 =	sor.u32 $0x180, s16;
	s11 =	sadd.s32 s20, s25  }
0x55b: {  	s11 =	sadd.s32 s18, s11;
	[tilespmem:s4+$0x0] =	vst.add.f32.msk $0xffff, v2  }
0x55c: {  	s9 =	sadd.s32 s0, s9;
	s4 =	sor.u32 $0x200, s5;
	v2 =	vld [tilespmem:s11+$0x0]  }
0x55d: {  	s9 =	sadd.s32 s13, s9;
	s11 =	sld [smem:$0x7AB];
	[tilespmem:s4+$0x0] =	vst.add.f32.msk $0xffff, v1  }
0x55e: {  	v1 =	vld [tilespmem:s9+$0x0]  }
0x55f: {  	s25 =	sld [smem:$0x79E]  }
0x560: {  	s4 =	sor.u32 $0x200, s16;
	s11 =	sadd.s32 s20, s11  }
0x561: {  	s11 =	sadd.s32 s18, s11;
	[tilespmem:s4+$0x0] =	vst.add.f32.msk $0xffff, v2  }
0x562: {  	s25 =	sadd.s32 s0, s25;
	s4 =	sor.u32 $0x280, s5;
	v2 =	vld [tilespmem:s11+$0x0]  }
0x563: {  	s25 =	sadd.s32 s13, s25;
	s9 =	sld [smem:$0x79E];
	[tilespmem:s4+$0x0] =	vst.add.f32.msk $0xffff, v1  }
0x564: {  	v1 =	vld [tilespmem:s25+$0x0]  }
0x565: {  	s25 =	sld [smem:$0x7A1]  }
0x566: {  	s4 =	sor.u32 $0x280, s16;
	s9 =	sadd.s32 s20, s9  }
0x567: {  	s9 =	sadd.s32 s18, s9;
	[tilespmem:s4+$0x0] =	vst.add.f32.msk $0xffff, v2  }
0x568: {  	s11 =	sadd.s32 s0, s25;
	s4 =	sor.u32 $0x300, s5;
	v2 =	vld [tilespmem:s9+$0x0]  }
0x569: {  	s11 =	sadd.s32 s13, s11;
	s9 =	sld [smem:$0x7A1];
	[tilespmem:s4+$0x0] =	vst.add.f32.msk $0xffff, v1  }
0x56a: {  	v1 =	vld [tilespmem:s11+$0x0]  }
0x56b: {  	s4 =	sld [smem:$0x7A4]  }
0x56c: {  	s25 =	sor.u32 $0x300, s16;
	s9 =	sadd.s32 s20, s9  }
0x56d: {  	s15 =	sor.u32 s17, s15;
	s9 =	sadd.s32 s18, s9;
	[tilespmem:s25+$0x0] =	vst.add.f32.msk $0xffff, v2  }
0x56e: {  	s5 =	sor.u32 $0x380, s15;
	s11 =	sadd.s32 s0, s4;
	v2 =	vld [tilespmem:s9+$0x0]  }
0x56f: {  	s17 =	sadd.s32 s13, s11;
	s16 =	sld [smem:$0x7A4];
	[tilespmem:s5+$0x10800] =	vst.add.f32.msk $0xffff, v1  }
0x570: {  	v1 =	vld [tilespmem:s17+$0x0]  }
0x571: {  	s23 =	sor.u32 s23, s21;
	s4 =	sld [smem:$0x7A7]  }
0x572: {  	s25 =	sor.u32 $0x380, s23;
	s9 =	sadd.s32 s20, s16  }
0x573: {  	s9 =	sadd.s32 s18, s9;
	[tilespmem:s25+$0x10800] =	vst.add.f32.msk $0xffff, v2  }
0x574: {  	s16 =	sadd.s32 s0, s4;
	v2 =	vld [tilespmem:s9+$0x0]  }
0x575: {  	s15 =	sld [smem:$0x7A7];
	[tilespmem:s29+$0x11800] =	vst.add.f32.msk $0xffff, v1;
	s9 =	sadd.s32 s13, s16  }
0x576: {  	v1 =	vld [tilespmem:s9+$0x0]  }
0x577: {  	s17 =	sld [smem:$0x7AA]  }
0x578: {  	v3 =	vld [tilespmem:s22+$0x0];
	s5 =	sadd.s32 s20, s15  }
0x579: {  	s22 =	sld [smem:$0x79D];
	s5 =	sadd.s32 s18, s5;
	[tilespmem:s19+$0x11800] =	vst.add.f32.msk $0xffff, v2  }
0x57a: {  	s9 =	sadd.s32 s0, s17;
	v2 =	vld [tilespmem:s5+$0x0]  }
0x57b: {  	s9 =	sadd.s32 s13, s9;
	s21 =	sld [smem:$0x7AA];
	[tilespmem:s29+$0x11880] =	vst.add.f32.msk $0xffff, v1  }
0x57c: {  	s11 =	sadd.s32 s3, s22;
	v1 =	vld [tilespmem:s9+$0x0]  }
0x57d: {  	[tilespmem:s7+$0x11900] =	vst.add.f32.msk $0xffff, v3;
	s25 =	sadd.s32 s6, s11;
	s23 =	sld [smem:$0x79D]  }
0x57e: {  	v3 =	vld [tilespmem:s25+$0x0];
	s5 =	sadd.s32 s20, s21  }
0x57f: {  	s16 =	sld [smem:$0x7A0];
	s5 =	sadd.s32 s18, s5;
	[tilespmem:s19+$0x11880] =	vst.add.f32.msk $0xffff, v2  }
0x580: {  	s15 =	sadd.s32 s0, s23;
	v2 =	vld [tilespmem:s5+$0x0]  }
0x581: {  	s4 =	sld [smem:$0x79D];
	[tilespmem:s29+$0x11900] =	vst.add.f32.msk $0xffff, v1;
	s5 =	sadd.s32 s13, s15  }
0x582: {  	s9 =	sadd.s32 s3, s16;
	v1 =	vld [tilespmem:s5+$0x0]  }
0x583: {  	[tilespmem:s7+$0x11980] =	vst.add.f32.msk $0xffff, v3;
	s22 =	sadd.s32 s6, s9;
	s21 =	sld [smem:$0x7A0]  }
0x584: {  	v3 =	vld [tilespmem:s22+$0x0];
	s17 =	sadd.s32 s20, s4  }
0x585: {  	s4 =	sld [smem:$0x7A3];
	s5 =	sadd.s32 s18, s17;
	[tilespmem:s19+$0x11900] =	vst.add.f32.msk $0xffff, v2  }
0x586: {  	s25 =	sadd.s32 s0, s21;
	v2 =	vld [tilespmem:s5+$0x0]  }
0x587: {  	s23 =	sld [smem:$0x7A0];
	[tilespmem:s29+$0x11980] =	vst.add.f32.msk $0xffff, v1;
	s5 =	sadd.s32 s13, s25  }
0x588: {  	s11 =	sadd.s32 s3, s4;
	v1 =	vld [tilespmem:s5+$0x0]  }
0x589: {  	[tilespmem:s7+$0x11A00] =	vst.add.f32.msk $0xffff, v3;
	s16 =	sld [smem:$0x7A3];
	s17 =	sadd.s32 s6, s11  }
0x58a: {  	v3 =	vld [tilespmem:s17+$0x0];
	s15 =	sadd.s32 s20, s23  }
0x58b: {  	s23 =	sld [smem:$0x7A6];
	s5 =	sadd.s32 s18, s15;
	[tilespmem:s19+$0x11980] =	vst.add.f32.msk $0xffff, v2  }
0x58c: {  	s22 =	sadd.s32 s0, s16;
	v2 =	vld [tilespmem:s5+$0x0]  }
0x58d: {  	s21 =	sld [smem:$0x7A3];
	[tilespmem:s29+$0x11A00] =	vst.add.f32.msk $0xffff, v1;
	s5 =	sadd.s32 s13, s22  }
0x58e: {  	s9 =	sadd.s32 s3, s23;
	v1 =	vld [tilespmem:s5+$0x0]  }
0x58f: {  	s4 =	sld [smem:$0x7A6];
	[tilespmem:s7+$0x11A80] =	vst.add.f32.msk $0xffff, v3;
	s9 =	sadd.s32 s6, s9  }
0x590: {  	v3 =	vld [tilespmem:s9+$0x0];
	s25 =	sadd.s32 s20, s21  }
0x591: {  	s17 =	sld [smem:$0x7A9];
	s5 =	sadd.s32 s18, s25;
	[tilespmem:s19+$0x11A00] =	vst.add.f32.msk $0xffff, v2  }
0x592: {  	s16 =	sadd.s32 s0, s4;
	v2 =	vld [tilespmem:s5+$0x0]  }
0x593: {  	s15 =	sld [smem:$0x7A6];
	[tilespmem:s29+$0x11A80] =	vst.add.f32.msk $0xffff, v1;
	s5 =	sadd.s32 s13, s16  }
0x594: {  	s23 =	sadd.s32 s3, s17;
	v1 =	vld [tilespmem:s5+$0x0]  }
0x595: {  	s3 =	sadd.s32 s6, s23;
	[tilespmem:s7+$0x11B00] =	vst.add.f32.msk $0xffff, v3  }
0x596: {  	s22 =	sld [smem:$0x7A9];
	v3 =	vld [tilespmem:s3+$0x0];
	s21 =	sadd.s32 s20, s15  }
0x597: {  	s5 =	sadd.s32 s18, s21;
	[tilespmem:s19+$0x11A80] =	vst.add.f32.msk $0xffff, v2  }
0x598: {  	v2 =	vld [tilespmem:s5+$0x0]  }
0x599: {  	[tilespmem:s1+$0x11B80] =	vst.add.f32.msk $0xffff, v0;
	s4 =	sadd.s32 s0, s22;
	s25 =	sld [smem:$0x7A9]  }
0x59a: {  	s0 =	sadd.s32 s13, s4;
	[tilespmem:s29+$0x11B00] =	vst.add.f32.msk $0xffff, v1  }
0x59b: {  	v1 =	vld [tilespmem:s0+$0x0]  }
0x59c: {  	[tilespmem:s7+$0x11B80] =	vst.add.f32.msk $0xffff, v3;
	s6 =	sadd.s32 s20, s25  }
0x59d: {  	s0 =	sadd.s32 s18, s6;
	[tilespmem:s19+$0x11B00] =	vst.add.f32.msk $0xffff, v2  }
0x59e: {  	v2 =	vld [tilespmem:s0+$0x0];
	s9 =	sld [smem:$0x7FC];
	_ =	sdelay $0x1  }
0x59f: {  	s6 =	sshll.u32 s24, $0x14  }
0x5a0: {  	s0 =	sor.u32 s9, s6  }
0x5a1: {  	s15 =	simm.s32 $0x3;
	[tilespmem:s29+$0x11B80] =	vst.add.f32.msk $0xffff, v1;
	s0 =	sshrl.u32 s0, $0x3  }
0x5a2: {  	s13 =	simm.s32 $0x10800;
	[tilespmem:s19+$0x11B80] =	vst.add.f32.msk $0xffff, v2;
	s11 =	sadd.s32 s2, s0;
	s0 =	simm.s32 $0x0  }
0x5a3: {  	[hbm4b:s11+s0] =	stream.linear.scatter [tilespmem:s13], [sflag:$0x1], $0x2000, $0x38;
	[tilespmem:$0x18900] =	vst v63  }
0x5a4: {  	_ =	swait.ge [sflag:s15], $0x2000  }
0x5a5: {  	s16 =	sld [smem:$0x7F7]  }
0x5a6: {  	[sflag:s15] =	ssyncset.done $0x0  }
0x5a7: {  	s17 =	simm.s32 $0x14800;
	[sflag:s15] =	ssyncadd.s32 $0xFFFFE000  }
0x5a8: {  	[tilespmem:s17], [sflag:$0x7] =	stream.linear.gather [spmem:s16], $0x2000, $0x38;
	[tilespmem:$0x18900] =	vst v63  }
0x5a9: {  	_ =	swait.ge [sflag:s10], $0x2000  }
0x5aa: {  	[sflag:s10] =	ssyncset.done $0x0  }
0x5ab: {  	[sflag:s10] =	ssyncadd.s32 $0xFFFFE000  }
0x5ac: {  	v0 =	vld [tilespmem:$0x18890];
	_ =	sdelay $0x4  }
0x5ad: {  	v0 =	vshll.u32 v0, $0x9  }
0x5ae: {  	(v2sf) =	vpush v0, $0x0  }
0x5af: {  	(v2sf) =	vpush v0, $0x1;
	_ =	sdelay $0x1  }
0x5b0: {  	(v2sf) =	vpush v0, $0x2  }
0x5b1: {  	(v2sf) =	vpush v0, $0x3  }
0x5b2: {  	(v2sf) =	vpush v0, $0x4  }
0x5b3: {  	(v2sf) =	vpush v0, $0x5  }
0x5b4: {  	(v2sf) =	vpush v0, $0x6  }
0x5b5: {  	(v2sf) =	vpush v0, $0x7  }
0x5b6: {  	(v2sf) =	vpush v0, $0x8  }
0x5b7: {  	(v2sf) =	vpush v0, $0x9  }
0x5b8: {  	(v2sf) =	vpush v0, $0xA  }
0x5b9: {  	(v2sf) =	vpush v0, $0xB  }
0x5ba: {  	(v2sf) =	vpush v0, $0xC  }
0x5bb: {  	(v2sf) =	vpush v0, $0xD  }
0x5bc: {  	s18 =	spop (v2sf);
	(v2sf) =	vpush v0, $0xE  }
0x5bd: {  	s19 =	spop (v2sf);
	[smem:$0x79C] =	sst s18;
	(v2sf) =	vpush v0, $0xF  }
0x5be: {  	[smem:$0x78F] =	sst s19  }
0x5bf: {  	s20 =	spop (v2sf);
	s16 =	sld [smem:$0x79C]  }
0x5c0: {  	s21 =	spop (v2sf);
	[smem:$0x792] =	sst s20  }
0x5c1: {  	s22 =	spop (v2sf);
	[smem:$0x795] =	sst s21  }
0x5c2: {  	s23 =	spop (v2sf);
	[smem:$0x798] =	sst s22  }
0x5c3: {  	s25 =	spop (v2sf);
	[smem:$0x79B] =	sst s23  }
0x5c4: {  	s4 =	spop (v2sf);
	[smem:$0x78E] =	sst s25  }
0x5c5: {  	s5 =	spop (v2sf);
	[smem:$0x791] =	sst s4  }
0x5c6: {  	s7 =	spop (v2sf);
	[smem:$0x794] =	sst s5  }
0x5c7: {  	s9 =	spop (v2sf);
	[smem:$0x797] =	sst s7  }
0x5c8: {  	s11 =	spop (v2sf);
	[smem:$0x79A] =	sst s9  }
0x5c9: {  	s13 =	spop (v2sf);
	[smem:$0x78D] =	sst s11  }
0x5ca: {  	s17 =	sand.u32 $0x70, s0;
	[smem:$0x790] =	sst s13;
	s15 =	spop (v2sf)  }
0x5cb: {  	s21 =	sand.u32 $0x180, s0;
	[smem:$0x793] =	sst s15;
	s18 =	spop (v2sf)  }
0x5cc: {  	s3 =	sadd.s32 s21, s16;
	[smem:$0x796] =	sst s18;
	s19 =	spop (v2sf)  }
0x5cd: {  	s20 =	sadd.s32 s17, s3;
	[smem:$0x799] =	sst s19  }
0x5ce: {  	v0 =	vld [tilespmem:s20+$0x0]  }
0x5cf: {  	s22 =	sld [smem:$0x78F];
	_ =	sdelay $0x1  }
0x5d0: {  	s23 =	sand.u32 $0xC00, s0  }
0x5d1: {  	s1 =	sor.u32 s17, s23;
	s3 =	sadd.s32 s21, s22  }
0x5d2: {  	s3 =	sadd.s32 s17, s3;
	[tilespmem:s1+$0x12800] =	vst.add.f32.msk $0xffff, v0  }
0x5d3: {  	v0 =	vld [tilespmem:s3+$0x0]  }
0x5d4: {  	s25 =	sld [smem:$0x792];
	_ =	sdelay $0x1  }
0x5d5: {  	s5 =	sadd.s32 $0x12800, s1  }
0x5d6: {  	s4 =	sor.u32 $0x80, s5;
	s3 =	sadd.s32 s21, s25  }
0x5d7: {  	s3 =	sadd.s32 s17, s3;
	[tilespmem:s4+$0x0] =	vst.add.f32.msk $0xffff, v0  }
0x5d8: {  	v0 =	vld [tilespmem:s3+$0x0]  }
0x5d9: {  	s7 =	sld [smem:$0x795];
	_ =	sdelay $0x2  }
0x5da: {  	s9 =	sor.u32 $0x100, s5;
	s3 =	sadd.s32 s21, s7  }
0x5db: {  	s3 =	sadd.s32 s17, s3;
	[tilespmem:s9+$0x0] =	vst.add.f32.msk $0xffff, v0  }
0x5dc: {  	v0 =	vld [tilespmem:s3+$0x0]  }
0x5dd: {  	s11 =	sld [smem:$0x798];
	_ =	sdelay $0x2  }
0x5de: {  	s13 =	sor.u32 $0x180, s5;
	s3 =	sadd.s32 s21, s11  }
0x5df: {  	s3 =	sadd.s32 s17, s3;
	[tilespmem:s13+$0x0] =	vst.add.f32.msk $0xffff, v0  }
0x5e0: {  	v0 =	vld [tilespmem:s3+$0x0]  }
0x5e1: {  	s15 =	sld [smem:$0x79B];
	_ =	sdelay $0x1  }
0x5e2: {  	s16 =	sld [smem:$0x79C]  }
0x5e3: {  	s18 =	simm.s32 $0x10;
	s19 =	sor.u32 $0x200, s5;
	s20 =	sadd.s32 s21, s15  }
0x5e4: {  	s3 =	sand.u32 $0x180, s18;
	s11 =	sadd.s32 s17, s20;
	[tilespmem:s19+$0x0] =	vst.add.f32.msk $0xffff, v0  }
0x5e5: {  	s7 =	sand.u32 $0x70, s18;
	s9 =	sadd.s32 s3, s16;
	v0 =	vld [tilespmem:s11+$0x0]  }
0x5e6: {  	s9 =	sadd.s32 s7, s9;
	s22 =	sld [smem:$0x78E]  }
0x5e7: {  	v1 =	vld [tilespmem:s9+$0x0]  }
0x5e8: {  	s23 =	sld [smem:$0x78F]  }
0x5e9: {  	s25 =	sor.u32 $0x280, s5;
	s20 =	simm.s32 $0x80;
	s11 =	sadd.s32 s21, s22  }
0x5ea: {  	s4 =	sand.u32 $0xC00, s20;
	s11 =	sadd.s32 s17, s11;
	[tilespmem:s25+$0x0] =	vst.add.f32.msk $0xffff, v0  }
0x5eb: {  	s9 =	sadd.s32 s3, s23;
	s29 =	sor.u32 s7, s4;
	v0 =	vld [tilespmem:s11+$0x0]  }
0x5ec: {  	s9 =	sadd.s32 s7, s9;
	[tilespmem:s29+$0x12800] =	vst.add.f32.msk $0xffff, v1;
	s13 =	sld [smem:$0x791]  }
0x5ed: {  	v1 =	vld [tilespmem:s9+$0x0]  }
0x5ee: {  	s15 =	sld [smem:$0x792]  }
0x5ef: {  	s16 =	sor.u32 $0x300, s5;
	s11 =	sadd.s32 s21, s13  }
0x5f0: {  	s5 =	sadd.s32 $0x12800, s29;
	s11 =	sadd.s32 s17, s11;
	[tilespmem:s16+$0x0] =	vst.add.f32.msk $0xffff, v0  }
0x5f1: {  	s19 =	sor.u32 $0x80, s5;
	s9 =	sadd.s32 s3, s15;
	v0 =	vld [tilespmem:s11+$0x0]  }
0x5f2: {  	s9 =	sadd.s32 s7, s9;
	[tilespmem:s19+$0x0] =	vst.add.f32.msk $0xffff, v1;
	s22 =	sld [smem:$0x794]  }
0x5f3: {  	v1 =	vld [tilespmem:s9+$0x0]  }
0x5f4: {  	s0 =	sor.u32 s0, s0;
	s23 =	sld [smem:$0x795]  }
0x5f5: {  	s0 =	sor.u32 $0x380, s0;
	s11 =	sadd.s32 s21, s22  }
0x5f6: {  	s25 =	sadd.s32 s17, s11;
	[tilespmem:s0+$0x12800] =	vst.add.f32.msk $0xffff, v0  }
0x5f7: {  	s4 =	sor.u32 $0x100, s5;
	s9 =	sadd.s32 s3, s23;
	v0 =	vld [tilespmem:s25+$0x0]  }
0x5f8: {  	[tilespmem:s4+$0x0] =	vst.add.f32.msk $0xffff, v1;
	s11 =	sadd.s32 s7, s9;
	s13 =	sld [smem:$0x797]  }
0x5f9: {  	v1 =	vld [tilespmem:s11+$0x0]  }
0x5fa: {  	s15 =	sld [smem:$0x798]  }
0x5fb: {  	s9 =	sadd.s32 s21, s13  }
0x5fc: {  	s9 =	sadd.s32 s17, s9;
	[tilespmem:s1+$0x13800] =	vst.add.f32.msk $0xffff, v0  }
0x5fd: {  	s16 =	sor.u32 $0x180, s5;
	s0 =	sadd.s32 s3, s15;
	v0 =	vld [tilespmem:s9+$0x0]  }
0x5fe: {  	s0 =	sadd.s32 s7, s0;
	[tilespmem:s16+$0x0] =	vst.add.f32.msk $0xffff, v1;
	s19 =	sld [smem:$0x79A]  }
0x5ff: {  	v1 =	vld [tilespmem:s0+$0x0]  }
0x600: {  	s22 =	sld [smem:$0x79B]  }
0x601: {  	s9 =	sadd.s32 s21, s19  }
0x602: {  	s23 =	sld [smem:$0x79C];
	s9 =	sadd.s32 s17, s9;
	[tilespmem:s1+$0x13880] =	vst.add.f32.msk $0xffff, v0  }
0x603: {  	s30 =	simm.s32 $0x20;
	s25 =	sor.u32 $0x200, s5;
	s4 =	sadd.s32 s3, s22;
	v0 =	vld [tilespmem:s9+$0x0]  }
0x604: {  	s0 =	sand.u32 $0x180, s30;
	s16 =	sadd.s32 s7, s4;
	[tilespmem:s25+$0x0] =	vst.add.f32.msk $0xffff, v1;
	s19 =	sld [smem:$0x78D]  }
0x605: {  	s13 =	sand.u32 $0x70, s30;
	s11 =	sadd.s32 s0, s23;
	v1 =	vld [tilespmem:s16+$0x0]  }
0x606: {  	s22 =	sadd.s32 s13, s11;
	s23 =	sld [smem:$0x78E]  }
0x607: {  	v2 =	vld [tilespmem:s22+$0x0];
	s25 =	sadd.s32 s21, s19  }
0x608: {  	s4 =	sld [smem:$0x78F];
	s9 =	sadd.s32 s17, s25;
	[tilespmem:s1+$0x13900] =	vst.add.f32.msk $0xffff, v0  }
0x609: {  	s22 =	sor.u32 $0x280, s5;
	s11 =	sadd.s32 s3, s23;
	s19 =	simm.s32 $0x100;
	v0 =	vld [tilespmem:s9+$0x0]  }
0x60a: {  	s11 =	sadd.s32 s7, s11;
	s23 =	sand.u32 $0xC00, s19;
	[tilespmem:s22+$0x0] =	vst.add.f32.msk $0xffff, v1;
	s25 =	sld [smem:$0x790]  }
0x60b: {  	s4 =	sadd.s32 s0, s4;
	s15 =	sor.u32 s13, s23;
	v1 =	vld [tilespmem:s11+$0x0]  }
0x60c: {  	s16 =	sld [smem:$0x791];
	[tilespmem:s15+$0x12800] =	vst.add.f32.msk $0xffff, v2;
	s9 =	sadd.s32 s13, s4  }
0x60d: {  	v2 =	vld [tilespmem:s9+$0x0];
	s23 =	sadd.s32 s21, s25  }
0x60e: {  	s25 =	sld [smem:$0x792];
	s9 =	sadd.s32 s17, s23;
	[tilespmem:s1+$0x13980] =	vst.add.f32.msk $0xffff, v0  }
0x60f: {  	s4 =	sor.u32 $0x300, s5;
	s11 =	sadd.s32 s3, s16;
	v0 =	vld [tilespmem:s9+$0x0]  }
0x610: {  	s5 =	sadd.s32 $0x12800, s15;
	s11 =	sadd.s32 s7, s11;
	[tilespmem:s4+$0x0] =	vst.add.f32.msk $0xffff, v1;
	s22 =	sld [smem:$0x793]  }
0x611: {  	s23 =	sor.u32 $0x80, s5;
	v1 =	vld [tilespmem:s11+$0x0];
	s16 =	sadd.s32 s0, s25  }
0x612: {  	s4 =	sld [smem:$0x794];
	[tilespmem:s23+$0x0] =	vst.add.f32.msk $0xffff, v2;
	s25 =	sadd.s32 s13, s16  }
0x613: {  	v2 =	vld [tilespmem:s25+$0x0];
	s11 =	sadd.s32 s21, s22  }
0x614: {  	s23 =	sld [smem:$0x795];
	s22 =	sor.u32 s20, s18;
	s9 =	sadd.s32 s17, s11;
	[tilespmem:s1+$0x13A00] =	vst.add.f32.msk $0xffff, v0  }
0x615: {  	s16 =	sadd.s32 s3, s4;
	s11 =	sor.u32 $0x380, s22;
	v0 =	vld [tilespmem:s9+$0x0]  }
0x616: {  	s25 =	sadd.s32 s7, s16;
	[tilespmem:s11+$0x12800] =	vst.add.f32.msk $0xffff, v1;
	s4 =	sld [smem:$0x796]  }
0x617: {  	s20 =	sor.u32 $0x100, s5;
	s18 =	sadd.s32 s0, s23;
	v1 =	vld [tilespmem:s25+$0x0]  }
0x618: {  	s22 =	sadd.s32 s13, s18;
	s23 =	sld [smem:$0x797];
	[tilespmem:s20+$0x0] =	vst.add.f32.msk $0xffff, v2  }
0x619: {  	v2 =	vld [tilespmem:s22+$0x0];
	s25 =	sadd.s32 s21, s4  }
0x61a: {  	s4 =	sld [smem:$0x798];
	s9 =	sadd.s32 s17, s25;
	[tilespmem:s1+$0x13A80] =	vst.add.f32.msk $0xffff, v0  }
0x61b: {  	s16 =	sadd.s32 s3, s23;
	v0 =	vld [tilespmem:s9+$0x0]  }
0x61c: {  	s18 =	sadd.s32 s7, s16;
	[tilespmem:s29+$0x13800] =	vst.add.f32.msk $0xffff, v1;
	s20 =	sld [smem:$0x799]  }
0x61d: {  	s22 =	sor.u32 $0x180, s5;
	s11 =	sadd.s32 s0, s4;
	v3 =	vld [tilespmem:s18+$0x0]  }
0x61e: {  	s25 =	sld [smem:$0x79A];
	[tilespmem:s22+$0x0] =	vst.add.f32.msk $0xffff, v2;
	s23 =	sadd.s32 s13, s11  }
0x61f: {  	v1 =	vld [tilespmem:s23+$0x0];
	s16 =	sadd.s32 s21, s20  }
0x620: {  	s9 =	sld [smem:$0x79B];
	s16 =	sadd.s32 s17, s16;
	[tilespmem:s1+$0x13B00] =	vst.add.f32.msk $0xffff, v0  }
0x621: {  	s18 =	simm.s32 $0x40;
	s23 =	sld [smem:$0x79C];
	s11 =	sadd.s32 s3, s25;
	v0 =	vld [tilespmem:s16+$0x0]  }
0x622: {  	s21 =	simm.s32 $0x30;
	s22 =	sadd.s32 s7, s11;
	s17 =	simm.s32 $0x100;
	[tilespmem:s29+$0x13880] =	vst.add.f32.msk $0xffff, v3  }
.LBB2_15:
0x623: {  	p1 =	sne.s32 s18, $0x1F0;
	s11 =	sor.u32 $0x200, s5;
	s9 =	sadd.s32 s0, s9;
	v2 =	vld [tilespmem:s22+$0x0]  }
0x624: {  	s22 =	sand.u32 $0x180, s21;
	[tilespmem:s11+$0x0] =	vst.add.f32.msk $0xffff, v1;
	s9 =	sadd.s32 s13, s9;
	s11 =	sld [smem:$0x78D]  }
0x625: {  	s20 =	sand.u32 $0x70, s21;
	s16 =	sadd.s32 s22, s23;
	v1 =	vld [tilespmem:s9+$0x0]  }
0x626: {  	s9 =	sadd.s32 s20, s16;
	s16 =	sld [smem:$0x78E];
	[tilespmem:s1+$0x13B80] =	vst.add.f32.msk $0xffff, v0;
	s1 =	smov.u32 s29  }
0x627: {  	s29 =	smov.u32 s15;
	v0 =	vld [tilespmem:s9+$0x0];
	s9 =	sadd.s32 s3, s11  }
0x628: {  	s11 =	sld [smem:$0x78F];
	[tilespmem:s1+$0x13900] =	vst.add.f32.msk $0xffff, v2;
	s9 =	sadd.s32 s7, s9  }
0x629: {  	s19 =	sadd.s32 $0x80, s19;
	s15 =	sor.u32 $0x280, s5;
	s16 =	sadd.s32 s0, s16;
	v2 =	vld [tilespmem:s9+$0x0]  }
0x62a: {  	s9 =	sand.u32 $0xC00, s19;
	[tilespmem:s15+$0x0] =	vst.add.f32.msk $0xffff, v1;
	s16 =	sadd.s32 s13, s16;
	s23 =	sld [smem:$0x790]  }
0x62b: {  	s15 =	sor.u32 s20, s9;
	s9 =	sadd.s32 s22, s11;
	v1 =	vld [tilespmem:s16+$0x0]  }
0x62c: {  	[tilespmem:s15+$0x12800] =	vst.add.f32.msk $0xffff, v0;
	s9 =	sadd.s32 s20, s9;
	s11 =	sld [smem:$0x791]  }
0x62d: {  	v0 =	vld [tilespmem:s9+$0x0];
	s9 =	sadd.s32 s3, s23  }
0x62e: {  	s16 =	sld [smem:$0x792];
	[tilespmem:s1+$0x13980] =	vst.add.f32.msk $0xffff, v2;
	s9 =	sadd.s32 s7, s9  }
0x62f: {  	s23 =	sor.u32 $0x300, s5;
	s11 =	sadd.s32 s0, s11;
	v2 =	vld [tilespmem:s9+$0x0]  }
0x630: {  	s5 =	sadd.s32 $0x12800, s15;
	[tilespmem:s23+$0x0] =	vst.add.f32.msk $0xffff, v1;
	s9 =	sadd.s32 s13, s11;
	s11 =	sld [smem:$0x793]  }
0x631: {  	s23 =	sor.u32 $0x80, s5;
	s16 =	sadd.s32 s22, s16;
	v1 =	vld [tilespmem:s9+$0x0]  }
0x632: {  	[tilespmem:s23+$0x0] =	vst.add.f32.msk $0xffff, v0;
	s9 =	sadd.s32 s20, s16;
	s16 =	sld [smem:$0x794]  }
0x633: {  	v0 =	vld [tilespmem:s9+$0x0];
	s9 =	sadd.s32 s3, s11  }
0x634: {  	s17 =	sor.u32 s17, s30;
	s11 =	sld [smem:$0x795];
	[tilespmem:s1+$0x13A00] =	vst.add.f32.msk $0xffff, v2;
	s9 =	sadd.s32 s7, s9  }
0x635: {  	s23 =	sor.u32 $0x380, s17;
	s17 =	smov.u32 s19;
	s16 =	sadd.s32 s0, s16;
	v2 =	vld [tilespmem:s9+$0x0]  }
0x636: {  	s30 =	smov.u32 s21;
	[tilespmem:s23+$0x12800] =	vst.add.f32.msk $0xffff, v1;
	s9 =	sadd.s32 s13, s16;
	s16 =	sld [smem:$0x796]  }
0x637: {  	s21 =	smov.u32 s18;
	s23 =	sor.u32 $0x100, s5;
	s11 =	sadd.s32 s22, s11;
	v1 =	vld [tilespmem:s9+$0x0]  }
0x638: {  	[tilespmem:s23+$0x0] =	vst.add.f32.msk $0xffff, v0;
	s9 =	sadd.s32 s20, s11;
	s11 =	sld [smem:$0x797]  }
0x639: {  	v0 =	vld [tilespmem:s9+$0x0];
	s9 =	sadd.s32 s3, s16  }
0x63a: {  	s16 =	sld [smem:$0x798];
	[tilespmem:s1+$0x13A80] =	vst.add.f32.msk $0xffff, v2;
	s9 =	sadd.s32 s7, s9  }
0x63b: {  	s11 =	sadd.s32 s0, s11;
	v2 =	vld [tilespmem:s9+$0x0]  }
0x63c: {  	[tilespmem:s29+$0x13800] =	vst.add.f32.msk $0xffff, v1;
	s9 =	sadd.s32 s13, s11;
	s11 =	sld [smem:$0x799]  }
0x63d: {  	s23 =	sor.u32 $0x180, s5;
	s16 =	sadd.s32 s22, s16;
	v3 =	vld [tilespmem:s9+$0x0]  }
.Ltmp6:
0x63e: {  	[tilespmem:s23+$0x0] =	vst.add.f32.msk $0xffff, v0;
	s9 =	sadd.s32 s20, s16;
	s16 =	sld [smem:$0x79A];
	(pc) =	sbr.rel @p1 .LBB2_15-.Ltmp6, $4  }
0x63f: {  	v1 =	vld [tilespmem:s9+$0x0];
	s11 =	sadd.s32 s3, s11;
	s3 =	smov.u32 s0;
	s0 =	smov.u32 s22  }
0x640: {  	s9 =	sld [smem:$0x79B];
	[tilespmem:s1+$0x13B00] =	vst.add.f32.msk $0xffff, v2;
	s11 =	sadd.s32 s7, s11;
	s7 =	smov.u32 s13  }
0x641: {  	s13 =	smov.u32 s20;
	s16 =	sadd.s32 s3, s16;
	v0 =	vld [tilespmem:s11+$0x0]  }
0x642: {  	s18 =	sadd.s32 $0x10, s18;
	s23 =	sld [smem:$0x79C];
	[tilespmem:s29+$0x13880] =	vst.add.f32.msk $0xffff, v3;
	s22 =	sadd.s32 s7, s16  }
0x643: {  	_ = 	snop  }
0x644: {  	s20 =	sand.u32 $0x180, s21  }
0x645: {  	s18 =	sand.u32 $0x70, s21;
	s11 =	sadd.s32 s20, s23  }
0x646: {  	s11 =	sadd.s32 s18, s11  }
0x647: {  	v2 =	vld [tilespmem:s11+$0x0]  }
0x648: {  	s25 =	sld [smem:$0x78F]  }
0x649: {  	s23 =	sadd.s32 $0x80, s19  }
0x64a: {  	s16 =	sand.u32 $0xC00, s23  }
0x64b: {  	s19 =	sor.u32 s18, s16;
	s11 =	sadd.s32 s20, s25  }
0x64c: {  	s11 =	sadd.s32 s18, s11;
	[tilespmem:s19+$0x12800] =	vst.add.f32.msk $0xffff, v2  }
0x64d: {  	v2 =	vld [tilespmem:s11+$0x0]  }
0x64e: {  	s4 =	sld [smem:$0x792];
	_ =	sdelay $0x1  }
0x64f: {  	s16 =	sadd.s32 $0x12800, s19  }
0x650: {  	s25 =	sor.u32 $0x80, s16;
	s11 =	sadd.s32 s20, s4  }
0x651: {  	s11 =	sadd.s32 s18, s11;
	[tilespmem:s25+$0x0] =	vst.add.f32.msk $0xffff, v2  }
0x652: {  	v2 =	vld [tilespmem:s11+$0x0]  }
0x653: {  	s25 =	sld [smem:$0x795];
	_ =	sdelay $0x2  }
0x654: {  	s4 =	sor.u32 $0x100, s16;
	s11 =	sadd.s32 s20, s25  }
0x655: {  	s11 =	sadd.s32 s18, s11;
	[tilespmem:s4+$0x0] =	vst.add.f32.msk $0xffff, v2  }
0x656: {  	v2 =	vld [tilespmem:s11+$0x0]  }
0x657: {  	s25 =	sld [smem:$0x798];
	_ =	sdelay $0x2  }
0x658: {  	s4 =	sor.u32 $0x180, s16;
	s11 =	sadd.s32 s20, s25  }
0x659: {  	s11 =	sadd.s32 s18, s11;
	[tilespmem:s4+$0x0] =	vst.add.f32.msk $0xffff, v2  }
0x65a: {  	s9 =	sadd.s32 s0, s9;
	s4 =	sor.u32 $0x200, s5;
	v2 =	vld [tilespmem:s11+$0x0]  }
0x65b: {  	s9 =	sadd.s32 s13, s9;
	s11 =	sld [smem:$0x79B];
	[tilespmem:s4+$0x0] =	vst.add.f32.msk $0xffff, v1  }
0x65c: {  	v1 =	vld [tilespmem:s9+$0x0]  }
0x65d: {  	s25 =	sld [smem:$0x78E]  }
0x65e: {  	s4 =	sor.u32 $0x200, s16;
	s11 =	sadd.s32 s20, s11  }
0x65f: {  	s11 =	sadd.s32 s18, s11;
	[tilespmem:s4+$0x0] =	vst.add.f32.msk $0xffff, v2  }
0x660: {  	s25 =	sadd.s32 s0, s25;
	s4 =	sor.u32 $0x280, s5;
	v2 =	vld [tilespmem:s11+$0x0]  }
0x661: {  	s9 =	sld [smem:$0x78E];
	[tilespmem:s4+$0x0] =	vst.add.f32.msk $0xffff, v1;
	s4 =	sadd.s32 s13, s25  }
0x662: {  	v1 =	vld [tilespmem:s4+$0x0]  }
0x663: {  	s4 =	sld [smem:$0x791]  }
0x664: {  	s25 =	sor.u32 $0x280, s16;
	s9 =	sadd.s32 s20, s9  }
0x665: {  	s9 =	sadd.s32 s18, s9;
	[tilespmem:s25+$0x0] =	vst.add.f32.msk $0xffff, v2  }
0x666: {  	s11 =	sadd.s32 s0, s4;
	s25 =	sor.u32 $0x300, s5;
	v2 =	vld [tilespmem:s9+$0x0]  }
0x667: {  	s4 =	sadd.s32 s13, s11;
	s9 =	sld [smem:$0x791];
	[tilespmem:s25+$0x0] =	vst.add.f32.msk $0xffff, v1  }
0x668: {  	v1 =	vld [tilespmem:s4+$0x0]  }
0x669: {  	s11 =	sor.u32 $0x300, s16;
	s16 =	sld [smem:$0x794]  }
0x66a: {  	s9 =	sadd.s32 s20, s9  }
0x66b: {  	s17 =	sor.u32 s17, s30;
	s9 =	sadd.s32 s18, s9;
	[tilespmem:s11+$0x0] =	vst.add.f32.msk $0xffff, v2  }
0x66c: {  	s5 =	sadd.s32 s0, s16;
	v2 =	vld [tilespmem:s9+$0x0];
	s9 =	sor.u32 $0x380, s17  }
0x66d: {  	s5 =	sadd.s32 s13, s5;
	s25 =	sld [smem:$0x794];
	[tilespmem:s9+$0x12800] =	vst.add.f32.msk $0xffff, v1  }
0x66e: {  	v1 =	vld [tilespmem:s5+$0x0]  }
0x66f: {  	s4 =	sor.u32 s23, s21;
	s21 =	sld [smem:$0x797]  }
0x670: {  	v3 =	vld [tilespmem:s22+$0x0];
	s16 =	sor.u32 $0x380, s4;
	s17 =	sadd.s32 s20, s25  }
0x671: {  	s23 =	sadd.s32 s18, s17;
	[tilespmem:s16+$0x12800] =	vst.add.f32.msk $0xffff, v2  }
0x672: {  	s4 =	sadd.s32 s0, s21;
	v2 =	vld [tilespmem:s23+$0x0]  }
0x673: {  	s25 =	sld [smem:$0x797];
	s9 =	sadd.s32 s13, s4;
	[tilespmem:s15+$0x13800] =	vst.add.f32.msk $0xffff, v1  }
0x674: {  	s17 =	sld [smem:$0x78D];
	v1 =	vld [tilespmem:s9+$0x0]  }
0x675: {  	s11 =	sld [smem:$0x79A]  }
0x676: {  	[tilespmem:s29+$0x13900] =	vst.add.f32.msk $0xffff, v3;
	s5 =	sadd.s32 s20, s25  }
0x677: {  	s5 =	sadd.s32 s18, s5;
	[tilespmem:s19+$0x13800] =	vst.add.f32.msk $0xffff, v2  }
0x678: {  	s9 =	sadd.s32 s0, s11;
	s11 =	sadd.s32 s3, s17;
	v2 =	vld [tilespmem:s5+$0x0]  }
0x679: {  	s16 =	sld [smem:$0x79A];
	s22 =	sadd.s32 s7, s11;
	[tilespmem:s15+$0x13880] =	vst.add.f32.msk $0xffff, v1  }
0x67a: {  	s9 =	sadd.s32 s13, s9;
	v3 =	vld [tilespmem:s22+$0x0]  }
0x67b: {  	v1 =	vld [tilespmem:s9+$0x0]  }
0x67c: {  	s4 =	sld [smem:$0x790];
	s5 =	sadd.s32 s20, s16  }
0x67d: {  	s21 =	sld [smem:$0x78D];
	s5 =	sadd.s32 s18, s5;
	[tilespmem:s19+$0x13880] =	vst.add.f32.msk $0xffff, v2  }
0x67e: {  	v2 =	vld [tilespmem:s5+$0x0]  }
0x67f: {  	s9 =	sadd.s32 s3, s4;
	[tilespmem:s29+$0x13980] =	vst.add.f32.msk $0xffff, v3  }
0x680: {  	s17 =	sadd.s32 s7, s9;
	s25 =	sadd.s32 s0, s21;
	s23 =	sld [smem:$0x78D];
	[tilespmem:s15+$0x13900] =	vst.add.f32.msk $0xffff, v1  }
0x681: {  	s5 =	sadd.s32 s13, s25;
	v3 =	vld [tilespmem:s17+$0x0]  }
0x682: {  	v1 =	vld [tilespmem:s5+$0x0]  }
0x683: {  	s16 =	sld [smem:$0x790];
	s11 =	sadd.s32 s20, s23  }
0x684: {  	s23 =	sld [smem:$0x793];
	s5 =	sadd.s32 s18, s11;
	[tilespmem:s19+$0x13900] =	vst.add.f32.msk $0xffff, v2  }
0x685: {  	v2 =	vld [tilespmem:s5+$0x0]  }
0x686: {  	s22 =	sadd.s32 s0, s16;
	[tilespmem:s29+$0x13A00] =	vst.add.f32.msk $0xffff, v3  }
0x687: {  	s21 =	sld [smem:$0x790];
	s5 =	sadd.s32 s13, s22;
	s11 =	sadd.s32 s3, s23;
	[tilespmem:s15+$0x13980] =	vst.add.f32.msk $0xffff, v1  }
0x688: {  	s11 =	sadd.s32 s7, s11;
	v1 =	vld [tilespmem:s5+$0x0]  }
0x689: {  	v3 =	vld [tilespmem:s11+$0x0]  }
0x68a: {  	s4 =	sld [smem:$0x793];
	s25 =	sadd.s32 s20, s21  }
0x68b: {  	s21 =	sld [smem:$0x796];
	s5 =	sadd.s32 s18, s25;
	[tilespmem:s19+$0x13980] =	vst.add.f32.msk $0xffff, v2  }
0x68c: {  	v2 =	vld [tilespmem:s5+$0x0]  }
0x68d: {  	s17 =	sadd.s32 s0, s4;
	[tilespmem:s15+$0x13A00] =	vst.add.f32.msk $0xffff, v1  }
0x68e: {  	s16 =	sld [smem:$0x793];
	s5 =	sadd.s32 s13, s17;
	s9 =	sadd.s32 s3, s21;
	[tilespmem:s29+$0x13A80] =	vst.add.f32.msk $0xffff, v3  }
0x68f: {  	s25 =	sadd.s32 s7, s9;
	v1 =	vld [tilespmem:s5+$0x0]  }
0x690: {  	v3 =	vld [tilespmem:s25+$0x0]  }
0x691: {  	s23 =	sld [smem:$0x796];
	s22 =	sadd.s32 s20, s16  }
0x692: {  	s17 =	sld [smem:$0x799];
	s5 =	sadd.s32 s18, s22;
	[tilespmem:s19+$0x13A00] =	vst.add.f32.msk $0xffff, v2  }
0x693: {  	v2 =	vld [tilespmem:s5+$0x0]  }
0x694: {  	s16 =	sadd.s32 s0, s23;
	s4 =	sld [smem:$0x796];
	[tilespmem:s15+$0x13A80] =	vst.add.f32.msk $0xffff, v1  }
0x695: {  	s23 =	sadd.s32 s3, s17;
	s5 =	sadd.s32 s13, s16;
	[tilespmem:s29+$0x13B00] =	vst.add.f32.msk $0xffff, v3  }
0x696: {  	s3 =	sadd.s32 s7, s23;
	v1 =	vld [tilespmem:s5+$0x0]  }
0x697: {  	v3 =	vld [tilespmem:s3+$0x0];
	s21 =	sadd.s32 s20, s4  }
0x698: {  	s22 =	sld [smem:$0x799];
	s5 =	sadd.s32 s18, s21;
	[tilespmem:s19+$0x13A80] =	vst.add.f32.msk $0xffff, v2  }
0x699: {  	v2 =	vld [tilespmem:s5+$0x0]  }
0x69a: {  	[tilespmem:s1+$0x13B80] =	vst.add.f32.msk $0xffff, v0;
	s25 =	sld [smem:$0x799]  }
0x69b: {  	s4 =	sadd.s32 s0, s22;
	[tilespmem:s15+$0x13B00] =	vst.add.f32.msk $0xffff, v1  }
0x69c: {  	s0 =	sadd.s32 s13, s4;
	[tilespmem:s29+$0x13B80] =	vst.add.f32.msk $0xffff, v3  }
0x69d: {  	v1 =	vld [tilespmem:s0+$0x0];
	s7 =	sadd.s32 s20, s25  }
0x69e: {  	s0 =	sadd.s32 s18, s7;
	[tilespmem:s19+$0x13B00] =	vst.add.f32.msk $0xffff, v2  }
0x69f: {  	v2 =	vld [tilespmem:s0+$0x0];
	s9 =	sld [smem:$0x7F8];
	_ =	sdelay $0x2  }
0x6a0: {  	s0 =	sor.u32 s9, s6  }
0x6a1: {  	s13 =	simm.s32 $0x12800;
	[tilespmem:s15+$0x13B80] =	vst.add.f32.msk $0xffff, v1;
	s0 =	sshrl.u32 s0, $0x3  }
0x6a2: {  	s15 =	simm.s32 $0x4;
	[tilespmem:s19+$0x13B80] =	vst.add.f32.msk $0xffff, v2;
	s11 =	sadd.s32 s2, s0;
	s0 =	simm.s32 $0x0  }
0x6a3: {  	[hbm4b:s11+s0] =	stream.linear.scatter [tilespmem:s13], [sflag:$0x2], $0x2000, $0x38;
	[tilespmem:$0x18900] =	vst v63  }
0x6a4: {  	_ =	swait.ge [sflag:s15], $0x2000  }
0x6a5: {  	s16 =	sld [smem:$0x7FA]  }
0x6a6: {  	[sflag:s15] =	ssyncset.done $0x0  }
0x6a7: {  	s17 =	simm.s32 $0x16800;
	[sflag:s15] =	ssyncadd.s32 $0xFFFFE000  }
0x6a8: {  	[tilespmem:s17], [sflag:$0x8] =	stream.linear.gather [spmem:s16], $0x2000, $0x38;
	[tilespmem:$0x18900] =	vst v63  }
0x6a9: {  	_ =	swait.ge [sflag:s12], $0x2000  }
0x6aa: {  	[sflag:s12] =	ssyncset.done $0x0  }
0x6ab: {  	[sflag:s12] =	ssyncadd.s32 $0xFFFFE000  }
0x6ac: {  	v0 =	vld [tilespmem:$0x188A0];
	_ =	sdelay $0x4  }
0x6ad: {  	v0 =	vshll.u32 v0, $0x9  }
0x6ae: {  	(v2sf) =	vpush v0, $0x0  }
0x6af: {  	(v2sf) =	vpush v0, $0x1;
	_ =	sdelay $0x1  }
0x6b0: {  	(v2sf) =	vpush v0, $0x2  }
0x6b1: {  	(v2sf) =	vpush v0, $0x3  }
0x6b2: {  	(v2sf) =	vpush v0, $0x4  }
0x6b3: {  	(v2sf) =	vpush v0, $0x5  }
0x6b4: {  	(v2sf) =	vpush v0, $0x6  }
0x6b5: {  	(v2sf) =	vpush v0, $0x7  }
0x6b6: {  	(v2sf) =	vpush v0, $0x8  }
0x6b7: {  	(v2sf) =	vpush v0, $0x9  }
0x6b8: {  	(v2sf) =	vpush v0, $0xA  }
0x6b9: {  	(v2sf) =	vpush v0, $0xB  }
0x6ba: {  	(v2sf) =	vpush v0, $0xC  }
0x6bb: {  	(v2sf) =	vpush v0, $0xD  }
0x6bc: {  	s18 =	spop (v2sf);
	(v2sf) =	vpush v0, $0xE  }
0x6bd: {  	s19 =	spop (v2sf);
	[smem:$0x78C] =	sst s18;
	(v2sf) =	vpush v0, $0xF  }
0x6be: {  	[smem:$0x77F] =	sst s19  }
0x6bf: {  	s20 =	spop (v2sf);
	s16 =	sld [smem:$0x78C]  }
0x6c0: {  	s21 =	spop (v2sf);
	[smem:$0x782] =	sst s20  }
0x6c1: {  	s22 =	spop (v2sf);
	[smem:$0x785] =	sst s21  }
0x6c2: {  	s23 =	spop (v2sf);
	[smem:$0x788] =	sst s22  }
0x6c3: {  	s25 =	spop (v2sf);
	[smem:$0x78B] =	sst s23  }
0x6c4: {  	s4 =	spop (v2sf);
	[smem:$0x77E] =	sst s25  }
0x6c5: {  	s5 =	spop (v2sf);
	[smem:$0x781] =	sst s4  }
0x6c6: {  	s7 =	spop (v2sf);
	[smem:$0x784] =	sst s5  }
0x6c7: {  	s9 =	spop (v2sf);
	[smem:$0x787] =	sst s7  }
0x6c8: {  	s11 =	spop (v2sf);
	[smem:$0x78A] =	sst s9  }
0x6c9: {  	s13 =	spop (v2sf);
	[smem:$0x77D] =	sst s11  }
0x6ca: {  	s17 =	sand.u32 $0x70, s0;
	[smem:$0x780] =	sst s13;
	s15 =	spop (v2sf)  }
0x6cb: {  	s21 =	sand.u32 $0x180, s0;
	[smem:$0x783] =	sst s15;
	s18 =	spop (v2sf)  }
0x6cc: {  	s3 =	sadd.s32 s21, s16;
	[smem:$0x786] =	sst s18;
	s19 =	spop (v2sf)  }
0x6cd: {  	s20 =	sadd.s32 s17, s3;
	[smem:$0x789] =	sst s19  }
0x6ce: {  	v0 =	vld [tilespmem:s20+$0x0]  }
0x6cf: {  	s22 =	sld [smem:$0x77F];
	_ =	sdelay $0x1  }
0x6d0: {  	s23 =	sand.u32 $0xC00, s0  }
0x6d1: {  	s1 =	sor.u32 s17, s23;
	s3 =	sadd.s32 s21, s22  }
0x6d2: {  	s3 =	sadd.s32 s17, s3;
	[tilespmem:s1+$0x14800] =	vst.add.f32.msk $0xffff, v0  }
0x6d3: {  	v0 =	vld [tilespmem:s3+$0x0]  }
0x6d4: {  	s25 =	sld [smem:$0x782];
	_ =	sdelay $0x1  }
0x6d5: {  	s5 =	sadd.s32 $0x14800, s1  }
0x6d6: {  	s4 =	sor.u32 $0x80, s5;
	s3 =	sadd.s32 s21, s25  }
0x6d7: {  	s3 =	sadd.s32 s17, s3;
	[tilespmem:s4+$0x0] =	vst.add.f32.msk $0xffff, v0  }
0x6d8: {  	v0 =	vld [tilespmem:s3+$0x0]  }
0x6d9: {  	s7 =	sld [smem:$0x785];
	_ =	sdelay $0x2  }
0x6da: {  	s9 =	sor.u32 $0x100, s5;
	s3 =	sadd.s32 s21, s7  }
0x6db: {  	s3 =	sadd.s32 s17, s3;
	[tilespmem:s9+$0x0] =	vst.add.f32.msk $0xffff, v0  }
0x6dc: {  	v0 =	vld [tilespmem:s3+$0x0]  }
0x6dd: {  	s11 =	sld [smem:$0x788];
	_ =	sdelay $0x2  }
0x6de: {  	s13 =	sor.u32 $0x180, s5;
	s3 =	sadd.s32 s21, s11  }
0x6df: {  	s3 =	sadd.s32 s17, s3;
	[tilespmem:s13+$0x0] =	vst.add.f32.msk $0xffff, v0  }
0x6e0: {  	v0 =	vld [tilespmem:s3+$0x0]  }
0x6e1: {  	s15 =	sld [smem:$0x78B];
	_ =	sdelay $0x1  }
0x6e2: {  	s16 =	sld [smem:$0x78C]  }
0x6e3: {  	s18 =	simm.s32 $0x10;
	s19 =	sor.u32 $0x200, s5;
	s20 =	sadd.s32 s21, s15  }
0x6e4: {  	s3 =	sand.u32 $0x180, s18;
	s11 =	sadd.s32 s17, s20;
	[tilespmem:s19+$0x0] =	vst.add.f32.msk $0xffff, v0  }
0x6e5: {  	s7 =	sand.u32 $0x70, s18;
	s9 =	sadd.s32 s3, s16;
	v0 =	vld [tilespmem:s11+$0x0]  }
0x6e6: {  	s9 =	sadd.s32 s7, s9;
	s22 =	sld [smem:$0x77E]  }
0x6e7: {  	v1 =	vld [tilespmem:s9+$0x0]  }
0x6e8: {  	s23 =	sld [smem:$0x77F]  }
0x6e9: {  	s25 =	sor.u32 $0x280, s5;
	s20 =	simm.s32 $0x80;
	s11 =	sadd.s32 s21, s22  }
0x6ea: {  	s4 =	sand.u32 $0xC00, s20;
	s11 =	sadd.s32 s17, s11;
	[tilespmem:s25+$0x0] =	vst.add.f32.msk $0xffff, v0  }
0x6eb: {  	s9 =	sadd.s32 s3, s23;
	s29 =	sor.u32 s7, s4;
	v0 =	vld [tilespmem:s11+$0x0]  }
0x6ec: {  	s9 =	sadd.s32 s7, s9;
	[tilespmem:s29+$0x14800] =	vst.add.f32.msk $0xffff, v1;
	s13 =	sld [smem:$0x781]  }
0x6ed: {  	v1 =	vld [tilespmem:s9+$0x0]  }
0x6ee: {  	s15 =	sld [smem:$0x782]  }
0x6ef: {  	s16 =	sor.u32 $0x300, s5;
	s11 =	sadd.s32 s21, s13  }
0x6f0: {  	s5 =	sadd.s32 $0x14800, s29;
	s11 =	sadd.s32 s17, s11;
	[tilespmem:s16+$0x0] =	vst.add.f32.msk $0xffff, v0  }
0x6f1: {  	s19 =	sor.u32 $0x80, s5;
	s9 =	sadd.s32 s3, s15;
	v0 =	vld [tilespmem:s11+$0x0]  }
0x6f2: {  	s9 =	sadd.s32 s7, s9;
	[tilespmem:s19+$0x0] =	vst.add.f32.msk $0xffff, v1;
	s22 =	sld [smem:$0x784]  }
0x6f3: {  	v1 =	vld [tilespmem:s9+$0x0]  }
0x6f4: {  	s0 =	sor.u32 s0, s0;
	s23 =	sld [smem:$0x785]  }
0x6f5: {  	s0 =	sor.u32 $0x380, s0;
	s11 =	sadd.s32 s21, s22  }
0x6f6: {  	s25 =	sadd.s32 s17, s11;
	[tilespmem:s0+$0x14800] =	vst.add.f32.msk $0xffff, v0  }
0x6f7: {  	s4 =	sor.u32 $0x100, s5;
	s9 =	sadd.s32 s3, s23;
	v0 =	vld [tilespmem:s25+$0x0]  }
0x6f8: {  	[tilespmem:s4+$0x0] =	vst.add.f32.msk $0xffff, v1;
	s11 =	sadd.s32 s7, s9;
	s13 =	sld [smem:$0x787]  }
0x6f9: {  	v1 =	vld [tilespmem:s11+$0x0]  }
0x6fa: {  	s15 =	sld [smem:$0x788]  }
0x6fb: {  	s9 =	sadd.s32 s21, s13  }
0x6fc: {  	s9 =	sadd.s32 s17, s9;
	[tilespmem:s1+$0x15800] =	vst.add.f32.msk $0xffff, v0  }
0x6fd: {  	s16 =	sor.u32 $0x180, s5;
	s0 =	sadd.s32 s3, s15;
	v0 =	vld [tilespmem:s9+$0x0]  }
0x6fe: {  	s0 =	sadd.s32 s7, s0;
	[tilespmem:s16+$0x0] =	vst.add.f32.msk $0xffff, v1;
	s19 =	sld [smem:$0x78A]  }
0x6ff: {  	v1 =	vld [tilespmem:s0+$0x0]  }
0x700: {  	s22 =	sld [smem:$0x78B]  }
0x701: {  	s9 =	sadd.s32 s21, s19  }
0x702: {  	s23 =	sld [smem:$0x78C];
	s9 =	sadd.s32 s17, s9;
	[tilespmem:s1+$0x15880] =	vst.add.f32.msk $0xffff, v0  }
0x703: {  	s30 =	simm.s32 $0x20;
	s25 =	sor.u32 $0x200, s5;
	s4 =	sadd.s32 s3, s22;
	v0 =	vld [tilespmem:s9+$0x0]  }
0x704: {  	s0 =	sand.u32 $0x180, s30;
	s16 =	sadd.s32 s7, s4;
	[tilespmem:s25+$0x0] =	vst.add.f32.msk $0xffff, v1;
	s19 =	sld [smem:$0x77D]  }
0x705: {  	s13 =	sand.u32 $0x70, s30;
	s11 =	sadd.s32 s0, s23;
	v1 =	vld [tilespmem:s16+$0x0]  }
0x706: {  	s22 =	sadd.s32 s13, s11;
	s23 =	sld [smem:$0x77E]  }
0x707: {  	v2 =	vld [tilespmem:s22+$0x0];
	s25 =	sadd.s32 s21, s19  }
0x708: {  	s4 =	sld [smem:$0x77F];
	s9 =	sadd.s32 s17, s25;
	[tilespmem:s1+$0x15900] =	vst.add.f32.msk $0xffff, v0  }
0x709: {  	s22 =	sor.u32 $0x280, s5;
	s11 =	sadd.s32 s3, s23;
	s19 =	simm.s32 $0x100;
	v0 =	vld [tilespmem:s9+$0x0]  }
0x70a: {  	s11 =	sadd.s32 s7, s11;
	s23 =	sand.u32 $0xC00, s19;
	[tilespmem:s22+$0x0] =	vst.add.f32.msk $0xffff, v1;
	s25 =	sld [smem:$0x780]  }
0x70b: {  	s4 =	sadd.s32 s0, s4;
	s15 =	sor.u32 s13, s23;
	v1 =	vld [tilespmem:s11+$0x0]  }
0x70c: {  	s16 =	sld [smem:$0x781];
	[tilespmem:s15+$0x14800] =	vst.add.f32.msk $0xffff, v2;
	s9 =	sadd.s32 s13, s4  }
0x70d: {  	v2 =	vld [tilespmem:s9+$0x0];
	s23 =	sadd.s32 s21, s25  }
0x70e: {  	s25 =	sld [smem:$0x782];
	s9 =	sadd.s32 s17, s23;
	[tilespmem:s1+$0x15980] =	vst.add.f32.msk $0xffff, v0  }
0x70f: {  	s4 =	sor.u32 $0x300, s5;
	s11 =	sadd.s32 s3, s16;
	v0 =	vld [tilespmem:s9+$0x0]  }
0x710: {  	s5 =	sadd.s32 $0x14800, s15;
	s11 =	sadd.s32 s7, s11;
	[tilespmem:s4+$0x0] =	vst.add.f32.msk $0xffff, v1;
	s22 =	sld [smem:$0x783]  }
0x711: {  	s23 =	sor.u32 $0x80, s5;
	v1 =	vld [tilespmem:s11+$0x0];
	s16 =	sadd.s32 s0, s25  }
0x712: {  	s4 =	sld [smem:$0x784];
	[tilespmem:s23+$0x0] =	vst.add.f32.msk $0xffff, v2;
	s25 =	sadd.s32 s13, s16  }
0x713: {  	v2 =	vld [tilespmem:s25+$0x0];
	s11 =	sadd.s32 s21, s22  }
0x714: {  	s23 =	sld [smem:$0x785];
	s22 =	sor.u32 s20, s18;
	s9 =	sadd.s32 s17, s11;
	[tilespmem:s1+$0x15A00] =	vst.add.f32.msk $0xffff, v0  }
0x715: {  	s16 =	sadd.s32 s3, s4;
	s11 =	sor.u32 $0x380, s22;
	v0 =	vld [tilespmem:s9+$0x0]  }
0x716: {  	s25 =	sadd.s32 s7, s16;
	[tilespmem:s11+$0x14800] =	vst.add.f32.msk $0xffff, v1;
	s4 =	sld [smem:$0x786]  }
0x717: {  	s20 =	sor.u32 $0x100, s5;
	s18 =	sadd.s32 s0, s23;
	v1 =	vld [tilespmem:s25+$0x0]  }
0x718: {  	s22 =	sadd.s32 s13, s18;
	s23 =	sld [smem:$0x787];
	[tilespmem:s20+$0x0] =	vst.add.f32.msk $0xffff, v2  }
0x719: {  	v2 =	vld [tilespmem:s22+$0x0];
	s25 =	sadd.s32 s21, s4  }
0x71a: {  	s4 =	sld [smem:$0x788];
	s9 =	sadd.s32 s17, s25;
	[tilespmem:s1+$0x15A80] =	vst.add.f32.msk $0xffff, v0  }
0x71b: {  	s16 =	sadd.s32 s3, s23;
	v0 =	vld [tilespmem:s9+$0x0]  }
0x71c: {  	s18 =	sadd.s32 s7, s16;
	[tilespmem:s29+$0x15800] =	vst.add.f32.msk $0xffff, v1;
	s20 =	sld [smem:$0x789]  }
0x71d: {  	s22 =	sor.u32 $0x180, s5;
	s11 =	sadd.s32 s0, s4;
	v3 =	vld [tilespmem:s18+$0x0]  }
0x71e: {  	s25 =	sld [smem:$0x78A];
	[tilespmem:s22+$0x0] =	vst.add.f32.msk $0xffff, v2;
	s23 =	sadd.s32 s13, s11  }
0x71f: {  	v1 =	vld [tilespmem:s23+$0x0];
	s16 =	sadd.s32 s21, s20  }
0x720: {  	s9 =	sld [smem:$0x78B];
	s16 =	sadd.s32 s17, s16;
	[tilespmem:s1+$0x15B00] =	vst.add.f32.msk $0xffff, v0  }
0x721: {  	s18 =	simm.s32 $0x40;
	s23 =	sld [smem:$0x78C];
	s11 =	sadd.s32 s3, s25;
	v0 =	vld [tilespmem:s16+$0x0]  }
0x722: {  	s21 =	simm.s32 $0x30;
	s22 =	sadd.s32 s7, s11;
	s17 =	simm.s32 $0x100;
	[tilespmem:s29+$0x15880] =	vst.add.f32.msk $0xffff, v3  }
.LBB2_17:
0x723: {  	p1 =	sne.s32 s18, $0x1F0;
	s11 =	sor.u32 $0x200, s5;
	s9 =	sadd.s32 s0, s9;
	v2 =	vld [tilespmem:s22+$0x0]  }
0x724: {  	s22 =	sand.u32 $0x180, s21;
	[tilespmem:s11+$0x0] =	vst.add.f32.msk $0xffff, v1;
	s9 =	sadd.s32 s13, s9;
	s11 =	sld [smem:$0x77D]  }
0x725: {  	s20 =	sand.u32 $0x70, s21;
	s16 =	sadd.s32 s22, s23;
	v1 =	vld [tilespmem:s9+$0x0]  }
0x726: {  	s9 =	sadd.s32 s20, s16;
	s16 =	sld [smem:$0x77E];
	[tilespmem:s1+$0x15B80] =	vst.add.f32.msk $0xffff, v0;
	s1 =	smov.u32 s29  }
0x727: {  	s29 =	smov.u32 s15;
	v0 =	vld [tilespmem:s9+$0x0];
	s9 =	sadd.s32 s3, s11  }
0x728: {  	s11 =	sld [smem:$0x77F];
	[tilespmem:s1+$0x15900] =	vst.add.f32.msk $0xffff, v2;
	s9 =	sadd.s32 s7, s9  }
0x729: {  	s19 =	sadd.s32 $0x80, s19;
	s15 =	sor.u32 $0x280, s5;
	s16 =	sadd.s32 s0, s16;
	v2 =	vld [tilespmem:s9+$0x0]  }
0x72a: {  	s9 =	sand.u32 $0xC00, s19;
	[tilespmem:s15+$0x0] =	vst.add.f32.msk $0xffff, v1;
	s16 =	sadd.s32 s13, s16;
	s23 =	sld [smem:$0x780]  }
0x72b: {  	s15 =	sor.u32 s20, s9;
	s9 =	sadd.s32 s22, s11;
	v1 =	vld [tilespmem:s16+$0x0]  }
0x72c: {  	[tilespmem:s15+$0x14800] =	vst.add.f32.msk $0xffff, v0;
	s9 =	sadd.s32 s20, s9;
	s11 =	sld [smem:$0x781]  }
0x72d: {  	v0 =	vld [tilespmem:s9+$0x0];
	s9 =	sadd.s32 s3, s23  }
0x72e: {  	s16 =	sld [smem:$0x782];
	[tilespmem:s1+$0x15980] =	vst.add.f32.msk $0xffff, v2;
	s9 =	sadd.s32 s7, s9  }
0x72f: {  	s23 =	sor.u32 $0x300, s5;
	s11 =	sadd.s32 s0, s11;
	v2 =	vld [tilespmem:s9+$0x0]  }
0x730: {  	s5 =	sadd.s32 $0x14800, s15;
	[tilespmem:s23+$0x0] =	vst.add.f32.msk $0xffff, v1;
	s9 =	sadd.s32 s13, s11;
	s11 =	sld [smem:$0x783]  }
0x731: {  	s23 =	sor.u32 $0x80, s5;
	s16 =	sadd.s32 s22, s16;
	v1 =	vld [tilespmem:s9+$0x0]  }
0x732: {  	[tilespmem:s23+$0x0] =	vst.add.f32.msk $0xffff, v0;
	s9 =	sadd.s32 s20, s16;
	s16 =	sld [smem:$0x784]  }
0x733: {  	v0 =	vld [tilespmem:s9+$0x0];
	s9 =	sadd.s32 s3, s11  }
0x734: {  	s17 =	sor.u32 s17, s30;
	s11 =	sld [smem:$0x785];
	[tilespmem:s1+$0x15A00] =	vst.add.f32.msk $0xffff, v2;
	s9 =	sadd.s32 s7, s9  }
0x735: {  	s23 =	sor.u32 $0x380, s17;
	s17 =	smov.u32 s19;
	s16 =	sadd.s32 s0, s16;
	v2 =	vld [tilespmem:s9+$0x0]  }
0x736: {  	s30 =	smov.u32 s21;
	[tilespmem:s23+$0x14800] =	vst.add.f32.msk $0xffff, v1;
	s9 =	sadd.s32 s13, s16;
	s16 =	sld [smem:$0x786]  }
0x737: {  	s21 =	smov.u32 s18;
	s23 =	sor.u32 $0x100, s5;
	s11 =	sadd.s32 s22, s11;
	v1 =	vld [tilespmem:s9+$0x0]  }
0x738: {  	[tilespmem:s23+$0x0] =	vst.add.f32.msk $0xffff, v0;
	s9 =	sadd.s32 s20, s11;
	s11 =	sld [smem:$0x787]  }
0x739: {  	v0 =	vld [tilespmem:s9+$0x0];
	s9 =	sadd.s32 s3, s16  }
0x73a: {  	s16 =	sld [smem:$0x788];
	[tilespmem:s1+$0x15A80] =	vst.add.f32.msk $0xffff, v2;
	s9 =	sadd.s32 s7, s9  }
0x73b: {  	s11 =	sadd.s32 s0, s11;
	v2 =	vld [tilespmem:s9+$0x0]  }
0x73c: {  	[tilespmem:s29+$0x15800] =	vst.add.f32.msk $0xffff, v1;
	s9 =	sadd.s32 s13, s11;
	s11 =	sld [smem:$0x789]  }
0x73d: {  	s23 =	sor.u32 $0x180, s5;
	s16 =	sadd.s32 s22, s16;
	v3 =	vld [tilespmem:s9+$0x0]  }
.Ltmp7:
0x73e: {  	[tilespmem:s23+$0x0] =	vst.add.f32.msk $0xffff, v0;
	s9 =	sadd.s32 s20, s16;
	s16 =	sld [smem:$0x78A];
	(pc) =	sbr.rel @p1 .LBB2_17-.Ltmp7, $4  }
0x73f: {  	v1 =	vld [tilespmem:s9+$0x0];
	s11 =	sadd.s32 s3, s11;
	s3 =	smov.u32 s0;
	s0 =	smov.u32 s22  }
0x740: {  	s9 =	sld [smem:$0x78B];
	[tilespmem:s1+$0x15B00] =	vst.add.f32.msk $0xffff, v2;
	s11 =	sadd.s32 s7, s11;
	s7 =	smov.u32 s13  }
0x741: {  	s13 =	smov.u32 s20;
	s16 =	sadd.s32 s3, s16;
	v0 =	vld [tilespmem:s11+$0x0]  }
0x742: {  	s18 =	sadd.s32 $0x10, s18;
	s23 =	sld [smem:$0x78C];
	[tilespmem:s29+$0x15880] =	vst.add.f32.msk $0xffff, v3;
	s22 =	sadd.s32 s7, s16  }
0x743: {  	_ = 	snop  }
0x744: {  	s20 =	sand.u32 $0x180, s21  }
0x745: {  	s18 =	sand.u32 $0x70, s21;
	s11 =	sadd.s32 s20, s23  }
0x746: {  	s11 =	sadd.s32 s18, s11  }
0x747: {  	v2 =	vld [tilespmem:s11+$0x0]  }
0x748: {  	s25 =	sld [smem:$0x77F]  }
0x749: {  	s23 =	sadd.s32 $0x80, s19  }
0x74a: {  	s16 =	sand.u32 $0xC00, s23  }
0x74b: {  	s19 =	sor.u32 s18, s16;
	s11 =	sadd.s32 s20, s25  }
0x74c: {  	s11 =	sadd.s32 s18, s11;
	[tilespmem:s19+$0x14800] =	vst.add.f32.msk $0xffff, v2  }
0x74d: {  	v2 =	vld [tilespmem:s11+$0x0]  }
0x74e: {  	s4 =	sld [smem:$0x782];
	_ =	sdelay $0x1  }
0x74f: {  	s16 =	sadd.s32 $0x14800, s19  }
0x750: {  	s25 =	sor.u32 $0x80, s16;
	s11 =	sadd.s32 s20, s4  }
0x751: {  	s11 =	sadd.s32 s18, s11;
	[tilespmem:s25+$0x0] =	vst.add.f32.msk $0xffff, v2  }
0x752: {  	v2 =	vld [tilespmem:s11+$0x0]  }
0x753: {  	s25 =	sld [smem:$0x785];
	_ =	sdelay $0x2  }
0x754: {  	s4 =	sor.u32 $0x100, s16;
	s11 =	sadd.s32 s20, s25  }
0x755: {  	s11 =	sadd.s32 s18, s11;
	[tilespmem:s4+$0x0] =	vst.add.f32.msk $0xffff, v2  }
0x756: {  	v2 =	vld [tilespmem:s11+$0x0]  }
0x757: {  	s25 =	sld [smem:$0x788];
	_ =	sdelay $0x2  }
0x758: {  	s4 =	sor.u32 $0x180, s16;
	s11 =	sadd.s32 s20, s25  }
0x759: {  	s11 =	sadd.s32 s18, s11;
	[tilespmem:s4+$0x0] =	vst.add.f32.msk $0xffff, v2  }
0x75a: {  	s9 =	sadd.s32 s0, s9;
	s4 =	sor.u32 $0x200, s5;
	v2 =	vld [tilespmem:s11+$0x0]  }
0x75b: {  	s9 =	sadd.s32 s13, s9;
	s11 =	sld [smem:$0x78B];
	[tilespmem:s4+$0x0] =	vst.add.f32.msk $0xffff, v1  }
0x75c: {  	v1 =	vld [tilespmem:s9+$0x0]  }
0x75d: {  	s25 =	sld [smem:$0x77E]  }
0x75e: {  	s4 =	sor.u32 $0x200, s16;
	s11 =	sadd.s32 s20, s11  }
0x75f: {  	s11 =	sadd.s32 s18, s11;
	[tilespmem:s4+$0x0] =	vst.add.f32.msk $0xffff, v2  }
0x760: {  	s25 =	sadd.s32 s0, s25;
	s4 =	sor.u32 $0x280, s5;
	v2 =	vld [tilespmem:s11+$0x0]  }
0x761: {  	s25 =	sadd.s32 s13, s25;
	s9 =	sld [smem:$0x77E];
	[tilespmem:s4+$0x0] =	vst.add.f32.msk $0xffff, v1  }
0x762: {  	v1 =	vld [tilespmem:s25+$0x0]  }
0x763: {  	s11 =	sld [smem:$0x781]  }
0x764: {  	s4 =	sor.u32 $0x280, s16;
	s9 =	sadd.s32 s20, s9  }
0x765: {  	s9 =	sadd.s32 s18, s9;
	[tilespmem:s4+$0x0] =	vst.add.f32.msk $0xffff, v2  }
0x766: {  	s11 =	sadd.s32 s0, s11;
	s4 =	sor.u32 $0x300, s5;
	v2 =	vld [tilespmem:s9+$0x0];
	s25 =	sld [smem:$0x781]  }
0x767: {  	s11 =	sadd.s32 s13, s11;
	[tilespmem:s4+$0x0] =	vst.add.f32.msk $0xffff, v1  }
0x768: {  	v1 =	vld [tilespmem:s11+$0x0]  }
0x769: {  	s9 =	sadd.s32 s20, s25;
	s25 =	sld [smem:$0x784]  }
0x76a: {  	s16 =	sor.u32 $0x300, s16  }
0x76b: {  	s4 =	sadd.s32 s18, s9;
	s9 =	sor.u32 s17, s30;
	[tilespmem:s16+$0x0] =	vst.add.f32.msk $0xffff, v2  }
0x76c: {  	s5 =	sor.u32 $0x380, s9;
	v2 =	vld [tilespmem:s4+$0x0];
	s11 =	sadd.s32 s0, s25  }
0x76d: {  	s16 =	sld [smem:$0x784];
	[tilespmem:s5+$0x14800] =	vst.add.f32.msk $0xffff, v1;
	s17 =	sadd.s32 s13, s11  }
0x76e: {  	v1 =	vld [tilespmem:s17+$0x0]  }
0x76f: {  	s21 =	sor.u32 s23, s21;
	s25 =	sld [smem:$0x787]  }
0x770: {  	v3 =	vld [tilespmem:s22+$0x0];
	s23 =	sor.u32 $0x380, s21;
	s9 =	sadd.s32 s20, s16  }
0x771: {  	s30 =	sadd.s32 s18, s9;
	[tilespmem:s23+$0x14800] =	vst.add.f32.msk $0xffff, v2;
	s23 =	sld [smem:$0x77D]  }
0x772: {  	s16 =	sadd.s32 s0, s25;
	v2 =	vld [tilespmem:s30+$0x0]  }
0x773: {  	s9 =	sadd.s32 s13, s16;
	s4 =	sld [smem:$0x787];
	[tilespmem:s15+$0x15800] =	vst.add.f32.msk $0xffff, v1  }
0x774: {  	v1 =	vld [tilespmem:s9+$0x0];
	s17 =	sld [smem:$0x78A];
	s11 =	sadd.s32 s3, s23  }
0x775: {  	[tilespmem:s29+$0x15900] =	vst.add.f32.msk $0xffff, v3;
	s30 =	sadd.s32 s7, s11  }
0x776: {  	s5 =	sadd.s32 s20, s4;
	v3 =	vld [tilespmem:s30+$0x0]  }
0x777: {  	s5 =	sadd.s32 s18, s5;
	[tilespmem:s19+$0x15800] =	vst.add.f32.msk $0xffff, v2;
	s9 =	sadd.s32 s0, s17;
	s17 =	sld [smem:$0x780]  }
0x778: {  	v2 =	vld [tilespmem:s5+$0x0]  }
0x779: {  	s21 =	sld [smem:$0x78A];
	s9 =	sadd.s32 s13, s9;
	[tilespmem:s15+$0x15880] =	vst.add.f32.msk $0xffff, v1  }
0x77a: {  	v1 =	vld [tilespmem:s9+$0x0];
	s9 =	sadd.s32 s3, s17  }
0x77b: {  	s25 =	sld [smem:$0x77D];
	[tilespmem:s29+$0x15980] =	vst.add.f32.msk $0xffff, v3;
	s23 =	sadd.s32 s7, s9  }
0x77c: {  	s5 =	sadd.s32 s20, s21;
	v3 =	vld [tilespmem:s23+$0x0]  }
0x77d: {  	s5 =	sadd.s32 s18, s5;
	[tilespmem:s19+$0x15880] =	vst.add.f32.msk $0xffff, v2  }
0x77e: {  	s16 =	sadd.s32 s0, s25;
	v2 =	vld [tilespmem:s5+$0x0]  }
0x77f: {  	s4 =	sld [smem:$0x77D];
	s5 =	sadd.s32 s13, s16;
	[tilespmem:s15+$0x15900] =	vst.add.f32.msk $0xffff, v1  }
0x780: {  	v1 =	vld [tilespmem:s5+$0x0]  }
0x781: {  	s22 =	sld [smem:$0x780]  }
0x782: {  	s21 =	sadd.s32 s20, s4;
	s4 =	sld [smem:$0x783];
	[tilespmem:s29+$0x15A00] =	vst.add.f32.msk $0xffff, v3  }
0x783: {  	s5 =	sadd.s32 s18, s21;
	[tilespmem:s19+$0x15900] =	vst.add.f32.msk $0xffff, v2  }
0x784: {  	s30 =	sadd.s32 s0, s22;
	v2 =	vld [tilespmem:s5+$0x0]  }
0x785: {  	s25 =	sld [smem:$0x780];
	s5 =	sadd.s32 s13, s30;
	s11 =	sadd.s32 s3, s4;
	[tilespmem:s15+$0x15980] =	vst.add.f32.msk $0xffff, v1  }
0x786: {  	s21 =	sadd.s32 s7, s11;
	v1 =	vld [tilespmem:s5+$0x0]  }
0x787: {  	v3 =	vld [tilespmem:s21+$0x0]  }
0x788: {  	s17 =	sld [smem:$0x783];
	s16 =	sadd.s32 s20, s25  }
0x789: {  	s25 =	sld [smem:$0x786];
	s5 =	sadd.s32 s18, s16;
	[tilespmem:s19+$0x15980] =	vst.add.f32.msk $0xffff, v2  }
0x78a: {  	v2 =	vld [tilespmem:s5+$0x0]  }
0x78b: {  	s23 =	sadd.s32 s0, s17;
	[tilespmem:s15+$0x15A00] =	vst.add.f32.msk $0xffff, v1  }
0x78c: {  	s22 =	sld [smem:$0x783];
	s5 =	sadd.s32 s13, s23;
	s9 =	sadd.s32 s3, s25;
	[tilespmem:s29+$0x15A80] =	vst.add.f32.msk $0xffff, v3  }
0x78d: {  	s9 =	sadd.s32 s7, s9;
	v1 =	vld [tilespmem:s5+$0x0]  }
0x78e: {  	v3 =	vld [tilespmem:s9+$0x0]  }
0x78f: {  	s4 =	sld [smem:$0x786];
	s30 =	sadd.s32 s20, s22  }
0x790: {  	s21 =	sld [smem:$0x789];
	s5 =	sadd.s32 s18, s30;
	[tilespmem:s19+$0x15A00] =	vst.add.f32.msk $0xffff, v2  }
0x791: {  	v2 =	vld [tilespmem:s5+$0x0]  }
0x792: {  	s17 =	sadd.s32 s0, s4;
	s16 =	sld [smem:$0x786];
	[tilespmem:s15+$0x15A80] =	vst.add.f32.msk $0xffff, v1  }
0x793: {  	s25 =	sadd.s32 s3, s21;
	s5 =	sadd.s32 s13, s17;
	[tilespmem:s29+$0x15B00] =	vst.add.f32.msk $0xffff, v3  }
0x794: {  	s3 =	sadd.s32 s7, s25;
	v1 =	vld [tilespmem:s5+$0x0]  }
0x795: {  	v3 =	vld [tilespmem:s3+$0x0];
	s22 =	sadd.s32 s20, s16  }
0x796: {  	s23 =	sld [smem:$0x789];
	s5 =	sadd.s32 s18, s22;
	[tilespmem:s19+$0x15A80] =	vst.add.f32.msk $0xffff, v2  }
0x797: {  	v2 =	vld [tilespmem:s5+$0x0]  }
0x798: {  	[tilespmem:s1+$0x15B80] =	vst.add.f32.msk $0xffff, v0;
	s30 =	sld [smem:$0x789]  }
0x799: {  	s4 =	sadd.s32 s0, s23;
	[tilespmem:s15+$0x15B00] =	vst.add.f32.msk $0xffff, v1  }
0x79a: {  	s0 =	sadd.s32 s13, s4;
	[tilespmem:s29+$0x15B80] =	vst.add.f32.msk $0xffff, v3  }
0x79b: {  	v1 =	vld [tilespmem:s0+$0x0];
	s5 =	sadd.s32 s20, s30  }
0x79c: {  	s0 =	sadd.s32 s18, s5;
	[tilespmem:s19+$0x15B00] =	vst.add.f32.msk $0xffff, v2  }
0x79d: {  	v2 =	vld [tilespmem:s0+$0x0];
	s7 =	sld [smem:$0x7FB];
	_ =	sdelay $0x2  }
0x79e: {  	s0 =	sor.u32 s7, s6  }
0x79f: {  	p1 =	sgt.u32 s24, $0x3E;
	[tilespmem:s15+$0x15B80] =	vst.add.f32.msk $0xffff, v1;
	s0 =	sshrl.u32 s0, $0x3  }
0x7a0: {  	s11 =	simm.s32 $0x14800;
	s9 =	simm.s32 $0x0;
	[tilespmem:s19+$0x15B80] =	vst.add.f32.msk $0xffff, v2;
	s0 =	sadd.s32 s2, s0  }
0x7a1: {  	[hbm4b:s0+s9] =	stream.linear.scatter [tilespmem:s11], [sflag:$0x3], $0x2000, $0x38;
	[tilespmem:$0x18900] =	vst v63  }
0x7a2: {  	s0 =	simm.s32 @!p1 $0x1  }
0x7a3: {  	_ =	swait.ge @!p1 [sflag:s0], $0x2000  }
0x7a4: {  	s1 =	sld [smem:$0x7F9]  }
0x7a5: {  	[sflag:s0] =	ssyncset.done @!p1 $0x0  }
0x7a6: {  	[sflag:s0] =	ssyncadd.s32 @!p1 $0xFFFFE000;
	s0 =	simm.s32 @!p1 $0x10800  }
0x7a7: {  	[tilespmem:s0], [sflag:$0x5] =	stream.linear.gather @!p1 [spmem:s1], $0x2000, $0x38;
	[tilespmem:$0x18900] =	vst v63  }
0x7a8: {  	_ =	swait.ge [sflag:s14], $0x2000  }
0x7a9: {  	[sflag:s14] =	ssyncset.done $0x0  }
0x7aa: {  	[sflag:s14] =	ssyncadd.s32 $0xFFFFE000  }
0x7ab: {  	v0 =	vld [tilespmem:$0x188B0];
	_ =	sdelay $0x4  }
0x7ac: {  	v0 =	vshll.u32 v0, $0x9  }
0x7ad: {  	(v2sf) =	vpush v0, $0x0  }
0x7ae: {  	(v2sf) =	vpush v0, $0x1;
	_ =	sdelay $0x1  }
0x7af: {  	(v2sf) =	vpush v0, $0x2  }
0x7b0: {  	(v2sf) =	vpush v0, $0x3  }
0x7b1: {  	(v2sf) =	vpush v0, $0x4  }
0x7b2: {  	(v2sf) =	vpush v0, $0x5  }
0x7b3: {  	(v2sf) =	vpush v0, $0x6  }
0x7b4: {  	(v2sf) =	vpush v0, $0x7  }
0x7b5: {  	(v2sf) =	vpush v0, $0x8  }
0x7b6: {  	(v2sf) =	vpush v0, $0x9  }
0x7b7: {  	(v2sf) =	vpush v0, $0xA  }
0x7b8: {  	(v2sf) =	vpush v0, $0xB  }
0x7b9: {  	(v2sf) =	vpush v0, $0xC  }
0x7ba: {  	(v2sf) =	vpush v0, $0xD  }
0x7bb: {  	s13 =	spop (v2sf);
	(v2sf) =	vpush v0, $0xE  }
0x7bc: {  	s15 =	spop (v2sf);
	[smem:$0x77C] =	sst s13;
	(v2sf) =	vpush v0, $0xF  }
0x7bd: {  	[smem:$0x76F] =	sst s15  }
0x7be: {  	s16 =	spop (v2sf);
	s4 =	sld [smem:$0x77C]  }
0x7bf: {  	s17 =	spop (v2sf);
	[smem:$0x772] =	sst s16  }
0x7c0: {  	s18 =	spop (v2sf);
	[smem:$0x775] =	sst s17  }
0x7c1: {  	s19 =	spop (v2sf);
	[smem:$0x778] =	sst s18  }
0x7c2: {  	s20 =	spop (v2sf);
	[smem:$0x77B] =	sst s19  }
0x7c3: {  	s21 =	spop (v2sf);
	[smem:$0x76E] =	sst s20  }
0x7c4: {  	s22 =	spop (v2sf);
	[smem:$0x771] =	sst s21  }
0x7c5: {  	s23 =	spop (v2sf);
	[smem:$0x774] =	sst s22  }
0x7c6: {  	s24 =	spop (v2sf);
	[smem:$0x777] =	sst s23  }
0x7c7: {  	s25 =	spop (v2sf);
	[smem:$0x77A] =	sst s24  }
0x7c8: {  	s0 =	simm.s32 $0x0;
	s30 =	spop (v2sf);
	[smem:$0x76D] =	sst s25  }
0x7c9: {  	s17 =	sand.u32 $0x70, s0;
	[smem:$0x770] =	sst s30;
	s3 =	spop (v2sf)  }
0x7ca: {  	s21 =	sand.u32 $0x180, s0;
	[smem:$0x773] =	sst s3;
	s5 =	spop (v2sf)  }
0x7cb: {  	s1 =	sadd.s32 s21, s4;
	[smem:$0x776] =	sst s5;
	s7 =	spop (v2sf)  }
0x7cc: {  	s1 =	sadd.s32 s17, s1;
	[smem:$0x779] =	sst s7  }
0x7cd: {  	v0 =	vld [tilespmem:s1+$0x0]  }
0x7ce: {  	s9 =	sld [smem:$0x76F];
	_ =	sdelay $0x1  }
0x7cf: {  	s11 =	sand.u32 $0xC00, s0  }
0x7d0: {  	s3 =	sadd.s32 s21, s9;
	s1 =	sor.u32 s17, s11  }
0x7d1: {  	s3 =	sadd.s32 s17, s3;
	[tilespmem:s1+$0x16800] =	vst.add.f32.msk $0xffff, v0  }
0x7d2: {  	v0 =	vld [tilespmem:s3+$0x0]  }
0x7d3: {  	s13 =	sld [smem:$0x772];
	_ =	sdelay $0x1  }
0x7d4: {  	s5 =	sadd.s32 $0x16800, s1  }
0x7d5: {  	s15 =	sor.u32 $0x80, s5;
	s3 =	sadd.s32 s21, s13  }
0x7d6: {  	s3 =	sadd.s32 s17, s3;
	[tilespmem:s15+$0x0] =	vst.add.f32.msk $0xffff, v0  }
0x7d7: {  	v0 =	vld [tilespmem:s3+$0x0]  }
0x7d8: {  	s16 =	sld [smem:$0x775];
	_ =	sdelay $0x2  }
0x7d9: {  	s18 =	sor.u32 $0x100, s5;
	s3 =	sadd.s32 s21, s16  }
0x7da: {  	s3 =	sadd.s32 s17, s3;
	[tilespmem:s18+$0x0] =	vst.add.f32.msk $0xffff, v0  }
0x7db: {  	v0 =	vld [tilespmem:s3+$0x0]  }
0x7dc: {  	s19 =	sld [smem:$0x778];
	_ =	sdelay $0x2  }
0x7dd: {  	s20 =	sor.u32 $0x180, s5;
	s3 =	sadd.s32 s21, s19  }
0x7de: {  	s3 =	sadd.s32 s17, s3;
	[tilespmem:s20+$0x0] =	vst.add.f32.msk $0xffff, v0  }
0x7df: {  	v0 =	vld [tilespmem:s3+$0x0]  }
0x7e0: {  	s22 =	sld [smem:$0x77B];
	_ =	sdelay $0x1  }
0x7e1: {  	s23 =	sld [smem:$0x77C]  }
0x7e2: {  	s24 =	sor.u32 $0x200, s5;
	s18 =	simm.s32 $0x10;
	s25 =	sadd.s32 s21, s22  }
0x7e3: {  	s3 =	sand.u32 $0x180, s18;
	s11 =	sadd.s32 s17, s25;
	[tilespmem:s24+$0x0] =	vst.add.f32.msk $0xffff, v0  }
0x7e4: {  	s7 =	sand.u32 $0x70, s18;
	s9 =	sadd.s32 s3, s23;
	v0 =	vld [tilespmem:s11+$0x0]  }
0x7e5: {  	s9 =	sadd.s32 s7, s9;
	s30 =	sld [smem:$0x76E]  }
0x7e6: {  	v1 =	vld [tilespmem:s9+$0x0]  }
0x7e7: {  	s4 =	sld [smem:$0x76F]  }
0x7e8: {  	s15 =	sor.u32 $0x280, s5;
	s20 =	simm.s32 $0x80;
	s11 =	sadd.s32 s21, s30  }
0x7e9: {  	s16 =	sand.u32 $0xC00, s20;
	s11 =	sadd.s32 s17, s11;
	[tilespmem:s15+$0x0] =	vst.add.f32.msk $0xffff, v0  }
0x7ea: {  	s9 =	sadd.s32 s3, s4;
	s24 =	sor.u32 s7, s16;
	v0 =	vld [tilespmem:s11+$0x0]  }
0x7eb: {  	s9 =	sadd.s32 s7, s9;
	[tilespmem:s24+$0x16800] =	vst.add.f32.msk $0xffff, v1;
	s19 =	sld [smem:$0x771]  }
0x7ec: {  	v1 =	vld [tilespmem:s9+$0x0]  }
0x7ed: {  	s22 =	sld [smem:$0x772]  }
0x7ee: {  	s23 =	sor.u32 $0x300, s5;
	s11 =	sadd.s32 s21, s19  }
0x7ef: {  	s5 =	sadd.s32 $0x16800, s24;
	s11 =	sadd.s32 s17, s11;
	[tilespmem:s23+$0x0] =	vst.add.f32.msk $0xffff, v0  }
0x7f0: {  	s25 =	sor.u32 $0x80, s5;
	s9 =	sadd.s32 s3, s22;
	v0 =	vld [tilespmem:s11+$0x0]  }
0x7f1: {  	s9 =	sadd.s32 s7, s9;
	[tilespmem:s25+$0x0] =	vst.add.f32.msk $0xffff, v1;
	s30 =	sld [smem:$0x774]  }
0x7f2: {  	v1 =	vld [tilespmem:s9+$0x0]  }
0x7f3: {  	s0 =	sor.u32 s0, s0;
	s4 =	sld [smem:$0x775]  }
0x7f4: {  	s0 =	sor.u32 $0x380, s0;
	s11 =	sadd.s32 s21, s30  }
0x7f5: {  	s13 =	sadd.s32 s17, s11;
	[tilespmem:s0+$0x16800] =	vst.add.f32.msk $0xffff, v0  }
0x7f6: {  	s15 =	sor.u32 $0x100, s5;
	s9 =	sadd.s32 s3, s4;
	v0 =	vld [tilespmem:s13+$0x0]  }
0x7f7: {  	s16 =	sadd.s32 s7, s9;
	[tilespmem:s15+$0x0] =	vst.add.f32.msk $0xffff, v1;
	s19 =	sld [smem:$0x777]  }
0x7f8: {  	v1 =	vld [tilespmem:s16+$0x0]  }
0x7f9: {  	s22 =	sld [smem:$0x778]  }
0x7fa: {  	s9 =	sadd.s32 s21, s19  }
0x7fb: {  	s9 =	sadd.s32 s17, s9;
	[tilespmem:s1+$0x17800] =	vst.add.f32.msk $0xffff, v0  }
0x7fc: {  	s23 =	sor.u32 $0x180, s5;
	s0 =	sadd.s32 s3, s22;
	v0 =	vld [tilespmem:s9+$0x0]  }
0x7fd: {  	s0 =	sadd.s32 s7, s0;
	[tilespmem:s23+$0x0] =	vst.add.f32.msk $0xffff, v1;
	s25 =	sld [smem:$0x77A]  }
0x7fe: {  	v1 =	vld [tilespmem:s0+$0x0]  }
0x7ff: {  	s30 =	sld [smem:$0x77B]  }
0x800: {  	s9 =	sadd.s32 s21, s25  }
0x801: {  	s4 =	sld [smem:$0x77C];
	s9 =	sadd.s32 s17, s9;
	[tilespmem:s1+$0x17880] =	vst.add.f32.msk $0xffff, v0  }
0x802: {  	s29 =	simm.s32 $0x20;
	s15 =	sor.u32 $0x200, s5;
	s16 =	sadd.s32 s3, s30;
	v0 =	vld [tilespmem:s9+$0x0]  }
0x803: {  	s0 =	sand.u32 $0x180, s29;
	s19 =	sadd.s32 s7, s16;
	[tilespmem:s15+$0x0] =	vst.add.f32.msk $0xffff, v1;
	s22 =	sld [smem:$0x76D]  }
0x804: {  	s13 =	sand.u32 $0x70, s29;
	s11 =	sadd.s32 s0, s4;
	v1 =	vld [tilespmem:s19+$0x0]  }
0x805: {  	s23 =	sadd.s32 s13, s11;
	s25 =	sld [smem:$0x76E]  }
0x806: {  	v2 =	vld [tilespmem:s23+$0x0];
	s30 =	sadd.s32 s21, s22  }
0x807: {  	s4 =	sld [smem:$0x76F];
	s9 =	sadd.s32 s17, s30;
	[tilespmem:s1+$0x17900] =	vst.add.f32.msk $0xffff, v0  }
0x808: {  	s19 =	simm.s32 $0x100;
	s11 =	sadd.s32 s3, s25;
	s22 =	sor.u32 $0x280, s5;
	v0 =	vld [tilespmem:s9+$0x0]  }
0x809: {  	s23 =	sand.u32 $0xC00, s19;
	s11 =	sadd.s32 s7, s11;
	[tilespmem:s22+$0x0] =	vst.add.f32.msk $0xffff, v1;
	s25 =	sld [smem:$0x770]  }
0x80a: {  	s15 =	sor.u32 s13, s23;
	s30 =	sadd.s32 s0, s4;
	v1 =	vld [tilespmem:s11+$0x0]  }
0x80b: {  	[tilespmem:s15+$0x16800] =	vst.add.f32.msk $0xffff, v2;
	s4 =	sld [smem:$0x771];
	s9 =	sadd.s32 s13, s30  }
0x80c: {  	v2 =	vld [tilespmem:s9+$0x0];
	s22 =	sadd.s32 s21, s25  }
0x80d: {  	s16 =	sld [smem:$0x772];
	s9 =	sadd.s32 s17, s22;
	[tilespmem:s1+$0x17980] =	vst.add.f32.msk $0xffff, v0  }
0x80e: {  	s23 =	sor.u32 $0x300, s5;
	s11 =	sadd.s32 s3, s4;
	v0 =	vld [tilespmem:s9+$0x0]  }
0x80f: {  	s5 =	sadd.s32 $0x16800, s15;
	s25 =	sadd.s32 s7, s11;
	[tilespmem:s23+$0x0] =	vst.add.f32.msk $0xffff, v1;
	s30 =	sld [smem:$0x773]  }
0x810: {  	s16 =	sadd.s32 s0, s16;
	s4 =	sor.u32 $0x80, s5;
	v1 =	vld [tilespmem:s25+$0x0]  }
0x811: {  	s23 =	sadd.s32 s13, s16;
	s25 =	sld [smem:$0x774];
	[tilespmem:s4+$0x0] =	vst.add.f32.msk $0xffff, v2  }
0x812: {  	v2 =	vld [tilespmem:s23+$0x0];
	s30 =	sadd.s32 s21, s30  }
0x813: {  	s18 =	sor.u32 s20, s18;
	s4 =	sld [smem:$0x775];
	s9 =	sadd.s32 s17, s30;
	[tilespmem:s1+$0x17A00] =	vst.add.f32.msk $0xffff, v0  }
0x814: {  	s18 =	sor.u32 $0x380, s18;
	s16 =	sadd.s32 s3, s25;
	v0 =	vld [tilespmem:s9+$0x0]  }
0x815: {  	s22 =	sadd.s32 s7, s16;
	[tilespmem:s18+$0x16800] =	vst.add.f32.msk $0xffff, v1;
	s23 =	sld [smem:$0x776]  }
0x816: {  	s25 =	sor.u32 $0x100, s5;
	s11 =	sadd.s32 s0, s4;
	v1 =	vld [tilespmem:s22+$0x0]  }
0x817: {  	s30 =	sadd.s32 s13, s11;
	s4 =	sld [smem:$0x777];
	[tilespmem:s25+$0x0] =	vst.add.f32.msk $0xffff, v2  }
0x818: {  	v2 =	vld [tilespmem:s30+$0x0];
	s16 =	sadd.s32 s21, s23  }
0x819: {  	s18 =	sld [smem:$0x778];
	s9 =	sadd.s32 s17, s16;
	[tilespmem:s1+$0x17A80] =	vst.add.f32.msk $0xffff, v0  }
0x81a: {  	s11 =	sadd.s32 s3, s4;
	v0 =	vld [tilespmem:s9+$0x0]  }
0x81b: {  	s20 =	sadd.s32 s7, s11;
	[tilespmem:s24+$0x17800] =	vst.add.f32.msk $0xffff, v1;
	s22 =	sld [smem:$0x779]  }
0x81c: {  	s23 =	sor.u32 $0x180, s5;
	s16 =	sadd.s32 s0, s18;
	v3 =	vld [tilespmem:s20+$0x0]  }
0x81d: {  	s25 =	sadd.s32 s13, s16;
	s30 =	sld [smem:$0x77A];
	[tilespmem:s23+$0x0] =	vst.add.f32.msk $0xffff, v2  }
0x81e: {  	v1 =	vld [tilespmem:s25+$0x0];
	s11 =	sadd.s32 s21, s22  }
0x81f: {  	s9 =	sld [smem:$0x77B];
	s11 =	sadd.s32 s17, s11;
	[tilespmem:s1+$0x17B00] =	vst.add.f32.msk $0xffff, v0  }
0x820: {  	s18 =	simm.s32 $0x40;
	s23 =	sld [smem:$0x77C];
	s16 =	sadd.s32 s3, s30;
	v0 =	vld [tilespmem:s11+$0x0]  }
0x821: {  	s21 =	simm.s32 $0x30;
	s22 =	sadd.s32 s7, s16;
	[tilespmem:s24+$0x17880] =	vst.add.f32.msk $0xffff, v3;
	s17 =	simm.s32 $0x100  }
.LBB2_19:
0x822: {  	p2 =	sne.s32 s18, $0x1F0;
	s11 =	sor.u32 $0x200, s5;
	s9 =	sadd.s32 s0, s9;
	v2 =	vld [tilespmem:s22+$0x0]  }
0x823: {  	s22 =	sand.u32 $0x180, s21;
	[tilespmem:s11+$0x0] =	vst.add.f32.msk $0xffff, v1;
	s9 =	sadd.s32 s13, s9;
	s11 =	sld [smem:$0x76D]  }
0x824: {  	s20 =	sand.u32 $0x70, s21;
	s16 =	sadd.s32 s22, s23;
	v1 =	vld [tilespmem:s9+$0x0]  }
0x825: {  	s9 =	sadd.s32 s20, s16;
	s16 =	sld [smem:$0x76E];
	[tilespmem:s1+$0x17B80] =	vst.add.f32.msk $0xffff, v0;
	s1 =	smov.u32 s24  }
0x826: {  	s24 =	smov.u32 s15;
	v0 =	vld [tilespmem:s9+$0x0];
	s9 =	sadd.s32 s3, s11  }
0x827: {  	s11 =	sld [smem:$0x76F];
	[tilespmem:s1+$0x17900] =	vst.add.f32.msk $0xffff, v2;
	s9 =	sadd.s32 s7, s9  }
0x828: {  	s19 =	sadd.s32 $0x80, s19;
	s15 =	sor.u32 $0x280, s5;
	s16 =	sadd.s32 s0, s16;
	v2 =	vld [tilespmem:s9+$0x0]  }
0x829: {  	s9 =	sand.u32 $0xC00, s19;
	[tilespmem:s15+$0x0] =	vst.add.f32.msk $0xffff, v1;
	s16 =	sadd.s32 s13, s16;
	s23 =	sld [smem:$0x770]  }
0x82a: {  	s15 =	sor.u32 s20, s9;
	s9 =	sadd.s32 s22, s11;
	v1 =	vld [tilespmem:s16+$0x0]  }
0x82b: {  	[tilespmem:s15+$0x16800] =	vst.add.f32.msk $0xffff, v0;
	s9 =	sadd.s32 s20, s9;
	s11 =	sld [smem:$0x771]  }
0x82c: {  	v0 =	vld [tilespmem:s9+$0x0];
	s9 =	sadd.s32 s3, s23  }
0x82d: {  	s16 =	sld [smem:$0x772];
	[tilespmem:s1+$0x17980] =	vst.add.f32.msk $0xffff, v2;
	s9 =	sadd.s32 s7, s9  }
0x82e: {  	s23 =	sor.u32 $0x300, s5;
	s11 =	sadd.s32 s0, s11;
	v2 =	vld [tilespmem:s9+$0x0]  }
0x82f: {  	s5 =	sadd.s32 $0x16800, s15;
	[tilespmem:s23+$0x0] =	vst.add.f32.msk $0xffff, v1;
	s9 =	sadd.s32 s13, s11;
	s11 =	sld [smem:$0x773]  }
0x830: {  	s23 =	sor.u32 $0x80, s5;
	s16 =	sadd.s32 s22, s16;
	v1 =	vld [tilespmem:s9+$0x0]  }
0x831: {  	[tilespmem:s23+$0x0] =	vst.add.f32.msk $0xffff, v0;
	s9 =	sadd.s32 s20, s16;
	s16 =	sld [smem:$0x774]  }
0x832: {  	v0 =	vld [tilespmem:s9+$0x0];
	s9 =	sadd.s32 s3, s11  }
0x833: {  	s17 =	sor.u32 s17, s29;
	s11 =	sld [smem:$0x775];
	[tilespmem:s1+$0x17A00] =	vst.add.f32.msk $0xffff, v2;
	s9 =	sadd.s32 s7, s9  }
0x834: {  	s23 =	sor.u32 $0x380, s17;
	s17 =	smov.u32 s19;
	s16 =	sadd.s32 s0, s16;
	v2 =	vld [tilespmem:s9+$0x0]  }
0x835: {  	s29 =	smov.u32 s21;
	[tilespmem:s23+$0x16800] =	vst.add.f32.msk $0xffff, v1;
	s9 =	sadd.s32 s13, s16;
	s16 =	sld [smem:$0x776]  }
0x836: {  	s21 =	smov.u32 s18;
	s23 =	sor.u32 $0x100, s5;
	s11 =	sadd.s32 s22, s11;
	v1 =	vld [tilespmem:s9+$0x0]  }
0x837: {  	[tilespmem:s23+$0x0] =	vst.add.f32.msk $0xffff, v0;
	s9 =	sadd.s32 s20, s11;
	s11 =	sld [smem:$0x777]  }
0x838: {  	v0 =	vld [tilespmem:s9+$0x0];
	s9 =	sadd.s32 s3, s16  }
0x839: {  	s16 =	sld [smem:$0x778];
	[tilespmem:s1+$0x17A80] =	vst.add.f32.msk $0xffff, v2;
	s9 =	sadd.s32 s7, s9  }
0x83a: {  	s11 =	sadd.s32 s0, s11;
	v2 =	vld [tilespmem:s9+$0x0]  }
0x83b: {  	[tilespmem:s24+$0x17800] =	vst.add.f32.msk $0xffff, v1;
	s9 =	sadd.s32 s13, s11;
	s11 =	sld [smem:$0x779]  }
0x83c: {  	s23 =	sor.u32 $0x180, s5;
	s16 =	sadd.s32 s22, s16;
	v3 =	vld [tilespmem:s9+$0x0]  }
.Ltmp8:
0x83d: {  	[tilespmem:s23+$0x0] =	vst.add.f32.msk $0xffff, v0;
	s9 =	sadd.s32 s20, s16;
	s16 =	sld [smem:$0x77A];
	(pc) =	sbr.rel @p2 .LBB2_19-.Ltmp8, $4  }
0x83e: {  	v1 =	vld [tilespmem:s9+$0x0];
	s11 =	sadd.s32 s3, s11;
	s3 =	smov.u32 s0;
	s0 =	smov.u32 s22  }
0x83f: {  	s9 =	sld [smem:$0x77B];
	[tilespmem:s1+$0x17B00] =	vst.add.f32.msk $0xffff, v2;
	s11 =	sadd.s32 s7, s11;
	s7 =	smov.u32 s13  }
0x840: {  	s13 =	smov.u32 s20;
	s16 =	sadd.s32 s3, s16;
	v0 =	vld [tilespmem:s11+$0x0]  }
0x841: {  	s18 =	sadd.s32 $0x10, s18;
	s23 =	sld [smem:$0x77C];
	[tilespmem:s24+$0x17880] =	vst.add.f32.msk $0xffff, v3;
	s22 =	sadd.s32 s7, s16  }
0x842: {  	_ = 	snop  }
0x843: {  	s20 =	sand.u32 $0x180, s21  }
0x844: {  	s18 =	sand.u32 $0x70, s21;
	s11 =	sadd.s32 s20, s23  }
0x845: {  	s11 =	sadd.s32 s18, s11  }
0x846: {  	v2 =	vld [tilespmem:s11+$0x0]  }
0x847: {  	s30 =	sld [smem:$0x76F]  }
0x848: {  	s23 =	sadd.s32 $0x80, s19  }
0x849: {  	s16 =	sand.u32 $0xC00, s23  }
0x84a: {  	s19 =	sor.u32 s18, s16;
	s11 =	sadd.s32 s20, s30  }
0x84b: {  	s11 =	sadd.s32 s18, s11;
	[tilespmem:s19+$0x16800] =	vst.add.f32.msk $0xffff, v2  }
0x84c: {  	v2 =	vld [tilespmem:s11+$0x0]  }
0x84d: {  	s4 =	sld [smem:$0x772];
	_ =	sdelay $0x1  }
0x84e: {  	s16 =	sadd.s32 $0x16800, s19  }
0x84f: {  	s25 =	sor.u32 $0x80, s16;
	s11 =	sadd.s32 s20, s4  }
0x850: {  	s11 =	sadd.s32 s18, s11;
	[tilespmem:s25+$0x0] =	vst.add.f32.msk $0xffff, v2  }
0x851: {  	v2 =	vld [tilespmem:s11+$0x0]  }
0x852: {  	s30 =	sld [smem:$0x775];
	_ =	sdelay $0x2  }
0x853: {  	s4 =	sor.u32 $0x100, s16;
	s11 =	sadd.s32 s20, s30  }
0x854: {  	s11 =	sadd.s32 s18, s11;
	[tilespmem:s4+$0x0] =	vst.add.f32.msk $0xffff, v2  }
0x855: {  	v2 =	vld [tilespmem:s11+$0x0]  }
0x856: {  	s30 =	sld [smem:$0x778];
	_ =	sdelay $0x2  }
0x857: {  	s4 =	sor.u32 $0x180, s16;
	s11 =	sadd.s32 s20, s30  }
0x858: {  	s11 =	sadd.s32 s18, s11;
	[tilespmem:s4+$0x0] =	vst.add.f32.msk $0xffff, v2  }
0x859: {  	s9 =	sadd.s32 s0, s9;
	s30 =	sor.u32 $0x200, s5;
	v2 =	vld [tilespmem:s11+$0x0]  }
0x85a: {  	s9 =	sadd.s32 s13, s9;
	[tilespmem:s30+$0x0] =	vst.add.f32.msk $0xffff, v1;
	s11 =	sld [smem:$0x77B]  }
0x85b: {  	v1 =	vld [tilespmem:s9+$0x0]  }
0x85c: {  	s25 =	sld [smem:$0x76E]  }
0x85d: {  	s4 =	sor.u32 $0x200, s16;
	s11 =	sadd.s32 s20, s11  }
0x85e: {  	s11 =	sadd.s32 s18, s11;
	[tilespmem:s4+$0x0] =	vst.add.f32.msk $0xffff, v2  }
0x85f: {  	s30 =	sor.u32 $0x280, s5;
	s25 =	sadd.s32 s0, s25;
	v2 =	vld [tilespmem:s11+$0x0]  }
0x860: {  	[tilespmem:s30+$0x0] =	vst.add.f32.msk $0xffff, v1;
	s4 =	sadd.s32 s13, s25;
	s9 =	sld [smem:$0x76E]  }
0x861: {  	v1 =	vld [tilespmem:s4+$0x0]  }
0x862: {  	s30 =	sld [smem:$0x771]  }
0x863: {  	s25 =	sor.u32 $0x280, s16;
	s9 =	sadd.s32 s20, s9  }
0x864: {  	s9 =	sadd.s32 s18, s9;
	[tilespmem:s25+$0x0] =	vst.add.f32.msk $0xffff, v2  }
0x865: {  	s4 =	sor.u32 $0x300, s5;
	s11 =	sadd.s32 s0, s30;
	v2 =	vld [tilespmem:s9+$0x0]  }
0x866: {  	[tilespmem:s4+$0x0] =	vst.add.f32.msk $0xffff, v1;
	s25 =	sadd.s32 s13, s11;
	s9 =	sld [smem:$0x771]  }
0x867: {  	v1 =	vld [tilespmem:s25+$0x0]  }
0x868: {  	s4 =	sld [smem:$0x774]  }
0x869: {  	s30 =	sor.u32 $0x300, s16;
	s9 =	sadd.s32 s20, s9  }
0x86a: {  	s16 =	sor.u32 s17, s29;
	s9 =	sadd.s32 s18, s9;
	[tilespmem:s30+$0x0] =	vst.add.f32.msk $0xffff, v2  }
0x86b: {  	s5 =	sor.u32 $0x380, s16;
	s11 =	sadd.s32 s0, s4;
	v2 =	vld [tilespmem:s9+$0x0]  }
0x86c: {  	s25 =	sadd.s32 s13, s11;
	[tilespmem:s5+$0x16800] =	vst.add.f32.msk $0xffff, v1;
	s17 =	sld [smem:$0x774]  }
0x86d: {  	v1 =	vld [tilespmem:s25+$0x0]  }
0x86e: {  	s29 =	sor.u32 s23, s21;
	s4 =	sld [smem:$0x777]  }
0x86f: {  	s30 =	sor.u32 $0x380, s29;
	s9 =	sadd.s32 s20, s17  }
0x870: {  	s9 =	sadd.s32 s18, s9;
	[tilespmem:s30+$0x16800] =	vst.add.f32.msk $0xffff, v2  }
0x871: {  	s17 =	sadd.s32 s0, s4;
	v2 =	vld [tilespmem:s9+$0x0]  }
0x872: {  	[tilespmem:s15+$0x17800] =	vst.add.f32.msk $0xffff, v1;
	s16 =	sld [smem:$0x777];
	s9 =	sadd.s32 s13, s17  }
0x873: {  	v1 =	vld [tilespmem:s9+$0x0]  }
0x874: {  	s21 =	sld [smem:$0x77A]  }
0x875: {  	v3 =	vld [tilespmem:s22+$0x0];
	s5 =	sadd.s32 s20, s16  }
0x876: {  	s25 =	sld [smem:$0x76D];
	s5 =	sadd.s32 s18, s5;
	[tilespmem:s19+$0x17800] =	vst.add.f32.msk $0xffff, v2  }
0x877: {  	s9 =	sadd.s32 s0, s21;
	v2 =	vld [tilespmem:s5+$0x0]  }
0x878: {  	s9 =	sadd.s32 s13, s9;
	s23 =	sld [smem:$0x77A];
	[tilespmem:s15+$0x17880] =	vst.add.f32.msk $0xffff, v1  }
0x879: {  	s11 =	sadd.s32 s3, s25;
	v1 =	vld [tilespmem:s9+$0x0]  }
0x87a: {  	[tilespmem:s24+$0x17900] =	vst.add.f32.msk $0xffff, v3;
	s30 =	sadd.s32 s7, s11;
	s29 =	sld [smem:$0x76D]  }
0x87b: {  	v3 =	vld [tilespmem:s30+$0x0];
	s5 =	sadd.s32 s20, s23  }
0x87c: {  	s16 =	sld [smem:$0x770];
	s5 =	sadd.s32 s18, s5;
	[tilespmem:s19+$0x17880] =	vst.add.f32.msk $0xffff, v2  }
0x87d: {  	s9 =	sadd.s32 s0, s29;
	v2 =	vld [tilespmem:s5+$0x0]  }
0x87e: {  	s4 =	sld [smem:$0x76D];
	[tilespmem:s15+$0x17900] =	vst.add.f32.msk $0xffff, v1;
	s5 =	sadd.s32 s13, s9  }
0x87f: {  	s9 =	sadd.s32 s3, s16;
	v1 =	vld [tilespmem:s5+$0x0]  }
0x880: {  	[tilespmem:s24+$0x17980] =	vst.add.f32.msk $0xffff, v3;
	s21 =	sld [smem:$0x770];
	s22 =	sadd.s32 s7, s9  }
0x881: {  	v3 =	vld [tilespmem:s22+$0x0];
	s17 =	sadd.s32 s20, s4  }
0x882: {  	s29 =	sld [smem:$0x773];
	s5 =	sadd.s32 s18, s17;
	[tilespmem:s19+$0x17900] =	vst.add.f32.msk $0xffff, v2  }
0x883: {  	s25 =	sadd.s32 s0, s21;
	v2 =	vld [tilespmem:s5+$0x0]  }
0x884: {  	s23 =	sld [smem:$0x770];
	[tilespmem:s15+$0x17980] =	vst.add.f32.msk $0xffff, v1;
	s5 =	sadd.s32 s13, s25  }
0x885: {  	s11 =	sadd.s32 s3, s29;
	v1 =	vld [tilespmem:s5+$0x0]  }
0x886: {  	s11 =	sadd.s32 s7, s11;
	s4 =	sld [smem:$0x773];
	[tilespmem:s24+$0x17A00] =	vst.add.f32.msk $0xffff, v3  }
0x887: {  	v3 =	vld [tilespmem:s11+$0x0];
	s30 =	sadd.s32 s20, s23  }
0x888: {  	s21 =	sld [smem:$0x776];
	s5 =	sadd.s32 s18, s30;
	[tilespmem:s19+$0x17980] =	vst.add.f32.msk $0xffff, v2  }
0x889: {  	s17 =	sadd.s32 s0, s4;
	v2 =	vld [tilespmem:s5+$0x0]  }
0x88a: {  	s16 =	sld [smem:$0x773];
	[tilespmem:s15+$0x17A00] =	vst.add.f32.msk $0xffff, v1;
	s5 =	sadd.s32 s13, s17  }
0x88b: {  	s9 =	sadd.s32 s3, s21;
	v1 =	vld [tilespmem:s5+$0x0]  }
0x88c: {  	s25 =	sadd.s32 s7, s9;
	s23 =	sld [smem:$0x776];
	[tilespmem:s24+$0x17A80] =	vst.add.f32.msk $0xffff, v3  }
0x88d: {  	v3 =	vld [tilespmem:s25+$0x0];
	s22 =	sadd.s32 s20, s16  }
0x88e: {  	s4 =	sld [smem:$0x779];
	s5 =	sadd.s32 s18, s22;
	[tilespmem:s19+$0x17A00] =	vst.add.f32.msk $0xffff, v2  }
0x88f: {  	s30 =	sadd.s32 s0, s23;
	v2 =	vld [tilespmem:s5+$0x0]  }
0x890: {  	s29 =	sld [smem:$0x776];
	[tilespmem:s15+$0x17A80] =	vst.add.f32.msk $0xffff, v1;
	s5 =	sadd.s32 s13, s30  }
0x891: {  	s17 =	sadd.s32 s3, s4;
	v1 =	vld [tilespmem:s5+$0x0]  }
0x892: {  	s3 =	sadd.s32 s7, s17;
	[tilespmem:s24+$0x17B00] =	vst.add.f32.msk $0xffff, v3  }
0x893: {  	s16 =	sld [smem:$0x779];
	v3 =	vld [tilespmem:s3+$0x0];
	s9 =	sadd.s32 s20, s29  }
0x894: {  	s5 =	sadd.s32 s18, s9;
	[tilespmem:s19+$0x17A80] =	vst.add.f32.msk $0xffff, v2  }
0x895: {  	v2 =	vld [tilespmem:s5+$0x0]  }
0x896: {  	[tilespmem:s1+$0x17B80] =	vst.add.f32.msk $0xffff, v0;
	s22 =	sadd.s32 s0, s16;
	s21 =	sld [smem:$0x779]  }
0x897: {  	s0 =	sadd.s32 s13, s22;
	[tilespmem:s15+$0x17B00] =	vst.add.f32.msk $0xffff, v1  }
0x898: {  	v1 =	vld [tilespmem:s0+$0x0]  }
0x899: {  	[tilespmem:s24+$0x17B80] =	vst.add.f32.msk $0xffff, v3;
	s23 =	sadd.s32 s20, s21  }
0x89a: {  	s0 =	sadd.s32 s18, s23;
	[tilespmem:s19+$0x17B00] =	vst.add.f32.msk $0xffff, v2  }
0x89b: {  	v2 =	vld [tilespmem:s0+$0x0];
	s25 =	sld [smem:$0x7FD];
	_ =	sdelay $0x2  }
0x89c: {  	s0 =	sor.u32 s25, s6  }
0x89d: {  	[tilespmem:s15+$0x17B80] =	vst.add.f32.msk $0xffff, v1;
	s0 =	sshrl.u32 s0, $0x3  }
0x89e: {  	s30 =	simm.s32 $0x16800;
	s29 =	simm.s32 $0x0;
	[tilespmem:s19+$0x17B80] =	vst.add.f32.msk $0xffff, v2;
	s0 =	sadd.s32 s2, s0  }
0x89f: {  	[hbm4b:s0+s29] =	stream.linear.scatter [tilespmem:s30], [sflag:$0x4], $0x2000, $0x38;
	[tilespmem:$0x18900] =	vst v63  }
0x8a0: {  	s0 =	simm.s32 @!p1 $0x2  }
0x8a1: {  	_ =	swait.ge @!p1 [sflag:s0], $0x2000  }
0x8a2: {  	s1 =	sld [smem:$0x7F6]  }
0x8a3: {  	[sflag:s0] =	ssyncset.done @!p1 $0x0  }
0x8a4: {  	s28 =	sadd.s32 $0x1, s28;
	[sflag:s0] =	ssyncadd.s32 @!p1 $0xFFFFE000;
	s0 =	simm.s32 @!p1 $0x12800  }
0x8a5: {  	[tilespmem:s0], [sflag:$0x6] =	stream.linear.gather @!p1 [spmem:s1], $0x2000, $0x38;
	[tilespmem:$0x18900] =	vst v63  }
0x8a6: {  	p1 =	sne.s32 s28, $0x20  }
.Ltmp9:
0x8a7: {  	_ = 	snop;
	(pc) =	sbr.rel @p1 .LBB2_4-.Ltmp9, $1  }
0x8a8: {  	_ =	sdelay $0x3  }
0x8a9: {  	s0 =	simm.s32 $0x1  }
0x8aa: {  	_ =	swait.ge [sflag:s0], $0x2000  }
0x8ab: {  	[sflag:s0] =	ssyncset.done $0x0  }
0x8ac: {  	s28 =	simm.s32 $0x2;
	[sflag:s0] =	ssyncadd.s32 $0xFFFFE000  }
0x8ad: {  	_ =	swait.ge [sflag:s28], $0x2000  }
0x8ae: {  	[sflag:s28] =	ssyncset.done $0x0  }
0x8af: {  	s29 =	simm.s32 $0x3;
	[sflag:s28] =	ssyncadd.s32 $0xFFFFE000  }
0x8b0: {  	_ =	swait.ge [sflag:s29], $0x2000  }
0x8b1: {  	[sflag:s29] =	ssyncset.done $0x0  }
0x8b2: {  	s1 =	simm.s32 $0x4;
	[sflag:s29] =	ssyncadd.s32 $0xFFFFE000  }
0x8b3: {  	_ =	swait.ge [sflag:s1], $0x2000  }
0x8b4: {  	s3 =	sld [smem:$0x7D2]  }
0x8b5: {  	s30 =	sld [smem:$0x7E6];
	_ =	sdelay $0x1  }
0x8b6: {  	s3 =	sadd.s32 $0x1, s3  }
0x8b7: {  	p1 =	sne.s32 s3, s30  }
.Ltmp10:
0x8b8: {  	_ = 	snop;
	(pc) =	sbr.rel @p1 .LBB2_1-.Ltmp10, $3  }
0x8b9: {  	_ =	sdelay $0x1  }
0x8ba: {  	[sflag:s1] =	ssyncset.done $0x0  }
0x8bb: {  	[sflag:s1] =	ssyncadd.s32 $0xFFFFE000  }
0x8bc: {  	_ =	sfence.sel $0x180000  }
0x8bd: {  	[bflag:$0x0] =	sbarrier.arrive $0xFFFF  }
0x8be: {  	_ =	strace $0x90000047  }
0x8bf: {  	[bflag:$0x2] =	sbarrier.arrive $0xFFFF  }
0x8c0: {  	s0 =	rddreg [dreg:$0x4]  }
0x8c1: {  	s0 =	sadd.s32 @!p0 $0x100000, s0  }
0x8c2: {  	[sflag:s0] =	ssyncadd.tile.s32 @!p0 $0x1;
	_ =	shalt  }
.Lfunc_end2:
_tile_overlayer_lowered:
.L_overlay_start_2:
0x8c3: {  	(tag) =	ssettag $0x2  }
0x8c4: {  	s0 =	rddreg [dreg:$0x0];
	s2 =	stileid.u32  }
0x8c5: {  	s1 =	rddreg [dreg:$0x1];
	p0 =	sne.s32 s2, $0x0  }
0x8c6: {  	s3 =	rddreg [dreg:$0x2];
	[bflag:$0x3] =	sbarrier.arrive $0xFFFF;
	s2 =	simm.s32 @!p0 $0x1C0B  }
0x8c7: {  	[timem:s3], [sflag:s2] =	dma.local @!p0 [hbm:s0], s1  }
0x8c8: {  	s0 =	simm.s32 @!p0 $0xB  }
0x8c9: {  	_ =	swait.ge @!p0 [sflag:s0], s1  }
0x8ca: {  	s1 =	ssub.s32 @!p0 $0x0, s1;
	[sflag:s0] =	ssyncset.done @!p0 $0x0  }
0x8cb: {  	[sflag:s0] =	ssyncadd.s32 @!p0 s1  }
0x8cc: {  	[bflag:$0x3] =	sbarrier.arrive $0xFFFF  }
0x8cd: {  	_ =	shalt  }

</sc_bundles>
